<compile_context>
chip_gen: v7x
topology: tpu7x:2x2x1
jax: 0.10.2.dev20260603
libtpu: 0.0.44.dev20260713+nightly
codegen_flags: <defaults>
</compile_context>

<pallas_src>
import functools

import jax
import jax.numpy as jnp
from jax import lax
from jax.experimental import pallas as pl
from jax.experimental.pallas import tpu as pltpu
from jax.experimental.pallas import tpu_sc as plsc

NUM_B = 4
C = 128
NW = 32
TILES = 16
BLK = 1024


def _sc_mesh():
    return plsc.VectorSubcoreMesh(core_axis_name="c", subcore_axis_name="s")


def _dot(a, b):
    return lax.dot_general(a, b, (((1,), (1,)), ((), ())),
                           preferred_element_type=jnp.float32)


def _deg_body(dstp, zeros, ones, out, dst_v, zer_v, one_v, accum):
    c = lax.axis_index("c")
    s = lax.axis_index("s")
    w = c * TILES + s
    nchunk = dst_v.shape[0]
    rows_per_tile = accum.shape[0] // TILES
    pltpu.sync_copy(dstp.at[w], dst_v)
    pltpu.sync_copy(zeros, zer_v)
    pltpu.sync_copy(ones, one_v)
    for t in range(rows_per_tile // C):
        pltpu.sync_copy(zer_v, accum.at[pl.ds(s * rows_per_tile + t * C, C)])
    plsc.subcore_barrier()

    def chunk(j, carry):
        pltpu.sync_copy(one_v, accum.at[dst_v.at[j]], add=True)
        return carry

    lax.fori_loop(0, nchunk, chunk, 0)
    plsc.subcore_barrier()
    pltpu.sync_copy(accum.at[pl.ds(s * rows_per_tile, rows_per_tile)],
                    out.at[c, pl.ds(s * rows_per_tile, rows_per_tile)])


def _sc_degree(dstp, np_pad):
    nchunk = dstp.shape[1]
    f = pl.kernel(
        _deg_body,
        out_type=jax.ShapeDtypeStruct((2, np_pad, 16), jnp.float32),
        mesh=_sc_mesh(),
        compiler_params=pltpu.CompilerParams(use_tc_tiling_on_sc=False),
        scratch_types=[
            pltpu.VMEM((nchunk, C), jnp.int32),
            pltpu.VMEM((C, 16), jnp.float32),
            pltpu.VMEM((C, 16), jnp.float32),
            pltpu.VMEM_SHARED((np_pad, 16), jnp.float32),
        ],
    )
    return f(dstp, jnp.zeros((C, 16), jnp.float32),
             jnp.ones((C, 16), jnp.float32))


def _spmm_body(table, srcp, dstp, zeros, out, src_v, dst_v, buf0, buf1,
               accum, semA, semB):
    c = lax.axis_index("c")
    s = lax.axis_index("s")
    w = c * TILES + s
    nchunk = src_v.shape[0]
    rows_per_tile = accum.shape[0] // TILES
    pltpu.sync_copy(srcp.at[w], src_v)
    pltpu.sync_copy(dstp.at[w], dst_v)
    pltpu.sync_copy(zeros, buf0)
    for t in range(rows_per_tile // C):
        pltpu.sync_copy(buf0, accum.at[pl.ds(s * rows_per_tile + t * C, C)])
    plsc.subcore_barrier()

    def step(g, carry):
        j0 = 2 * g
        j1 = 2 * g + 1
        cp0 = pltpu.async_copy(table.at[src_v.at[j0]], buf0, semA)
        cp1 = pltpu.async_copy(table.at[src_v.at[j1]], buf1, semB)
        cp0.wait()
        pltpu.sync_copy(buf0, accum.at[dst_v.at[j0]], add=True)
        cp1.wait()
        pltpu.sync_copy(buf1, accum.at[dst_v.at[j1]], add=True)
        return carry

    lax.fori_loop(0, nchunk // 2, step, 0)
    plsc.subcore_barrier()
    pltpu.sync_copy(accum.at[pl.ds(s * rows_per_tile, rows_per_tile)],
                    out.at[c, pl.ds(s * rows_per_tile, rows_per_tile)])


def _spmm_multi_body(*refs, nch):
    tables = refs[:nch]
    srcp, dstp, zeros = refs[nch:nch + 3]
    outs = refs[nch + 3:2 * nch + 3]
    src_v, dst_v, buf0, buf1, accum, semA, semB = refs[2 * nch + 3:]
    c = lax.axis_index("c")
    s = lax.axis_index("s")
    w = c * TILES + s
    nchunk = src_v.shape[0]
    rows_per_tile = accum.shape[0] // TILES
    pltpu.sync_copy(srcp.at[w], src_v)
    pltpu.sync_copy(dstp.at[w], dst_v)
    for table, out in zip(tables, outs):
        pltpu.sync_copy(zeros, buf0)
        for t in range(rows_per_tile // C):
            pltpu.sync_copy(buf0,
                            accum.at[pl.ds(s * rows_per_tile + t * C, C)])
        plsc.subcore_barrier()

        pltpu.async_copy(table.at[src_v.at[0]], buf0, semA)

        def step(g, carry):
            j0 = 2 * g
            j1 = 2 * g + 1
            pltpu.async_copy(table.at[src_v.at[j1]], buf1, semB)
            pltpu.make_async_copy(table.at[src_v.at[j0]], buf0, semA).wait()
            pltpu.sync_copy(buf0, accum.at[dst_v.at[j0]], add=True)

            @pl.when(j1 + 1 < nchunk)
            def _():
                pltpu.async_copy(table.at[src_v.at[j0 + 2]], buf0, semA)

            pltpu.make_async_copy(table.at[src_v.at[j1]], buf1, semB).wait()
            pltpu.sync_copy(buf1, accum.at[dst_v.at[j1]], add=True)
            return carry

        lax.fori_loop(0, nchunk // 2, step, 0)
        plsc.subcore_barrier()
        pltpu.sync_copy(accum.at[pl.ds(s * rows_per_tile, rows_per_tile)],
                        out.at[c, pl.ds(s * rows_per_tile, rows_per_tile)])


def _sc_spmm_multi(tables, srcp, dstp):
    np_pad, dp = tables[0].shape
    nch = len(tables)
    nchunk = srcp.shape[1]
    f = pl.kernel(
        functools.partial(_spmm_multi_body, nch=nch),
        out_type=[jax.ShapeDtypeStruct((2, np_pad, dp), jnp.float32)
                  for _ in range(nch)],
        mesh=_sc_mesh(),
        scratch_types=[
            pltpu.VMEM((nchunk, C), jnp.int32),
            pltpu.VMEM((nchunk, C), jnp.int32),
            pltpu.VMEM((C, dp), jnp.float32),
            pltpu.VMEM((C, dp), jnp.float32),
            pltpu.VMEM_SHARED((np_pad, dp), jnp.float32),
            pltpu.SemaphoreType.DMA,
            pltpu.SemaphoreType.DMA,
        ],
    )
    return f(*tables, srcp, dstp, jnp.zeros((C, dp), jnp.float32))


def _sc_spmm(table, srcp, dstp, tc_tiling=True):
    np_pad, dp = table.shape
    nchunk = srcp.shape[1]
    assert nchunk % 2 == 0
    params = (None if tc_tiling
              else pltpu.CompilerParams(use_tc_tiling_on_sc=False))
    f = pl.kernel(
        _spmm_body,
        out_type=jax.ShapeDtypeStruct((2, np_pad, dp), jnp.float32),
        mesh=_sc_mesh(),
        compiler_params=params,
        scratch_types=[
            pltpu.VMEM((nchunk, C), jnp.int32),
            pltpu.VMEM((nchunk, C), jnp.int32),
            pltpu.VMEM((C, dp), jnp.float32),
            pltpu.VMEM((C, dp), jnp.float32),
            pltpu.VMEM_SHARED((np_pad, dp), jnp.float32),
            pltpu.SemaphoreType.DMA,
            pltpu.SemaphoreType.DMA,
        ],
    )
    return f(table, srcp, dstp, jnp.zeros((C, dp), jnp.float32))


def _slice_pad(m, lo, w):
    hi = min(lo + w, m.shape[1])
    part = m[:, lo:hi]
    if hi - lo < w:
        part = jnp.concatenate(
            [part, jnp.zeros((m.shape[0], w - (hi - lo)), jnp.float32)], 1)
    return part


def _row_spec(cols):
    return pl.BlockSpec((BLK, cols), lambda i: (i, 0))


def _z_spec(cols):
    return pl.BlockSpec((2, BLK, cols), lambda i: (0, i, 0))


def _full_spec(shape):
    return pl.BlockSpec(shape, lambda i: tuple(0 for _ in shape))


def _bases_outputs(basesS, wts, w_o, chunk_os, widths):
    w_o[...] = wts
    lo = 0
    for o, w in zip(chunk_os, widths):
        o[...] = _slice_pad(basesS, lo, w)
        lo += w


def _tcA_body(deg0, deg1, x, Wb, Wc, bc, dinv_o, w_o, *chunk_os, widths):
    d = deg0[:, 0:1] + deg1[:, 0:1] + 1.0
    dinv = lax.rsqrt(d)
    dinv_o[...] = dinv
    basesS = _dot(x[...], Wb[...]) * dinv
    wts = _dot(x[...], Wc[...]) + bc[...]
    _bases_outputs(basesS, wts, w_o, chunk_os, widths)


def _tc_first(deg, xpad, Wb, Wc, bc, widths):
    np_pad, din = xpad.shape
    body = functools.partial(_tcA_body, widths=widths)
    return pl.pallas_call(
        body,
        grid=(np_pad // BLK,),
        in_specs=[
            _row_spec(16), _row_spec(16), _row_spec(din),
            _full_spec(Wb.shape), _full_spec(Wc.shape),
            _full_spec((1, NUM_B)),
        ],
        out_specs=[_row_spec(1), _row_spec(NUM_B)] +
                  [_row_spec(w) for w in widths],
        out_shape=[jax.ShapeDtypeStruct((np_pad, 1), jnp.float32),
                   jax.ShapeDtypeStruct((np_pad, NUM_B), jnp.float32)] +
                  [jax.ShapeDtypeStruct((np_pad, w), jnp.float32)
                   for w in widths],
    )(deg[0], deg[1], xpad, Wb, Wc, bc.reshape(1, NUM_B))


def _combine(zs, bSs, wts, dinv, bias, oc):
    aggs = [dinv * (z[0] + z[1] + bS) for z, bS in zip(zs, bSs)]
    agg = jnp.concatenate(aggs, axis=1) if len(aggs) > 1 else aggs[0]
    acc = wts[:, 0:1] * agg[:, 0:oc]
    for k in range(1, NUM_B):
        acc = acc + wts[:, k:k + 1] * agg[:, k * oc:(k + 1) * oc]
    return jnp.maximum(acc + bias, 0.0)


def _tcB_body(dinv, wts_p, bias_p, Wb, Wc, bc, *rest, nch, oc_p, widths):
    zs = [r[...] for r in rest[:nch]]
    bSs = [r[...] for r in rest[nch:2 * nch]]
    w_o = rest[2 * nch + 0]
    chunk_os = rest[2 * nch + 1:]
    dv = dinv[...]
    h = _combine(zs, bSs, wts_p[...], dv, bias_p[...], oc_p)
    basesS = _dot(h, Wb[...]) * dv
    wts = _dot(h, Wc[...]) + bc[...]
    _bases_outputs(basesS, wts, w_o, chunk_os, widths)


def _tc_mid(zs, bSs, wts_p, dinv, bias_p, Wb, Wc, bc, oc_p, widths):
    np_pad = dinv.shape[0]
    nch = len(zs)
    body = functools.partial(_tcB_body, nch=nch, oc_p=oc_p, widths=widths)
    zspecs = [_z_spec(z.shape[2]) for z in zs]
    bspecs = [_row_spec(b.shape[1]) for b in bSs]
    return pl.pallas_call(
        body,
        grid=(np_pad // BLK,),
        in_specs=[_row_spec(1), _row_spec(NUM_B), _full_spec((1, oc_p)),
                  _full_spec(Wb.shape), _full_spec(Wc.shape),
                  _full_spec((1, NUM_B))] + zspecs + bspecs,
        out_specs=[_row_spec(NUM_B)] + [_row_spec(w) for w in widths],
        out_shape=[jax.ShapeDtypeStruct((np_pad, NUM_B), jnp.float32)] +
                  [jax.ShapeDtypeStruct((np_pad, w), jnp.float32)
                   for w in widths],
    )(dinv, wts_p, bias_p.reshape(1, oc_p), Wb, Wc,
      bc.reshape(1, NUM_B), *zs, *bSs)


def _tcC_body(dinv, wts_p, bias_p, z, bS, out):
    out[...] = _combine([z[...]], [bS[...]], wts_p[...], dinv[...],
                        bias_p[...], 1)


def _tc_last(z, bS, wts_p, dinv, bias_p):
    np_pad = dinv.shape[0]
    return pl.pallas_call(
        _tcC_body,
        grid=(np_pad // BLK,),
        in_specs=[_row_spec(1), _row_spec(NUM_B), _full_spec((1, 1)),
                  _z_spec(z.shape[2]), _row_spec(bS.shape[1])],
        out_specs=pl.BlockSpec((BLK, 1), lambda i: (i, 0)),
        out_shape=jax.ShapeDtypeStruct((np_pad, 1), jnp.float32),
    )(dinv, wts_p, bias_p.reshape(1, 1), z, bS)


def _round_up(a, m):
    return (a + m - 1) // m * m


def kernel(x, edge_index, Wb1, Wc1, bc1, b1, Wb2, Wc2, bc2, b2, Wb3, Wc3,
           bc3, b3):
    n, din = x.shape
    e = edge_index.shape[1]
    np_pad = _round_up(n + 64, BLK * 2)
    n_pad_rows = np_pad - n
    ep = _round_up(e, NW * C)

    src, dst = edge_index[0], edge_index[1]
    pad_idx = (n + (jnp.arange(ep - e, dtype=jnp.int32) % n_pad_rows))
    srcp = jnp.concatenate([src, pad_idx]).reshape(NW, ep // (NW * C), C)
    dstp = jnp.concatenate([dst, pad_idx]).reshape(NW, ep // (NW * C), C)

    xpad = jnp.concatenate([x, jnp.zeros((n_pad_rows, din), x.dtype)])

    oc1 = Wb1.shape[0] // NUM_B
    oc2 = Wb2.shape[0] // NUM_B

    def _chunk_widths(cols):
        full, rem = divmod(cols, C)
        if rem == 0:
            return [C] * full
        tail = _round_up(rem, 16)
        return [C] * full + [tail if tail <= 32 else C]

    w1 = _chunk_widths(NUM_B * oc1)
    w2 = _chunk_widths(NUM_B * oc2)

    def _agg(chunks):
        full = [t for t in chunks if t.shape[1] == C]
        zs = _sc_spmm_multi(full, srcp, dstp) if full else []
        for t in chunks[len(full):]:
            zs.append(_sc_spmm(t, srcp, dstp, tc_tiling=False))
        return zs

    deg = _sc_degree(dstp, np_pad)
    dinv, wts1, *bS1 = _tc_first(deg, xpad, Wb1, Wc1, bc1, w1)
    z1 = _agg(bS1)
    wts2, *bS2 = _tc_mid(z1, bS1, wts1, dinv, b1, Wb2, Wc2, bc2, oc1, w2)
    z2 = _agg(bS2)
    wts3, *bS3 = _tc_mid(z2, bS2, wts2, dinv, b2, Wb3, Wc3, bc3, oc2, [16])
    z3 = _sc_spmm(bS3[0], srcp, dstp, tc_tiling=False)
    h3 = _tc_last(z3, bS3[0], wts3, dinv, b3)
    return h3[:n]

# --- scband reference (transcript-rebuilt; emitter-appended) ---
"""Pipeline reference for scband-l3-egconv-84859963834447 (READ-ONLY COPY).

The authoritative reference and input builder live on the scoring server;
editing this copy changes nothing except your own understanding.
"""

import jax, jax.numpy as jnp
import numpy as np

NUM_BASES = 4


def _egconv(x, src, dst, N, W_b, W_c, b_c, bias, out_ch):
    # EGConv with num_heads=1, num_bases=4, aggregators=['symnorm'], add_self_loops=True
    loop = jnp.arange(N, dtype=src.dtype)
    s = jnp.concatenate([src, loop])
    d = jnp.concatenate([dst, loop])
    ew = jnp.ones(s.shape[0], dtype=x.dtype)
    # gcn_norm: deg over destination, symmetric normalization
    deg = jnp.zeros((N,), dtype=x.dtype).at[d].add(ew)
    dinv = jnp.where(deg > 0, deg ** -0.5, 0.0)
    norm = dinv[s] * ew * dinv[d]
    bases = x @ W_b.T                       # [N, NUM_BASES * out_ch]
    wts = x @ W_c.T + b_c                   # [N, NUM_BASES]
    msg = norm[:, None] * jnp.take(bases, s, axis=0)  # gather over edges
    agg = jnp.zeros((N, bases.shape[1]), dtype=x.dtype).at[d].add(msg)  # scatter-add
    out = agg.reshape(N, NUM_BASES, out_ch)
    wts = wts.reshape(N, 1, NUM_BASES)
    out = jnp.matmul(wts, out).reshape(N, out_ch)
    return out + bias


def setup_inputs(seed: int = 0) -> dict:
    key = jax.random.key(seed)
    ks = jax.random.split(key, 16)
    N, E, Din = 10000, 160000, 128
    oc = 1
    h1, h2, h3 = 100 * oc, 50 * oc, oc
    x = jax.random.normal(ks[0], (N, Din), dtype=jnp.float32)
    edge_index = jax.random.randint(ks[1], (2, E), 0, N, dtype=jnp.int32)

    def lin(k, fout, fin):
        return jax.random.normal(k, (fout, fin), dtype=jnp.float32) * (1.0 / np.sqrt(fin))

    params = {
        'Wb1': lin(ks[2], NUM_BASES * h1, Din), 'Wc1': lin(ks[3], NUM_BASES, Din),
        'bc1': jnp.zeros((NUM_BASES,), jnp.float32), 'b1': jnp.zeros((h1,), jnp.float32),
        'Wb2': lin(ks[4], NUM_BASES * h2, h1), 'Wc2': lin(ks[5], NUM_BASES, h1),
        'bc2': jnp.zeros((NUM_BASES,), jnp.float32), 'b2': jnp.zeros((h2,), jnp.float32),
        'Wb3': lin(ks[6], NUM_BASES * h3, h2), 'Wc3': lin(ks[7], NUM_BASES, h2),
        'bc3': jnp.zeros((NUM_BASES,), jnp.float32), 'b3': jnp.zeros((h3,), jnp.float32),
    }
    return {'x': x, 'edge_index': edge_index, **params}


def reference(x, edge_index, Wb1, Wc1, bc1, b1, Wb2, Wc2, bc2, b2, Wb3, Wc3, bc3, b3):
    N = x.shape[0]
    src, dst = edge_index[0], edge_index[1]
    # dropout p=0.1 is identity at inference
    h = jax.nn.relu(_egconv(x, src, dst, N, Wb1, Wc1, bc1, b1, 100))
    h = jax.nn.relu(_egconv(h, src, dst, N, Wb2, Wc2, bc2, b2, 50))
    h = jax.nn.relu(_egconv(h, src, dst, N, Wb3, Wc3, bc3, b3, 1))
    return h

if __name__ == "__main__":
    import jax
    _d = setup_inputs()
    print(jax.jit(kernel)(*tuple(_d.values())))

</pallas_src>

<mosaic_0001>
#map = affine_map<(d0, d1) -> (0, 0)>
#map1 = affine_map<(d0, d1) -> (0, 0, 0)>
module attributes {stable_mosaic.version = 14 : i64} {
  func.func @_spmm_body(%arg0: i32, %arg1: i32, %arg2: memref<10240x16xf32, #tpu.memory_space<hbm>>, %arg3: memref<32x40x128xi32, #tpu.memory_space<hbm>>, %arg4: memref<32x40x128xi32, #tpu.memory_space<hbm>>, %arg5: memref<128x16xf32, #tpu.memory_space<hbm>>, %arg6: memref<2x10240x16xf32, #tpu.memory_space<hbm>>, %arg7: memref<40x128xi32, #tpu.memory_space<vmem>>, %arg8: memref<40x128xi32, #tpu.memory_space<vmem>>, %arg9: memref<128x16xf32, #tpu.memory_space<vmem>>, %arg10: memref<128x16xf32, #tpu.memory_space<vmem>>, %arg11: memref<10240x16xf32, #tpu.memory_space<vmem_shared>>, %arg12: memref<!tpu.dma_semaphore, #tpu.memory_space<semaphore_mem>>, %arg13: memref<!tpu.dma_semaphore, #tpu.memory_space<semaphore_mem>>) attributes {dimension_semantics = [#tpu.dimension_semantics<core_parallel>, #tpu.dimension_semantics<subcore_parallel>], iteration_bounds = array<i64: 2, 16>, scalar_prefetch = 0 : i64, scratch_operands = 7 : i64, tpu.core_type = #tpu.core_type<sc_vector_subcore>, window_params = [{transform_indices = #map}, {transform_indices = #map1}, {transform_indices = #map1}, {transform_indices = #map}, {transform_indices = #map1}]} {
    %mul3A = arith.constant 16 : i32
    %mul3A_0 = arith.muli %arg0, %mul3A : i32
    %add3A = arith.addi %mul3A_0, %arg1 : i32
    "tpu.region"() ({
      %run_scoped3A = tpu.sem_alloc : memref<!tpu.dma_semaphore, #tpu.memory_space<semaphore_mem>>
      %dma_start3A = arith.constant 0 : i32
      %dma_start3A_31 = arith.constant 0 : i32
      %dma_start3A_32 = tpu.memref_slice %arg3[%add3A, %dma_start3A, %dma_start3A_31] : memref<32x40x128xi32, #tpu.memory_space<hbm>> -> memref<1x40x128xi32, #tpu.memory_space<hbm>>
      %dma_start3A_33 = tpu.memref_squeeze %dma_start3A_32 : memref<1x40x128xi32, #tpu.memory_space<hbm>> -> memref<40x128xi32, #tpu.memory_space<hbm>>
      %dma_start3A_34 = arith.constant 0 : i32
      %dma_start3A_35 = arith.constant 0 : i32
      %dma_start3A_36 = tpu.memref_slice %arg3[%add3A, %dma_start3A_34, %dma_start3A_35] : memref<32x40x128xi32, #tpu.memory_space<hbm>> -> memref<1x40x128xi32, #tpu.memory_space<hbm>>
      %dma_start3A_37 = tpu.memref_squeeze %dma_start3A_36 : memref<1x40x128xi32, #tpu.memory_space<hbm>> -> memref<40x128xi32, #tpu.memory_space<hbm>>
      tpu.enqueue_dma source(%dma_start3A_37 : memref<40x128xi32, #tpu.memory_space<hbm>>) target(%arg7 : memref<40x128xi32, #tpu.memory_space<vmem>>) target_semaphore(%run_scoped3A : memref<!tpu.dma_semaphore, #tpu.memory_space<semaphore_mem>>)
      %dma_wait3A = arith.constant 0 : i32
      %dma_wait3A_38 = arith.constant 0 : i32
      %dma_wait3A_39 = tpu.memref_slice %arg3[%add3A, %dma_wait3A, %dma_wait3A_38] : memref<32x40x128xi32, #tpu.memory_space<hbm>> -> memref<1x40x128xi32, #tpu.memory_space<hbm>>
      %dma_wait3A_40 = tpu.memref_squeeze %dma_wait3A_39 : memref<1x40x128xi32, #tpu.memory_space<hbm>> -> memref<40x128xi32, #tpu.memory_space<hbm>>
      %dma_wait3A_41 = arith.constant 0 : i32
      %dma_wait3A_42 = arith.constant 0 : i32
      %dma_wait3A_43 = tpu.memref_slice %arg3[%add3A, %dma_wait3A_41, %dma_wait3A_42] : memref<32x40x128xi32, #tpu.memory_space<hbm>> -> memref<1x40x128xi32, #tpu.memory_space<hbm>>
      %dma_wait3A_44 = tpu.memref_squeeze %dma_wait3A_43 : memref<1x40x128xi32, #tpu.memory_space<hbm>> -> memref<40x128xi32, #tpu.memory_space<hbm>>
      tpu.wait_dma2 semaphore(%run_scoped3A : memref<!tpu.dma_semaphore, #tpu.memory_space<semaphore_mem>>) src(%dma_wait3A_44 : memref<40x128xi32, #tpu.memory_space<hbm>>) dst(%arg7 : memref<40x128xi32, #tpu.memory_space<vmem>>)
      tpu.yield
    }) : () -> ()
    "tpu.region"() ({
      %run_scoped3A = tpu.sem_alloc : memref<!tpu.dma_semaphore, #tpu.memory_space<semaphore_mem>>
      %dma_start3A = arith.constant 0 : i32
      %dma_start3A_31 = arith.constant 0 : i32
      %dma_start3A_32 = tpu.memref_slice %arg4[%add3A, %dma_start3A, %dma_start3A_31] : memref<32x40x128xi32, #tpu.memory_space<hbm>> -> memref<1x40x128xi32, #tpu.memory_space<hbm>>
      %dma_start3A_33 = tpu.memref_squeeze %dma_start3A_32 : memref<1x40x128xi32, #tpu.memory_space<hbm>> -> memref<40x128xi32, #tpu.memory_space<hbm>>
      %dma_start3A_34 = arith.constant 0 : i32
      %dma_start3A_35 = arith.constant 0 : i32
      %dma_start3A_36 = tpu.memref_slice %arg4[%add3A, %dma_start3A_34, %dma_start3A_35] : memref<32x40x128xi32, #tpu.memory_space<hbm>> -> memref<1x40x128xi32, #tpu.memory_space<hbm>>
      %dma_start3A_37 = tpu.memref_squeeze %dma_start3A_36 : memref<1x40x128xi32, #tpu.memory_space<hbm>> -> memref<40x128xi32, #tpu.memory_space<hbm>>
      tpu.enqueue_dma source(%dma_start3A_37 : memref<40x128xi32, #tpu.memory_space<hbm>>) target(%arg8 : memref<40x128xi32, #tpu.memory_space<vmem>>) target_semaphore(%run_scoped3A : memref<!tpu.dma_semaphore, #tpu.memory_space<semaphore_mem>>)
      %dma_wait3A = arith.constant 0 : i32
      %dma_wait3A_38 = arith.constant 0 : i32
      %dma_wait3A_39 = tpu.memref_slice %arg4[%add3A, %dma_wait3A, %dma_wait3A_38] : memref<32x40x128xi32, #tpu.memory_space<hbm>> -> memref<1x40x128xi32, #tpu.memory_space<hbm>>
      %dma_wait3A_40 = tpu.memref_squeeze %dma_wait3A_39 : memref<1x40x128xi32, #tpu.memory_space<hbm>> -> memref<40x128xi32, #tpu.memory_space<hbm>>
      %dma_wait3A_41 = arith.constant 0 : i32
      %dma_wait3A_42 = arith.constant 0 : i32
      %dma_wait3A_43 = tpu.memref_slice %arg4[%add3A, %dma_wait3A_41, %dma_wait3A_42] : memref<32x40x128xi32, #tpu.memory_space<hbm>> -> memref<1x40x128xi32, #tpu.memory_space<hbm>>
      %dma_wait3A_44 = tpu.memref_squeeze %dma_wait3A_43 : memref<1x40x128xi32, #tpu.memory_space<hbm>> -> memref<40x128xi32, #tpu.memory_space<hbm>>
      tpu.wait_dma2 semaphore(%run_scoped3A : memref<!tpu.dma_semaphore, #tpu.memory_space<semaphore_mem>>) src(%dma_wait3A_44 : memref<40x128xi32, #tpu.memory_space<hbm>>) dst(%arg8 : memref<40x128xi32, #tpu.memory_space<vmem>>)
      tpu.yield
    }) : () -> ()
    "tpu.region"() ({
      %run_scoped3A = tpu.sem_alloc : memref<!tpu.dma_semaphore, #tpu.memory_space<semaphore_mem>>
      tpu.enqueue_dma source(%arg5 : memref<128x16xf32, #tpu.memory_space<hbm>>) target(%arg9 : memref<128x16xf32, #tpu.memory_space<vmem>>) target_semaphore(%run_scoped3A : memref<!tpu.dma_semaphore, #tpu.memory_space<semaphore_mem>>)
      tpu.wait_dma2 semaphore(%run_scoped3A : memref<!tpu.dma_semaphore, #tpu.memory_space<semaphore_mem>>) src(%arg5 : memref<128x16xf32, #tpu.memory_space<hbm>>) dst(%arg9 : memref<128x16xf32, #tpu.memory_space<vmem>>)
      tpu.yield
    }) : () -> ()
    %mul3A_1 = arith.constant 640 : i32
    %mul3A_2 = arith.muli %arg1, %mul3A_1 : i32
    %add3A_3 = arith.constant 0 : i32
    %add3A_4 = arith.addi %mul3A_2, %add3A_3 : i32
    "tpu.region"() ({
      %run_scoped3A = tpu.sem_alloc : memref<!tpu.dma_semaphore, #tpu.memory_space<semaphore_mem>>
      %dma_start3A = arith.constant 0 : i32
      %dma_start3A_31 = tpu.memref_slice %arg11[%add3A_4, %dma_start3A] : memref<10240x16xf32, #tpu.memory_space<vmem_shared>> -> memref<128x16xf32, #tpu.memory_space<vmem_shared>>
      %dma_start3A_32 = arith.constant 0 : i32
      %dma_start3A_33 = tpu.memref_slice %arg11[%add3A_4, %dma_start3A_32] : memref<10240x16xf32, #tpu.memory_space<vmem_shared>> -> memref<128x16xf32, #tpu.memory_space<vmem_shared>>
      tpu.enqueue_dma source(%arg9 : memref<128x16xf32, #tpu.memory_space<vmem>>) target(%dma_start3A_33 : memref<128x16xf32, #tpu.memory_space<vmem_shared>>) target_semaphore(%run_scoped3A : memref<!tpu.dma_semaphore, #tpu.memory_space<semaphore_mem>>)
      %dma_wait3A = arith.constant 0 : i32
      %dma_wait3A_34 = tpu.memref_slice %arg11[%add3A_4, %dma_wait3A] : memref<10240x16xf32, #tpu.memory_space<vmem_shared>> -> memref<128x16xf32, #tpu.memory_space<vmem_shared>>
      %dma_wait3A_35 = arith.constant 0 : i32
      %dma_wait3A_36 = tpu.memref_slice %arg11[%add3A_4, %dma_wait3A_35] : memref<10240x16xf32, #tpu.memory_space<vmem_shared>> -> memref<128x16xf32, #tpu.memory_space<vmem_shared>>
      tpu.wait_dma2 semaphore(%run_scoped3A : memref<!tpu.dma_semaphore, #tpu.memory_space<semaphore_mem>>) src(%arg9 : memref<128x16xf32, #tpu.memory_space<vmem>>) dst(%dma_wait3A_36 : memref<128x16xf32, #tpu.memory_space<vmem_shared>>)
      tpu.yield
    }) : () -> ()
    %mul3A_5 = arith.constant 640 : i32
    %mul3A_6 = arith.muli %arg1, %mul3A_5 : i32
    %add3A_7 = arith.constant 128 : i32
    %add3A_8 = arith.addi %mul3A_6, %add3A_7 : i32
    "tpu.region"() ({
      %run_scoped3A = tpu.sem_alloc : memref<!tpu.dma_semaphore, #tpu.memory_space<semaphore_mem>>
      %dma_start3A = arith.constant 0 : i32
      %dma_start3A_31 = tpu.memref_slice %arg11[%add3A_8, %dma_start3A] : memref<10240x16xf32, #tpu.memory_space<vmem_shared>> -> memref<128x16xf32, #tpu.memory_space<vmem_shared>>
      %dma_start3A_32 = arith.constant 0 : i32
      %dma_start3A_33 = tpu.memref_slice %arg11[%add3A_8, %dma_start3A_32] : memref<10240x16xf32, #tpu.memory_space<vmem_shared>> -> memref<128x16xf32, #tpu.memory_space<vmem_shared>>
      tpu.enqueue_dma source(%arg9 : memref<128x16xf32, #tpu.memory_space<vmem>>) target(%dma_start3A_33 : memref<128x16xf32, #tpu.memory_space<vmem_shared>>) target_semaphore(%run_scoped3A : memref<!tpu.dma_semaphore, #tpu.memory_space<semaphore_mem>>)
      %dma_wait3A = arith.constant 0 : i32
      %dma_wait3A_34 = tpu.memref_slice %arg11[%add3A_8, %dma_wait3A] : memref<10240x16xf32, #tpu.memory_space<vmem_shared>> -> memref<128x16xf32, #tpu.memory_space<vmem_shared>>
      %dma_wait3A_35 = arith.constant 0 : i32
      %dma_wait3A_36 = tpu.memref_slice %arg11[%add3A_8, %dma_wait3A_35] : memref<10240x16xf32, #tpu.memory_space<vmem_shared>> -> memref<128x16xf32, #tpu.memory_space<vmem_shared>>
      tpu.wait_dma2 semaphore(%run_scoped3A : memref<!tpu.dma_semaphore, #tpu.memory_space<semaphore_mem>>) src(%arg9 : memref<128x16xf32, #tpu.memory_space<vmem>>) dst(%dma_wait3A_36 : memref<128x16xf32, #tpu.memory_space<vmem_shared>>)
      tpu.yield
    }) : () -> ()
    %mul3A_9 = arith.constant 640 : i32
    %mul3A_10 = arith.muli %arg1, %mul3A_9 : i32
    %add3A_11 = arith.constant 256 : i32
    %add3A_12 = arith.addi %mul3A_10, %add3A_11 : i32
    "tpu.region"() ({
      %run_scoped3A = tpu.sem_alloc : memref<!tpu.dma_semaphore, #tpu.memory_space<semaphore_mem>>
      %dma_start3A = arith.constant 0 : i32
      %dma_start3A_31 = tpu.memref_slice %arg11[%add3A_12, %dma_start3A] : memref<10240x16xf32, #tpu.memory_space<vmem_shared>> -> memref<128x16xf32, #tpu.memory_space<vmem_shared>>
      %dma_start3A_32 = arith.constant 0 : i32
      %dma_start3A_33 = tpu.memref_slice %arg11[%add3A_12, %dma_start3A_32] : memref<10240x16xf32, #tpu.memory_space<vmem_shared>> -> memref<128x16xf32, #tpu.memory_space<vmem_shared>>
      tpu.enqueue_dma source(%arg9 : memref<128x16xf32, #tpu.memory_space<vmem>>) target(%dma_start3A_33 : memref<128x16xf32, #tpu.memory_space<vmem_shared>>) target_semaphore(%run_scoped3A : memref<!tpu.dma_semaphore, #tpu.memory_space<semaphore_mem>>)
      %dma_wait3A = arith.constant 0 : i32
      %dma_wait3A_34 = tpu.memref_slice %arg11[%add3A_12, %dma_wait3A] : memref<10240x16xf32, #tpu.memory_space<vmem_shared>> -> memref<128x16xf32, #tpu.memory_space<vmem_shared>>
      %dma_wait3A_35 = arith.constant 0 : i32
      %dma_wait3A_36 = tpu.memref_slice %arg11[%add3A_12, %dma_wait3A_35] : memref<10240x16xf32, #tpu.memory_space<vmem_shared>> -> memref<128x16xf32, #tpu.memory_space<vmem_shared>>
      tpu.wait_dma2 semaphore(%run_scoped3A : memref<!tpu.dma_semaphore, #tpu.memory_space<semaphore_mem>>) src(%arg9 : memref<128x16xf32, #tpu.memory_space<vmem>>) dst(%dma_wait3A_36 : memref<128x16xf32, #tpu.memory_space<vmem_shared>>)
      tpu.yield
    }) : () -> ()
    %mul3A_13 = arith.constant 640 : i32
    %mul3A_14 = arith.muli %arg1, %mul3A_13 : i32
    %add3A_15 = arith.constant 384 : i32
    %add3A_16 = arith.addi %mul3A_14, %add3A_15 : i32
    "tpu.region"() ({
      %run_scoped3A = tpu.sem_alloc : memref<!tpu.dma_semaphore, #tpu.memory_space<semaphore_mem>>
      %dma_start3A = arith.constant 0 : i32
      %dma_start3A_31 = tpu.memref_slice %arg11[%add3A_16, %dma_start3A] : memref<10240x16xf32, #tpu.memory_space<vmem_shared>> -> memref<128x16xf32, #tpu.memory_space<vmem_shared>>
      %dma_start3A_32 = arith.constant 0 : i32
      %dma_start3A_33 = tpu.memref_slice %arg11[%add3A_16, %dma_start3A_32] : memref<10240x16xf32, #tpu.memory_space<vmem_shared>> -> memref<128x16xf32, #tpu.memory_space<vmem_shared>>
      tpu.enqueue_dma source(%arg9 : memref<128x16xf32, #tpu.memory_space<vmem>>) target(%dma_start3A_33 : memref<128x16xf32, #tpu.memory_space<vmem_shared>>) target_semaphore(%run_scoped3A : memref<!tpu.dma_semaphore, #tpu.memory_space<semaphore_mem>>)
      %dma_wait3A = arith.constant 0 : i32
      %dma_wait3A_34 = tpu.memref_slice %arg11[%add3A_16, %dma_wait3A] : memref<10240x16xf32, #tpu.memory_space<vmem_shared>> -> memref<128x16xf32, #tpu.memory_space<vmem_shared>>
      %dma_wait3A_35 = arith.constant 0 : i32
      %dma_wait3A_36 = tpu.memref_slice %arg11[%add3A_16, %dma_wait3A_35] : memref<10240x16xf32, #tpu.memory_space<vmem_shared>> -> memref<128x16xf32, #tpu.memory_space<vmem_shared>>
      tpu.wait_dma2 semaphore(%run_scoped3A : memref<!tpu.dma_semaphore, #tpu.memory_space<semaphore_mem>>) src(%arg9 : memref<128x16xf32, #tpu.memory_space<vmem>>) dst(%dma_wait3A_36 : memref<128x16xf32, #tpu.memory_space<vmem_shared>>)
      tpu.yield
    }) : () -> ()
    %mul3A_17 = arith.constant 640 : i32
    %mul3A_18 = arith.muli %arg1, %mul3A_17 : i32
    %add3A_19 = arith.constant 512 : i32
    %add3A_20 = arith.addi %mul3A_18, %add3A_19 : i32
    "tpu.region"() ({
      %run_scoped3A = tpu.sem_alloc : memref<!tpu.dma_semaphore, #tpu.memory_space<semaphore_mem>>
      %dma_start3A = arith.constant 0 : i32
      %dma_start3A_31 = tpu.memref_slice %arg11[%add3A_20, %dma_start3A] : memref<10240x16xf32, #tpu.memory_space<vmem_shared>> -> memref<128x16xf32, #tpu.memory_space<vmem_shared>>
      %dma_start3A_32 = arith.constant 0 : i32
      %dma_start3A_33 = tpu.memref_slice %arg11[%add3A_20, %dma_start3A_32] : memref<10240x16xf32, #tpu.memory_space<vmem_shared>> -> memref<128x16xf32, #tpu.memory_space<vmem_shared>>
      tpu.enqueue_dma source(%arg9 : memref<128x16xf32, #tpu.memory_space<vmem>>) target(%dma_start3A_33 : memref<128x16xf32, #tpu.memory_space<vmem_shared>>) target_semaphore(%run_scoped3A : memref<!tpu.dma_semaphore, #tpu.memory_space<semaphore_mem>>)
      %dma_wait3A = arith.constant 0 : i32
      %dma_wait3A_34 = tpu.memref_slice %arg11[%add3A_20, %dma_wait3A] : memref<10240x16xf32, #tpu.memory_space<vmem_shared>> -> memref<128x16xf32, #tpu.memory_space<vmem_shared>>
      %dma_wait3A_35 = arith.constant 0 : i32
      %dma_wait3A_36 = tpu.memref_slice %arg11[%add3A_20, %dma_wait3A_35] : memref<10240x16xf32, #tpu.memory_space<vmem_shared>> -> memref<128x16xf32, #tpu.memory_space<vmem_shared>>
      tpu.wait_dma2 semaphore(%run_scoped3A : memref<!tpu.dma_semaphore, #tpu.memory_space<semaphore_mem>>) src(%arg9 : memref<128x16xf32, #tpu.memory_space<vmem>>) dst(%dma_wait3A_36 : memref<128x16xf32, #tpu.memory_space<vmem_shared>>)
      tpu.yield
    }) : () -> ()
    %barrier3A = arith.constant 0 : index
    tpu.barrier barrier_id(%barrier3A)
    %scan3A = arith.constant 0 : i32
    %scan3A_21 = arith.constant 0 : i32
    %scan3A_22 = arith.constant 20 : i32
    %scan3A_23 = arith.addi %scan3A_21, %scan3A_22 : i32
    %scan3A_24 = arith.constant 1 : i32
    scf.for %scan3A_31 = %scan3A_21 to %scan3A_23 step %scan3A_24  : i32 {
      %mul3A_32 = arith.constant 2 : i32
      %mul3A_33 = arith.muli %mul3A_32, %scan3A_31 : i32
      %mul3A_34 = arith.constant 2 : i32
      %mul3A_35 = arith.muli %mul3A_34, %scan3A_31 : i32
      %add3A_36 = arith.constant 1 : i32
      %add3A_37 = arith.addi %mul3A_35, %add3A_36 : i32
      %dma_start3A = arith.constant 0 : i32
      %dma_start3A_38 = tpu.memref_slice %arg7[%mul3A_33, %dma_start3A] : memref<40x128xi32, #tpu.memory_space<vmem>> -> memref<1x128xi32, #tpu.memory_space<vmem>>
      %dma_start3A_39 = tpu.memref_squeeze %dma_start3A_38 : memref<1x128xi32, #tpu.memory_space<vmem>> -> memref<128xi32, #tpu.memory_space<vmem>>
      %dma_start3A_40 = arith.constant 0 : i32
      %dma_start3A_41 = arith.constant 0 : i32
      %dma_start3A_42 = tpu.memref_slice %arg2[%dma_start3A_40, %dma_start3A_41] : memref<10240x16xf32, #tpu.memory_space<hbm>> -> memref<10240x16xf32, #tpu.memory_space<hbm>>
      tpu.enqueue_indirect_dma source(%dma_start3A_42 : memref<10240x16xf32, #tpu.memory_space<hbm>>) target(%arg9 : memref<128x16xf32, #tpu.memory_space<vmem>>) offsets(%dma_start3A_39 : memref<128xi32, #tpu.memory_space<vmem>>) semaphore(%arg12 : memref<!tpu.dma_semaphore, #tpu.memory_space<semaphore_mem>>)
      %dma_start3A_43 = arith.constant 0 : i32
      %dma_start3A_44 = tpu.memref_slice %arg7[%add3A_37, %dma_start3A_43] : memref<40x128xi32, #tpu.memory_space<vmem>> -> memref<1x128xi32, #tpu.memory_space<vmem>>
      %dma_start3A_45 = tpu.memref_squeeze %dma_start3A_44 : memref<1x128xi32, #tpu.memory_space<vmem>> -> memref<128xi32, #tpu.memory_space<vmem>>
      %dma_start3A_46 = arith.constant 0 : i32
      %dma_start3A_47 = arith.constant 0 : i32
      %dma_start3A_48 = tpu.memref_slice %arg2[%dma_start3A_46, %dma_start3A_47] : memref<10240x16xf32, #tpu.memory_space<hbm>> -> memref<10240x16xf32, #tpu.memory_space<hbm>>
      tpu.enqueue_indirect_dma source(%dma_start3A_48 : memref<10240x16xf32, #tpu.memory_space<hbm>>) target(%arg10 : memref<128x16xf32, #tpu.memory_space<vmem>>) offsets(%dma_start3A_45 : memref<128xi32, #tpu.memory_space<vmem>>) semaphore(%arg13 : memref<!tpu.dma_semaphore, #tpu.memory_space<semaphore_mem>>)
      %dma_wait3A = arith.constant 0 : i32
      %dma_wait3A_49 = tpu.memref_slice %arg7[%mul3A_33, %dma_wait3A] : memref<40x128xi32, #tpu.memory_space<vmem>> -> memref<1x128xi32, #tpu.memory_space<vmem>>
      %dma_wait3A_50 = tpu.memref_squeeze %dma_wait3A_49 : memref<1x128xi32, #tpu.memory_space<vmem>> -> memref<128xi32, #tpu.memory_space<vmem>>
      %dma_wait3A_51 = arith.constant 0 : i32
      %dma_wait3A_52 = arith.constant 0 : i32
      %dma_wait3A_53 = tpu.memref_slice %arg2[%dma_wait3A_51, %dma_wait3A_52] : memref<10240x16xf32, #tpu.memory_space<hbm>> -> memref<10240x16xf32, #tpu.memory_space<hbm>>
      tpu.wait_indirect_dma semaphore(%arg12 : memref<!tpu.dma_semaphore, #tpu.memory_space<semaphore_mem>>) src(%dma_wait3A_53 : memref<10240x16xf32, #tpu.memory_space<hbm>>) dst(%arg9 : memref<128x16xf32, #tpu.memory_space<vmem>>)
      "tpu.region"() ({
        %run_scoped3A = tpu.sem_alloc : memref<!tpu.dma_semaphore, #tpu.memory_space<semaphore_mem>>
        %dma_start3A_60 = arith.constant 0 : i32
        %dma_start3A_61 = tpu.memref_slice %arg8[%mul3A_33, %dma_start3A_60] : memref<40x128xi32, #tpu.memory_space<vmem>> -> memref<1x128xi32, #tpu.memory_space<vmem>>
        %dma_start3A_62 = tpu.memref_squeeze %dma_start3A_61 : memref<1x128xi32, #tpu.memory_space<vmem>> -> memref<128xi32, #tpu.memory_space<vmem>>
        %dma_start3A_63 = arith.constant 0 : i32
        %dma_start3A_64 = arith.constant 0 : i32
        %dma_start3A_65 = tpu.memref_slice %arg11[%dma_start3A_63, %dma_start3A_64] : memref<10240x16xf32, #tpu.memory_space<vmem_shared>> -> memref<10240x16xf32, #tpu.memory_space<vmem_shared>>
        tpu.enqueue_indirect_dma source(%arg9 : memref<128x16xf32, #tpu.memory_space<vmem>>) target(%dma_start3A_65 : memref<10240x16xf32, #tpu.memory_space<vmem_shared>>) offsets(%dma_start3A_62 : memref<128xi32, #tpu.memory_space<vmem>>) semaphore(%run_scoped3A : memref<!tpu.dma_semaphore, #tpu.memory_space<semaphore_mem>>) {add = true}
        %dma_wait3A_66 = arith.constant 0 : i32
        %dma_wait3A_67 = tpu.memref_slice %arg8[%mul3A_33, %dma_wait3A_66] : memref<40x128xi32, #tpu.memory_space<vmem>> -> memref<1x128xi32, #tpu.memory_space<vmem>>
        %dma_wait3A_68 = tpu.memref_squeeze %dma_wait3A_67 : memref<1x128xi32, #tpu.memory_space<vmem>> -> memref<128xi32, #tpu.memory_space<vmem>>
        %dma_wait3A_69 = arith.constant 0 : i32
        %dma_wait3A_70 = arith.constant 0 : i32
        %dma_wait3A_71 = tpu.memref_slice %arg11[%dma_wait3A_69, %dma_wait3A_70] : memref<10240x16xf32, #tpu.memory_space<vmem_shared>> -> memref<10240x16xf32, #tpu.memory_space<vmem_shared>>
        tpu.wait_indirect_dma semaphore(%run_scoped3A : memref<!tpu.dma_semaphore, #tpu.memory_space<semaphore_mem>>) src(%arg9 : memref<128x16xf32, #tpu.memory_space<vmem>>) dst(%dma_wait3A_71 : memref<10240x16xf32, #tpu.memory_space<vmem_shared>>)
        tpu.yield
      }) : () -> ()
      %dma_wait3A_54 = arith.constant 0 : i32
      %dma_wait3A_55 = tpu.memref_slice %arg7[%add3A_37, %dma_wait3A_54] : memref<40x128xi32, #tpu.memory_space<vmem>> -> memref<1x128xi32, #tpu.memory_space<vmem>>
      %dma_wait3A_56 = tpu.memref_squeeze %dma_wait3A_55 : memref<1x128xi32, #tpu.memory_space<vmem>> -> memref<128xi32, #tpu.memory_space<vmem>>
      %dma_wait3A_57 = arith.constant 0 : i32
      %dma_wait3A_58 = arith.constant 0 : i32
      %dma_wait3A_59 = tpu.memref_slice %arg2[%dma_wait3A_57, %dma_wait3A_58] : memref<10240x16xf32, #tpu.memory_space<hbm>> -> memref<10240x16xf32, #tpu.memory_space<hbm>>
      tpu.wait_indirect_dma semaphore(%arg13 : memref<!tpu.dma_semaphore, #tpu.memory_space<semaphore_mem>>) src(%dma_wait3A_59 : memref<10240x16xf32, #tpu.memory_space<hbm>>) dst(%arg10 : memref<128x16xf32, #tpu.memory_space<vmem>>)
      "tpu.region"() ({
        %run_scoped3A = tpu.sem_alloc : memref<!tpu.dma_semaphore, #tpu.memory_space<semaphore_mem>>
        %dma_start3A_60 = arith.constant 0 : i32
        %dma_start3A_61 = tpu.memref_slice %arg8[%add3A_37, %dma_start3A_60] : memref<40x128xi32, #tpu.memory_space<vmem>> -> memref<1x128xi32, #tpu.memory_space<vmem>>
        %dma_start3A_62 = tpu.memref_squeeze %dma_start3A_61 : memref<1x128xi32, #tpu.memory_space<vmem>> -> memref<128xi32, #tpu.memory_space<vmem>>
        %dma_start3A_63 = arith.constant 0 : i32
        %dma_start3A_64 = arith.constant 0 : i32
        %dma_start3A_65 = tpu.memref_slice %arg11[%dma_start3A_63, %dma_start3A_64] : memref<10240x16xf32, #tpu.memory_space<vmem_shared>> -> memref<10240x16xf32, #tpu.memory_space<vmem_shared>>
        tpu.enqueue_indirect_dma source(%arg10 : memref<128x16xf32, #tpu.memory_space<vmem>>) target(%dma_start3A_65 : memref<10240x16xf32, #tpu.memory_space<vmem_shared>>) offsets(%dma_start3A_62 : memref<128xi32, #tpu.memory_space<vmem>>) semaphore(%run_scoped3A : memref<!tpu.dma_semaphore, #tpu.memory_space<semaphore_mem>>) {add = true}
        %dma_wait3A_66 = arith.constant 0 : i32
        %dma_wait3A_67 = tpu.memref_slice %arg8[%add3A_37, %dma_wait3A_66] : memref<40x128xi32, #tpu.memory_space<vmem>> -> memref<1x128xi32, #tpu.memory_space<vmem>>
        %dma_wait3A_68 = tpu.memref_squeeze %dma_wait3A_67 : memref<1x128xi32, #tpu.memory_space<vmem>> -> memref<128xi32, #tpu.memory_space<vmem>>
        %dma_wait3A_69 = arith.constant 0 : i32
        %dma_wait3A_70 = arith.constant 0 : i32
        %dma_wait3A_71 = tpu.memref_slice %arg11[%dma_wait3A_69, %dma_wait3A_70] : memref<10240x16xf32, #tpu.memory_space<vmem_shared>> -> memref<10240x16xf32, #tpu.memory_space<vmem_shared>>
        tpu.wait_indirect_dma semaphore(%run_scoped3A : memref<!tpu.dma_semaphore, #tpu.memory_space<semaphore_mem>>) src(%arg10 : memref<128x16xf32, #tpu.memory_space<vmem>>) dst(%dma_wait3A_71 : memref<10240x16xf32, #tpu.memory_space<vmem_shared>>)
        tpu.yield
      }) : () -> ()
    }
    %scan3A_25 = arith.constant 20 : i32
    %barrier3A_26 = arith.constant 0 : index
    tpu.barrier barrier_id(%barrier3A_26)
    %mul3A_27 = arith.constant 640 : i32
    %mul3A_28 = arith.muli %arg1, %mul3A_27 : i32
    %mul3A_29 = arith.constant 640 : i32
    %mul3A_30 = arith.muli %arg1, %mul3A_29 : i32
    "tpu.region"() ({
      %run_scoped3A = tpu.sem_alloc : memref<!tpu.dma_semaphore, #tpu.memory_space<semaphore_mem>>
      %dma_start3A = arith.constant 0 : i32
      %dma_start3A_31 = tpu.memref_slice %arg6[%arg0, %mul3A_30, %dma_start3A] : memref<2x10240x16xf32, #tpu.memory_space<hbm>> -> memref<1x640x16xf32, #tpu.memory_space<hbm>>
      %dma_start3A_32 = tpu.memref_squeeze %dma_start3A_31 : memref<1x640x16xf32, #tpu.memory_space<hbm>> -> memref<640x16xf32, #tpu.memory_space<hbm>>
      %dma_start3A_33 = arith.constant 0 : i32
      %dma_start3A_34 = tpu.memref_slice %arg11[%mul3A_28, %dma_start3A_33] : memref<10240x16xf32, #tpu.memory_space<vmem_shared>> -> memref<640x16xf32, #tpu.memory_space<vmem_shared>>
      tpu.enqueue_dma source(%dma_start3A_34 : memref<640x16xf32, #tpu.memory_space<vmem_shared>>) target(%dma_start3A_32 : memref<640x16xf32, #tpu.memory_space<hbm>>) target_semaphore(%run_scoped3A : memref<!tpu.dma_semaphore, #tpu.memory_space<semaphore_mem>>)
      %dma_wait3A = arith.constant 0 : i32
      %dma_wait3A_35 = tpu.memref_slice %arg6[%arg0, %mul3A_30, %dma_wait3A] : memref<2x10240x16xf32, #tpu.memory_space<hbm>> -> memref<1x640x16xf32, #tpu.memory_space<hbm>>
      %dma_wait3A_36 = tpu.memref_squeeze %dma_wait3A_35 : memref<1x640x16xf32, #tpu.memory_space<hbm>> -> memref<640x16xf32, #tpu.memory_space<hbm>>
      %dma_wait3A_37 = arith.constant 0 : i32
      %dma_wait3A_38 = tpu.memref_slice %arg11[%mul3A_28, %dma_wait3A_37] : memref<10240x16xf32, #tpu.memory_space<vmem_shared>> -> memref<640x16xf32, #tpu.memory_space<vmem_shared>>
      tpu.wait_dma2 semaphore(%run_scoped3A : memref<!tpu.dma_semaphore, #tpu.memory_space<semaphore_mem>>) src(%dma_wait3A_38 : memref<640x16xf32, #tpu.memory_space<vmem_shared>>) dst(%dma_wait3A_36 : memref<640x16xf32, #tpu.memory_space<hbm>>)
      tpu.yield
    }) : () -> ()
    return
  }
}

#map = affine_map<(d0, d1) -> (0, 0, 0)>
#map1 = affine_map<(d0, d1) -> (0, 0)>
module attributes {stable_mosaic.version = 14 : i64} {
  func.func @_deg_body(%arg0: i32, %arg1: i32, %arg2: memref<32x40x128xi32, #tpu.memory_space<hbm>>, %arg3: memref<128x16xf32, #tpu.memory_space<hbm>>, %arg4: memref<128x16xf32, #tpu.memory_space<hbm>>, %arg5: memref<2x10240x16xf32, #tpu.memory_space<hbm>>, %arg6: memref<40x128xi32, #tpu.memory_space<vmem>>, %arg7: memref<128x16xf32, #tpu.memory_space<vmem>>, %arg8: memref<128x16xf32, #tpu.memory_space<vmem>>, %arg9: memref<10240x16xf32, #tpu.memory_space<vmem_shared>>) attributes {dimension_semantics = [#tpu.dimension_semantics<core_parallel>, #tpu.dimension_semantics<subcore_parallel>], iteration_bounds = array<i64: 2, 16>, scalar_prefetch = 0 : i64, scratch_operands = 4 : i64, tpu.core_type = #tpu.core_type<sc_vector_subcore>, window_params = [{transform_indices = #map}, {transform_indices = #map1}, {transform_indices = #map1}, {transform_indices = #map}]} {
    %mul3A = arith.constant 16 : i32
    %mul3A_0 = arith.muli %arg0, %mul3A : i32
    %add3A = arith.addi %mul3A_0, %arg1 : i32
    "tpu.region"() ({
      %run_scoped3A = tpu.sem_alloc : memref<!tpu.dma_semaphore, #tpu.memory_space<semaphore_mem>>
      %dma_start3A = arith.constant 0 : i32
      %dma_start3A_31 = arith.constant 0 : i32
      %dma_start3A_32 = tpu.memref_slice %arg2[%add3A, %dma_start3A, %dma_start3A_31] : memref<32x40x128xi32, #tpu.memory_space<hbm>> -> memref<1x40x128xi32, #tpu.memory_space<hbm>>
      %dma_start3A_33 = tpu.memref_squeeze %dma_start3A_32 : memref<1x40x128xi32, #tpu.memory_space<hbm>> -> memref<40x128xi32, #tpu.memory_space<hbm>>
      %dma_start3A_34 = arith.constant 0 : i32
      %dma_start3A_35 = arith.constant 0 : i32
      %dma_start3A_36 = tpu.memref_slice %arg2[%add3A, %dma_start3A_34, %dma_start3A_35] : memref<32x40x128xi32, #tpu.memory_space<hbm>> -> memref<1x40x128xi32, #tpu.memory_space<hbm>>
      %dma_start3A_37 = tpu.memref_squeeze %dma_start3A_36 : memref<1x40x128xi32, #tpu.memory_space<hbm>> -> memref<40x128xi32, #tpu.memory_space<hbm>>
      tpu.enqueue_dma source(%dma_start3A_37 : memref<40x128xi32, #tpu.memory_space<hbm>>) target(%arg6 : memref<40x128xi32, #tpu.memory_space<vmem>>) target_semaphore(%run_scoped3A : memref<!tpu.dma_semaphore, #tpu.memory_space<semaphore_mem>>)
      %dma_wait3A = arith.constant 0 : i32
      %dma_wait3A_38 = arith.constant 0 : i32
      %dma_wait3A_39 = tpu.memref_slice %arg2[%add3A, %dma_wait3A, %dma_wait3A_38] : memref<32x40x128xi32, #tpu.memory_space<hbm>> -> memref<1x40x128xi32, #tpu.memory_space<hbm>>
      %dma_wait3A_40 = tpu.memref_squeeze %dma_wait3A_39 : memref<1x40x128xi32, #tpu.memory_space<hbm>> -> memref<40x128xi32, #tpu.memory_space<hbm>>
      %dma_wait3A_41 = arith.constant 0 : i32
      %dma_wait3A_42 = arith.constant 0 : i32
      %dma_wait3A_43 = tpu.memref_slice %arg2[%add3A, %dma_wait3A_41, %dma_wait3A_42] : memref<32x40x128xi32, #tpu.memory_space<hbm>> -> memref<1x40x128xi32, #tpu.memory_space<hbm>>
      %dma_wait3A_44 = tpu.memref_squeeze %dma_wait3A_43 : memref<1x40x128xi32, #tpu.memory_space<hbm>> -> memref<40x128xi32, #tpu.memory_space<hbm>>
      tpu.wait_dma2 semaphore(%run_scoped3A : memref<!tpu.dma_semaphore, #tpu.memory_space<semaphore_mem>>) src(%dma_wait3A_44 : memref<40x128xi32, #tpu.memory_space<hbm>>) dst(%arg6 : memref<40x128xi32, #tpu.memory_space<vmem>>)
      tpu.yield
    }) : () -> ()
    "tpu.region"() ({
      %run_scoped3A = tpu.sem_alloc : memref<!tpu.dma_semaphore, #tpu.memory_space<semaphore_mem>>
      tpu.enqueue_dma source(%arg3 : memref<128x16xf32, #tpu.memory_space<hbm>>) target(%arg7 : memref<128x16xf32, #tpu.memory_space<vmem>>) target_semaphore(%run_scoped3A : memref<!tpu.dma_semaphore, #tpu.memory_space<semaphore_mem>>)
      tpu.wait_dma2 semaphore(%run_scoped3A : memref<!tpu.dma_semaphore, #tpu.memory_space<semaphore_mem>>) src(%arg3 : memref<128x16xf32, #tpu.memory_space<hbm>>) dst(%arg7 : memref<128x16xf32, #tpu.memory_space<vmem>>)
      tpu.yield
    }) : () -> ()
    "tpu.region"() ({
      %run_scoped3A = tpu.sem_alloc : memref<!tpu.dma_semaphore, #tpu.memory_space<semaphore_mem>>
      tpu.enqueue_dma source(%arg4 : memref<128x16xf32, #tpu.memory_space<hbm>>) target(%arg8 : memref<128x16xf32, #tpu.memory_space<vmem>>) target_semaphore(%run_scoped3A : memref<!tpu.dma_semaphore, #tpu.memory_space<semaphore_mem>>)
      tpu.wait_dma2 semaphore(%run_scoped3A : memref<!tpu.dma_semaphore, #tpu.memory_space<semaphore_mem>>) src(%arg4 : memref<128x16xf32, #tpu.memory_space<hbm>>) dst(%arg8 : memref<128x16xf32, #tpu.memory_space<vmem>>)
      tpu.yield
    }) : () -> ()
    %mul3A_1 = arith.constant 640 : i32
    %mul3A_2 = arith.muli %arg1, %mul3A_1 : i32
    %add3A_3 = arith.constant 0 : i32
    %add3A_4 = arith.addi %mul3A_2, %add3A_3 : i32
    "tpu.region"() ({
      %run_scoped3A = tpu.sem_alloc : memref<!tpu.dma_semaphore, #tpu.memory_space<semaphore_mem>>
      %dma_start3A = arith.constant 0 : i32
      %dma_start3A_31 = tpu.memref_slice %arg9[%add3A_4, %dma_start3A] : memref<10240x16xf32, #tpu.memory_space<vmem_shared>> -> memref<128x16xf32, #tpu.memory_space<vmem_shared>>
      %dma_start3A_32 = arith.constant 0 : i32
      %dma_start3A_33 = tpu.memref_slice %arg9[%add3A_4, %dma_start3A_32] : memref<10240x16xf32, #tpu.memory_space<vmem_shared>> -> memref<128x16xf32, #tpu.memory_space<vmem_shared>>
      tpu.enqueue_dma source(%arg7 : memref<128x16xf32, #tpu.memory_space<vmem>>) target(%dma_start3A_33 : memref<128x16xf32, #tpu.memory_space<vmem_shared>>) target_semaphore(%run_scoped3A : memref<!tpu.dma_semaphore, #tpu.memory_space<semaphore_mem>>)
      %dma_wait3A = arith.constant 0 : i32
      %dma_wait3A_34 = tpu.memref_slice %arg9[%add3A_4, %dma_wait3A] : memref<10240x16xf32, #tpu.memory_space<vmem_shared>> -> memref<128x16xf32, #tpu.memory_space<vmem_shared>>
      %dma_wait3A_35 = arith.constant 0 : i32
      %dma_wait3A_36 = tpu.memref_slice %arg9[%add3A_4, %dma_wait3A_35] : memref<10240x16xf32, #tpu.memory_space<vmem_shared>> -> memref<128x16xf32, #tpu.memory_space<vmem_shared>>
      tpu.wait_dma2 semaphore(%run_scoped3A : memref<!tpu.dma_semaphore, #tpu.memory_space<semaphore_mem>>) src(%arg7 : memref<128x16xf32, #tpu.memory_space<vmem>>) dst(%dma_wait3A_36 : memref<128x16xf32, #tpu.memory_space<vmem_shared>>)
      tpu.yield
    }) : () -> ()
    %mul3A_5 = arith.constant 640 : i32
    %mul3A_6 = arith.muli %arg1, %mul3A_5 : i32
    %add3A_7 = arith.constant 128 : i32
    %add3A_8 = arith.addi %mul3A_6, %add3A_7 : i32
    "tpu.region"() ({
      %run_scoped3A = tpu.sem_alloc : memref<!tpu.dma_semaphore, #tpu.memory_space<semaphore_mem>>
      %dma_start3A = arith.constant 0 : i32
      %dma_start3A_31 = tpu.memref_slice %arg9[%add3A_8, %dma_start3A] : memref<10240x16xf32, #tpu.memory_space<vmem_shared>> -> memref<128x16xf32, #tpu.memory_space<vmem_shared>>
      %dma_start3A_32 = arith.constant 0 : i32
      %dma_start3A_33 = tpu.memref_slice %arg9[%add3A_8, %dma_start3A_32] : memref<10240x16xf32, #tpu.memory_space<vmem_shared>> -> memref<128x16xf32, #tpu.memory_space<vmem_shared>>
      tpu.enqueue_dma source(%arg7 : memref<128x16xf32, #tpu.memory_space<vmem>>) target(%dma_start3A_33 : memref<128x16xf32, #tpu.memory_space<vmem_shared>>) target_semaphore(%run_scoped3A : memref<!tpu.dma_semaphore, #tpu.memory_space<semaphore_mem>>)
      %dma_wait3A = arith.constant 0 : i32
      %dma_wait3A_34 = tpu.memref_slice %arg9[%add3A_8, %dma_wait3A] : memref<10240x16xf32, #tpu.memory_space<vmem_shared>> -> memref<128x16xf32, #tpu.memory_space<vmem_shared>>
      %dma_wait3A_35 = arith.constant 0 : i32
      %dma_wait3A_36 = tpu.memref_slice %arg9[%add3A_8, %dma_wait3A_35] : memref<10240x16xf32, #tpu.memory_space<vmem_shared>> -> memref<128x16xf32, #tpu.memory_space<vmem_shared>>
      tpu.wait_dma2 semaphore(%run_scoped3A : memref<!tpu.dma_semaphore, #tpu.memory_space<semaphore_mem>>) src(%arg7 : memref<128x16xf32, #tpu.memory_space<vmem>>) dst(%dma_wait3A_36 : memref<128x16xf32, #tpu.memory_space<vmem_shared>>)
      tpu.yield
    }) : () -> ()
    %mul3A_9 = arith.constant 640 : i32
    %mul3A_10 = arith.muli %arg1, %mul3A_9 : i32
    %add3A_11 = arith.constant 256 : i32
    %add3A_12 = arith.addi %mul3A_10, %add3A_11 : i32
    "tpu.region"() ({
      %run_scoped3A = tpu.sem_alloc : memref<!tpu.dma_semaphore, #tpu.memory_space<semaphore_mem>>
      %dma_start3A = arith.constant 0 : i32
      %dma_start3A_31 = tpu.memref_slice %arg9[%add3A_12, %dma_start3A] : memref<10240x16xf32, #tpu.memory_space<vmem_shared>> -> memref<128x16xf32, #tpu.memory_space<vmem_shared>>
      %dma_start3A_32 = arith.constant 0 : i32
      %dma_start3A_33 = tpu.memref_slice %arg9[%add3A_12, %dma_start3A_32] : memref<10240x16xf32, #tpu.memory_space<vmem_shared>> -> memref<128x16xf32, #tpu.memory_space<vmem_shared>>
      tpu.enqueue_dma source(%arg7 : memref<128x16xf32, #tpu.memory_space<vmem>>) target(%dma_start3A_33 : memref<128x16xf32, #tpu.memory_space<vmem_shared>>) target_semaphore(%run_scoped3A : memref<!tpu.dma_semaphore, #tpu.memory_space<semaphore_mem>>)
      %dma_wait3A = arith.constant 0 : i32
      %dma_wait3A_34 = tpu.memref_slice %arg9[%add3A_12, %dma_wait3A] : memref<10240x16xf32, #tpu.memory_space<vmem_shared>> -> memref<128x16xf32, #tpu.memory_space<vmem_shared>>
      %dma_wait3A_35 = arith.constant 0 : i32
      %dma_wait3A_36 = tpu.memref_slice %arg9[%add3A_12, %dma_wait3A_35] : memref<10240x16xf32, #tpu.memory_space<vmem_shared>> -> memref<128x16xf32, #tpu.memory_space<vmem_shared>>
      tpu.wait_dma2 semaphore(%run_scoped3A : memref<!tpu.dma_semaphore, #tpu.memory_space<semaphore_mem>>) src(%arg7 : memref<128x16xf32, #tpu.memory_space<vmem>>) dst(%dma_wait3A_36 : memref<128x16xf32, #tpu.memory_space<vmem_shared>>)
      tpu.yield
    }) : () -> ()
    %mul3A_13 = arith.constant 640 : i32
    %mul3A_14 = arith.muli %arg1, %mul3A_13 : i32
    %add3A_15 = arith.constant 384 : i32
    %add3A_16 = arith.addi %mul3A_14, %add3A_15 : i32
    "tpu.region"() ({
      %run_scoped3A = tpu.sem_alloc : memref<!tpu.dma_semaphore, #tpu.memory_space<semaphore_mem>>
      %dma_start3A = arith.constant 0 : i32
      %dma_start3A_31 = tpu.memref_slice %arg9[%add3A_16, %dma_start3A] : memref<10240x16xf32, #tpu.memory_space<vmem_shared>> -> memref<128x16xf32, #tpu.memory_space<vmem_shared>>
      %dma_start3A_32 = arith.constant 0 : i32
      %dma_start3A_33 = tpu.memref_slice %arg9[%add3A_16, %dma_start3A_32] : memref<10240x16xf32, #tpu.memory_space<vmem_shared>> -> memref<128x16xf32, #tpu.memory_space<vmem_shared>>
      tpu.enqueue_dma source(%arg7 : memref<128x16xf32, #tpu.memory_space<vmem>>) target(%dma_start3A_33 : memref<128x16xf32, #tpu.memory_space<vmem_shared>>) target_semaphore(%run_scoped3A : memref<!tpu.dma_semaphore, #tpu.memory_space<semaphore_mem>>)
      %dma_wait3A = arith.constant 0 : i32
      %dma_wait3A_34 = tpu.memref_slice %arg9[%add3A_16, %dma_wait3A] : memref<10240x16xf32, #tpu.memory_space<vmem_shared>> -> memref<128x16xf32, #tpu.memory_space<vmem_shared>>
      %dma_wait3A_35 = arith.constant 0 : i32
      %dma_wait3A_36 = tpu.memref_slice %arg9[%add3A_16, %dma_wait3A_35] : memref<10240x16xf32, #tpu.memory_space<vmem_shared>> -> memref<128x16xf32, #tpu.memory_space<vmem_shared>>
      tpu.wait_dma2 semaphore(%run_scoped3A : memref<!tpu.dma_semaphore, #tpu.memory_space<semaphore_mem>>) src(%arg7 : memref<128x16xf32, #tpu.memory_space<vmem>>) dst(%dma_wait3A_36 : memref<128x16xf32, #tpu.memory_space<vmem_shared>>)
      tpu.yield
    }) : () -> ()
    %mul3A_17 = arith.constant 640 : i32
    %mul3A_18 = arith.muli %arg1, %mul3A_17 : i32
    %add3A_19 = arith.constant 512 : i32
    %add3A_20 = arith.addi %mul3A_18, %add3A_19 : i32
    "tpu.region"() ({
      %run_scoped3A = tpu.sem_alloc : memref<!tpu.dma_semaphore, #tpu.memory_space<semaphore_mem>>
      %dma_start3A = arith.constant 0 : i32
      %dma_start3A_31 = tpu.memref_slice %arg9[%add3A_20, %dma_start3A] : memref<10240x16xf32, #tpu.memory_space<vmem_shared>> -> memref<128x16xf32, #tpu.memory_space<vmem_shared>>
      %dma_start3A_32 = arith.constant 0 : i32
      %dma_start3A_33 = tpu.memref_slice %arg9[%add3A_20, %dma_start3A_32] : memref<10240x16xf32, #tpu.memory_space<vmem_shared>> -> memref<128x16xf32, #tpu.memory_space<vmem_shared>>
      tpu.enqueue_dma source(%arg7 : memref<128x16xf32, #tpu.memory_space<vmem>>) target(%dma_start3A_33 : memref<128x16xf32, #tpu.memory_space<vmem_shared>>) target_semaphore(%run_scoped3A : memref<!tpu.dma_semaphore, #tpu.memory_space<semaphore_mem>>)
      %dma_wait3A = arith.constant 0 : i32
      %dma_wait3A_34 = tpu.memref_slice %arg9[%add3A_20, %dma_wait3A] : memref<10240x16xf32, #tpu.memory_space<vmem_shared>> -> memref<128x16xf32, #tpu.memory_space<vmem_shared>>
      %dma_wait3A_35 = arith.constant 0 : i32
      %dma_wait3A_36 = tpu.memref_slice %arg9[%add3A_20, %dma_wait3A_35] : memref<10240x16xf32, #tpu.memory_space<vmem_shared>> -> memref<128x16xf32, #tpu.memory_space<vmem_shared>>
      tpu.wait_dma2 semaphore(%run_scoped3A : memref<!tpu.dma_semaphore, #tpu.memory_space<semaphore_mem>>) src(%arg7 : memref<128x16xf32, #tpu.memory_space<vmem>>) dst(%dma_wait3A_36 : memref<128x16xf32, #tpu.memory_space<vmem_shared>>)
      tpu.yield
    }) : () -> ()
    %barrier3A = arith.constant 0 : index
    tpu.barrier barrier_id(%barrier3A)
    %scan3A = arith.constant 0 : i32
    %scan3A_21 = arith.constant 0 : i32
    %scan3A_22 = arith.constant 40 : i32
    %scan3A_23 = arith.addi %scan3A_21, %scan3A_22 : i32
    %scan3A_24 = arith.constant 1 : i32
    scf.for %scan3A_31 = %scan3A_21 to %scan3A_23 step %scan3A_24  : i32 {
      "tpu.region"() ({
        %run_scoped3A = tpu.sem_alloc : memref<!tpu.dma_semaphore, #tpu.memory_space<semaphore_mem>>
        %dma_start3A = arith.constant 0 : i32
        %dma_start3A_32 = tpu.memref_slice %arg6[%scan3A_31, %dma_start3A] : memref<40x128xi32, #tpu.memory_space<vmem>> -> memref<1x128xi32, #tpu.memory_space<vmem>>
        %dma_start3A_33 = tpu.memref_squeeze %dma_start3A_32 : memref<1x128xi32, #tpu.memory_space<vmem>> -> memref<128xi32, #tpu.memory_space<vmem>>
        %dma_start3A_34 = arith.constant 0 : i32
        %dma_start3A_35 = arith.constant 0 : i32
        %dma_start3A_36 = tpu.memref_slice %arg9[%dma_start3A_34, %dma_start3A_35] : memref<10240x16xf32, #tpu.memory_space<vmem_shared>> -> memref<10240x16xf32, #tpu.memory_space<vmem_shared>>
        tpu.enqueue_indirect_dma source(%arg8 : memref<128x16xf32, #tpu.memory_space<vmem>>) target(%dma_start3A_36 : memref<10240x16xf32, #tpu.memory_space<vmem_shared>>) offsets(%dma_start3A_33 : memref<128xi32, #tpu.memory_space<vmem>>) semaphore(%run_scoped3A : memref<!tpu.dma_semaphore, #tpu.memory_space<semaphore_mem>>) {add = true}
        %dma_wait3A = arith.constant 0 : i32
        %dma_wait3A_37 = tpu.memref_slice %arg6[%scan3A_31, %dma_wait3A] : memref<40x128xi32, #tpu.memory_space<vmem>> -> memref<1x128xi32, #tpu.memory_space<vmem>>
        %dma_wait3A_38 = tpu.memref_squeeze %dma_wait3A_37 : memref<1x128xi32, #tpu.memory_space<vmem>> -> memref<128xi32, #tpu.memory_space<vmem>>
        %dma_wait3A_39 = arith.constant 0 : i32
        %dma_wait3A_40 = arith.constant 0 : i32
        %dma_wait3A_41 = tpu.memref_slice %arg9[%dma_wait3A_39, %dma_wait3A_40] : memref<10240x16xf32, #tpu.memory_space<vmem_shared>> -> memref<10240x16xf32, #tpu.memory_space<vmem_shared>>
        tpu.wait_indirect_dma semaphore(%run_scoped3A : memref<!tpu.dma_semaphore, #tpu.memory_space<semaphore_mem>>) src(%arg8 : memref<128x16xf32, #tpu.memory_space<vmem>>) dst(%dma_wait3A_41 : memref<10240x16xf32, #tpu.memory_space<vmem_shared>>)
        tpu.yield
      }) : () -> ()
    }
    %scan3A_25 = arith.constant 40 : i32
    %barrier3A_26 = arith.constant 0 : index
    tpu.barrier barrier_id(%barrier3A_26)
    %mul3A_27 = arith.constant 640 : i32
    %mul3A_28 = arith.muli %arg1, %mul3A_27 : i32
    %mul3A_29 = arith.constant 640 : i32
    %mul3A_30 = arith.muli %arg1, %mul3A_29 : i32
    "tpu.region"() ({
      %run_scoped3A = tpu.sem_alloc : memref<!tpu.dma_semaphore, #tpu.memory_space<semaphore_mem>>
      %dma_start3A = arith.constant 0 : i32
      %dma_start3A_31 = tpu.memref_slice %arg5[%arg0, %mul3A_30, %dma_start3A] : memref<2x10240x16xf32, #tpu.memory_space<hbm>> -> memref<1x640x16xf32, #tpu.memory_space<hbm>>
      %dma_start3A_32 = tpu.memref_squeeze %dma_start3A_31 : memref<1x640x16xf32, #tpu.memory_space<hbm>> -> memref<640x16xf32, #tpu.memory_space<hbm>>
      %dma_start3A_33 = arith.constant 0 : i32
      %dma_start3A_34 = tpu.memref_slice %arg9[%mul3A_28, %dma_start3A_33] : memref<10240x16xf32, #tpu.memory_space<vmem_shared>> -> memref<640x16xf32, #tpu.memory_space<vmem_shared>>
      tpu.enqueue_dma source(%dma_start3A_34 : memref<640x16xf32, #tpu.memory_space<vmem_shared>>) target(%dma_start3A_32 : memref<640x16xf32, #tpu.memory_space<hbm>>) target_semaphore(%run_scoped3A : memref<!tpu.dma_semaphore, #tpu.memory_space<semaphore_mem>>)
      %dma_wait3A = arith.constant 0 : i32
      %dma_wait3A_35 = tpu.memref_slice %arg5[%arg0, %mul3A_30, %dma_wait3A] : memref<2x10240x16xf32, #tpu.memory_space<hbm>> -> memref<1x640x16xf32, #tpu.memory_space<hbm>>
      %dma_wait3A_36 = tpu.memref_squeeze %dma_wait3A_35 : memref<1x640x16xf32, #tpu.memory_space<hbm>> -> memref<640x16xf32, #tpu.memory_space<hbm>>
      %dma_wait3A_37 = arith.constant 0 : i32
      %dma_wait3A_38 = tpu.memref_slice %arg9[%mul3A_28, %dma_wait3A_37] : memref<10240x16xf32, #tpu.memory_space<vmem_shared>> -> memref<640x16xf32, #tpu.memory_space<vmem_shared>>
      tpu.wait_dma2 semaphore(%run_scoped3A : memref<!tpu.dma_semaphore, #tpu.memory_space<semaphore_mem>>) src(%dma_wait3A_38 : memref<640x16xf32, #tpu.memory_space<vmem_shared>>) dst(%dma_wait3A_36 : memref<640x16xf32, #tpu.memory_space<hbm>>)
      tpu.yield
    }) : () -> ()
    return
  }
}

#map = affine_map<(d0, d1) -> (0, 0)>
#map1 = affine_map<(d0, d1) -> (0, 0, 0)>
module attributes {stable_mosaic.version = 14 : i64} {
  func.func @_spmm_multi_body(%arg0: i32, %arg1: i32, %arg2: memref<10240x128xf32, #tpu.memory_space<hbm>>, %arg3: memref<10240x128xf32, #tpu.memory_space<hbm>>, %arg4: memref<10240x128xf32, #tpu.memory_space<hbm>>, %arg5: memref<32x40x128xi32, #tpu.memory_space<hbm>>, %arg6: memref<32x40x128xi32, #tpu.memory_space<hbm>>, %arg7: memref<128x128xf32, #tpu.memory_space<hbm>>, %arg8: memref<2x10240x128xf32, #tpu.memory_space<hbm>>, %arg9: memref<2x10240x128xf32, #tpu.memory_space<hbm>>, %arg10: memref<2x10240x128xf32, #tpu.memory_space<hbm>>, %arg11: memref<40x128xi32, #tpu.memory_space<vmem>>, %arg12: memref<40x128xi32, #tpu.memory_space<vmem>>, %arg13: memref<128x128xf32, #tpu.memory_space<vmem>>, %arg14: memref<128x128xf32, #tpu.memory_space<vmem>>, %arg15: memref<10240x128xf32, #tpu.memory_space<vmem_shared>>, %arg16: memref<!tpu.dma_semaphore, #tpu.memory_space<semaphore_mem>>, %arg17: memref<!tpu.dma_semaphore, #tpu.memory_space<semaphore_mem>>) attributes {dimension_semantics = [#tpu.dimension_semantics<core_parallel>, #tpu.dimension_semantics<subcore_parallel>], iteration_bounds = array<i64: 2, 16>, scalar_prefetch = 0 : i64, scratch_operands = 7 : i64, tpu.core_type = #tpu.core_type<sc_vector_subcore>, window_params = [{transform_indices = #map}, {transform_indices = #map}, {transform_indices = #map}, {transform_indices = #map1}, {transform_indices = #map1}, {transform_indices = #map}, {transform_indices = #map1}, {transform_indices = #map1}, {transform_indices = #map1}]} {
    %mul3A = arith.constant 16 : i32
    %mul3A_0 = arith.muli %arg0, %mul3A : i32
    %add3A = arith.addi %mul3A_0, %arg1 : i32
    "tpu.region"() ({
      %run_scoped3A = tpu.sem_alloc : memref<!tpu.dma_semaphore, #tpu.memory_space<semaphore_mem>>
      %dma_start3A_115 = arith.constant 0 : i32
      %dma_start3A_116 = arith.constant 0 : i32
      %dma_start3A_117 = tpu.memref_slice %arg5[%add3A, %dma_start3A_115, %dma_start3A_116] : memref<32x40x128xi32, #tpu.memory_space<hbm>> -> memref<1x40x128xi32, #tpu.memory_space<hbm>>
      %dma_start3A_118 = tpu.memref_squeeze %dma_start3A_117 : memref<1x40x128xi32, #tpu.memory_space<hbm>> -> memref<40x128xi32, #tpu.memory_space<hbm>>
      %dma_start3A_119 = arith.constant 0 : i32
      %dma_start3A_120 = arith.constant 0 : i32
      %dma_start3A_121 = tpu.memref_slice %arg5[%add3A, %dma_start3A_119, %dma_start3A_120] : memref<32x40x128xi32, #tpu.memory_space<hbm>> -> memref<1x40x128xi32, #tpu.memory_space<hbm>>
      %dma_start3A_122 = tpu.memref_squeeze %dma_start3A_121 : memref<1x40x128xi32, #tpu.memory_space<hbm>> -> memref<40x128xi32, #tpu.memory_space<hbm>>
      tpu.enqueue_dma source(%dma_start3A_122 : memref<40x128xi32, #tpu.memory_space<hbm>>) target(%arg11 : memref<40x128xi32, #tpu.memory_space<vmem>>) target_semaphore(%run_scoped3A : memref<!tpu.dma_semaphore, #tpu.memory_space<semaphore_mem>>)
      %dma_wait3A = arith.constant 0 : i32
      %dma_wait3A_123 = arith.constant 0 : i32
      %dma_wait3A_124 = tpu.memref_slice %arg5[%add3A, %dma_wait3A, %dma_wait3A_123] : memref<32x40x128xi32, #tpu.memory_space<hbm>> -> memref<1x40x128xi32, #tpu.memory_space<hbm>>
      %dma_wait3A_125 = tpu.memref_squeeze %dma_wait3A_124 : memref<1x40x128xi32, #tpu.memory_space<hbm>> -> memref<40x128xi32, #tpu.memory_space<hbm>>
      %dma_wait3A_126 = arith.constant 0 : i32
      %dma_wait3A_127 = arith.constant 0 : i32
      %dma_wait3A_128 = tpu.memref_slice %arg5[%add3A, %dma_wait3A_126, %dma_wait3A_127] : memref<32x40x128xi32, #tpu.memory_space<hbm>> -> memref<1x40x128xi32, #tpu.memory_space<hbm>>
      %dma_wait3A_129 = tpu.memref_squeeze %dma_wait3A_128 : memref<1x40x128xi32, #tpu.memory_space<hbm>> -> memref<40x128xi32, #tpu.memory_space<hbm>>
      tpu.wait_dma2 semaphore(%run_scoped3A : memref<!tpu.dma_semaphore, #tpu.memory_space<semaphore_mem>>) src(%dma_wait3A_129 : memref<40x128xi32, #tpu.memory_space<hbm>>) dst(%arg11 : memref<40x128xi32, #tpu.memory_space<vmem>>)
      tpu.yield
    }) : () -> ()
    "tpu.region"() ({
      %run_scoped3A = tpu.sem_alloc : memref<!tpu.dma_semaphore, #tpu.memory_space<semaphore_mem>>
      %dma_start3A_115 = arith.constant 0 : i32
      %dma_start3A_116 = arith.constant 0 : i32
      %dma_start3A_117 = tpu.memref_slice %arg6[%add3A, %dma_start3A_115, %dma_start3A_116] : memref<32x40x128xi32, #tpu.memory_space<hbm>> -> memref<1x40x128xi32, #tpu.memory_space<hbm>>
      %dma_start3A_118 = tpu.memref_squeeze %dma_start3A_117 : memref<1x40x128xi32, #tpu.memory_space<hbm>> -> memref<40x128xi32, #tpu.memory_space<hbm>>
      %dma_start3A_119 = arith.constant 0 : i32
      %dma_start3A_120 = arith.constant 0 : i32
      %dma_start3A_121 = tpu.memref_slice %arg6[%add3A, %dma_start3A_119, %dma_start3A_120] : memref<32x40x128xi32, #tpu.memory_space<hbm>> -> memref<1x40x128xi32, #tpu.memory_space<hbm>>
      %dma_start3A_122 = tpu.memref_squeeze %dma_start3A_121 : memref<1x40x128xi32, #tpu.memory_space<hbm>> -> memref<40x128xi32, #tpu.memory_space<hbm>>
      tpu.enqueue_dma source(%dma_start3A_122 : memref<40x128xi32, #tpu.memory_space<hbm>>) target(%arg12 : memref<40x128xi32, #tpu.memory_space<vmem>>) target_semaphore(%run_scoped3A : memref<!tpu.dma_semaphore, #tpu.memory_space<semaphore_mem>>)
      %dma_wait3A = arith.constant 0 : i32
      %dma_wait3A_123 = arith.constant 0 : i32
      %dma_wait3A_124 = tpu.memref_slice %arg6[%add3A, %dma_wait3A, %dma_wait3A_123] : memref<32x40x128xi32, #tpu.memory_space<hbm>> -> memref<1x40x128xi32, #tpu.memory_space<hbm>>
      %dma_wait3A_125 = tpu.memref_squeeze %dma_wait3A_124 : memref<1x40x128xi32, #tpu.memory_space<hbm>> -> memref<40x128xi32, #tpu.memory_space<hbm>>
      %dma_wait3A_126 = arith.constant 0 : i32
      %dma_wait3A_127 = arith.constant 0 : i32
      %dma_wait3A_128 = tpu.memref_slice %arg6[%add3A, %dma_wait3A_126, %dma_wait3A_127] : memref<32x40x128xi32, #tpu.memory_space<hbm>> -> memref<1x40x128xi32, #tpu.memory_space<hbm>>
      %dma_wait3A_129 = tpu.memref_squeeze %dma_wait3A_128 : memref<1x40x128xi32, #tpu.memory_space<hbm>> -> memref<40x128xi32, #tpu.memory_space<hbm>>
      tpu.wait_dma2 semaphore(%run_scoped3A : memref<!tpu.dma_semaphore, #tpu.memory_space<semaphore_mem>>) src(%dma_wait3A_129 : memref<40x128xi32, #tpu.memory_space<hbm>>) dst(%arg12 : memref<40x128xi32, #tpu.memory_space<vmem>>)
      tpu.yield
    }) : () -> ()
    "tpu.region"() ({
      %run_scoped3A = tpu.sem_alloc : memref<!tpu.dma_semaphore, #tpu.memory_space<semaphore_mem>>
      tpu.enqueue_dma source(%arg7 : memref<128x128xf32, #tpu.memory_space<hbm>>) target(%arg13 : memref<128x128xf32, #tpu.memory_space<vmem>>) target_semaphore(%run_scoped3A : memref<!tpu.dma_semaphore, #tpu.memory_space<semaphore_mem>>)
      tpu.wait_dma2 semaphore(%run_scoped3A : memref<!tpu.dma_semaphore, #tpu.memory_space<semaphore_mem>>) src(%arg7 : memref<128x128xf32, #tpu.memory_space<hbm>>) dst(%arg13 : memref<128x128xf32, #tpu.memory_space<vmem>>)
      tpu.yield
    }) : () -> ()
    %mul3A_1 = arith.constant 640 : i32
    %mul3A_2 = arith.muli %arg1, %mul3A_1 : i32
    %add3A_3 = arith.constant 0 : i32
    %add3A_4 = arith.addi %mul3A_2, %add3A_3 : i32
    "tpu.region"() ({
      %run_scoped3A = tpu.sem_alloc : memref<!tpu.dma_semaphore, #tpu.memory_space<semaphore_mem>>
      %dma_start3A_115 = arith.constant 0 : i32
      %dma_start3A_116 = tpu.memref_slice %arg15[%add3A_4, %dma_start3A_115] : memref<10240x128xf32, #tpu.memory_space<vmem_shared>> -> memref<128x128xf32, #tpu.memory_space<vmem_shared>>
      %dma_start3A_117 = arith.constant 0 : i32
      %dma_start3A_118 = tpu.memref_slice %arg15[%add3A_4, %dma_start3A_117] : memref<10240x128xf32, #tpu.memory_space<vmem_shared>> -> memref<128x128xf32, #tpu.memory_space<vmem_shared>>
      tpu.enqueue_dma source(%arg13 : memref<128x128xf32, #tpu.memory_space<vmem>>) target(%dma_start3A_118 : memref<128x128xf32, #tpu.memory_space<vmem_shared>>) target_semaphore(%run_scoped3A : memref<!tpu.dma_semaphore, #tpu.memory_space<semaphore_mem>>)
      %dma_wait3A = arith.constant 0 : i32
      %dma_wait3A_119 = tpu.memref_slice %arg15[%add3A_4, %dma_wait3A] : memref<10240x128xf32, #tpu.memory_space<vmem_shared>> -> memref<128x128xf32, #tpu.memory_space<vmem_shared>>
      %dma_wait3A_120 = arith.constant 0 : i32
      %dma_wait3A_121 = tpu.memref_slice %arg15[%add3A_4, %dma_wait3A_120] : memref<10240x128xf32, #tpu.memory_space<vmem_shared>> -> memref<128x128xf32, #tpu.memory_space<vmem_shared>>
      tpu.wait_dma2 semaphore(%run_scoped3A : memref<!tpu.dma_semaphore, #tpu.memory_space<semaphore_mem>>) src(%arg13 : memref<128x128xf32, #tpu.memory_space<vmem>>) dst(%dma_wait3A_121 : memref<128x128xf32, #tpu.memory_space<vmem_shared>>)
      tpu.yield
    }) : () -> ()
    %mul3A_5 = arith.constant 640 : i32
    %mul3A_6 = arith.muli %arg1, %mul3A_5 : i32
    %add3A_7 = arith.constant 128 : i32
    %add3A_8 = arith.addi %mul3A_6, %add3A_7 : i32
    "tpu.region"() ({
      %run_scoped3A = tpu.sem_alloc : memref<!tpu.dma_semaphore, #tpu.memory_space<semaphore_mem>>
      %dma_start3A_115 = arith.constant 0 : i32
      %dma_start3A_116 = tpu.memref_slice %arg15[%add3A_8, %dma_start3A_115] : memref<10240x128xf32, #tpu.memory_space<vmem_shared>> -> memref<128x128xf32, #tpu.memory_space<vmem_shared>>
      %dma_start3A_117 = arith.constant 0 : i32
      %dma_start3A_118 = tpu.memref_slice %arg15[%add3A_8, %dma_start3A_117] : memref<10240x128xf32, #tpu.memory_space<vmem_shared>> -> memref<128x128xf32, #tpu.memory_space<vmem_shared>>
      tpu.enqueue_dma source(%arg13 : memref<128x128xf32, #tpu.memory_space<vmem>>) target(%dma_start3A_118 : memref<128x128xf32, #tpu.memory_space<vmem_shared>>) target_semaphore(%run_scoped3A : memref<!tpu.dma_semaphore, #tpu.memory_space<semaphore_mem>>)
      %dma_wait3A = arith.constant 0 : i32
      %dma_wait3A_119 = tpu.memref_slice %arg15[%add3A_8, %dma_wait3A] : memref<10240x128xf32, #tpu.memory_space<vmem_shared>> -> memref<128x128xf32, #tpu.memory_space<vmem_shared>>
      %dma_wait3A_120 = arith.constant 0 : i32
      %dma_wait3A_121 = tpu.memref_slice %arg15[%add3A_8, %dma_wait3A_120] : memref<10240x128xf32, #tpu.memory_space<vmem_shared>> -> memref<128x128xf32, #tpu.memory_space<vmem_shared>>
      tpu.wait_dma2 semaphore(%run_scoped3A : memref<!tpu.dma_semaphore, #tpu.memory_space<semaphore_mem>>) src(%arg13 : memref<128x128xf32, #tpu.memory_space<vmem>>) dst(%dma_wait3A_121 : memref<128x128xf32, #tpu.memory_space<vmem_shared>>)
      tpu.yield
    }) : () -> ()
    %mul3A_9 = arith.constant 640 : i32
    %mul3A_10 = arith.muli %arg1, %mul3A_9 : i32
    %add3A_11 = arith.constant 256 : i32
    %add3A_12 = arith.addi %mul3A_10, %add3A_11 : i32
    "tpu.region"() ({
      %run_scoped3A = tpu.sem_alloc : memref<!tpu.dma_semaphore, #tpu.memory_space<semaphore_mem>>
      %dma_start3A_115 = arith.constant 0 : i32
      %dma_start3A_116 = tpu.memref_slice %arg15[%add3A_12, %dma_start3A_115] : memref<10240x128xf32, #tpu.memory_space<vmem_shared>> -> memref<128x128xf32, #tpu.memory_space<vmem_shared>>
      %dma_start3A_117 = arith.constant 0 : i32
      %dma_start3A_118 = tpu.memref_slice %arg15[%add3A_12, %dma_start3A_117] : memref<10240x128xf32, #tpu.memory_space<vmem_shared>> -> memref<128x128xf32, #tpu.memory_space<vmem_shared>>
      tpu.enqueue_dma source(%arg13 : memref<128x128xf32, #tpu.memory_space<vmem>>) target(%dma_start3A_118 : memref<128x128xf32, #tpu.memory_space<vmem_shared>>) target_semaphore(%run_scoped3A : memref<!tpu.dma_semaphore, #tpu.memory_space<semaphore_mem>>)
      %dma_wait3A = arith.constant 0 : i32
      %dma_wait3A_119 = tpu.memref_slice %arg15[%add3A_12, %dma_wait3A] : memref<10240x128xf32, #tpu.memory_space<vmem_shared>> -> memref<128x128xf32, #tpu.memory_space<vmem_shared>>
      %dma_wait3A_120 = arith.constant 0 : i32
      %dma_wait3A_121 = tpu.memref_slice %arg15[%add3A_12, %dma_wait3A_120] : memref<10240x128xf32, #tpu.memory_space<vmem_shared>> -> memref<128x128xf32, #tpu.memory_space<vmem_shared>>
      tpu.wait_dma2 semaphore(%run_scoped3A : memref<!tpu.dma_semaphore, #tpu.memory_space<semaphore_mem>>) src(%arg13 : memref<128x128xf32, #tpu.memory_space<vmem>>) dst(%dma_wait3A_121 : memref<128x128xf32, #tpu.memory_space<vmem_shared>>)
      tpu.yield
    }) : () -> ()
    %mul3A_13 = arith.constant 640 : i32
    %mul3A_14 = arith.muli %arg1, %mul3A_13 : i32
    %add3A_15 = arith.constant 384 : i32
    %add3A_16 = arith.addi %mul3A_14, %add3A_15 : i32
    "tpu.region"() ({
      %run_scoped3A = tpu.sem_alloc : memref<!tpu.dma_semaphore, #tpu.memory_space<semaphore_mem>>
      %dma_start3A_115 = arith.constant 0 : i32
      %dma_start3A_116 = tpu.memref_slice %arg15[%add3A_16, %dma_start3A_115] : memref<10240x128xf32, #tpu.memory_space<vmem_shared>> -> memref<128x128xf32, #tpu.memory_space<vmem_shared>>
      %dma_start3A_117 = arith.constant 0 : i32
      %dma_start3A_118 = tpu.memref_slice %arg15[%add3A_16, %dma_start3A_117] : memref<10240x128xf32, #tpu.memory_space<vmem_shared>> -> memref<128x128xf32, #tpu.memory_space<vmem_shared>>
      tpu.enqueue_dma source(%arg13 : memref<128x128xf32, #tpu.memory_space<vmem>>) target(%dma_start3A_118 : memref<128x128xf32, #tpu.memory_space<vmem_shared>>) target_semaphore(%run_scoped3A : memref<!tpu.dma_semaphore, #tpu.memory_space<semaphore_mem>>)
      %dma_wait3A = arith.constant 0 : i32
      %dma_wait3A_119 = tpu.memref_slice %arg15[%add3A_16, %dma_wait3A] : memref<10240x128xf32, #tpu.memory_space<vmem_shared>> -> memref<128x128xf32, #tpu.memory_space<vmem_shared>>
      %dma_wait3A_120 = arith.constant 0 : i32
      %dma_wait3A_121 = tpu.memref_slice %arg15[%add3A_16, %dma_wait3A_120] : memref<10240x128xf32, #tpu.memory_space<vmem_shared>> -> memref<128x128xf32, #tpu.memory_space<vmem_shared>>
      tpu.wait_dma2 semaphore(%run_scoped3A : memref<!tpu.dma_semaphore, #tpu.memory_space<semaphore_mem>>) src(%arg13 : memref<128x128xf32, #tpu.memory_space<vmem>>) dst(%dma_wait3A_121 : memref<128x128xf32, #tpu.memory_space<vmem_shared>>)
      tpu.yield
    }) : () -> ()
    %mul3A_17 = arith.constant 640 : i32
    %mul3A_18 = arith.muli %arg1, %mul3A_17 : i32
    %add3A_19 = arith.constant 512 : i32
    %add3A_20 = arith.addi %mul3A_18, %add3A_19 : i32
    "tpu.region"() ({
      %run_scoped3A = tpu.sem_alloc : memref<!tpu.dma_semaphore, #tpu.memory_space<semaphore_mem>>
      %dma_start3A_115 = arith.constant 0 : i32
      %dma_start3A_116 = tpu.memref_slice %arg15[%add3A_20, %dma_start3A_115] : memref<10240x128xf32, #tpu.memory_space<vmem_shared>> -> memref<128x128xf32, #tpu.memory_space<vmem_shared>>
      %dma_start3A_117 = arith.constant 0 : i32
      %dma_start3A_118 = tpu.memref_slice %arg15[%add3A_20, %dma_start3A_117] : memref<10240x128xf32, #tpu.memory_space<vmem_shared>> -> memref<128x128xf32, #tpu.memory_space<vmem_shared>>
      tpu.enqueue_dma source(%arg13 : memref<128x128xf32, #tpu.memory_space<vmem>>) target(%dma_start3A_118 : memref<128x128xf32, #tpu.memory_space<vmem_shared>>) target_semaphore(%run_scoped3A : memref<!tpu.dma_semaphore, #tpu.memory_space<semaphore_mem>>)
      %dma_wait3A = arith.constant 0 : i32
      %dma_wait3A_119 = tpu.memref_slice %arg15[%add3A_20, %dma_wait3A] : memref<10240x128xf32, #tpu.memory_space<vmem_shared>> -> memref<128x128xf32, #tpu.memory_space<vmem_shared>>
      %dma_wait3A_120 = arith.constant 0 : i32
      %dma_wait3A_121 = tpu.memref_slice %arg15[%add3A_20, %dma_wait3A_120] : memref<10240x128xf32, #tpu.memory_space<vmem_shared>> -> memref<128x128xf32, #tpu.memory_space<vmem_shared>>
      tpu.wait_dma2 semaphore(%run_scoped3A : memref<!tpu.dma_semaphore, #tpu.memory_space<semaphore_mem>>) src(%arg13 : memref<128x128xf32, #tpu.memory_space<vmem>>) dst(%dma_wait3A_121 : memref<128x128xf32, #tpu.memory_space<vmem_shared>>)
      tpu.yield
    }) : () -> ()
    %barrier3A = arith.constant 0 : index
    tpu.barrier barrier_id(%barrier3A)
    %dma_start3A = arith.constant 0 : i32
    %dma_start3A_21 = arith.constant 0 : i32
    %dma_start3A_22 = tpu.memref_slice %arg11[%dma_start3A, %dma_start3A_21] : memref<40x128xi32, #tpu.memory_space<vmem>> -> memref<1x128xi32, #tpu.memory_space<vmem>>
    %dma_start3A_23 = tpu.memref_squeeze %dma_start3A_22 : memref<1x128xi32, #tpu.memory_space<vmem>> -> memref<128xi32, #tpu.memory_space<vmem>>
    %dma_start3A_24 = arith.constant 0 : i32
    %dma_start3A_25 = arith.constant 0 : i32
    %dma_start3A_26 = tpu.memref_slice %arg2[%dma_start3A_24, %dma_start3A_25] : memref<10240x128xf32, #tpu.memory_space<hbm>> -> memref<10240x128xf32, #tpu.memory_space<hbm>>
    tpu.enqueue_indirect_dma source(%dma_start3A_26 : memref<10240x128xf32, #tpu.memory_space<hbm>>) target(%arg13 : memref<128x128xf32, #tpu.memory_space<vmem>>) offsets(%dma_start3A_23 : memref<128xi32, #tpu.memory_space<vmem>>) semaphore(%arg16 : memref<!tpu.dma_semaphore, #tpu.memory_space<semaphore_mem>>)
    %scan3A = arith.constant 0 : i32
    %scan3A_27 = arith.constant 0 : i32
    %scan3A_28 = arith.constant 20 : i32
    %scan3A_29 = arith.addi %scan3A_27, %scan3A_28 : i32
    %scan3A_30 = arith.constant 1 : i32
    scf.for %scan3A_115 = %scan3A_27 to %scan3A_29 step %scan3A_30  : i32 {
      %mul3A_116 = arith.constant 2 : i32
      %mul3A_117 = arith.muli %mul3A_116, %scan3A_115 : i32
      %mul3A_118 = arith.constant 2 : i32
      %mul3A_119 = arith.muli %mul3A_118, %scan3A_115 : i32
      %add3A_120 = arith.constant 1 : i32
      %add3A_121 = arith.addi %mul3A_119, %add3A_120 : i32
      %dma_start3A_122 = arith.constant 0 : i32
      %dma_start3A_123 = tpu.memref_slice %arg11[%add3A_121, %dma_start3A_122] : memref<40x128xi32, #tpu.memory_space<vmem>> -> memref<1x128xi32, #tpu.memory_space<vmem>>
      %dma_start3A_124 = tpu.memref_squeeze %dma_start3A_123 : memref<1x128xi32, #tpu.memory_space<vmem>> -> memref<128xi32, #tpu.memory_space<vmem>>
      %dma_start3A_125 = arith.constant 0 : i32
      %dma_start3A_126 = arith.constant 0 : i32
      %dma_start3A_127 = tpu.memref_slice %arg2[%dma_start3A_125, %dma_start3A_126] : memref<10240x128xf32, #tpu.memory_space<hbm>> -> memref<10240x128xf32, #tpu.memory_space<hbm>>
      tpu.enqueue_indirect_dma source(%dma_start3A_127 : memref<10240x128xf32, #tpu.memory_space<hbm>>) target(%arg14 : memref<128x128xf32, #tpu.memory_space<vmem>>) offsets(%dma_start3A_124 : memref<128xi32, #tpu.memory_space<vmem>>) semaphore(%arg17 : memref<!tpu.dma_semaphore, #tpu.memory_space<semaphore_mem>>)
      %dma_wait3A = arith.constant 0 : i32
      %dma_wait3A_128 = tpu.memref_slice %arg11[%mul3A_117, %dma_wait3A] : memref<40x128xi32, #tpu.memory_space<vmem>> -> memref<1x128xi32, #tpu.memory_space<vmem>>
      %dma_wait3A_129 = tpu.memref_squeeze %dma_wait3A_128 : memref<1x128xi32, #tpu.memory_space<vmem>> -> memref<128xi32, #tpu.memory_space<vmem>>
      %dma_wait3A_130 = arith.constant 0 : i32
      %dma_wait3A_131 = arith.constant 0 : i32
      %dma_wait3A_132 = tpu.memref_slice %arg2[%dma_wait3A_130, %dma_wait3A_131] : memref<10240x128xf32, #tpu.memory_space<hbm>> -> memref<10240x128xf32, #tpu.memory_space<hbm>>
      tpu.wait_indirect_dma semaphore(%arg16 : memref<!tpu.dma_semaphore, #tpu.memory_space<semaphore_mem>>) src(%dma_wait3A_132 : memref<10240x128xf32, #tpu.memory_space<hbm>>) dst(%arg13 : memref<128x128xf32, #tpu.memory_space<vmem>>)
      "tpu.region"() ({
        %run_scoped3A = tpu.sem_alloc : memref<!tpu.dma_semaphore, #tpu.memory_space<semaphore_mem>>
        %dma_start3A_143 = arith.constant 0 : i32
        %dma_start3A_144 = tpu.memref_slice %arg12[%mul3A_117, %dma_start3A_143] : memref<40x128xi32, #tpu.memory_space<vmem>> -> memref<1x128xi32, #tpu.memory_space<vmem>>
        %dma_start3A_145 = tpu.memref_squeeze %dma_start3A_144 : memref<1x128xi32, #tpu.memory_space<vmem>> -> memref<128xi32, #tpu.memory_space<vmem>>
        %dma_start3A_146 = arith.constant 0 : i32
        %dma_start3A_147 = arith.constant 0 : i32
        %dma_start3A_148 = tpu.memref_slice %arg15[%dma_start3A_146, %dma_start3A_147] : memref<10240x128xf32, #tpu.memory_space<vmem_shared>> -> memref<10240x128xf32, #tpu.memory_space<vmem_shared>>
        tpu.enqueue_indirect_dma source(%arg13 : memref<128x128xf32, #tpu.memory_space<vmem>>) target(%dma_start3A_148 : memref<10240x128xf32, #tpu.memory_space<vmem_shared>>) offsets(%dma_start3A_145 : memref<128xi32, #tpu.memory_space<vmem>>) semaphore(%run_scoped3A : memref<!tpu.dma_semaphore, #tpu.memory_space<semaphore_mem>>) {add = true}
        %dma_wait3A_149 = arith.constant 0 : i32
        %dma_wait3A_150 = tpu.memref_slice %arg12[%mul3A_117, %dma_wait3A_149] : memref<40x128xi32, #tpu.memory_space<vmem>> -> memref<1x128xi32, #tpu.memory_space<vmem>>
        %dma_wait3A_151 = tpu.memref_squeeze %dma_wait3A_150 : memref<1x128xi32, #tpu.memory_space<vmem>> -> memref<128xi32, #tpu.memory_space<vmem>>
        %dma_wait3A_152 = arith.constant 0 : i32
        %dma_wait3A_153 = arith.constant 0 : i32
        %dma_wait3A_154 = tpu.memref_slice %arg15[%dma_wait3A_152, %dma_wait3A_153] : memref<10240x128xf32, #tpu.memory_space<vmem_shared>> -> memref<10240x128xf32, #tpu.memory_space<vmem_shared>>
        tpu.wait_indirect_dma semaphore(%run_scoped3A : memref<!tpu.dma_semaphore, #tpu.memory_space<semaphore_mem>>) src(%arg13 : memref<128x128xf32, #tpu.memory_space<vmem>>) dst(%dma_wait3A_154 : memref<10240x128xf32, #tpu.memory_space<vmem_shared>>)
        tpu.yield
      }) : () -> ()
      %add3A_133 = arith.constant 1 : i32
      %add3A_134 = arith.addi %add3A_121, %add3A_133 : i32
      %lt3A = arith.constant 40 : i32
      %lt3A_135 = arith.cmpi slt, %add3A_134, %lt3A : i32
      %convert_element_type3A = arith.extui %lt3A_135 : i1 to i32
      %cond3A = arith.constant 0 : i32
      %cond3A_136 = arith.cmpi ne, %convert_element_type3A, %cond3A : i32
      scf.if %cond3A_136 {
        %add3A_143 = arith.constant 2 : i32
        %add3A_144 = arith.addi %mul3A_117, %add3A_143 : i32
        %dma_start3A_145 = arith.constant 0 : i32
        %dma_start3A_146 = tpu.memref_slice %arg11[%add3A_144, %dma_start3A_145] : memref<40x128xi32, #tpu.memory_space<vmem>> -> memref<1x128xi32, #tpu.memory_space<vmem>>
        %dma_start3A_147 = tpu.memref_squeeze %dma_start3A_146 : memref<1x128xi32, #tpu.memory_space<vmem>> -> memref<128xi32, #tpu.memory_space<vmem>>
        %dma_start3A_148 = arith.constant 0 : i32
        %dma_start3A_149 = arith.constant 0 : i32
        %dma_start3A_150 = tpu.memref_slice %arg2[%dma_start3A_148, %dma_start3A_149] : memref<10240x128xf32, #tpu.memory_space<hbm>> -> memref<10240x128xf32, #tpu.memory_space<hbm>>
        tpu.enqueue_indirect_dma source(%dma_start3A_150 : memref<10240x128xf32, #tpu.memory_space<hbm>>) target(%arg13 : memref<128x128xf32, #tpu.memory_space<vmem>>) offsets(%dma_start3A_147 : memref<128xi32, #tpu.memory_space<vmem>>) semaphore(%arg16 : memref<!tpu.dma_semaphore, #tpu.memory_space<semaphore_mem>>)
      } else {
      }
      %dma_wait3A_137 = arith.constant 0 : i32
      %dma_wait3A_138 = tpu.memref_slice %arg11[%add3A_121, %dma_wait3A_137] : memref<40x128xi32, #tpu.memory_space<vmem>> -> memref<1x128xi32, #tpu.memory_space<vmem>>
      %dma_wait3A_139 = tpu.memref_squeeze %dma_wait3A_138 : memref<1x128xi32, #tpu.memory_space<vmem>> -> memref<128xi32, #tpu.memory_space<vmem>>
      %dma_wait3A_140 = arith.constant 0 : i32
      %dma_wait3A_141 = arith.constant 0 : i32
      %dma_wait3A_142 = tpu.memref_slice %arg2[%dma_wait3A_140, %dma_wait3A_141] : memref<10240x128xf32, #tpu.memory_space<hbm>> -> memref<10240x128xf32, #tpu.memory_space<hbm>>
      tpu.wait_indirect_dma semaphore(%arg17 : memref<!tpu.dma_semaphore, #tpu.memory_space<semaphore_mem>>) src(%dma_wait3A_142 : memref<10240x128xf32, #tpu.memory_space<hbm>>) dst(%arg14 : memref<128x128xf32, #tpu.memory_space<vmem>>)
      "tpu.region"() ({
        %run_scoped3A = tpu.sem_alloc : memref<!tpu.dma_semaphore, #tpu.memory_space<semaphore_mem>>
        %dma_start3A_143 = arith.constant 0 : i32
        %dma_start3A_144 = tpu.memref_slice %arg12[%add3A_121, %dma_start3A_143] : memref<40x128xi32, #tpu.memory_space<vmem>> -> memref<1x128xi32, #tpu.memory_space<vmem>>
        %dma_start3A_145 = tpu.memref_squeeze %dma_start3A_144 : memref<1x128xi32, #tpu.memory_space<vmem>> -> memref<128xi32, #tpu.memory_space<vmem>>
        %dma_start3A_146 = arith.constant 0 : i32
        %dma_start3A_147 = arith.constant 0 : i32
        %dma_start3A_148 = tpu.memref_slice %arg15[%dma_start3A_146, %dma_start3A_147] : memref<10240x128xf32, #tpu.memory_space<vmem_shared>> -> memref<10240x128xf32, #tpu.memory_space<vmem_shared>>
        tpu.enqueue_indirect_dma source(%arg14 : memref<128x128xf32, #tpu.memory_space<vmem>>) target(%dma_start3A_148 : memref<10240x128xf32, #tpu.memory_space<vmem_shared>>) offsets(%dma_start3A_145 : memref<128xi32, #tpu.memory_space<vmem>>) semaphore(%run_scoped3A : memref<!tpu.dma_semaphore, #tpu.memory_space<semaphore_mem>>) {add = true}
        %dma_wait3A_149 = arith.constant 0 : i32
        %dma_wait3A_150 = tpu.memref_slice %arg12[%add3A_121, %dma_wait3A_149] : memref<40x128xi32, #tpu.memory_space<vmem>> -> memref<1x128xi32, #tpu.memory_space<vmem>>
        %dma_wait3A_151 = tpu.memref_squeeze %dma_wait3A_150 : memref<1x128xi32, #tpu.memory_space<vmem>> -> memref<128xi32, #tpu.memory_space<vmem>>
        %dma_wait3A_152 = arith.constant 0 : i32
        %dma_wait3A_153 = arith.constant 0 : i32
        %dma_wait3A_154 = tpu.memref_slice %arg15[%dma_wait3A_152, %dma_wait3A_153] : memref<10240x128xf32, #tpu.memory_space<vmem_shared>> -> memref<10240x128xf32, #tpu.memory_space<vmem_shared>>
        tpu.wait_indirect_dma semaphore(%run_scoped3A : memref<!tpu.dma_semaphore, #tpu.memory_space<semaphore_mem>>) src(%arg14 : memref<128x128xf32, #tpu.memory_space<vmem>>) dst(%dma_wait3A_154 : memref<10240x128xf32, #tpu.memory_space<vmem_shared>>)
        tpu.yield
      }) : () -> ()
    }
    %scan3A_31 = arith.constant 20 : i32
    %barrier3A_32 = arith.constant 0 : index
    tpu.barrier barrier_id(%barrier3A_32)
    %mul3A_33 = arith.constant 640 : i32
    %mul3A_34 = arith.muli %arg1, %mul3A_33 : i32
    %mul3A_35 = arith.constant 640 : i32
    %mul3A_36 = arith.muli %arg1, %mul3A_35 : i32
    "tpu.region"() ({
      %run_scoped3A = tpu.sem_alloc : memref<!tpu.dma_semaphore, #tpu.memory_space<semaphore_mem>>
      %dma_start3A_115 = arith.constant 0 : i32
      %dma_start3A_116 = tpu.memref_slice %arg8[%arg0, %mul3A_36, %dma_start3A_115] : memref<2x10240x128xf32, #tpu.memory_space<hbm>> -> memref<1x640x128xf32, #tpu.memory_space<hbm>>
      %dma_start3A_117 = tpu.memref_squeeze %dma_start3A_116 : memref<1x640x128xf32, #tpu.memory_space<hbm>> -> memref<640x128xf32, #tpu.memory_space<hbm>>
      %dma_start3A_118 = arith.constant 0 : i32
      %dma_start3A_119 = tpu.memref_slice %arg15[%mul3A_34, %dma_start3A_118] : memref<10240x128xf32, #tpu.memory_space<vmem_shared>> -> memref<640x128xf32, #tpu.memory_space<vmem_shared>>
      tpu.enqueue_dma source(%dma_start3A_119 : memref<640x128xf32, #tpu.memory_space<vmem_shared>>) target(%dma_start3A_117 : memref<640x128xf32, #tpu.memory_space<hbm>>) target_semaphore(%run_scoped3A : memref<!tpu.dma_semaphore, #tpu.memory_space<semaphore_mem>>)
      %dma_wait3A = arith.constant 0 : i32
      %dma_wait3A_120 = tpu.memref_slice %arg8[%arg0, %mul3A_36, %dma_wait3A] : memref<2x10240x128xf32, #tpu.memory_space<hbm>> -> memref<1x640x128xf32, #tpu.memory_space<hbm>>
      %dma_wait3A_121 = tpu.memref_squeeze %dma_wait3A_120 : memref<1x640x128xf32, #tpu.memory_space<hbm>> -> memref<640x128xf32, #tpu.memory_space<hbm>>
      %dma_wait3A_122 = arith.constant 0 : i32
      %dma_wait3A_123 = tpu.memref_slice %arg15[%mul3A_34, %dma_wait3A_122] : memref<10240x128xf32, #tpu.memory_space<vmem_shared>> -> memref<640x128xf32, #tpu.memory_space<vmem_shared>>
      tpu.wait_dma2 semaphore(%run_scoped3A : memref<!tpu.dma_semaphore, #tpu.memory_space<semaphore_mem>>) src(%dma_wait3A_123 : memref<640x128xf32, #tpu.memory_space<vmem_shared>>) dst(%dma_wait3A_121 : memref<640x128xf32, #tpu.memory_space<hbm>>)
      tpu.yield
    }) : () -> ()
    "tpu.region"() ({
      %run_scoped3A = tpu.sem_alloc : memref<!tpu.dma_semaphore, #tpu.memory_space<semaphore_mem>>
      tpu.enqueue_dma source(%arg7 : memref<128x128xf32, #tpu.memory_space<hbm>>) target(%arg13 : memref<128x128xf32, #tpu.memory_space<vmem>>) target_semaphore(%run_scoped3A : memref<!tpu.dma_semaphore, #tpu.memory_space<semaphore_mem>>)
      tpu.wait_dma2 semaphore(%run_scoped3A : memref<!tpu.dma_semaphore, #tpu.memory_space<semaphore_mem>>) src(%arg7 : memref<128x128xf32, #tpu.memory_space<hbm>>) dst(%arg13 : memref<128x128xf32, #tpu.memory_space<vmem>>)
      tpu.yield
    }) : () -> ()
    %mul3A_37 = arith.constant 640 : i32
    %mul3A_38 = arith.muli %arg1, %mul3A_37 : i32
    %add3A_39 = arith.constant 0 : i32
    %add3A_40 = arith.addi %mul3A_38, %add3A_39 : i32
    "tpu.region"() ({
      %run_scoped3A = tpu.sem_alloc : memref<!tpu.dma_semaphore, #tpu.memory_space<semaphore_mem>>
      %dma_start3A_115 = arith.constant 0 : i32
      %dma_start3A_116 = tpu.memref_slice %arg15[%add3A_40, %dma_start3A_115] : memref<10240x128xf32, #tpu.memory_space<vmem_shared>> -> memref<128x128xf32, #tpu.memory_space<vmem_shared>>
      %dma_start3A_117 = arith.constant 0 : i32
      %dma_start3A_118 = tpu.memref_slice %arg15[%add3A_40, %dma_start3A_117] : memref<10240x128xf32, #tpu.memory_space<vmem_shared>> -> memref<128x128xf32, #tpu.memory_space<vmem_shared>>
      tpu.enqueue_dma source(%arg13 : memref<128x128xf32, #tpu.memory_space<vmem>>) target(%dma_start3A_118 : memref<128x128xf32, #tpu.memory_space<vmem_shared>>) target_semaphore(%run_scoped3A : memref<!tpu.dma_semaphore, #tpu.memory_space<semaphore_mem>>)
      %dma_wait3A = arith.constant 0 : i32
      %dma_wait3A_119 = tpu.memref_slice %arg15[%add3A_40, %dma_wait3A] : memref<10240x128xf32, #tpu.memory_space<vmem_shared>> -> memref<128x128xf32, #tpu.memory_space<vmem_shared>>
      %dma_wait3A_120 = arith.constant 0 : i32
      %dma_wait3A_121 = tpu.memref_slice %arg15[%add3A_40, %dma_wait3A_120] : memref<10240x128xf32, #tpu.memory_space<vmem_shared>> -> memref<128x128xf32, #tpu.memory_space<vmem_shared>>
      tpu.wait_dma2 semaphore(%run_scoped3A : memref<!tpu.dma_semaphore, #tpu.memory_space<semaphore_mem>>) src(%arg13 : memref<128x128xf32, #tpu.memory_space<vmem>>) dst(%dma_wait3A_121 : memref<128x128xf32, #tpu.memory_space<vmem_shared>>)
      tpu.yield
    }) : () -> ()
    %mul3A_41 = arith.constant 640 : i32
    %mul3A_42 = arith.muli %arg1, %mul3A_41 : i32
    %add3A_43 = arith.constant 128 : i32
    %add3A_44 = arith.addi %mul3A_42, %add3A_43 : i32
    "tpu.region"() ({
      %run_scoped3A = tpu.sem_alloc : memref<!tpu.dma_semaphore, #tpu.memory_space<semaphore_mem>>
      %dma_start3A_115 = arith.constant 0 : i32
      %dma_start3A_116 = tpu.memref_slice %arg15[%add3A_44, %dma_start3A_115] : memref<10240x128xf32, #tpu.memory_space<vmem_shared>> -> memref<128x128xf32, #tpu.memory_space<vmem_shared>>
      %dma_start3A_117 = arith.constant 0 : i32
      %dma_start3A_118 = tpu.memref_slice %arg15[%add3A_44, %dma_start3A_117] : memref<10240x128xf32, #tpu.memory_space<vmem_shared>> -> memref<128x128xf32, #tpu.memory_space<vmem_shared>>
      tpu.enqueue_dma source(%arg13 : memref<128x128xf32, #tpu.memory_space<vmem>>) target(%dma_start3A_118 : memref<128x128xf32, #tpu.memory_space<vmem_shared>>) target_semaphore(%run_scoped3A : memref<!tpu.dma_semaphore, #tpu.memory_space<semaphore_mem>>)
      %dma_wait3A = arith.constant 0 : i32
      %dma_wait3A_119 = tpu.memref_slice %arg15[%add3A_44, %dma_wait3A] : memref<10240x128xf32, #tpu.memory_space<vmem_shared>> -> memref<128x128xf32, #tpu.memory_space<vmem_shared>>
      %dma_wait3A_120 = arith.constant 0 : i32
      %dma_wait3A_121 = tpu.memref_slice %arg15[%add3A_44, %dma_wait3A_120] : memref<10240x128xf32, #tpu.memory_space<vmem_shared>> -> memref<128x128xf32, #tpu.memory_space<vmem_shared>>
      tpu.wait_dma2 semaphore(%run_scoped3A : memref<!tpu.dma_semaphore, #tpu.memory_space<semaphore_mem>>) src(%arg13 : memref<128x128xf32, #tpu.memory_space<vmem>>) dst(%dma_wait3A_121 : memref<128x128xf32, #tpu.memory_space<vmem_shared>>)
      tpu.yield
    }) : () -> ()
    %mul3A_45 = arith.constant 640 : i32
    %mul3A_46 = arith.muli %arg1, %mul3A_45 : i32
    %add3A_47 = arith.constant 256 : i32
    %add3A_48 = arith.addi %mul3A_46, %add3A_47 : i32
    "tpu.region"() ({
      %run_scoped3A = tpu.sem_alloc : memref<!tpu.dma_semaphore, #tpu.memory_space<semaphore_mem>>
      %dma_start3A_115 = arith.constant 0 : i32
      %dma_start3A_116 = tpu.memref_slice %arg15[%add3A_48, %dma_start3A_115] : memref<10240x128xf32, #tpu.memory_space<vmem_shared>> -> memref<128x128xf32, #tpu.memory_space<vmem_shared>>
      %dma_start3A_117 = arith.constant 0 : i32
      %dma_start3A_118 = tpu.memref_slice %arg15[%add3A_48, %dma_start3A_117] : memref<10240x128xf32, #tpu.memory_space<vmem_shared>> -> memref<128x128xf32, #tpu.memory_space<vmem_shared>>
      tpu.enqueue_dma source(%arg13 : memref<128x128xf32, #tpu.memory_space<vmem>>) target(%dma_start3A_118 : memref<128x128xf32, #tpu.memory_space<vmem_shared>>) target_semaphore(%run_scoped3A : memref<!tpu.dma_semaphore, #tpu.memory_space<semaphore_mem>>)
      %dma_wait3A = arith.constant 0 : i32
      %dma_wait3A_119 = tpu.memref_slice %arg15[%add3A_48, %dma_wait3A] : memref<10240x128xf32, #tpu.memory_space<vmem_shared>> -> memref<128x128xf32, #tpu.memory_space<vmem_shared>>
      %dma_wait3A_120 = arith.constant 0 : i32
      %dma_wait3A_121 = tpu.memref_slice %arg15[%add3A_48, %dma_wait3A_120] : memref<10240x128xf32, #tpu.memory_space<vmem_shared>> -> memref<128x128xf32, #tpu.memory_space<vmem_shared>>
      tpu.wait_dma2 semaphore(%run_scoped3A : memref<!tpu.dma_semaphore, #tpu.memory_space<semaphore_mem>>) src(%arg13 : memref<128x128xf32, #tpu.memory_space<vmem>>) dst(%dma_wait3A_121 : memref<128x128xf32, #tpu.memory_space<vmem_shared>>)
      tpu.yield
    }) : () -> ()
    %mul3A_49 = arith.constant 640 : i32
    %mul3A_50 = arith.muli %arg1, %mul3A_49 : i32
    %add3A_51 = arith.constant 384 : i32
    %add3A_52 = arith.addi %mul3A_50, %add3A_51 : i32
    "tpu.region"() ({
      %run_scoped3A = tpu.sem_alloc : memref<!tpu.dma_semaphore, #tpu.memory_space<semaphore_mem>>
      %dma_start3A_115 = arith.constant 0 : i32
      %dma_start3A_116 = tpu.memref_slice %arg15[%add3A_52, %dma_start3A_115] : memref<10240x128xf32, #tpu.memory_space<vmem_shared>> -> memref<128x128xf32, #tpu.memory_space<vmem_shared>>
      %dma_start3A_117 = arith.constant 0 : i32
      %dma_start3A_118 = tpu.memref_slice %arg15[%add3A_52, %dma_start3A_117] : memref<10240x128xf32, #tpu.memory_space<vmem_shared>> -> memref<128x128xf32, #tpu.memory_space<vmem_shared>>
      tpu.enqueue_dma source(%arg13 : memref<128x128xf32, #tpu.memory_space<vmem>>) target(%dma_start3A_118 : memref<128x128xf32, #tpu.memory_space<vmem_shared>>) target_semaphore(%run_scoped3A : memref<!tpu.dma_semaphore, #tpu.memory_space<semaphore_mem>>)
      %dma_wait3A = arith.constant 0 : i32
      %dma_wait3A_119 = tpu.memref_slice %arg15[%add3A_52, %dma_wait3A] : memref<10240x128xf32, #tpu.memory_space<vmem_shared>> -> memref<128x128xf32, #tpu.memory_space<vmem_shared>>
      %dma_wait3A_120 = arith.constant 0 : i32
      %dma_wait3A_121 = tpu.memref_slice %arg15[%add3A_52, %dma_wait3A_120] : memref<10240x128xf32, #tpu.memory_space<vmem_shared>> -> memref<128x128xf32, #tpu.memory_space<vmem_shared>>
      tpu.wait_dma2 semaphore(%run_scoped3A : memref<!tpu.dma_semaphore, #tpu.memory_space<semaphore_mem>>) src(%arg13 : memref<128x128xf32, #tpu.memory_space<vmem>>) dst(%dma_wait3A_121 : memref<128x128xf32, #tpu.memory_space<vmem_shared>>)
      tpu.yield
    }) : () -> ()
    %mul3A_53 = arith.constant 640 : i32
    %mul3A_54 = arith.muli %arg1, %mul3A_53 : i32
    %add3A_55 = arith.constant 512 : i32
    %add3A_56 = arith.addi %mul3A_54, %add3A_55 : i32
    "tpu.region"() ({
      %run_scoped3A = tpu.sem_alloc : memref<!tpu.dma_semaphore, #tpu.memory_space<semaphore_mem>>
      %dma_start3A_115 = arith.constant 0 : i32
      %dma_start3A_116 = tpu.memref_slice %arg15[%add3A_56, %dma_start3A_115] : memref<10240x128xf32, #tpu.memory_space<vmem_shared>> -> memref<128x128xf32, #tpu.memory_space<vmem_shared>>
      %dma_start3A_117 = arith.constant 0 : i32
      %dma_start3A_118 = tpu.memref_slice %arg15[%add3A_56, %dma_start3A_117] : memref<10240x128xf32, #tpu.memory_space<vmem_shared>> -> memref<128x128xf32, #tpu.memory_space<vmem_shared>>
      tpu.enqueue_dma source(%arg13 : memref<128x128xf32, #tpu.memory_space<vmem>>) target(%dma_start3A_118 : memref<128x128xf32, #tpu.memory_space<vmem_shared>>) target_semaphore(%run_scoped3A : memref<!tpu.dma_semaphore, #tpu.memory_space<semaphore_mem>>)
      %dma_wait3A = arith.constant 0 : i32
      %dma_wait3A_119 = tpu.memref_slice %arg15[%add3A_56, %dma_wait3A] : memref<10240x128xf32, #tpu.memory_space<vmem_shared>> -> memref<128x128xf32, #tpu.memory_space<vmem_shared>>
      %dma_wait3A_120 = arith.constant 0 : i32
      %dma_wait3A_121 = tpu.memref_slice %arg15[%add3A_56, %dma_wait3A_120] : memref<10240x128xf32, #tpu.memory_space<vmem_shared>> -> memref<128x128xf32, #tpu.memory_space<vmem_shared>>
      tpu.wait_dma2 semaphore(%run_scoped3A : memref<!tpu.dma_semaphore, #tpu.memory_space<semaphore_mem>>) src(%arg13 : memref<128x128xf32, #tpu.memory_space<vmem>>) dst(%dma_wait3A_121 : memref<128x128xf32, #tpu.memory_space<vmem_shared>>)
      tpu.yield
    }) : () -> ()
    %barrier3A_57 = arith.constant 0 : index
    tpu.barrier barrier_id(%barrier3A_57)
    %dma_start3A_58 = arith.constant 0 : i32
    %dma_start3A_59 = arith.constant 0 : i32
    %dma_start3A_60 = tpu.memref_slice %arg11[%dma_start3A_58, %dma_start3A_59] : memref<40x128xi32, #tpu.memory_space<vmem>> -> memref<1x128xi32, #tpu.memory_space<vmem>>
    %dma_start3A_61 = tpu.memref_squeeze %dma_start3A_60 : memref<1x128xi32, #tpu.memory_space<vmem>> -> memref<128xi32, #tpu.memory_space<vmem>>
    %dma_start3A_62 = arith.constant 0 : i32
    %dma_start3A_63 = arith.constant 0 : i32
    %dma_start3A_64 = tpu.memref_slice %arg3[%dma_start3A_62, %dma_start3A_63] : memref<10240x128xf32, #tpu.memory_space<hbm>> -> memref<10240x128xf32, #tpu.memory_space<hbm>>
    tpu.enqueue_indirect_dma source(%dma_start3A_64 : memref<10240x128xf32, #tpu.memory_space<hbm>>) target(%arg13 : memref<128x128xf32, #tpu.memory_space<vmem>>) offsets(%dma_start3A_61 : memref<128xi32, #tpu.memory_space<vmem>>) semaphore(%arg16 : memref<!tpu.dma_semaphore, #tpu.memory_space<semaphore_mem>>)
    %scan3A_65 = arith.constant 0 : i32
    %scan3A_66 = arith.constant 0 : i32
    %scan3A_67 = arith.constant 20 : i32
    %scan3A_68 = arith.addi %scan3A_66, %scan3A_67 : i32
    %scan3A_69 = arith.constant 1 : i32
    scf.for %scan3A_115 = %scan3A_66 to %scan3A_68 step %scan3A_69  : i32 {
      %mul3A_116 = arith.constant 2 : i32
      %mul3A_117 = arith.muli %mul3A_116, %scan3A_115 : i32
      %mul3A_118 = arith.constant 2 : i32
      %mul3A_119 = arith.muli %mul3A_118, %scan3A_115 : i32
      %add3A_120 = arith.constant 1 : i32
      %add3A_121 = arith.addi %mul3A_119, %add3A_120 : i32
      %dma_start3A_122 = arith.constant 0 : i32
      %dma_start3A_123 = tpu.memref_slice %arg11[%add3A_121, %dma_start3A_122] : memref<40x128xi32, #tpu.memory_space<vmem>> -> memref<1x128xi32, #tpu.memory_space<vmem>>
      %dma_start3A_124 = tpu.memref_squeeze %dma_start3A_123 : memref<1x128xi32, #tpu.memory_space<vmem>> -> memref<128xi32, #tpu.memory_space<vmem>>
      %dma_start3A_125 = arith.constant 0 : i32
      %dma_start3A_126 = arith.constant 0 : i32
      %dma_start3A_127 = tpu.memref_slice %arg3[%dma_start3A_125, %dma_start3A_126] : memref<10240x128xf32, #tpu.memory_space<hbm>> -> memref<10240x128xf32, #tpu.memory_space<hbm>>
      tpu.enqueue_indirect_dma source(%dma_start3A_127 : memref<10240x128xf32, #tpu.memory_space<hbm>>) target(%arg14 : memref<128x128xf32, #tpu.memory_space<vmem>>) offsets(%dma_start3A_124 : memref<128xi32, #tpu.memory_space<vmem>>) semaphore(%arg17 : memref<!tpu.dma_semaphore, #tpu.memory_space<semaphore_mem>>)
      %dma_wait3A = arith.constant 0 : i32
      %dma_wait3A_128 = tpu.memref_slice %arg11[%mul3A_117, %dma_wait3A] : memref<40x128xi32, #tpu.memory_space<vmem>> -> memref<1x128xi32, #tpu.memory_space<vmem>>
      %dma_wait3A_129 = tpu.memref_squeeze %dma_wait3A_128 : memref<1x128xi32, #tpu.memory_space<vmem>> -> memref<128xi32, #tpu.memory_space<vmem>>
      %dma_wait3A_130 = arith.constant 0 : i32
      %dma_wait3A_131 = arith.constant 0 : i32
      %dma_wait3A_132 = tpu.memref_slice %arg3[%dma_wait3A_130, %dma_wait3A_131] : memref<10240x128xf32, #tpu.memory_space<hbm>> -> memref<10240x128xf32, #tpu.memory_space<hbm>>
      tpu.wait_indirect_dma semaphore(%arg16 : memref<!tpu.dma_semaphore, #tpu.memory_space<semaphore_mem>>) src(%dma_wait3A_132 : memref<10240x128xf32, #tpu.memory_space<hbm>>) dst(%arg13 : memref<128x128xf32, #tpu.memory_space<vmem>>)
      "tpu.region"() ({
        %run_scoped3A = tpu.sem_alloc : memref<!tpu.dma_semaphore, #tpu.memory_space<semaphore_mem>>
        %dma_start3A_143 = arith.constant 0 : i32
        %dma_start3A_144 = tpu.memref_slice %arg12[%mul3A_117, %dma_start3A_143] : memref<40x128xi32, #tpu.memory_space<vmem>> -> memref<1x128xi32, #tpu.memory_space<vmem>>
        %dma_start3A_145 = tpu.memref_squeeze %dma_start3A_144 : memref<1x128xi32, #tpu.memory_space<vmem>> -> memref<128xi32, #tpu.memory_space<vmem>>
        %dma_start3A_146 = arith.constant 0 : i32
        %dma_start3A_147 = arith.constant 0 : i32
        %dma_start3A_148 = tpu.memref_slice %arg15[%dma_start3A_146, %dma_start3A_147] : memref<10240x128xf32, #tpu.memory_space<vmem_shared>> -> memref<10240x128xf32, #tpu.memory_space<vmem_shared>>
        tpu.enqueue_indirect_dma source(%arg13 : memref<128x128xf32, #tpu.memory_space<vmem>>) target(%dma_start3A_148 : memref<10240x128xf32, #tpu.memory_space<vmem_shared>>) offsets(%dma_start3A_145 : memref<128xi32, #tpu.memory_space<vmem>>) semaphore(%run_scoped3A : memref<!tpu.dma_semaphore, #tpu.memory_space<semaphore_mem>>) {add = true}
        %dma_wait3A_149 = arith.constant 0 : i32
        %dma_wait3A_150 = tpu.memref_slice %arg12[%mul3A_117, %dma_wait3A_149] : memref<40x128xi32, #tpu.memory_space<vmem>> -> memref<1x128xi32, #tpu.memory_space<vmem>>
        %dma_wait3A_151 = tpu.memref_squeeze %dma_wait3A_150 : memref<1x128xi32, #tpu.memory_space<vmem>> -> memref<128xi32, #tpu.memory_space<vmem>>
        %dma_wait3A_152 = arith.constant 0 : i32
        %dma_wait3A_153 = arith.constant 0 : i32
        %dma_wait3A_154 = tpu.memref_slice %arg15[%dma_wait3A_152, %dma_wait3A_153] : memref<10240x128xf32, #tpu.memory_space<vmem_shared>> -> memref<10240x128xf32, #tpu.memory_space<vmem_shared>>
        tpu.wait_indirect_dma semaphore(%run_scoped3A : memref<!tpu.dma_semaphore, #tpu.memory_space<semaphore_mem>>) src(%arg13 : memref<128x128xf32, #tpu.memory_space<vmem>>) dst(%dma_wait3A_154 : memref<10240x128xf32, #tpu.memory_space<vmem_shared>>)
        tpu.yield
      }) : () -> ()
      %add3A_133 = arith.constant 1 : i32
      %add3A_134 = arith.addi %add3A_121, %add3A_133 : i32
      %lt3A = arith.constant 40 : i32
      %lt3A_135 = arith.cmpi slt, %add3A_134, %lt3A : i32
      %convert_element_type3A = arith.extui %lt3A_135 : i1 to i32
      %cond3A = arith.constant 0 : i32
      %cond3A_136 = arith.cmpi ne, %convert_element_type3A, %cond3A : i32
      scf.if %cond3A_136 {
        %add3A_143 = arith.constant 2 : i32
        %add3A_144 = arith.addi %mul3A_117, %add3A_143 : i32
        %dma_start3A_145 = arith.constant 0 : i32
        %dma_start3A_146 = tpu.memref_slice %arg11[%add3A_144, %dma_start3A_145] : memref<40x128xi32, #tpu.memory_space<vmem>> -> memref<1x128xi32, #tpu.memory_space<vmem>>
        %dma_start3A_147 = tpu.memref_squeeze %dma_start3A_146 : memref<1x128xi32, #tpu.memory_space<vmem>> -> memref<128xi32, #tpu.memory_space<vmem>>
        %dma_start3A_148 = arith.constant 0 : i32
        %dma_start3A_149 = arith.constant 0 : i32
        %dma_start3A_150 = tpu.memref_slice %arg3[%dma_start3A_148, %dma_start3A_149] : memref<10240x128xf32, #tpu.memory_space<hbm>> -> memref<10240x128xf32, #tpu.memory_space<hbm>>
        tpu.enqueue_indirect_dma source(%dma_start3A_150 : memref<10240x128xf32, #tpu.memory_space<hbm>>) target(%arg13 : memref<128x128xf32, #tpu.memory_space<vmem>>) offsets(%dma_start3A_147 : memref<128xi32, #tpu.memory_space<vmem>>) semaphore(%arg16 : memref<!tpu.dma_semaphore, #tpu.memory_space<semaphore_mem>>)
      } else {
      }
      %dma_wait3A_137 = arith.constant 0 : i32
      %dma_wait3A_138 = tpu.memref_slice %arg11[%add3A_121, %dma_wait3A_137] : memref<40x128xi32, #tpu.memory_space<vmem>> -> memref<1x128xi32, #tpu.memory_space<vmem>>
      %dma_wait3A_139 = tpu.memref_squeeze %dma_wait3A_138 : memref<1x128xi32, #tpu.memory_space<vmem>> -> memref<128xi32, #tpu.memory_space<vmem>>
      %dma_wait3A_140 = arith.constant 0 : i32
      %dma_wait3A_141 = arith.constant 0 : i32
      %dma_wait3A_142 = tpu.memref_slice %arg3[%dma_wait3A_140, %dma_wait3A_141] : memref<10240x128xf32, #tpu.memory_space<hbm>> -> memref<10240x128xf32, #tpu.memory_space<hbm>>
      tpu.wait_indirect_dma semaphore(%arg17 : memref<!tpu.dma_semaphore, #tpu.memory_space<semaphore_mem>>) src(%dma_wait3A_142 : memref<10240x128xf32, #tpu.memory_space<hbm>>) dst(%arg14 : memref<128x128xf32, #tpu.memory_space<vmem>>)
      "tpu.region"() ({
        %run_scoped3A = tpu.sem_alloc : memref<!tpu.dma_semaphore, #tpu.memory_space<semaphore_mem>>
        %dma_start3A_143 = arith.constant 0 : i32
        %dma_start3A_144 = tpu.memref_slice %arg12[%add3A_121, %dma_start3A_143] : memref<40x128xi32, #tpu.memory_space<vmem>> -> memref<1x128xi32, #tpu.memory_space<vmem>>
        %dma_start3A_145 = tpu.memref_squeeze %dma_start3A_144 : memref<1x128xi32, #tpu.memory_space<vmem>> -> memref<128xi32, #tpu.memory_space<vmem>>
        %dma_start3A_146 = arith.constant 0 : i32
        %dma_start3A_147 = arith.constant 0 : i32
        %dma_start3A_148 = tpu.memref_slice %arg15[%dma_start3A_146, %dma_start3A_147] : memref<10240x128xf32, #tpu.memory_space<vmem_shared>> -> memref<10240x128xf32, #tpu.memory_space<vmem_shared>>
        tpu.enqueue_indirect_dma source(%arg14 : memref<128x128xf32, #tpu.memory_space<vmem>>) target(%dma_start3A_148 : memref<10240x128xf32, #tpu.memory_space<vmem_shared>>) offsets(%dma_start3A_145 : memref<128xi32, #tpu.memory_space<vmem>>) semaphore(%run_scoped3A : memref<!tpu.dma_semaphore, #tpu.memory_space<semaphore_mem>>) {add = true}
        %dma_wait3A_149 = arith.constant 0 : i32
        %dma_wait3A_150 = tpu.memref_slice %arg12[%add3A_121, %dma_wait3A_149] : memref<40x128xi32, #tpu.memory_space<vmem>> -> memref<1x128xi32, #tpu.memory_space<vmem>>
        %dma_wait3A_151 = tpu.memref_squeeze %dma_wait3A_150 : memref<1x128xi32, #tpu.memory_space<vmem>> -> memref<128xi32, #tpu.memory_space<vmem>>
        %dma_wait3A_152 = arith.constant 0 : i32
        %dma_wait3A_153 = arith.constant 0 : i32
        %dma_wait3A_154 = tpu.memref_slice %arg15[%dma_wait3A_152, %dma_wait3A_153] : memref<10240x128xf32, #tpu.memory_space<vmem_shared>> -> memref<10240x128xf32, #tpu.memory_space<vmem_shared>>
        tpu.wait_indirect_dma semaphore(%run_scoped3A : memref<!tpu.dma_semaphore, #tpu.memory_space<semaphore_mem>>) src(%arg14 : memref<128x128xf32, #tpu.memory_space<vmem>>) dst(%dma_wait3A_154 : memref<10240x128xf32, #tpu.memory_space<vmem_shared>>)
        tpu.yield
      }) : () -> ()
    }
    %scan3A_70 = arith.constant 20 : i32
    %barrier3A_71 = arith.constant 0 : index
    tpu.barrier barrier_id(%barrier3A_71)
    %mul3A_72 = arith.constant 640 : i32
    %mul3A_73 = arith.muli %arg1, %mul3A_72 : i32
    %mul3A_74 = arith.constant 640 : i32
    %mul3A_75 = arith.muli %arg1, %mul3A_74 : i32
    "tpu.region"() ({
      %run_scoped3A = tpu.sem_alloc : memref<!tpu.dma_semaphore, #tpu.memory_space<semaphore_mem>>
      %dma_start3A_115 = arith.constant 0 : i32
      %dma_start3A_116 = tpu.memref_slice %arg9[%arg0, %mul3A_75, %dma_start3A_115] : memref<2x10240x128xf32, #tpu.memory_space<hbm>> -> memref<1x640x128xf32, #tpu.memory_space<hbm>>
      %dma_start3A_117 = tpu.memref_squeeze %dma_start3A_116 : memref<1x640x128xf32, #tpu.memory_space<hbm>> -> memref<640x128xf32, #tpu.memory_space<hbm>>
      %dma_start3A_118 = arith.constant 0 : i32
      %dma_start3A_119 = tpu.memref_slice %arg15[%mul3A_73, %dma_start3A_118] : memref<10240x128xf32, #tpu.memory_space<vmem_shared>> -> memref<640x128xf32, #tpu.memory_space<vmem_shared>>
      tpu.enqueue_dma source(%dma_start3A_119 : memref<640x128xf32, #tpu.memory_space<vmem_shared>>) target(%dma_start3A_117 : memref<640x128xf32, #tpu.memory_space<hbm>>) target_semaphore(%run_scoped3A : memref<!tpu.dma_semaphore, #tpu.memory_space<semaphore_mem>>)
      %dma_wait3A = arith.constant 0 : i32
      %dma_wait3A_120 = tpu.memref_slice %arg9[%arg0, %mul3A_75, %dma_wait3A] : memref<2x10240x128xf32, #tpu.memory_space<hbm>> -> memref<1x640x128xf32, #tpu.memory_space<hbm>>
      %dma_wait3A_121 = tpu.memref_squeeze %dma_wait3A_120 : memref<1x640x128xf32, #tpu.memory_space<hbm>> -> memref<640x128xf32, #tpu.memory_space<hbm>>
      %dma_wait3A_122 = arith.constant 0 : i32
      %dma_wait3A_123 = tpu.memref_slice %arg15[%mul3A_73, %dma_wait3A_122] : memref<10240x128xf32, #tpu.memory_space<vmem_shared>> -> memref<640x128xf32, #tpu.memory_space<vmem_shared>>
      tpu.wait_dma2 semaphore(%run_scoped3A : memref<!tpu.dma_semaphore, #tpu.memory_space<semaphore_mem>>) src(%dma_wait3A_123 : memref<640x128xf32, #tpu.memory_space<vmem_shared>>) dst(%dma_wait3A_121 : memref<640x128xf32, #tpu.memory_space<hbm>>)
      tpu.yield
    }) : () -> ()
    "tpu.region"() ({
      %run_scoped3A = tpu.sem_alloc : memref<!tpu.dma_semaphore, #tpu.memory_space<semaphore_mem>>
      tpu.enqueue_dma source(%arg7 : memref<128x128xf32, #tpu.memory_space<hbm>>) target(%arg13 : memref<128x128xf32, #tpu.memory_space<vmem>>) target_semaphore(%run_scoped3A : memref<!tpu.dma_semaphore, #tpu.memory_space<semaphore_mem>>)
      tpu.wait_dma2 semaphore(%run_scoped3A : memref<!tpu.dma_semaphore, #tpu.memory_space<semaphore_mem>>) src(%arg7 : memref<128x128xf32, #tpu.memory_space<hbm>>) dst(%arg13 : memref<128x128xf32, #tpu.memory_space<vmem>>)
      tpu.yield
    }) : () -> ()
    %mul3A_76 = arith.constant 640 : i32
    %mul3A_77 = arith.muli %arg1, %mul3A_76 : i32
    %add3A_78 = arith.constant 0 : i32
    %add3A_79 = arith.addi %mul3A_77, %add3A_78 : i32
    "tpu.region"() ({
      %run_scoped3A = tpu.sem_alloc : memref<!tpu.dma_semaphore, #tpu.memory_space<semaphore_mem>>
      %dma_start3A_115 = arith.constant 0 : i32
      %dma_start3A_116 = tpu.memref_slice %arg15[%add3A_79, %dma_start3A_115] : memref<10240x128xf32, #tpu.memory_space<vmem_shared>> -> memref<128x128xf32, #tpu.memory_space<vmem_shared>>
      %dma_start3A_117 = arith.constant 0 : i32
      %dma_start3A_118 = tpu.memref_slice %arg15[%add3A_79, %dma_start3A_117] : memref<10240x128xf32, #tpu.memory_space<vmem_shared>> -> memref<128x128xf32, #tpu.memory_space<vmem_shared>>
      tpu.enqueue_dma source(%arg13 : memref<128x128xf32, #tpu.memory_space<vmem>>) target(%dma_start3A_118 : memref<128x128xf32, #tpu.memory_space<vmem_shared>>) target_semaphore(%run_scoped3A : memref<!tpu.dma_semaphore, #tpu.memory_space<semaphore_mem>>)
      %dma_wait3A = arith.constant 0 : i32
      %dma_wait3A_119 = tpu.memref_slice %arg15[%add3A_79, %dma_wait3A] : memref<10240x128xf32, #tpu.memory_space<vmem_shared>> -> memref<128x128xf32, #tpu.memory_space<vmem_shared>>
      %dma_wait3A_120 = arith.constant 0 : i32
      %dma_wait3A_121 = tpu.memref_slice %arg15[%add3A_79, %dma_wait3A_120] : memref<10240x128xf32, #tpu.memory_space<vmem_shared>> -> memref<128x128xf32, #tpu.memory_space<vmem_shared>>
      tpu.wait_dma2 semaphore(%run_scoped3A : memref<!tpu.dma_semaphore, #tpu.memory_space<semaphore_mem>>) src(%arg13 : memref<128x128xf32, #tpu.memory_space<vmem>>) dst(%dma_wait3A_121 : memref<128x128xf32, #tpu.memory_space<vmem_shared>>)
      tpu.yield
    }) : () -> ()
    %mul3A_80 = arith.constant 640 : i32
    %mul3A_81 = arith.muli %arg1, %mul3A_80 : i32
    %add3A_82 = arith.constant 128 : i32
    %add3A_83 = arith.addi %mul3A_81, %add3A_82 : i32
    "tpu.region"() ({
      %run_scoped3A = tpu.sem_alloc : memref<!tpu.dma_semaphore, #tpu.memory_space<semaphore_mem>>
      %dma_start3A_115 = arith.constant 0 : i32
      %dma_start3A_116 = tpu.memref_slice %arg15[%add3A_83, %dma_start3A_115] : memref<10240x128xf32, #tpu.memory_space<vmem_shared>> -> memref<128x128xf32, #tpu.memory_space<vmem_shared>>
      %dma_start3A_117 = arith.constant 0 : i32
      %dma_start3A_118 = tpu.memref_slice %arg15[%add3A_83, %dma_start3A_117] : memref<10240x128xf32, #tpu.memory_space<vmem_shared>> -> memref<128x128xf32, #tpu.memory_space<vmem_shared>>
      tpu.enqueue_dma source(%arg13 : memref<128x128xf32, #tpu.memory_space<vmem>>) target(%dma_start3A_118 : memref<128x128xf32, #tpu.memory_space<vmem_shared>>) target_semaphore(%run_scoped3A : memref<!tpu.dma_semaphore, #tpu.memory_space<semaphore_mem>>)
      %dma_wait3A = arith.constant 0 : i32
      %dma_wait3A_119 = tpu.memref_slice %arg15[%add3A_83, %dma_wait3A] : memref<10240x128xf32, #tpu.memory_space<vmem_shared>> -> memref<128x128xf32, #tpu.memory_space<vmem_shared>>
      %dma_wait3A_120 = arith.constant 0 : i32
      %dma_wait3A_121 = tpu.memref_slice %arg15[%add3A_83, %dma_wait3A_120] : memref<10240x128xf32, #tpu.memory_space<vmem_shared>> -> memref<128x128xf32, #tpu.memory_space<vmem_shared>>
      tpu.wait_dma2 semaphore(%run_scoped3A : memref<!tpu.dma_semaphore, #tpu.memory_space<semaphore_mem>>) src(%arg13 : memref<128x128xf32, #tpu.memory_space<vmem>>) dst(%dma_wait3A_121 : memref<128x128xf32, #tpu.memory_space<vmem_shared>>)
      tpu.yield
    }) : () -> ()
    %mul3A_84 = arith.constant 640 : i32
    %mul3A_85 = arith.muli %arg1, %mul3A_84 : i32
    %add3A_86 = arith.constant 256 : i32
    %add3A_87 = arith.addi %mul3A_85, %add3A_86 : i32
    "tpu.region"() ({
      %run_scoped3A = tpu.sem_alloc : memref<!tpu.dma_semaphore, #tpu.memory_space<semaphore_mem>>
      %dma_start3A_115 = arith.constant 0 : i32
      %dma_start3A_116 = tpu.memref_slice %arg15[%add3A_87, %dma_start3A_115] : memref<10240x128xf32, #tpu.memory_space<vmem_shared>> -> memref<128x128xf32, #tpu.memory_space<vmem_shared>>
      %dma_start3A_117 = arith.constant 0 : i32
      %dma_start3A_118 = tpu.memref_slice %arg15[%add3A_87, %dma_start3A_117] : memref<10240x128xf32, #tpu.memory_space<vmem_shared>> -> memref<128x128xf32, #tpu.memory_space<vmem_shared>>
      tpu.enqueue_dma source(%arg13 : memref<128x128xf32, #tpu.memory_space<vmem>>) target(%dma_start3A_118 : memref<128x128xf32, #tpu.memory_space<vmem_shared>>) target_semaphore(%run_scoped3A : memref<!tpu.dma_semaphore, #tpu.memory_space<semaphore_mem>>)
      %dma_wait3A = arith.constant 0 : i32
      %dma_wait3A_119 = tpu.memref_slice %arg15[%add3A_87, %dma_wait3A] : memref<10240x128xf32, #tpu.memory_space<vmem_shared>> -> memref<128x128xf32, #tpu.memory_space<vmem_shared>>
      %dma_wait3A_120 = arith.constant 0 : i32
      %dma_wait3A_121 = tpu.memref_slice %arg15[%add3A_87, %dma_wait3A_120] : memref<10240x128xf32, #tpu.memory_space<vmem_shared>> -> memref<128x128xf32, #tpu.memory_space<vmem_shared>>
      tpu.wait_dma2 semaphore(%run_scoped3A : memref<!tpu.dma_semaphore, #tpu.memory_space<semaphore_mem>>) src(%arg13 : memref<128x128xf32, #tpu.memory_space<vmem>>) dst(%dma_wait3A_121 : memref<128x128xf32, #tpu.memory_space<vmem_shared>>)
      tpu.yield
    }) : () -> ()
    %mul3A_88 = arith.constant 640 : i32
    %mul3A_89 = arith.muli %arg1, %mul3A_88 : i32
    %add3A_90 = arith.constant 384 : i32
    %add3A_91 = arith.addi %mul3A_89, %add3A_90 : i32
    "tpu.region"() ({
      %run_scoped3A = tpu.sem_alloc : memref<!tpu.dma_semaphore, #tpu.memory_space<semaphore_mem>>
      %dma_start3A_115 = arith.constant 0 : i32
      %dma_start3A_116 = tpu.memref_slice %arg15[%add3A_91, %dma_start3A_115] : memref<10240x128xf32, #tpu.memory_space<vmem_shared>> -> memref<128x128xf32, #tpu.memory_space<vmem_shared>>
      %dma_start3A_117 = arith.constant 0 : i32
      %dma_start3A_118 = tpu.memref_slice %arg15[%add3A_91, %dma_start3A_117] : memref<10240x128xf32, #tpu.memory_space<vmem_shared>> -> memref<128x128xf32, #tpu.memory_space<vmem_shared>>
      tpu.enqueue_dma source(%arg13 : memref<128x128xf32, #tpu.memory_space<vmem>>) target(%dma_start3A_118 : memref<128x128xf32, #tpu.memory_space<vmem_shared>>) target_semaphore(%run_scoped3A : memref<!tpu.dma_semaphore, #tpu.memory_space<semaphore_mem>>)
      %dma_wait3A = arith.constant 0 : i32
      %dma_wait3A_119 = tpu.memref_slice %arg15[%add3A_91, %dma_wait3A] : memref<10240x128xf32, #tpu.memory_space<vmem_shared>> -> memref<128x128xf32, #tpu.memory_space<vmem_shared>>
      %dma_wait3A_120 = arith.constant 0 : i32
      %dma_wait3A_121 = tpu.memref_slice %arg15[%add3A_91, %dma_wait3A_120] : memref<10240x128xf32, #tpu.memory_space<vmem_shared>> -> memref<128x128xf32, #tpu.memory_space<vmem_shared>>
      tpu.wait_dma2 semaphore(%run_scoped3A : memref<!tpu.dma_semaphore, #tpu.memory_space<semaphore_mem>>) src(%arg13 : memref<128x128xf32, #tpu.memory_space<vmem>>) dst(%dma_wait3A_121 : memref<128x128xf32, #tpu.memory_space<vmem_shared>>)
      tpu.yield
    }) : () -> ()
    %mul3A_92 = arith.constant 640 : i32
    %mul3A_93 = arith.muli %arg1, %mul3A_92 : i32
    %add3A_94 = arith.constant 512 : i32
    %add3A_95 = arith.addi %mul3A_93, %add3A_94 : i32
    "tpu.region"() ({
      %run_scoped3A = tpu.sem_alloc : memref<!tpu.dma_semaphore, #tpu.memory_space<semaphore_mem>>
      %dma_start3A_115 = arith.constant 0 : i32
      %dma_start3A_116 = tpu.memref_slice %arg15[%add3A_95, %dma_start3A_115] : memref<10240x128xf32, #tpu.memory_space<vmem_shared>> -> memref<128x128xf32, #tpu.memory_space<vmem_shared>>
      %dma_start3A_117 = arith.constant 0 : i32
      %dma_start3A_118 = tpu.memref_slice %arg15[%add3A_95, %dma_start3A_117] : memref<10240x128xf32, #tpu.memory_space<vmem_shared>> -> memref<128x128xf32, #tpu.memory_space<vmem_shared>>
      tpu.enqueue_dma source(%arg13 : memref<128x128xf32, #tpu.memory_space<vmem>>) target(%dma_start3A_118 : memref<128x128xf32, #tpu.memory_space<vmem_shared>>) target_semaphore(%run_scoped3A : memref<!tpu.dma_semaphore, #tpu.memory_space<semaphore_mem>>)
      %dma_wait3A = arith.constant 0 : i32
      %dma_wait3A_119 = tpu.memref_slice %arg15[%add3A_95, %dma_wait3A] : memref<10240x128xf32, #tpu.memory_space<vmem_shared>> -> memref<128x128xf32, #tpu.memory_space<vmem_shared>>
      %dma_wait3A_120 = arith.constant 0 : i32
      %dma_wait3A_121 = tpu.memref_slice %arg15[%add3A_95, %dma_wait3A_120] : memref<10240x128xf32, #tpu.memory_space<vmem_shared>> -> memref<128x128xf32, #tpu.memory_space<vmem_shared>>
      tpu.wait_dma2 semaphore(%run_scoped3A : memref<!tpu.dma_semaphore, #tpu.memory_space<semaphore_mem>>) src(%arg13 : memref<128x128xf32, #tpu.memory_space<vmem>>) dst(%dma_wait3A_121 : memref<128x128xf32, #tpu.memory_space<vmem_shared>>)
      tpu.yield
    }) : () -> ()
    %barrier3A_96 = arith.constant 0 : index
    tpu.barrier barrier_id(%barrier3A_96)
    %dma_start3A_97 = arith.constant 0 : i32
    %dma_start3A_98 = arith.constant 0 : i32
    %dma_start3A_99 = tpu.memref_slice %arg11[%dma_start3A_97, %dma_start3A_98] : memref<40x128xi32, #tpu.memory_space<vmem>> -> memref<1x128xi32, #tpu.memory_space<vmem>>
    %dma_start3A_100 = tpu.memref_squeeze %dma_start3A_99 : memref<1x128xi32, #tpu.memory_space<vmem>> -> memref<128xi32, #tpu.memory_space<vmem>>
    %dma_start3A_101 = arith.constant 0 : i32
    %dma_start3A_102 = arith.constant 0 : i32
    %dma_start3A_103 = tpu.memref_slice %arg4[%dma_start3A_101, %dma_start3A_102] : memref<10240x128xf32, #tpu.memory_space<hbm>> -> memref<10240x128xf32, #tpu.memory_space<hbm>>
    tpu.enqueue_indirect_dma source(%dma_start3A_103 : memref<10240x128xf32, #tpu.memory_space<hbm>>) target(%arg13 : memref<128x128xf32, #tpu.memory_space<vmem>>) offsets(%dma_start3A_100 : memref<128xi32, #tpu.memory_space<vmem>>) semaphore(%arg16 : memref<!tpu.dma_semaphore, #tpu.memory_space<semaphore_mem>>)
    %scan3A_104 = arith.constant 0 : i32
    %scan3A_105 = arith.constant 0 : i32
    %scan3A_106 = arith.constant 20 : i32
    %scan3A_107 = arith.addi %scan3A_105, %scan3A_106 : i32
    %scan3A_108 = arith.constant 1 : i32
    scf.for %scan3A_115 = %scan3A_105 to %scan3A_107 step %scan3A_108  : i32 {
      %mul3A_116 = arith.constant 2 : i32
      %mul3A_117 = arith.muli %mul3A_116, %scan3A_115 : i32
      %mul3A_118 = arith.constant 2 : i32
      %mul3A_119 = arith.muli %mul3A_118, %scan3A_115 : i32
      %add3A_120 = arith.constant 1 : i32
      %add3A_121 = arith.addi %mul3A_119, %add3A_120 : i32
      %dma_start3A_122 = arith.constant 0 : i32
      %dma_start3A_123 = tpu.memref_slice %arg11[%add3A_121, %dma_start3A_122] : memref<40x128xi32, #tpu.memory_space<vmem>> -> memref<1x128xi32, #tpu.memory_space<vmem>>
      %dma_start3A_124 = tpu.memref_squeeze %dma_start3A_123 : memref<1x128xi32, #tpu.memory_space<vmem>> -> memref<128xi32, #tpu.memory_space<vmem>>
      %dma_start3A_125 = arith.constant 0 : i32
      %dma_start3A_126 = arith.constant 0 : i32
      %dma_start3A_127 = tpu.memref_slice %arg4[%dma_start3A_125, %dma_start3A_126] : memref<10240x128xf32, #tpu.memory_space<hbm>> -> memref<10240x128xf32, #tpu.memory_space<hbm>>
      tpu.enqueue_indirect_dma source(%dma_start3A_127 : memref<10240x128xf32, #tpu.memory_space<hbm>>) target(%arg14 : memref<128x128xf32, #tpu.memory_space<vmem>>) offsets(%dma_start3A_124 : memref<128xi32, #tpu.memory_space<vmem>>) semaphore(%arg17 : memref<!tpu.dma_semaphore, #tpu.memory_space<semaphore_mem>>)
      %dma_wait3A = arith.constant 0 : i32
      %dma_wait3A_128 = tpu.memref_slice %arg11[%mul3A_117, %dma_wait3A] : memref<40x128xi32, #tpu.memory_space<vmem>> -> memref<1x128xi32, #tpu.memory_space<vmem>>
      %dma_wait3A_129 = tpu.memref_squeeze %dma_wait3A_128 : memref<1x128xi32, #tpu.memory_space<vmem>> -> memref<128xi32, #tpu.memory_space<vmem>>
      %dma_wait3A_130 = arith.constant 0 : i32
      %dma_wait3A_131 = arith.constant 0 : i32
      %dma_wait3A_132 = tpu.memref_slice %arg4[%dma_wait3A_130, %dma_wait3A_131] : memref<10240x128xf32, #tpu.memory_space<hbm>> -> memref<10240x128xf32, #tpu.memory_space<hbm>>
      tpu.wait_indirect_dma semaphore(%arg16 : memref<!tpu.dma_semaphore, #tpu.memory_space<semaphore_mem>>) src(%dma_wait3A_132 : memref<10240x128xf32, #tpu.memory_space<hbm>>) dst(%arg13 : memref<128x128xf32, #tpu.memory_space<vmem>>)
      "tpu.region"() ({
        %run_scoped3A = tpu.sem_alloc : memref<!tpu.dma_semaphore, #tpu.memory_space<semaphore_mem>>
        %dma_start3A_143 = arith.constant 0 : i32
        %dma_start3A_144 = tpu.memref_slice %arg12[%mul3A_117, %dma_start3A_143] : memref<40x128xi32, #tpu.memory_space<vmem>> -> memref<1x128xi32, #tpu.memory_space<vmem>>
        %dma_start3A_145 = tpu.memref_squeeze %dma_start3A_144 : memref<1x128xi32, #tpu.memory_space<vmem>> -> memref<128xi32, #tpu.memory_space<vmem>>
        %dma_start3A_146 = arith.constant 0 : i32
        %dma_start3A_147 = arith.constant 0 : i32
        %dma_start3A_148 = tpu.memref_slice %arg15[%dma_start3A_146, %dma_start3A_147] : memref<10240x128xf32, #tpu.memory_space<vmem_shared>> -> memref<10240x128xf32, #tpu.memory_space<vmem_shared>>
        tpu.enqueue_indirect_dma source(%arg13 : memref<128x128xf32, #tpu.memory_space<vmem>>) target(%dma_start3A_148 : memref<10240x128xf32, #tpu.memory_space<vmem_shared>>) offsets(%dma_start3A_145 : memref<128xi32, #tpu.memory_space<vmem>>) semaphore(%run_scoped3A : memref<!tpu.dma_semaphore, #tpu.memory_space<semaphore_mem>>) {add = true}
        %dma_wait3A_149 = arith.constant 0 : i32
        %dma_wait3A_150 = tpu.memref_slice %arg12[%mul3A_117, %dma_wait3A_149] : memref<40x128xi32, #tpu.memory_space<vmem>> -> memref<1x128xi32, #tpu.memory_space<vmem>>
        %dma_wait3A_151 = tpu.memref_squeeze %dma_wait3A_150 : memref<1x128xi32, #tpu.memory_space<vmem>> -> memref<128xi32, #tpu.memory_space<vmem>>
        %dma_wait3A_152 = arith.constant 0 : i32
        %dma_wait3A_153 = arith.constant 0 : i32
        %dma_wait3A_154 = tpu.memref_slice %arg15[%dma_wait3A_152, %dma_wait3A_153] : memref<10240x128xf32, #tpu.memory_space<vmem_shared>> -> memref<10240x128xf32, #tpu.memory_space<vmem_shared>>
        tpu.wait_indirect_dma semaphore(%run_scoped3A : memref<!tpu.dma_semaphore, #tpu.memory_space<semaphore_mem>>) src(%arg13 : memref<128x128xf32, #tpu.memory_space<vmem>>) dst(%dma_wait3A_154 : memref<10240x128xf32, #tpu.memory_space<vmem_shared>>)
        tpu.yield
      }) : () -> ()
      %add3A_133 = arith.constant 1 : i32
      %add3A_134 = arith.addi %add3A_121, %add3A_133 : i32
      %lt3A = arith.constant 40 : i32
      %lt3A_135 = arith.cmpi slt, %add3A_134, %lt3A : i32
      %convert_element_type3A = arith.extui %lt3A_135 : i1 to i32
      %cond3A = arith.constant 0 : i32
      %cond3A_136 = arith.cmpi ne, %convert_element_type3A, %cond3A : i32
      scf.if %cond3A_136 {
        %add3A_143 = arith.constant 2 : i32
        %add3A_144 = arith.addi %mul3A_117, %add3A_143 : i32
        %dma_start3A_145 = arith.constant 0 : i32
        %dma_start3A_146 = tpu.memref_slice %arg11[%add3A_144, %dma_start3A_145] : memref<40x128xi32, #tpu.memory_space<vmem>> -> memref<1x128xi32, #tpu.memory_space<vmem>>
        %dma_start3A_147 = tpu.memref_squeeze %dma_start3A_146 : memref<1x128xi32, #tpu.memory_space<vmem>> -> memref<128xi32, #tpu.memory_space<vmem>>
        %dma_start3A_148 = arith.constant 0 : i32
        %dma_start3A_149 = arith.constant 0 : i32
        %dma_start3A_150 = tpu.memref_slice %arg4[%dma_start3A_148, %dma_start3A_149] : memref<10240x128xf32, #tpu.memory_space<hbm>> -> memref<10240x128xf32, #tpu.memory_space<hbm>>
        tpu.enqueue_indirect_dma source(%dma_start3A_150 : memref<10240x128xf32, #tpu.memory_space<hbm>>) target(%arg13 : memref<128x128xf32, #tpu.memory_space<vmem>>) offsets(%dma_start3A_147 : memref<128xi32, #tpu.memory_space<vmem>>) semaphore(%arg16 : memref<!tpu.dma_semaphore, #tpu.memory_space<semaphore_mem>>)
      } else {
      }
      %dma_wait3A_137 = arith.constant 0 : i32
      %dma_wait3A_138 = tpu.memref_slice %arg11[%add3A_121, %dma_wait3A_137] : memref<40x128xi32, #tpu.memory_space<vmem>> -> memref<1x128xi32, #tpu.memory_space<vmem>>
      %dma_wait3A_139 = tpu.memref_squeeze %dma_wait3A_138 : memref<1x128xi32, #tpu.memory_space<vmem>> -> memref<128xi32, #tpu.memory_space<vmem>>
      %dma_wait3A_140 = arith.constant 0 : i32
      %dma_wait3A_141 = arith.constant 0 : i32
      %dma_wait3A_142 = tpu.memref_slice %arg4[%dma_wait3A_140, %dma_wait3A_141] : memref<10240x128xf32, #tpu.memory_space<hbm>> -> memref<10240x128xf32, #tpu.memory_space<hbm>>
      tpu.wait_indirect_dma semaphore(%arg17 : memref<!tpu.dma_semaphore, #tpu.memory_space<semaphore_mem>>) src(%dma_wait3A_142 : memref<10240x128xf32, #tpu.memory_space<hbm>>) dst(%arg14 : memref<128x128xf32, #tpu.memory_space<vmem>>)
      "tpu.region"() ({
        %run_scoped3A = tpu.sem_alloc : memref<!tpu.dma_semaphore, #tpu.memory_space<semaphore_mem>>
        %dma_start3A_143 = arith.constant 0 : i32
        %dma_start3A_144 = tpu.memref_slice %arg12[%add3A_121, %dma_start3A_143] : memref<40x128xi32, #tpu.memory_space<vmem>> -> memref<1x128xi32, #tpu.memory_space<vmem>>
        %dma_start3A_145 = tpu.memref_squeeze %dma_start3A_144 : memref<1x128xi32, #tpu.memory_space<vmem>> -> memref<128xi32, #tpu.memory_space<vmem>>
        %dma_start3A_146 = arith.constant 0 : i32
        %dma_start3A_147 = arith.constant 0 : i32
        %dma_start3A_148 = tpu.memref_slice %arg15[%dma_start3A_146, %dma_start3A_147] : memref<10240x128xf32, #tpu.memory_space<vmem_shared>> -> memref<10240x128xf32, #tpu.memory_space<vmem_shared>>
        tpu.enqueue_indirect_dma source(%arg14 : memref<128x128xf32, #tpu.memory_space<vmem>>) target(%dma_start3A_148 : memref<10240x128xf32, #tpu.memory_space<vmem_shared>>) offsets(%dma_start3A_145 : memref<128xi32, #tpu.memory_space<vmem>>) semaphore(%run_scoped3A : memref<!tpu.dma_semaphore, #tpu.memory_space<semaphore_mem>>) {add = true}
        %dma_wait3A_149 = arith.constant 0 : i32
        %dma_wait3A_150 = tpu.memref_slice %arg12[%add3A_121, %dma_wait3A_149] : memref<40x128xi32, #tpu.memory_space<vmem>> -> memref<1x128xi32, #tpu.memory_space<vmem>>
        %dma_wait3A_151 = tpu.memref_squeeze %dma_wait3A_150 : memref<1x128xi32, #tpu.memory_space<vmem>> -> memref<128xi32, #tpu.memory_space<vmem>>
        %dma_wait3A_152 = arith.constant 0 : i32
        %dma_wait3A_153 = arith.constant 0 : i32
        %dma_wait3A_154 = tpu.memref_slice %arg15[%dma_wait3A_152, %dma_wait3A_153] : memref<10240x128xf32, #tpu.memory_space<vmem_shared>> -> memref<10240x128xf32, #tpu.memory_space<vmem_shared>>
        tpu.wait_indirect_dma semaphore(%run_scoped3A : memref<!tpu.dma_semaphore, #tpu.memory_space<semaphore_mem>>) src(%arg14 : memref<128x128xf32, #tpu.memory_space<vmem>>) dst(%dma_wait3A_154 : memref<10240x128xf32, #tpu.memory_space<vmem_shared>>)
        tpu.yield
      }) : () -> ()
    }
    %scan3A_109 = arith.constant 20 : i32
    %barrier3A_110 = arith.constant 0 : index
    tpu.barrier barrier_id(%barrier3A_110)
    %mul3A_111 = arith.constant 640 : i32
    %mul3A_112 = arith.muli %arg1, %mul3A_111 : i32
    %mul3A_113 = arith.constant 640 : i32
    %mul3A_114 = arith.muli %arg1, %mul3A_113 : i32
    "tpu.region"() ({
      %run_scoped3A = tpu.sem_alloc : memref<!tpu.dma_semaphore, #tpu.memory_space<semaphore_mem>>
      %dma_start3A_115 = arith.constant 0 : i32
      %dma_start3A_116 = tpu.memref_slice %arg10[%arg0, %mul3A_114, %dma_start3A_115] : memref<2x10240x128xf32, #tpu.memory_space<hbm>> -> memref<1x640x128xf32, #tpu.memory_space<hbm>>
      %dma_start3A_117 = tpu.memref_squeeze %dma_start3A_116 : memref<1x640x128xf32, #tpu.memory_space<hbm>> -> memref<640x128xf32, #tpu.memory_space<hbm>>
      %dma_start3A_118 = arith.constant 0 : i32
      %dma_start3A_119 = tpu.memref_slice %arg15[%mul3A_112, %dma_start3A_118] : memref<10240x128xf32, #tpu.memory_space<vmem_shared>> -> memref<640x128xf32, #tpu.memory_space<vmem_shared>>
      tpu.enqueue_dma source(%dma_start3A_119 : memref<640x128xf32, #tpu.memory_space<vmem_shared>>) target(%dma_start3A_117 : memref<640x128xf32, #tpu.memory_space<hbm>>) target_semaphore(%run_scoped3A : memref<!tpu.dma_semaphore, #tpu.memory_space<semaphore_mem>>)
      %dma_wait3A = arith.constant 0 : i32
      %dma_wait3A_120 = tpu.memref_slice %arg10[%arg0, %mul3A_114, %dma_wait3A] : memref<2x10240x128xf32, #tpu.memory_space<hbm>> -> memref<1x640x128xf32, #tpu.memory_space<hbm>>
      %dma_wait3A_121 = tpu.memref_squeeze %dma_wait3A_120 : memref<1x640x128xf32, #tpu.memory_space<hbm>> -> memref<640x128xf32, #tpu.memory_space<hbm>>
      %dma_wait3A_122 = arith.constant 0 : i32
      %dma_wait3A_123 = tpu.memref_slice %arg15[%mul3A_112, %dma_wait3A_122] : memref<10240x128xf32, #tpu.memory_space<vmem_shared>> -> memref<640x128xf32, #tpu.memory_space<vmem_shared>>
      tpu.wait_dma2 semaphore(%run_scoped3A : memref<!tpu.dma_semaphore, #tpu.memory_space<semaphore_mem>>) src(%dma_wait3A_123 : memref<640x128xf32, #tpu.memory_space<vmem_shared>>) dst(%dma_wait3A_121 : memref<640x128xf32, #tpu.memory_space<hbm>>)
      tpu.yield
    }) : () -> ()
    return
  }
}

#map = affine_map<(d0, d1) -> (0, 0)>
#map1 = affine_map<(d0, d1) -> (0, 0, 0)>
module attributes {stable_mosaic.version = 14 : i64} {
  func.func @_spmm_multi_body(%arg0: i32, %arg1: i32, %arg2: memref<10240x128xf32, #tpu.memory_space<hbm>>, %arg3: memref<10240x128xf32, #tpu.memory_space<hbm>>, %arg4: memref<32x40x128xi32, #tpu.memory_space<hbm>>, %arg5: memref<32x40x128xi32, #tpu.memory_space<hbm>>, %arg6: memref<128x128xf32, #tpu.memory_space<hbm>>, %arg7: memref<2x10240x128xf32, #tpu.memory_space<hbm>>, %arg8: memref<2x10240x128xf32, #tpu.memory_space<hbm>>, %arg9: memref<40x128xi32, #tpu.memory_space<vmem>>, %arg10: memref<40x128xi32, #tpu.memory_space<vmem>>, %arg11: memref<128x128xf32, #tpu.memory_space<vmem>>, %arg12: memref<128x128xf32, #tpu.memory_space<vmem>>, %arg13: memref<10240x128xf32, #tpu.memory_space<vmem_shared>>, %arg14: memref<!tpu.dma_semaphore, #tpu.memory_space<semaphore_mem>>, %arg15: memref<!tpu.dma_semaphore, #tpu.memory_space<semaphore_mem>>) attributes {dimension_semantics = [#tpu.dimension_semantics<core_parallel>, #tpu.dimension_semantics<subcore_parallel>], iteration_bounds = array<i64: 2, 16>, scalar_prefetch = 0 : i64, scratch_operands = 7 : i64, tpu.core_type = #tpu.core_type<sc_vector_subcore>, window_params = [{transform_indices = #map}, {transform_indices = #map}, {transform_indices = #map1}, {transform_indices = #map1}, {transform_indices = #map}, {transform_indices = #map1}, {transform_indices = #map1}]} {
    %mul3A = arith.constant 16 : i32
    %mul3A_0 = arith.muli %arg0, %mul3A : i32
    %add3A = arith.addi %mul3A_0, %arg1 : i32
    "tpu.region"() ({
      %run_scoped3A = tpu.sem_alloc : memref<!tpu.dma_semaphore, #tpu.memory_space<semaphore_mem>>
      %dma_start3A_76 = arith.constant 0 : i32
      %dma_start3A_77 = arith.constant 0 : i32
      %dma_start3A_78 = tpu.memref_slice %arg4[%add3A, %dma_start3A_76, %dma_start3A_77] : memref<32x40x128xi32, #tpu.memory_space<hbm>> -> memref<1x40x128xi32, #tpu.memory_space<hbm>>
      %dma_start3A_79 = tpu.memref_squeeze %dma_start3A_78 : memref<1x40x128xi32, #tpu.memory_space<hbm>> -> memref<40x128xi32, #tpu.memory_space<hbm>>
      %dma_start3A_80 = arith.constant 0 : i32
      %dma_start3A_81 = arith.constant 0 : i32
      %dma_start3A_82 = tpu.memref_slice %arg4[%add3A, %dma_start3A_80, %dma_start3A_81] : memref<32x40x128xi32, #tpu.memory_space<hbm>> -> memref<1x40x128xi32, #tpu.memory_space<hbm>>
      %dma_start3A_83 = tpu.memref_squeeze %dma_start3A_82 : memref<1x40x128xi32, #tpu.memory_space<hbm>> -> memref<40x128xi32, #tpu.memory_space<hbm>>
      tpu.enqueue_dma source(%dma_start3A_83 : memref<40x128xi32, #tpu.memory_space<hbm>>) target(%arg9 : memref<40x128xi32, #tpu.memory_space<vmem>>) target_semaphore(%run_scoped3A : memref<!tpu.dma_semaphore, #tpu.memory_space<semaphore_mem>>)
      %dma_wait3A = arith.constant 0 : i32
      %dma_wait3A_84 = arith.constant 0 : i32
      %dma_wait3A_85 = tpu.memref_slice %arg4[%add3A, %dma_wait3A, %dma_wait3A_84] : memref<32x40x128xi32, #tpu.memory_space<hbm>> -> memref<1x40x128xi32, #tpu.memory_space<hbm>>
      %dma_wait3A_86 = tpu.memref_squeeze %dma_wait3A_85 : memref<1x40x128xi32, #tpu.memory_space<hbm>> -> memref<40x128xi32, #tpu.memory_space<hbm>>
      %dma_wait3A_87 = arith.constant 0 : i32
      %dma_wait3A_88 = arith.constant 0 : i32
      %dma_wait3A_89 = tpu.memref_slice %arg4[%add3A, %dma_wait3A_87, %dma_wait3A_88] : memref<32x40x128xi32, #tpu.memory_space<hbm>> -> memref<1x40x128xi32, #tpu.memory_space<hbm>>
      %dma_wait3A_90 = tpu.memref_squeeze %dma_wait3A_89 : memref<1x40x128xi32, #tpu.memory_space<hbm>> -> memref<40x128xi32, #tpu.memory_space<hbm>>
      tpu.wait_dma2 semaphore(%run_scoped3A : memref<!tpu.dma_semaphore, #tpu.memory_space<semaphore_mem>>) src(%dma_wait3A_90 : memref<40x128xi32, #tpu.memory_space<hbm>>) dst(%arg9 : memref<40x128xi32, #tpu.memory_space<vmem>>)
      tpu.yield
    }) : () -> ()
    "tpu.region"() ({
      %run_scoped3A = tpu.sem_alloc : memref<!tpu.dma_semaphore, #tpu.memory_space<semaphore_mem>>
      %dma_start3A_76 = arith.constant 0 : i32
      %dma_start3A_77 = arith.constant 0 : i32
      %dma_start3A_78 = tpu.memref_slice %arg5[%add3A, %dma_start3A_76, %dma_start3A_77] : memref<32x40x128xi32, #tpu.memory_space<hbm>> -> memref<1x40x128xi32, #tpu.memory_space<hbm>>
      %dma_start3A_79 = tpu.memref_squeeze %dma_start3A_78 : memref<1x40x128xi32, #tpu.memory_space<hbm>> -> memref<40x128xi32, #tpu.memory_space<hbm>>
      %dma_start3A_80 = arith.constant 0 : i32
      %dma_start3A_81 = arith.constant 0 : i32
      %dma_start3A_82 = tpu.memref_slice %arg5[%add3A, %dma_start3A_80, %dma_start3A_81] : memref<32x40x128xi32, #tpu.memory_space<hbm>> -> memref<1x40x128xi32, #tpu.memory_space<hbm>>
      %dma_start3A_83 = tpu.memref_squeeze %dma_start3A_82 : memref<1x40x128xi32, #tpu.memory_space<hbm>> -> memref<40x128xi32, #tpu.memory_space<hbm>>
      tpu.enqueue_dma source(%dma_start3A_83 : memref<40x128xi32, #tpu.memory_space<hbm>>) target(%arg10 : memref<40x128xi32, #tpu.memory_space<vmem>>) target_semaphore(%run_scoped3A : memref<!tpu.dma_semaphore, #tpu.memory_space<semaphore_mem>>)
      %dma_wait3A = arith.constant 0 : i32
      %dma_wait3A_84 = arith.constant 0 : i32
      %dma_wait3A_85 = tpu.memref_slice %arg5[%add3A, %dma_wait3A, %dma_wait3A_84] : memref<32x40x128xi32, #tpu.memory_space<hbm>> -> memref<1x40x128xi32, #tpu.memory_space<hbm>>
      %dma_wait3A_86 = tpu.memref_squeeze %dma_wait3A_85 : memref<1x40x128xi32, #tpu.memory_space<hbm>> -> memref<40x128xi32, #tpu.memory_space<hbm>>
      %dma_wait3A_87 = arith.constant 0 : i32
      %dma_wait3A_88 = arith.constant 0 : i32
      %dma_wait3A_89 = tpu.memref_slice %arg5[%add3A, %dma_wait3A_87, %dma_wait3A_88] : memref<32x40x128xi32, #tpu.memory_space<hbm>> -> memref<1x40x128xi32, #tpu.memory_space<hbm>>
      %dma_wait3A_90 = tpu.memref_squeeze %dma_wait3A_89 : memref<1x40x128xi32, #tpu.memory_space<hbm>> -> memref<40x128xi32, #tpu.memory_space<hbm>>
      tpu.wait_dma2 semaphore(%run_scoped3A : memref<!tpu.dma_semaphore, #tpu.memory_space<semaphore_mem>>) src(%dma_wait3A_90 : memref<40x128xi32, #tpu.memory_space<hbm>>) dst(%arg10 : memref<40x128xi32, #tpu.memory_space<vmem>>)
      tpu.yield
    }) : () -> ()
    "tpu.region"() ({
      %run_scoped3A = tpu.sem_alloc : memref<!tpu.dma_semaphore, #tpu.memory_space<semaphore_mem>>
      tpu.enqueue_dma source(%arg6 : memref<128x128xf32, #tpu.memory_space<hbm>>) target(%arg11 : memref<128x128xf32, #tpu.memory_space<vmem>>) target_semaphore(%run_scoped3A : memref<!tpu.dma_semaphore, #tpu.memory_space<semaphore_mem>>)
      tpu.wait_dma2 semaphore(%run_scoped3A : memref<!tpu.dma_semaphore, #tpu.memory_space<semaphore_mem>>) src(%arg6 : memref<128x128xf32, #tpu.memory_space<hbm>>) dst(%arg11 : memref<128x128xf32, #tpu.memory_space<vmem>>)
      tpu.yield
    }) : () -> ()
    %mul3A_1 = arith.constant 640 : i32
    %mul3A_2 = arith.muli %arg1, %mul3A_1 : i32
    %add3A_3 = arith.constant 0 : i32
    %add3A_4 = arith.addi %mul3A_2, %add3A_3 : i32
    "tpu.region"() ({
      %run_scoped3A = tpu.sem_alloc : memref<!tpu.dma_semaphore, #tpu.memory_space<semaphore_mem>>
      %dma_start3A_76 = arith.constant 0 : i32
      %dma_start3A_77 = tpu.memref_slice %arg13[%add3A_4, %dma_start3A_76] : memref<10240x128xf32, #tpu.memory_space<vmem_shared>> -> memref<128x128xf32, #tpu.memory_space<vmem_shared>>
      %dma_start3A_78 = arith.constant 0 : i32
      %dma_start3A_79 = tpu.memref_slice %arg13[%add3A_4, %dma_start3A_78] : memref<10240x128xf32, #tpu.memory_space<vmem_shared>> -> memref<128x128xf32, #tpu.memory_space<vmem_shared>>
      tpu.enqueue_dma source(%arg11 : memref<128x128xf32, #tpu.memory_space<vmem>>) target(%dma_start3A_79 : memref<128x128xf32, #tpu.memory_space<vmem_shared>>) target_semaphore(%run_scoped3A : memref<!tpu.dma_semaphore, #tpu.memory_space<semaphore_mem>>)
      %dma_wait3A = arith.constant 0 : i32
      %dma_wait3A_80 = tpu.memref_slice %arg13[%add3A_4, %dma_wait3A] : memref<10240x128xf32, #tpu.memory_space<vmem_shared>> -> memref<128x128xf32, #tpu.memory_space<vmem_shared>>
      %dma_wait3A_81 = arith.constant 0 : i32
      %dma_wait3A_82 = tpu.memref_slice %arg13[%add3A_4, %dma_wait3A_81] : memref<10240x128xf32, #tpu.memory_space<vmem_shared>> -> memref<128x128xf32, #tpu.memory_space<vmem_shared>>
      tpu.wait_dma2 semaphore(%run_scoped3A : memref<!tpu.dma_semaphore, #tpu.memory_space<semaphore_mem>>) src(%arg11 : memref<128x128xf32, #tpu.memory_space<vmem>>) dst(%dma_wait3A_82 : memref<128x128xf32, #tpu.memory_space<vmem_shared>>)
      tpu.yield
    }) : () -> ()
    %mul3A_5 = arith.constant 640 : i32
    %mul3A_6 = arith.muli %arg1, %mul3A_5 : i32
    %add3A_7 = arith.constant 128 : i32
    %add3A_8 = arith.addi %mul3A_6, %add3A_7 : i32
    "tpu.region"() ({
      %run_scoped3A = tpu.sem_alloc : memref<!tpu.dma_semaphore, #tpu.memory_space<semaphore_mem>>
      %dma_start3A_76 = arith.constant 0 : i32
      %dma_start3A_77 = tpu.memref_slice %arg13[%add3A_8, %dma_start3A_76] : memref<10240x128xf32, #tpu.memory_space<vmem_shared>> -> memref<128x128xf32, #tpu.memory_space<vmem_shared>>
      %dma_start3A_78 = arith.constant 0 : i32
      %dma_start3A_79 = tpu.memref_slice %arg13[%add3A_8, %dma_start3A_78] : memref<10240x128xf32, #tpu.memory_space<vmem_shared>> -> memref<128x128xf32, #tpu.memory_space<vmem_shared>>
      tpu.enqueue_dma source(%arg11 : memref<128x128xf32, #tpu.memory_space<vmem>>) target(%dma_start3A_79 : memref<128x128xf32, #tpu.memory_space<vmem_shared>>) target_semaphore(%run_scoped3A : memref<!tpu.dma_semaphore, #tpu.memory_space<semaphore_mem>>)
      %dma_wait3A = arith.constant 0 : i32
      %dma_wait3A_80 = tpu.memref_slice %arg13[%add3A_8, %dma_wait3A] : memref<10240x128xf32, #tpu.memory_space<vmem_shared>> -> memref<128x128xf32, #tpu.memory_space<vmem_shared>>
      %dma_wait3A_81 = arith.constant 0 : i32
      %dma_wait3A_82 = tpu.memref_slice %arg13[%add3A_8, %dma_wait3A_81] : memref<10240x128xf32, #tpu.memory_space<vmem_shared>> -> memref<128x128xf32, #tpu.memory_space<vmem_shared>>
      tpu.wait_dma2 semaphore(%run_scoped3A : memref<!tpu.dma_semaphore, #tpu.memory_space<semaphore_mem>>) src(%arg11 : memref<128x128xf32, #tpu.memory_space<vmem>>) dst(%dma_wait3A_82 : memref<128x128xf32, #tpu.memory_space<vmem_shared>>)
      tpu.yield
    }) : () -> ()
    %mul3A_9 = arith.constant 640 : i32
    %mul3A_10 = arith.muli %arg1, %mul3A_9 : i32
    %add3A_11 = arith.constant 256 : i32
    %add3A_12 = arith.addi %mul3A_10, %add3A_11 : i32
    "tpu.region"() ({
      %run_scoped3A = tpu.sem_alloc : memref<!tpu.dma_semaphore, #tpu.memory_space<semaphore_mem>>
      %dma_start3A_76 = arith.constant 0 : i32
      %dma_start3A_77 = tpu.memref_slice %arg13[%add3A_12, %dma_start3A_76] : memref<10240x128xf32, #tpu.memory_space<vmem_shared>> -> memref<128x128xf32, #tpu.memory_space<vmem_shared>>
      %dma_start3A_78 = arith.constant 0 : i32
      %dma_start3A_79 = tpu.memref_slice %arg13[%add3A_12, %dma_start3A_78] : memref<10240x128xf32, #tpu.memory_space<vmem_shared>> -> memref<128x128xf32, #tpu.memory_space<vmem_shared>>
      tpu.enqueue_dma source(%arg11 : memref<128x128xf32, #tpu.memory_space<vmem>>) target(%dma_start3A_79 : memref<128x128xf32, #tpu.memory_space<vmem_shared>>) target_semaphore(%run_scoped3A : memref<!tpu.dma_semaphore, #tpu.memory_space<semaphore_mem>>)
      %dma_wait3A = arith.constant 0 : i32
      %dma_wait3A_80 = tpu.memref_slice %arg13[%add3A_12, %dma_wait3A] : memref<10240x128xf32, #tpu.memory_space<vmem_shared>> -> memref<128x128xf32, #tpu.memory_space<vmem_shared>>
      %dma_wait3A_81 = arith.constant 0 : i32
      %dma_wait3A_82 = tpu.memref_slice %arg13[%add3A_12, %dma_wait3A_81] : memref<10240x128xf32, #tpu.memory_space<vmem_shared>> -> memref<128x128xf32, #tpu.memory_space<vmem_shared>>
      tpu.wait_dma2 semaphore(%run_scoped3A : memref<!tpu.dma_semaphore, #tpu.memory_space<semaphore_mem>>) src(%arg11 : memref<128x128xf32, #tpu.memory_space<vmem>>) dst(%dma_wait3A_82 : memref<128x128xf32, #tpu.memory_space<vmem_shared>>)
      tpu.yield
    }) : () -> ()
    %mul3A_13 = arith.constant 640 : i32
    %mul3A_14 = arith.muli %arg1, %mul3A_13 : i32
    %add3A_15 = arith.constant 384 : i32
    %add3A_16 = arith.addi %mul3A_14, %add3A_15 : i32
    "tpu.region"() ({
      %run_scoped3A = tpu.sem_alloc : memref<!tpu.dma_semaphore, #tpu.memory_space<semaphore_mem>>
      %dma_start3A_76 = arith.constant 0 : i32
      %dma_start3A_77 = tpu.memref_slice %arg13[%add3A_16, %dma_start3A_76] : memref<10240x128xf32, #tpu.memory_space<vmem_shared>> -> memref<128x128xf32, #tpu.memory_space<vmem_shared>>
      %dma_start3A_78 = arith.constant 0 : i32
      %dma_start3A_79 = tpu.memref_slice %arg13[%add3A_16, %dma_start3A_78] : memref<10240x128xf32, #tpu.memory_space<vmem_shared>> -> memref<128x128xf32, #tpu.memory_space<vmem_shared>>
      tpu.enqueue_dma source(%arg11 : memref<128x128xf32, #tpu.memory_space<vmem>>) target(%dma_start3A_79 : memref<128x128xf32, #tpu.memory_space<vmem_shared>>) target_semaphore(%run_scoped3A : memref<!tpu.dma_semaphore, #tpu.memory_space<semaphore_mem>>)
      %dma_wait3A = arith.constant 0 : i32
      %dma_wait3A_80 = tpu.memref_slice %arg13[%add3A_16, %dma_wait3A] : memref<10240x128xf32, #tpu.memory_space<vmem_shared>> -> memref<128x128xf32, #tpu.memory_space<vmem_shared>>
      %dma_wait3A_81 = arith.constant 0 : i32
      %dma_wait3A_82 = tpu.memref_slice %arg13[%add3A_16, %dma_wait3A_81] : memref<10240x128xf32, #tpu.memory_space<vmem_shared>> -> memref<128x128xf32, #tpu.memory_space<vmem_shared>>
      tpu.wait_dma2 semaphore(%run_scoped3A : memref<!tpu.dma_semaphore, #tpu.memory_space<semaphore_mem>>) src(%arg11 : memref<128x128xf32, #tpu.memory_space<vmem>>) dst(%dma_wait3A_82 : memref<128x128xf32, #tpu.memory_space<vmem_shared>>)
      tpu.yield
    }) : () -> ()
    %mul3A_17 = arith.constant 640 : i32
    %mul3A_18 = arith.muli %arg1, %mul3A_17 : i32
    %add3A_19 = arith.constant 512 : i32
    %add3A_20 = arith.addi %mul3A_18, %add3A_19 : i32
    "tpu.region"() ({
      %run_scoped3A = tpu.sem_alloc : memref<!tpu.dma_semaphore, #tpu.memory_space<semaphore_mem>>
      %dma_start3A_76 = arith.constant 0 : i32
      %dma_start3A_77 = tpu.memref_slice %arg13[%add3A_20, %dma_start3A_76] : memref<10240x128xf32, #tpu.memory_space<vmem_shared>> -> memref<128x128xf32, #tpu.memory_space<vmem_shared>>
      %dma_start3A_78 = arith.constant 0 : i32
      %dma_start3A_79 = tpu.memref_slice %arg13[%add3A_20, %dma_start3A_78] : memref<10240x128xf32, #tpu.memory_space<vmem_shared>> -> memref<128x128xf32, #tpu.memory_space<vmem_shared>>
      tpu.enqueue_dma source(%arg11 : memref<128x128xf32, #tpu.memory_space<vmem>>) target(%dma_start3A_79 : memref<128x128xf32, #tpu.memory_space<vmem_shared>>) target_semaphore(%run_scoped3A : memref<!tpu.dma_semaphore, #tpu.memory_space<semaphore_mem>>)
      %dma_wait3A = arith.constant 0 : i32
      %dma_wait3A_80 = tpu.memref_slice %arg13[%add3A_20, %dma_wait3A] : memref<10240x128xf32, #tpu.memory_space<vmem_shared>> -> memref<128x128xf32, #tpu.memory_space<vmem_shared>>
      %dma_wait3A_81 = arith.constant 0 : i32
      %dma_wait3A_82 = tpu.memref_slice %arg13[%add3A_20, %dma_wait3A_81] : memref<10240x128xf32, #tpu.memory_space<vmem_shared>> -> memref<128x128xf32, #tpu.memory_space<vmem_shared>>
      tpu.wait_dma2 semaphore(%run_scoped3A : memref<!tpu.dma_semaphore, #tpu.memory_space<semaphore_mem>>) src(%arg11 : memref<128x128xf32, #tpu.memory_space<vmem>>) dst(%dma_wait3A_82 : memref<128x128xf32, #tpu.memory_space<vmem_shared>>)
      tpu.yield
    }) : () -> ()
    %barrier3A = arith.constant 0 : index
    tpu.barrier barrier_id(%barrier3A)
    %dma_start3A = arith.constant 0 : i32
    %dma_start3A_21 = arith.constant 0 : i32
    %dma_start3A_22 = tpu.memref_slice %arg9[%dma_start3A, %dma_start3A_21] : memref<40x128xi32, #tpu.memory_space<vmem>> -> memref<1x128xi32, #tpu.memory_space<vmem>>
    %dma_start3A_23 = tpu.memref_squeeze %dma_start3A_22 : memref<1x128xi32, #tpu.memory_space<vmem>> -> memref<128xi32, #tpu.memory_space<vmem>>
    %dma_start3A_24 = arith.constant 0 : i32
    %dma_start3A_25 = arith.constant 0 : i32
    %dma_start3A_26 = tpu.memref_slice %arg2[%dma_start3A_24, %dma_start3A_25] : memref<10240x128xf32, #tpu.memory_space<hbm>> -> memref<10240x128xf32, #tpu.memory_space<hbm>>
    tpu.enqueue_indirect_dma source(%dma_start3A_26 : memref<10240x128xf32, #tpu.memory_space<hbm>>) target(%arg11 : memref<128x128xf32, #tpu.memory_space<vmem>>) offsets(%dma_start3A_23 : memref<128xi32, #tpu.memory_space<vmem>>) semaphore(%arg14 : memref<!tpu.dma_semaphore, #tpu.memory_space<semaphore_mem>>)
    %scan3A = arith.constant 0 : i32
    %scan3A_27 = arith.constant 0 : i32
    %scan3A_28 = arith.constant 20 : i32
    %scan3A_29 = arith.addi %scan3A_27, %scan3A_28 : i32
    %scan3A_30 = arith.constant 1 : i32
    scf.for %scan3A_76 = %scan3A_27 to %scan3A_29 step %scan3A_30  : i32 {
      %mul3A_77 = arith.constant 2 : i32
      %mul3A_78 = arith.muli %mul3A_77, %scan3A_76 : i32
      %mul3A_79 = arith.constant 2 : i32
      %mul3A_80 = arith.muli %mul3A_79, %scan3A_76 : i32
      %add3A_81 = arith.constant 1 : i32
      %add3A_82 = arith.addi %mul3A_80, %add3A_81 : i32
      %dma_start3A_83 = arith.constant 0 : i32
      %dma_start3A_84 = tpu.memref_slice %arg9[%add3A_82, %dma_start3A_83] : memref<40x128xi32, #tpu.memory_space<vmem>> -> memref<1x128xi32, #tpu.memory_space<vmem>>
      %dma_start3A_85 = tpu.memref_squeeze %dma_start3A_84 : memref<1x128xi32, #tpu.memory_space<vmem>> -> memref<128xi32, #tpu.memory_space<vmem>>
      %dma_start3A_86 = arith.constant 0 : i32
      %dma_start3A_87 = arith.constant 0 : i32
      %dma_start3A_88 = tpu.memref_slice %arg2[%dma_start3A_86, %dma_start3A_87] : memref<10240x128xf32, #tpu.memory_space<hbm>> -> memref<10240x128xf32, #tpu.memory_space<hbm>>
      tpu.enqueue_indirect_dma source(%dma_start3A_88 : memref<10240x128xf32, #tpu.memory_space<hbm>>) target(%arg12 : memref<128x128xf32, #tpu.memory_space<vmem>>) offsets(%dma_start3A_85 : memref<128xi32, #tpu.memory_space<vmem>>) semaphore(%arg15 : memref<!tpu.dma_semaphore, #tpu.memory_space<semaphore_mem>>)
      %dma_wait3A = arith.constant 0 : i32
      %dma_wait3A_89 = tpu.memref_slice %arg9[%mul3A_78, %dma_wait3A] : memref<40x128xi32, #tpu.memory_space<vmem>> -> memref<1x128xi32, #tpu.memory_space<vmem>>
      %dma_wait3A_90 = tpu.memref_squeeze %dma_wait3A_89 : memref<1x128xi32, #tpu.memory_space<vmem>> -> memref<128xi32, #tpu.memory_space<vmem>>
      %dma_wait3A_91 = arith.constant 0 : i32
      %dma_wait3A_92 = arith.constant 0 : i32
      %dma_wait3A_93 = tpu.memref_slice %arg2[%dma_wait3A_91, %dma_wait3A_92] : memref<10240x128xf32, #tpu.memory_space<hbm>> -> memref<10240x128xf32, #tpu.memory_space<hbm>>
      tpu.wait_indirect_dma semaphore(%arg14 : memref<!tpu.dma_semaphore, #tpu.memory_space<semaphore_mem>>) src(%dma_wait3A_93 : memref<10240x128xf32, #tpu.memory_space<hbm>>) dst(%arg11 : memref<128x128xf32, #tpu.memory_space<vmem>>)
      "tpu.region"() ({
        %run_scoped3A = tpu.sem_alloc : memref<!tpu.dma_semaphore, #tpu.memory_space<semaphore_mem>>
        %dma_start3A_104 = arith.constant 0 : i32
        %dma_start3A_105 = tpu.memref_slice %arg10[%mul3A_78, %dma_start3A_104] : memref<40x128xi32, #tpu.memory_space<vmem>> -> memref<1x128xi32, #tpu.memory_space<vmem>>
        %dma_start3A_106 = tpu.memref_squeeze %dma_start3A_105 : memref<1x128xi32, #tpu.memory_space<vmem>> -> memref<128xi32, #tpu.memory_space<vmem>>
        %dma_start3A_107 = arith.constant 0 : i32
        %dma_start3A_108 = arith.constant 0 : i32
        %dma_start3A_109 = tpu.memref_slice %arg13[%dma_start3A_107, %dma_start3A_108] : memref<10240x128xf32, #tpu.memory_space<vmem_shared>> -> memref<10240x128xf32, #tpu.memory_space<vmem_shared>>
        tpu.enqueue_indirect_dma source(%arg11 : memref<128x128xf32, #tpu.memory_space<vmem>>) target(%dma_start3A_109 : memref<10240x128xf32, #tpu.memory_space<vmem_shared>>) offsets(%dma_start3A_106 : memref<128xi32, #tpu.memory_space<vmem>>) semaphore(%run_scoped3A : memref<!tpu.dma_semaphore, #tpu.memory_space<semaphore_mem>>) {add = true}
        %dma_wait3A_110 = arith.constant 0 : i32
        %dma_wait3A_111 = tpu.memref_slice %arg10[%mul3A_78, %dma_wait3A_110] : memref<40x128xi32, #tpu.memory_space<vmem>> -> memref<1x128xi32, #tpu.memory_space<vmem>>
        %dma_wait3A_112 = tpu.memref_squeeze %dma_wait3A_111 : memref<1x128xi32, #tpu.memory_space<vmem>> -> memref<128xi32, #tpu.memory_space<vmem>>
        %dma_wait3A_113 = arith.constant 0 : i32
        %dma_wait3A_114 = arith.constant 0 : i32
        %dma_wait3A_115 = tpu.memref_slice %arg13[%dma_wait3A_113, %dma_wait3A_114] : memref<10240x128xf32, #tpu.memory_space<vmem_shared>> -> memref<10240x128xf32, #tpu.memory_space<vmem_shared>>
        tpu.wait_indirect_dma semaphore(%run_scoped3A : memref<!tpu.dma_semaphore, #tpu.memory_space<semaphore_mem>>) src(%arg11 : memref<128x128xf32, #tpu.memory_space<vmem>>) dst(%dma_wait3A_115 : memref<10240x128xf32, #tpu.memory_space<vmem_shared>>)
        tpu.yield
      }) : () -> ()
      %add3A_94 = arith.constant 1 : i32
      %add3A_95 = arith.addi %add3A_82, %add3A_94 : i32
      %lt3A = arith.constant 40 : i32
      %lt3A_96 = arith.cmpi slt, %add3A_95, %lt3A : i32
      %convert_element_type3A = arith.extui %lt3A_96 : i1 to i32
      %cond3A = arith.constant 0 : i32
      %cond3A_97 = arith.cmpi ne, %convert_element_type3A, %cond3A : i32
      scf.if %cond3A_97 {
        %add3A_104 = arith.constant 2 : i32
        %add3A_105 = arith.addi %mul3A_78, %add3A_104 : i32
        %dma_start3A_106 = arith.constant 0 : i32
        %dma_start3A_107 = tpu.memref_slice %arg9[%add3A_105, %dma_start3A_106] : memref<40x128xi32, #tpu.memory_space<vmem>> -> memref<1x128xi32, #tpu.memory_space<vmem>>
        %dma_start3A_108 = tpu.memref_squeeze %dma_start3A_107 : memref<1x128xi32, #tpu.memory_space<vmem>> -> memref<128xi32, #tpu.memory_space<vmem>>
        %dma_start3A_109 = arith.constant 0 : i32
        %dma_start3A_110 = arith.constant 0 : i32
        %dma_start3A_111 = tpu.memref_slice %arg2[%dma_start3A_109, %dma_start3A_110] : memref<10240x128xf32, #tpu.memory_space<hbm>> -> memref<10240x128xf32, #tpu.memory_space<hbm>>
        tpu.enqueue_indirect_dma source(%dma_start3A_111 : memref<10240x128xf32, #tpu.memory_space<hbm>>) target(%arg11 : memref<128x128xf32, #tpu.memory_space<vmem>>) offsets(%dma_start3A_108 : memref<128xi32, #tpu.memory_space<vmem>>) semaphore(%arg14 : memref<!tpu.dma_semaphore, #tpu.memory_space<semaphore_mem>>)
      } else {
      }
      %dma_wait3A_98 = arith.constant 0 : i32
      %dma_wait3A_99 = tpu.memref_slice %arg9[%add3A_82, %dma_wait3A_98] : memref<40x128xi32, #tpu.memory_space<vmem>> -> memref<1x128xi32, #tpu.memory_space<vmem>>
      %dma_wait3A_100 = tpu.memref_squeeze %dma_wait3A_99 : memref<1x128xi32, #tpu.memory_space<vmem>> -> memref<128xi32, #tpu.memory_space<vmem>>
      %dma_wait3A_101 = arith.constant 0 : i32
      %dma_wait3A_102 = arith.constant 0 : i32
      %dma_wait3A_103 = tpu.memref_slice %arg2[%dma_wait3A_101, %dma_wait3A_102] : memref<10240x128xf32, #tpu.memory_space<hbm>> -> memref<10240x128xf32, #tpu.memory_space<hbm>>
      tpu.wait_indirect_dma semaphore(%arg15 : memref<!tpu.dma_semaphore, #tpu.memory_space<semaphore_mem>>) src(%dma_wait3A_103 : memref<10240x128xf32, #tpu.memory_space<hbm>>) dst(%arg12 : memref<128x128xf32, #tpu.memory_space<vmem>>)
      "tpu.region"() ({
        %run_scoped3A = tpu.sem_alloc : memref<!tpu.dma_semaphore, #tpu.memory_space<semaphore_mem>>
        %dma_start3A_104 = arith.constant 0 : i32
        %dma_start3A_105 = tpu.memref_slice %arg10[%add3A_82, %dma_start3A_104] : memref<40x128xi32, #tpu.memory_space<vmem>> -> memref<1x128xi32, #tpu.memory_space<vmem>>
        %dma_start3A_106 = tpu.memref_squeeze %dma_start3A_105 : memref<1x128xi32, #tpu.memory_space<vmem>> -> memref<128xi32, #tpu.memory_space<vmem>>
        %dma_start3A_107 = arith.constant 0 : i32
        %dma_start3A_108 = arith.constant 0 : i32
        %dma_start3A_109 = tpu.memref_slice %arg13[%dma_start3A_107, %dma_start3A_108] : memref<10240x128xf32, #tpu.memory_space<vmem_shared>> -> memref<10240x128xf32, #tpu.memory_space<vmem_shared>>
        tpu.enqueue_indirect_dma source(%arg12 : memref<128x128xf32, #tpu.memory_space<vmem>>) target(%dma_start3A_109 : memref<10240x128xf32, #tpu.memory_space<vmem_shared>>) offsets(%dma_start3A_106 : memref<128xi32, #tpu.memory_space<vmem>>) semaphore(%run_scoped3A : memref<!tpu.dma_semaphore, #tpu.memory_space<semaphore_mem>>) {add = true}
        %dma_wait3A_110 = arith.constant 0 : i32
        %dma_wait3A_111 = tpu.memref_slice %arg10[%add3A_82, %dma_wait3A_110] : memref<40x128xi32, #tpu.memory_space<vmem>> -> memref<1x128xi32, #tpu.memory_space<vmem>>
        %dma_wait3A_112 = tpu.memref_squeeze %dma_wait3A_111 : memref<1x128xi32, #tpu.memory_space<vmem>> -> memref<128xi32, #tpu.memory_space<vmem>>
        %dma_wait3A_113 = arith.constant 0 : i32
        %dma_wait3A_114 = arith.constant 0 : i32
        %dma_wait3A_115 = tpu.memref_slice %arg13[%dma_wait3A_113, %dma_wait3A_114] : memref<10240x128xf32, #tpu.memory_space<vmem_shared>> -> memref<10240x128xf32, #tpu.memory_space<vmem_shared>>
        tpu.wait_indirect_dma semaphore(%run_scoped3A : memref<!tpu.dma_semaphore, #tpu.memory_space<semaphore_mem>>) src(%arg12 : memref<128x128xf32, #tpu.memory_space<vmem>>) dst(%dma_wait3A_115 : memref<10240x128xf32, #tpu.memory_space<vmem_shared>>)
        tpu.yield
      }) : () -> ()
    }
    %scan3A_31 = arith.constant 20 : i32
    %barrier3A_32 = arith.constant 0 : index
    tpu.barrier barrier_id(%barrier3A_32)
    %mul3A_33 = arith.constant 640 : i32
    %mul3A_34 = arith.muli %arg1, %mul3A_33 : i32
    %mul3A_35 = arith.constant 640 : i32
    %mul3A_36 = arith.muli %arg1, %mul3A_35 : i32
    "tpu.region"() ({
      %run_scoped3A = tpu.sem_alloc : memref<!tpu.dma_semaphore, #tpu.memory_space<semaphore_mem>>
      %dma_start3A_76 = arith.constant 0 : i32
      %dma_start3A_77 = tpu.memref_slice %arg7[%arg0, %mul3A_36, %dma_start3A_76] : memref<2x10240x128xf32, #tpu.memory_space<hbm>> -> memref<1x640x128xf32, #tpu.memory_space<hbm>>
      %dma_start3A_78 = tpu.memref_squeeze %dma_start3A_77 : memref<1x640x128xf32, #tpu.memory_space<hbm>> -> memref<640x128xf32, #tpu.memory_space<hbm>>
      %dma_start3A_79 = arith.constant 0 : i32
      %dma_start3A_80 = tpu.memref_slice %arg13[%mul3A_34, %dma_start3A_79] : memref<10240x128xf32, #tpu.memory_space<vmem_shared>> -> memref<640x128xf32, #tpu.memory_space<vmem_shared>>
      tpu.enqueue_dma source(%dma_start3A_80 : memref<640x128xf32, #tpu.memory_space<vmem_shared>>) target(%dma_start3A_78 : memref<640x128xf32, #tpu.memory_space<hbm>>) target_semaphore(%run_scoped3A : memref<!tpu.dma_semaphore, #tpu.memory_space<semaphore_mem>>)
      %dma_wait3A = arith.constant 0 : i32
      %dma_wait3A_81 = tpu.memref_slice %arg7[%arg0, %mul3A_36, %dma_wait3A] : memref<2x10240x128xf32, #tpu.memory_space<hbm>> -> memref<1x640x128xf32, #tpu.memory_space<hbm>>
      %dma_wait3A_82 = tpu.memref_squeeze %dma_wait3A_81 : memref<1x640x128xf32, #tpu.memory_space<hbm>> -> memref<640x128xf32, #tpu.memory_space<hbm>>
      %dma_wait3A_83 = arith.constant 0 : i32
      %dma_wait3A_84 = tpu.memref_slice %arg13[%mul3A_34, %dma_wait3A_83] : memref<10240x128xf32, #tpu.memory_space<vmem_shared>> -> memref<640x128xf32, #tpu.memory_space<vmem_shared>>
      tpu.wait_dma2 semaphore(%run_scoped3A : memref<!tpu.dma_semaphore, #tpu.memory_space<semaphore_mem>>) src(%dma_wait3A_84 : memref<640x128xf32, #tpu.memory_space<vmem_shared>>) dst(%dma_wait3A_82 : memref<640x128xf32, #tpu.memory_space<hbm>>)
      tpu.yield
    }) : () -> ()
    "tpu.region"() ({
      %run_scoped3A = tpu.sem_alloc : memref<!tpu.dma_semaphore, #tpu.memory_space<semaphore_mem>>
      tpu.enqueue_dma source(%arg6 : memref<128x128xf32, #tpu.memory_space<hbm>>) target(%arg11 : memref<128x128xf32, #tpu.memory_space<vmem>>) target_semaphore(%run_scoped3A : memref<!tpu.dma_semaphore, #tpu.memory_space<semaphore_mem>>)
      tpu.wait_dma2 semaphore(%run_scoped3A : memref<!tpu.dma_semaphore, #tpu.memory_space<semaphore_mem>>) src(%arg6 : memref<128x128xf32, #tpu.memory_space<hbm>>) dst(%arg11 : memref<128x128xf32, #tpu.memory_space<vmem>>)
      tpu.yield
    }) : () -> ()
    %mul3A_37 = arith.constant 640 : i32
    %mul3A_38 = arith.muli %arg1, %mul3A_37 : i32
    %add3A_39 = arith.constant 0 : i32
    %add3A_40 = arith.addi %mul3A_38, %add3A_39 : i32
    "tpu.region"() ({
      %run_scoped3A = tpu.sem_alloc : memref<!tpu.dma_semaphore, #tpu.memory_space<semaphore_mem>>
      %dma_start3A_76 = arith.constant 0 : i32
      %dma_start3A_77 = tpu.memref_slice %arg13[%add3A_40, %dma_start3A_76] : memref<10240x128xf32, #tpu.memory_space<vmem_shared>> -> memref<128x128xf32, #tpu.memory_space<vmem_shared>>
      %dma_start3A_78 = arith.constant 0 : i32
      %dma_start3A_79 = tpu.memref_slice %arg13[%add3A_40, %dma_start3A_78] : memref<10240x128xf32, #tpu.memory_space<vmem_shared>> -> memref<128x128xf32, #tpu.memory_space<vmem_shared>>
      tpu.enqueue_dma source(%arg11 : memref<128x128xf32, #tpu.memory_space<vmem>>) target(%dma_start3A_79 : memref<128x128xf32, #tpu.memory_space<vmem_shared>>) target_semaphore(%run_scoped3A : memref<!tpu.dma_semaphore, #tpu.memory_space<semaphore_mem>>)
      %dma_wait3A = arith.constant 0 : i32
      %dma_wait3A_80 = tpu.memref_slice %arg13[%add3A_40, %dma_wait3A] : memref<10240x128xf32, #tpu.memory_space<vmem_shared>> -> memref<128x128xf32, #tpu.memory_space<vmem_shared>>
      %dma_wait3A_81 = arith.constant 0 : i32
      %dma_wait3A_82 = tpu.memref_slice %arg13[%add3A_40, %dma_wait3A_81] : memref<10240x128xf32, #tpu.memory_space<vmem_shared>> -> memref<128x128xf32, #tpu.memory_space<vmem_shared>>
      tpu.wait_dma2 semaphore(%run_scoped3A : memref<!tpu.dma_semaphore, #tpu.memory_space<semaphore_mem>>) src(%arg11 : memref<128x128xf32, #tpu.memory_space<vmem>>) dst(%dma_wait3A_82 : memref<128x128xf32, #tpu.memory_space<vmem_shared>>)
      tpu.yield
    }) : () -> ()
    %mul3A_41 = arith.constant 640 : i32
    %mul3A_42 = arith.muli %arg1, %mul3A_41 : i32
    %add3A_43 = arith.constant 128 : i32
    %add3A_44 = arith.addi %mul3A_42, %add3A_43 : i32
    "tpu.region"() ({
      %run_scoped3A = tpu.sem_alloc : memref<!tpu.dma_semaphore, #tpu.memory_space<semaphore_mem>>
      %dma_start3A_76 = arith.constant 0 : i32
      %dma_start3A_77 = tpu.memref_slice %arg13[%add3A_44, %dma_start3A_76] : memref<10240x128xf32, #tpu.memory_space<vmem_shared>> -> memref<128x128xf32, #tpu.memory_space<vmem_shared>>
      %dma_start3A_78 = arith.constant 0 : i32
      %dma_start3A_79 = tpu.memref_slice %arg13[%add3A_44, %dma_start3A_78] : memref<10240x128xf32, #tpu.memory_space<vmem_shared>> -> memref<128x128xf32, #tpu.memory_space<vmem_shared>>
      tpu.enqueue_dma source(%arg11 : memref<128x128xf32, #tpu.memory_space<vmem>>) target(%dma_start3A_79 : memref<128x128xf32, #tpu.memory_space<vmem_shared>>) target_semaphore(%run_scoped3A : memref<!tpu.dma_semaphore, #tpu.memory_space<semaphore_mem>>)
      %dma_wait3A = arith.constant 0 : i32
      %dma_wait3A_80 = tpu.memref_slice %arg13[%add3A_44, %dma_wait3A] : memref<10240x128xf32, #tpu.memory_space<vmem_shared>> -> memref<128x128xf32, #tpu.memory_space<vmem_shared>>
      %dma_wait3A_81 = arith.constant 0 : i32
      %dma_wait3A_82 = tpu.memref_slice %arg13[%add3A_44, %dma_wait3A_81] : memref<10240x128xf32, #tpu.memory_space<vmem_shared>> -> memref<128x128xf32, #tpu.memory_space<vmem_shared>>
      tpu.wait_dma2 semaphore(%run_scoped3A : memref<!tpu.dma_semaphore, #tpu.memory_space<semaphore_mem>>) src(%arg11 : memref<128x128xf32, #tpu.memory_space<vmem>>) dst(%dma_wait3A_82 : memref<128x128xf32, #tpu.memory_space<vmem_shared>>)
      tpu.yield
    }) : () -> ()
    %mul3A_45 = arith.constant 640 : i32
    %mul3A_46 = arith.muli %arg1, %mul3A_45 : i32
    %add3A_47 = arith.constant 256 : i32
    %add3A_48 = arith.addi %mul3A_46, %add3A_47 : i32
    "tpu.region"() ({
      %run_scoped3A = tpu.sem_alloc : memref<!tpu.dma_semaphore, #tpu.memory_space<semaphore_mem>>
      %dma_start3A_76 = arith.constant 0 : i32
      %dma_start3A_77 = tpu.memref_slice %arg13[%add3A_48, %dma_start3A_76] : memref<10240x128xf32, #tpu.memory_space<vmem_shared>> -> memref<128x128xf32, #tpu.memory_space<vmem_shared>>
      %dma_start3A_78 = arith.constant 0 : i32
      %dma_start3A_79 = tpu.memref_slice %arg13[%add3A_48, %dma_start3A_78] : memref<10240x128xf32, #tpu.memory_space<vmem_shared>> -> memref<128x128xf32, #tpu.memory_space<vmem_shared>>
      tpu.enqueue_dma source(%arg11 : memref<128x128xf32, #tpu.memory_space<vmem>>) target(%dma_start3A_79 : memref<128x128xf32, #tpu.memory_space<vmem_shared>>) target_semaphore(%run_scoped3A : memref<!tpu.dma_semaphore, #tpu.memory_space<semaphore_mem>>)
      %dma_wait3A = arith.constant 0 : i32
      %dma_wait3A_80 = tpu.memref_slice %arg13[%add3A_48, %dma_wait3A] : memref<10240x128xf32, #tpu.memory_space<vmem_shared>> -> memref<128x128xf32, #tpu.memory_space<vmem_shared>>
      %dma_wait3A_81 = arith.constant 0 : i32
      %dma_wait3A_82 = tpu.memref_slice %arg13[%add3A_48, %dma_wait3A_81] : memref<10240x128xf32, #tpu.memory_space<vmem_shared>> -> memref<128x128xf32, #tpu.memory_space<vmem_shared>>
      tpu.wait_dma2 semaphore(%run_scoped3A : memref<!tpu.dma_semaphore, #tpu.memory_space<semaphore_mem>>) src(%arg11 : memref<128x128xf32, #tpu.memory_space<vmem>>) dst(%dma_wait3A_82 : memref<128x128xf32, #tpu.memory_space<vmem_shared>>)
      tpu.yield
    }) : () -> ()
    %mul3A_49 = arith.constant 640 : i32
    %mul3A_50 = arith.muli %arg1, %mul3A_49 : i32
    %add3A_51 = arith.constant 384 : i32
    %add3A_52 = arith.addi %mul3A_50, %add3A_51 : i32
    "tpu.region"() ({
      %run_scoped3A = tpu.sem_alloc : memref<!tpu.dma_semaphore, #tpu.memory_space<semaphore_mem>>
      %dma_start3A_76 = arith.constant 0 : i32
      %dma_start3A_77 = tpu.memref_slice %arg13[%add3A_52, %dma_start3A_76] : memref<10240x128xf32, #tpu.memory_space<vmem_shared>> -> memref<128x128xf32, #tpu.memory_space<vmem_shared>>
      %dma_start3A_78 = arith.constant 0 : i32
      %dma_start3A_79 = tpu.memref_slice %arg13[%add3A_52, %dma_start3A_78] : memref<10240x128xf32, #tpu.memory_space<vmem_shared>> -> memref<128x128xf32, #tpu.memory_space<vmem_shared>>
      tpu.enqueue_dma source(%arg11 : memref<128x128xf32, #tpu.memory_space<vmem>>) target(%dma_start3A_79 : memref<128x128xf32, #tpu.memory_space<vmem_shared>>) target_semaphore(%run_scoped3A : memref<!tpu.dma_semaphore, #tpu.memory_space<semaphore_mem>>)
      %dma_wait3A = arith.constant 0 : i32
      %dma_wait3A_80 = tpu.memref_slice %arg13[%add3A_52, %dma_wait3A] : memref<10240x128xf32, #tpu.memory_space<vmem_shared>> -> memref<128x128xf32, #tpu.memory_space<vmem_shared>>
      %dma_wait3A_81 = arith.constant 0 : i32
      %dma_wait3A_82 = tpu.memref_slice %arg13[%add3A_52, %dma_wait3A_81] : memref<10240x128xf32, #tpu.memory_space<vmem_shared>> -> memref<128x128xf32, #tpu.memory_space<vmem_shared>>
      tpu.wait_dma2 semaphore(%run_scoped3A : memref<!tpu.dma_semaphore, #tpu.memory_space<semaphore_mem>>) src(%arg11 : memref<128x128xf32, #tpu.memory_space<vmem>>) dst(%dma_wait3A_82 : memref<128x128xf32, #tpu.memory_space<vmem_shared>>)
      tpu.yield
    }) : () -> ()
    %mul3A_53 = arith.constant 640 : i32
    %mul3A_54 = arith.muli %arg1, %mul3A_53 : i32
    %add3A_55 = arith.constant 512 : i32
    %add3A_56 = arith.addi %mul3A_54, %add3A_55 : i32
    "tpu.region"() ({
      %run_scoped3A = tpu.sem_alloc : memref<!tpu.dma_semaphore, #tpu.memory_space<semaphore_mem>>
      %dma_start3A_76 = arith.constant 0 : i32
      %dma_start3A_77 = tpu.memref_slice %arg13[%add3A_56, %dma_start3A_76] : memref<10240x128xf32, #tpu.memory_space<vmem_shared>> -> memref<128x128xf32, #tpu.memory_space<vmem_shared>>
      %dma_start3A_78 = arith.constant 0 : i32
      %dma_start3A_79 = tpu.memref_slice %arg13[%add3A_56, %dma_start3A_78] : memref<10240x128xf32, #tpu.memory_space<vmem_shared>> -> memref<128x128xf32, #tpu.memory_space<vmem_shared>>
      tpu.enqueue_dma source(%arg11 : memref<128x128xf32, #tpu.memory_space<vmem>>) target(%dma_start3A_79 : memref<128x128xf32, #tpu.memory_space<vmem_shared>>) target_semaphore(%run_scoped3A : memref<!tpu.dma_semaphore, #tpu.memory_space<semaphore_mem>>)
      %dma_wait3A = arith.constant 0 : i32
      %dma_wait3A_80 = tpu.memref_slice %arg13[%add3A_56, %dma_wait3A] : memref<10240x128xf32, #tpu.memory_space<vmem_shared>> -> memref<128x128xf32, #tpu.memory_space<vmem_shared>>
      %dma_wait3A_81 = arith.constant 0 : i32
      %dma_wait3A_82 = tpu.memref_slice %arg13[%add3A_56, %dma_wait3A_81] : memref<10240x128xf32, #tpu.memory_space<vmem_shared>> -> memref<128x128xf32, #tpu.memory_space<vmem_shared>>
      tpu.wait_dma2 semaphore(%run_scoped3A : memref<!tpu.dma_semaphore, #tpu.memory_space<semaphore_mem>>) src(%arg11 : memref<128x128xf32, #tpu.memory_space<vmem>>) dst(%dma_wait3A_82 : memref<128x128xf32, #tpu.memory_space<vmem_shared>>)
      tpu.yield
    }) : () -> ()
    %barrier3A_57 = arith.constant 0 : index
    tpu.barrier barrier_id(%barrier3A_57)
    %dma_start3A_58 = arith.constant 0 : i32
    %dma_start3A_59 = arith.constant 0 : i32
    %dma_start3A_60 = tpu.memref_slice %arg9[%dma_start3A_58, %dma_start3A_59] : memref<40x128xi32, #tpu.memory_space<vmem>> -> memref<1x128xi32, #tpu.memory_space<vmem>>
    %dma_start3A_61 = tpu.memref_squeeze %dma_start3A_60 : memref<1x128xi32, #tpu.memory_space<vmem>> -> memref<128xi32, #tpu.memory_space<vmem>>
    %dma_start3A_62 = arith.constant 0 : i32
    %dma_start3A_63 = arith.constant 0 : i32
    %dma_start3A_64 = tpu.memref_slice %arg3[%dma_start3A_62, %dma_start3A_63] : memref<10240x128xf32, #tpu.memory_space<hbm>> -> memref<10240x128xf32, #tpu.memory_space<hbm>>
    tpu.enqueue_indirect_dma source(%dma_start3A_64 : memref<10240x128xf32, #tpu.memory_space<hbm>>) target(%arg11 : memref<128x128xf32, #tpu.memory_space<vmem>>) offsets(%dma_start3A_61 : memref<128xi32, #tpu.memory_space<vmem>>) semaphore(%arg14 : memref<!tpu.dma_semaphore, #tpu.memory_space<semaphore_mem>>)
    %scan3A_65 = arith.constant 0 : i32
    %scan3A_66 = arith.constant 0 : i32
    %scan3A_67 = arith.constant 20 : i32
    %scan3A_68 = arith.addi %scan3A_66, %scan3A_67 : i32
    %scan3A_69 = arith.constant 1 : i32
    scf.for %scan3A_76 = %scan3A_66 to %scan3A_68 step %scan3A_69  : i32 {
      %mul3A_77 = arith.constant 2 : i32
      %mul3A_78 = arith.muli %mul3A_77, %scan3A_76 : i32
      %mul3A_79 = arith.constant 2 : i32
      %mul3A_80 = arith.muli %mul3A_79, %scan3A_76 : i32
      %add3A_81 = arith.constant 1 : i32
      %add3A_82 = arith.addi %mul3A_80, %add3A_81 : i32
      %dma_start3A_83 = arith.constant 0 : i32
      %dma_start3A_84 = tpu.memref_slice %arg9[%add3A_82, %dma_start3A_83] : memref<40x128xi32, #tpu.memory_space<vmem>> -> memref<1x128xi32, #tpu.memory_space<vmem>>
      %dma_start3A_85 = tpu.memref_squeeze %dma_start3A_84 : memref<1x128xi32, #tpu.memory_space<vmem>> -> memref<128xi32, #tpu.memory_space<vmem>>
      %dma_start3A_86 = arith.constant 0 : i32
      %dma_start3A_87 = arith.constant 0 : i32
      %dma_start3A_88 = tpu.memref_slice %arg3[%dma_start3A_86, %dma_start3A_87] : memref<10240x128xf32, #tpu.memory_space<hbm>> -> memref<10240x128xf32, #tpu.memory_space<hbm>>
      tpu.enqueue_indirect_dma source(%dma_start3A_88 : memref<10240x128xf32, #tpu.memory_space<hbm>>) target(%arg12 : memref<128x128xf32, #tpu.memory_space<vmem>>) offsets(%dma_start3A_85 : memref<128xi32, #tpu.memory_space<vmem>>) semaphore(%arg15 : memref<!tpu.dma_semaphore, #tpu.memory_space<semaphore_mem>>)
      %dma_wait3A = arith.constant 0 : i32
      %dma_wait3A_89 = tpu.memref_slice %arg9[%mul3A_78, %dma_wait3A] : memref<40x128xi32, #tpu.memory_space<vmem>> -> memref<1x128xi32, #tpu.memory_space<vmem>>
      %dma_wait3A_90 = tpu.memref_squeeze %dma_wait3A_89 : memref<1x128xi32, #tpu.memory_space<vmem>> -> memref<128xi32, #tpu.memory_space<vmem>>
      %dma_wait3A_91 = arith.constant 0 : i32
      %dma_wait3A_92 = arith.constant 0 : i32
      %dma_wait3A_93 = tpu.memref_slice %arg3[%dma_wait3A_91, %dma_wait3A_92] : memref<10240x128xf32, #tpu.memory_space<hbm>> -> memref<10240x128xf32, #tpu.memory_space<hbm>>
      tpu.wait_indirect_dma semaphore(%arg14 : memref<!tpu.dma_semaphore, #tpu.memory_space<semaphore_mem>>) src(%dma_wait3A_93 : memref<10240x128xf32, #tpu.memory_space<hbm>>) dst(%arg11 : memref<128x128xf32, #tpu.memory_space<vmem>>)
      "tpu.region"() ({
        %run_scoped3A = tpu.sem_alloc : memref<!tpu.dma_semaphore, #tpu.memory_space<semaphore_mem>>
        %dma_start3A_104 = arith.constant 0 : i32
        %dma_start3A_105 = tpu.memref_slice %arg10[%mul3A_78, %dma_start3A_104] : memref<40x128xi32, #tpu.memory_space<vmem>> -> memref<1x128xi32, #tpu.memory_space<vmem>>
        %dma_start3A_106 = tpu.memref_squeeze %dma_start3A_105 : memref<1x128xi32, #tpu.memory_space<vmem>> -> memref<128xi32, #tpu.memory_space<vmem>>
        %dma_start3A_107 = arith.constant 0 : i32
        %dma_start3A_108 = arith.constant 0 : i32
        %dma_start3A_109 = tpu.memref_slice %arg13[%dma_start3A_107, %dma_start3A_108] : memref<10240x128xf32, #tpu.memory_space<vmem_shared>> -> memref<10240x128xf32, #tpu.memory_space<vmem_shared>>
        tpu.enqueue_indirect_dma source(%arg11 : memref<128x128xf32, #tpu.memory_space<vmem>>) target(%dma_start3A_109 : memref<10240x128xf32, #tpu.memory_space<vmem_shared>>) offsets(%dma_start3A_106 : memref<128xi32, #tpu.memory_space<vmem>>) semaphore(%run_scoped3A : memref<!tpu.dma_semaphore, #tpu.memory_space<semaphore_mem>>) {add = true}
        %dma_wait3A_110 = arith.constant 0 : i32
        %dma_wait3A_111 = tpu.memref_slice %arg10[%mul3A_78, %dma_wait3A_110] : memref<40x128xi32, #tpu.memory_space<vmem>> -> memref<1x128xi32, #tpu.memory_space<vmem>>
        %dma_wait3A_112 = tpu.memref_squeeze %dma_wait3A_111 : memref<1x128xi32, #tpu.memory_space<vmem>> -> memref<128xi32, #tpu.memory_space<vmem>>
        %dma_wait3A_113 = arith.constant 0 : i32
        %dma_wait3A_114 = arith.constant 0 : i32
        %dma_wait3A_115 = tpu.memref_slice %arg13[%dma_wait3A_113, %dma_wait3A_114] : memref<10240x128xf32, #tpu.memory_space<vmem_shared>> -> memref<10240x128xf32, #tpu.memory_space<vmem_shared>>
        tpu.wait_indirect_dma semaphore(%run_scoped3A : memref<!tpu.dma_semaphore, #tpu.memory_space<semaphore_mem>>) src(%arg11 : memref<128x128xf32, #tpu.memory_space<vmem>>) dst(%dma_wait3A_115 : memref<10240x128xf32, #tpu.memory_space<vmem_shared>>)
        tpu.yield
      }) : () -> ()
      %add3A_94 = arith.constant 1 : i32
      %add3A_95 = arith.addi %add3A_82, %add3A_94 : i32
      %lt3A = arith.constant 40 : i32
      %lt3A_96 = arith.cmpi slt, %add3A_95, %lt3A : i32
      %convert_element_type3A = arith.extui %lt3A_96 : i1 to i32
      %cond3A = arith.constant 0 : i32
      %cond3A_97 = arith.cmpi ne, %convert_element_type3A, %cond3A : i32
      scf.if %cond3A_97 {
        %add3A_104 = arith.constant 2 : i32
        %add3A_105 = arith.addi %mul3A_78, %add3A_104 : i32
        %dma_start3A_106 = arith.constant 0 : i32
        %dma_start3A_107 = tpu.memref_slice %arg9[%add3A_105, %dma_start3A_106] : memref<40x128xi32, #tpu.memory_space<vmem>> -> memref<1x128xi32, #tpu.memory_space<vmem>>
        %dma_start3A_108 = tpu.memref_squeeze %dma_start3A_107 : memref<1x128xi32, #tpu.memory_space<vmem>> -> memref<128xi32, #tpu.memory_space<vmem>>
        %dma_start3A_109 = arith.constant 0 : i32
        %dma_start3A_110 = arith.constant 0 : i32
        %dma_start3A_111 = tpu.memref_slice %arg3[%dma_start3A_109, %dma_start3A_110] : memref<10240x128xf32, #tpu.memory_space<hbm>> -> memref<10240x128xf32, #tpu.memory_space<hbm>>
        tpu.enqueue_indirect_dma source(%dma_start3A_111 : memref<10240x128xf32, #tpu.memory_space<hbm>>) target(%arg11 : memref<128x128xf32, #tpu.memory_space<vmem>>) offsets(%dma_start3A_108 : memref<128xi32, #tpu.memory_space<vmem>>) semaphore(%arg14 : memref<!tpu.dma_semaphore, #tpu.memory_space<semaphore_mem>>)
      } else {
      }
      %dma_wait3A_98 = arith.constant 0 : i32
      %dma_wait3A_99 = tpu.memref_slice %arg9[%add3A_82, %dma_wait3A_98] : memref<40x128xi32, #tpu.memory_space<vmem>> -> memref<1x128xi32, #tpu.memory_space<vmem>>
      %dma_wait3A_100 = tpu.memref_squeeze %dma_wait3A_99 : memref<1x128xi32, #tpu.memory_space<vmem>> -> memref<128xi32, #tpu.memory_space<vmem>>
      %dma_wait3A_101 = arith.constant 0 : i32
      %dma_wait3A_102 = arith.constant 0 : i32
      %dma_wait3A_103 = tpu.memref_slice %arg3[%dma_wait3A_101, %dma_wait3A_102] : memref<10240x128xf32, #tpu.memory_space<hbm>> -> memref<10240x128xf32, #tpu.memory_space<hbm>>
      tpu.wait_indirect_dma semaphore(%arg15 : memref<!tpu.dma_semaphore, #tpu.memory_space<semaphore_mem>>) src(%dma_wait3A_103 : memref<10240x128xf32, #tpu.memory_space<hbm>>) dst(%arg12 : memref<128x128xf32, #tpu.memory_space<vmem>>)
      "tpu.region"() ({
        %run_scoped3A = tpu.sem_alloc : memref<!tpu.dma_semaphore, #tpu.memory_space<semaphore_mem>>
        %dma_start3A_104 = arith.constant 0 : i32
        %dma_start3A_105 = tpu.memref_slice %arg10[%add3A_82, %dma_start3A_104] : memref<40x128xi32, #tpu.memory_space<vmem>> -> memref<1x128xi32, #tpu.memory_space<vmem>>
        %dma_start3A_106 = tpu.memref_squeeze %dma_start3A_105 : memref<1x128xi32, #tpu.memory_space<vmem>> -> memref<128xi32, #tpu.memory_space<vmem>>
        %dma_start3A_107 = arith.constant 0 : i32
        %dma_start3A_108 = arith.constant 0 : i32
        %dma_start3A_109 = tpu.memref_slice %arg13[%dma_start3A_107, %dma_start3A_108] : memref<10240x128xf32, #tpu.memory_space<vmem_shared>> -> memref<10240x128xf32, #tpu.memory_space<vmem_shared>>
        tpu.enqueue_indirect_dma source(%arg12 : memref<128x128xf32, #tpu.memory_space<vmem>>) target(%dma_start3A_109 : memref<10240x128xf32, #tpu.memory_space<vmem_shared>>) offsets(%dma_start3A_106 : memref<128xi32, #tpu.memory_space<vmem>>) semaphore(%run_scoped3A : memref<!tpu.dma_semaphore, #tpu.memory_space<semaphore_mem>>) {add = true}
        %dma_wait3A_110 = arith.constant 0 : i32
        %dma_wait3A_111 = tpu.memref_slice %arg10[%add3A_82, %dma_wait3A_110] : memref<40x128xi32, #tpu.memory_space<vmem>> -> memref<1x128xi32, #tpu.memory_space<vmem>>
        %dma_wait3A_112 = tpu.memref_squeeze %dma_wait3A_111 : memref<1x128xi32, #tpu.memory_space<vmem>> -> memref<128xi32, #tpu.memory_space<vmem>>
        %dma_wait3A_113 = arith.constant 0 : i32
        %dma_wait3A_114 = arith.constant 0 : i32
        %dma_wait3A_115 = tpu.memref_slice %arg13[%dma_wait3A_113, %dma_wait3A_114] : memref<10240x128xf32, #tpu.memory_space<vmem_shared>> -> memref<10240x128xf32, #tpu.memory_space<vmem_shared>>
        tpu.wait_indirect_dma semaphore(%run_scoped3A : memref<!tpu.dma_semaphore, #tpu.memory_space<semaphore_mem>>) src(%arg12 : memref<128x128xf32, #tpu.memory_space<vmem>>) dst(%dma_wait3A_115 : memref<10240x128xf32, #tpu.memory_space<vmem_shared>>)
        tpu.yield
      }) : () -> ()
    }
    %scan3A_70 = arith.constant 20 : i32
    %barrier3A_71 = arith.constant 0 : index
    tpu.barrier barrier_id(%barrier3A_71)
    %mul3A_72 = arith.constant 640 : i32
    %mul3A_73 = arith.muli %arg1, %mul3A_72 : i32
    %mul3A_74 = arith.constant 640 : i32
    %mul3A_75 = arith.muli %arg1, %mul3A_74 : i32
    "tpu.region"() ({
      %run_scoped3A = tpu.sem_alloc : memref<!tpu.dma_semaphore, #tpu.memory_space<semaphore_mem>>
      %dma_start3A_76 = arith.constant 0 : i32
      %dma_start3A_77 = tpu.memref_slice %arg8[%arg0, %mul3A_75, %dma_start3A_76] : memref<2x10240x128xf32, #tpu.memory_space<hbm>> -> memref<1x640x128xf32, #tpu.memory_space<hbm>>
      %dma_start3A_78 = tpu.memref_squeeze %dma_start3A_77 : memref<1x640x128xf32, #tpu.memory_space<hbm>> -> memref<640x128xf32, #tpu.memory_space<hbm>>
      %dma_start3A_79 = arith.constant 0 : i32
      %dma_start3A_80 = tpu.memref_slice %arg13[%mul3A_73, %dma_start3A_79] : memref<10240x128xf32, #tpu.memory_space<vmem_shared>> -> memref<640x128xf32, #tpu.memory_space<vmem_shared>>
      tpu.enqueue_dma source(%dma_start3A_80 : memref<640x128xf32, #tpu.memory_space<vmem_shared>>) target(%dma_start3A_78 : memref<640x128xf32, #tpu.memory_space<hbm>>) target_semaphore(%run_scoped3A : memref<!tpu.dma_semaphore, #tpu.memory_space<semaphore_mem>>)
      %dma_wait3A = arith.constant 0 : i32
      %dma_wait3A_81 = tpu.memref_slice %arg8[%arg0, %mul3A_75, %dma_wait3A] : memref<2x10240x128xf32, #tpu.memory_space<hbm>> -> memref<1x640x128xf32, #tpu.memory_space<hbm>>
      %dma_wait3A_82 = tpu.memref_squeeze %dma_wait3A_81 : memref<1x640x128xf32, #tpu.memory_space<hbm>> -> memref<640x128xf32, #tpu.memory_space<hbm>>
      %dma_wait3A_83 = arith.constant 0 : i32
      %dma_wait3A_84 = tpu.memref_slice %arg13[%mul3A_73, %dma_wait3A_83] : memref<10240x128xf32, #tpu.memory_space<vmem_shared>> -> memref<640x128xf32, #tpu.memory_space<vmem_shared>>
      tpu.wait_dma2 semaphore(%run_scoped3A : memref<!tpu.dma_semaphore, #tpu.memory_space<semaphore_mem>>) src(%dma_wait3A_84 : memref<640x128xf32, #tpu.memory_space<vmem_shared>>) dst(%dma_wait3A_82 : memref<640x128xf32, #tpu.memory_space<hbm>>)
      tpu.yield
    }) : () -> ()
    return
  }
}

#map = affine_map<(d0, d1) -> (0, 0)>
#map1 = affine_map<(d0, d1) -> (0, 0, 0)>
module attributes {stable_mosaic.version = 14 : i64} {
  func.func @_spmm_body(%arg0: i32, %arg1: i32, %arg2: memref<10240x16xf32, #tpu.memory_space<hbm>>, %arg3: memref<32x40x128xi32, #tpu.memory_space<hbm>>, %arg4: memref<32x40x128xi32, #tpu.memory_space<hbm>>, %arg5: memref<128x16xf32, #tpu.memory_space<hbm>>, %arg6: memref<2x10240x16xf32, #tpu.memory_space<hbm>>, %arg7: memref<40x128xi32, #tpu.memory_space<vmem>>, %arg8: memref<40x128xi32, #tpu.memory_space<vmem>>, %arg9: memref<128x16xf32, #tpu.memory_space<vmem>>, %arg10: memref<128x16xf32, #tpu.memory_space<vmem>>, %arg11: memref<10240x16xf32, #tpu.memory_space<vmem_shared>>, %arg12: memref<!tpu.dma_semaphore, #tpu.memory_space<semaphore_mem>>, %arg13: memref<!tpu.dma_semaphore, #tpu.memory_space<semaphore_mem>>) attributes {dimension_semantics = [#tpu.dimension_semantics<core_parallel>, #tpu.dimension_semantics<subcore_parallel>], iteration_bounds = array<i64: 2, 16>, scalar_prefetch = 0 : i64, scratch_operands = 7 : i64, tpu.core_type = #tpu.core_type<sc_vector_subcore>, window_params = [{transform_indices = #map}, {transform_indices = #map1}, {transform_indices = #map1}, {transform_indices = #map}, {transform_indices = #map1}]} {
    %mul3A = arith.constant 16 : i32
    %mul3A_0 = arith.muli %arg0, %mul3A : i32
    %add3A = arith.addi %mul3A_0, %arg1 : i32
    "tpu.region"() ({
      %run_scoped3A = tpu.sem_alloc : memref<!tpu.dma_semaphore, #tpu.memory_space<semaphore_mem>>
      %dma_start3A = arith.constant 0 : i32
      %dma_start3A_31 = arith.constant 0 : i32
      %dma_start3A_32 = tpu.memref_slice %arg3[%add3A, %dma_start3A, %dma_start3A_31] : memref<32x40x128xi32, #tpu.memory_space<hbm>> -> memref<1x40x128xi32, #tpu.memory_space<hbm>>
      %dma_start3A_33 = tpu.memref_squeeze %dma_start3A_32 : memref<1x40x128xi32, #tpu.memory_space<hbm>> -> memref<40x128xi32, #tpu.memory_space<hbm>>
      %dma_start3A_34 = arith.constant 0 : i32
      %dma_start3A_35 = arith.constant 0 : i32
      %dma_start3A_36 = tpu.memref_slice %arg3[%add3A, %dma_start3A_34, %dma_start3A_35] : memref<32x40x128xi32, #tpu.memory_space<hbm>> -> memref<1x40x128xi32, #tpu.memory_space<hbm>>
      %dma_start3A_37 = tpu.memref_squeeze %dma_start3A_36 : memref<1x40x128xi32, #tpu.memory_space<hbm>> -> memref<40x128xi32, #tpu.memory_space<hbm>>
      tpu.enqueue_dma source(%dma_start3A_37 : memref<40x128xi32, #tpu.memory_space<hbm>>) target(%arg7 : memref<40x128xi32, #tpu.memory_space<vmem>>) target_semaphore(%run_scoped3A : memref<!tpu.dma_semaphore, #tpu.memory_space<semaphore_mem>>)
      %dma_wait3A = arith.constant 0 : i32
      %dma_wait3A_38 = arith.constant 0 : i32
      %dma_wait3A_39 = tpu.memref_slice %arg3[%add3A, %dma_wait3A, %dma_wait3A_38] : memref<32x40x128xi32, #tpu.memory_space<hbm>> -> memref<1x40x128xi32, #tpu.memory_space<hbm>>
      %dma_wait3A_40 = tpu.memref_squeeze %dma_wait3A_39 : memref<1x40x128xi32, #tpu.memory_space<hbm>> -> memref<40x128xi32, #tpu.memory_space<hbm>>
      %dma_wait3A_41 = arith.constant 0 : i32
      %dma_wait3A_42 = arith.constant 0 : i32
      %dma_wait3A_43 = tpu.memref_slice %arg3[%add3A, %dma_wait3A_41, %dma_wait3A_42] : memref<32x40x128xi32, #tpu.memory_space<hbm>> -> memref<1x40x128xi32, #tpu.memory_space<hbm>>
      %dma_wait3A_44 = tpu.memref_squeeze %dma_wait3A_43 : memref<1x40x128xi32, #tpu.memory_space<hbm>> -> memref<40x128xi32, #tpu.memory_space<hbm>>
      tpu.wait_dma2 semaphore(%run_scoped3A : memref<!tpu.dma_semaphore, #tpu.memory_space<semaphore_mem>>) src(%dma_wait3A_44 : memref<40x128xi32, #tpu.memory_space<hbm>>) dst(%arg7 : memref<40x128xi32, #tpu.memory_space<vmem>>)
      tpu.yield
    }) : () -> ()
    "tpu.region"() ({
      %run_scoped3A = tpu.sem_alloc : memref<!tpu.dma_semaphore, #tpu.memory_space<semaphore_mem>>
      %dma_start3A = arith.constant 0 : i32
      %dma_start3A_31 = arith.constant 0 : i32
      %dma_start3A_32 = tpu.memref_slice %arg4[%add3A, %dma_start3A, %dma_start3A_31] : memref<32x40x128xi32, #tpu.memory_space<hbm>> -> memref<1x40x128xi32, #tpu.memory_space<hbm>>
      %dma_start3A_33 = tpu.memref_squeeze %dma_start3A_32 : memref<1x40x128xi32, #tpu.memory_space<hbm>> -> memref<40x128xi32, #tpu.memory_space<hbm>>
      %dma_start3A_34 = arith.constant 0 : i32
      %dma_start3A_35 = arith.constant 0 : i32
      %dma_start3A_36 = tpu.memref_slice %arg4[%add3A, %dma_start3A_34, %dma_start3A_35] : memref<32x40x128xi32, #tpu.memory_space<hbm>> -> memref<1x40x128xi32, #tpu.memory_space<hbm>>
      %dma_start3A_37 = tpu.memref_squeeze %dma_start3A_36 : memref<1x40x128xi32, #tpu.memory_space<hbm>> -> memref<40x128xi32, #tpu.memory_space<hbm>>
      tpu.enqueue_dma source(%dma_start3A_37 : memref<40x128xi32, #tpu.memory_space<hbm>>) target(%arg8 : memref<40x128xi32, #tpu.memory_space<vmem>>) target_semaphore(%run_scoped3A : memref<!tpu.dma_semaphore, #tpu.memory_space<semaphore_mem>>)
      %dma_wait3A = arith.constant 0 : i32
      %dma_wait3A_38 = arith.constant 0 : i32
      %dma_wait3A_39 = tpu.memref_slice %arg4[%add3A, %dma_wait3A, %dma_wait3A_38] : memref<32x40x128xi32, #tpu.memory_space<hbm>> -> memref<1x40x128xi32, #tpu.memory_space<hbm>>
      %dma_wait3A_40 = tpu.memref_squeeze %dma_wait3A_39 : memref<1x40x128xi32, #tpu.memory_space<hbm>> -> memref<40x128xi32, #tpu.memory_space<hbm>>
      %dma_wait3A_41 = arith.constant 0 : i32
      %dma_wait3A_42 = arith.constant 0 : i32
      %dma_wait3A_43 = tpu.memref_slice %arg4[%add3A, %dma_wait3A_41, %dma_wait3A_42] : memref<32x40x128xi32, #tpu.memory_space<hbm>> -> memref<1x40x128xi32, #tpu.memory_space<hbm>>
      %dma_wait3A_44 = tpu.memref_squeeze %dma_wait3A_43 : memref<1x40x128xi32, #tpu.memory_space<hbm>> -> memref<40x128xi32, #tpu.memory_space<hbm>>
      tpu.wait_dma2 semaphore(%run_scoped3A : memref<!tpu.dma_semaphore, #tpu.memory_space<semaphore_mem>>) src(%dma_wait3A_44 : memref<40x128xi32, #tpu.memory_space<hbm>>) dst(%arg8 : memref<40x128xi32, #tpu.memory_space<vmem>>)
      tpu.yield
    }) : () -> ()
    "tpu.region"() ({
      %run_scoped3A = tpu.sem_alloc : memref<!tpu.dma_semaphore, #tpu.memory_space<semaphore_mem>>
      tpu.enqueue_dma source(%arg5 : memref<128x16xf32, #tpu.memory_space<hbm>>) target(%arg9 : memref<128x16xf32, #tpu.memory_space<vmem>>) target_semaphore(%run_scoped3A : memref<!tpu.dma_semaphore, #tpu.memory_space<semaphore_mem>>)
      tpu.wait_dma2 semaphore(%run_scoped3A : memref<!tpu.dma_semaphore, #tpu.memory_space<semaphore_mem>>) src(%arg5 : memref<128x16xf32, #tpu.memory_space<hbm>>) dst(%arg9 : memref<128x16xf32, #tpu.memory_space<vmem>>)
      tpu.yield
    }) : () -> ()
    %mul3A_1 = arith.constant 640 : i32
    %mul3A_2 = arith.muli %arg1, %mul3A_1 : i32
    %add3A_3 = arith.constant 0 : i32
    %add3A_4 = arith.addi %mul3A_2, %add3A_3 : i32
    "tpu.region"() ({
      %run_scoped3A = tpu.sem_alloc : memref<!tpu.dma_semaphore, #tpu.memory_space<semaphore_mem>>
      %dma_start3A = arith.constant 0 : i32
      %dma_start3A_31 = tpu.memref_slice %arg11[%add3A_4, %dma_start3A] : memref<10240x16xf32, #tpu.memory_space<vmem_shared>> -> memref<128x16xf32, #tpu.memory_space<vmem_shared>>
      %dma_start3A_32 = arith.constant 0 : i32
      %dma_start3A_33 = tpu.memref_slice %arg11[%add3A_4, %dma_start3A_32] : memref<10240x16xf32, #tpu.memory_space<vmem_shared>> -> memref<128x16xf32, #tpu.memory_space<vmem_shared>>
      tpu.enqueue_dma source(%arg9 : memref<128x16xf32, #tpu.memory_space<vmem>>) target(%dma_start3A_33 : memref<128x16xf32, #tpu.memory_space<vmem_shared>>) target_semaphore(%run_scoped3A : memref<!tpu.dma_semaphore, #tpu.memory_space<semaphore_mem>>)
      %dma_wait3A = arith.constant 0 : i32
      %dma_wait3A_34 = tpu.memref_slice %arg11[%add3A_4, %dma_wait3A] : memref<10240x16xf32, #tpu.memory_space<vmem_shared>> -> memref<128x16xf32, #tpu.memory_space<vmem_shared>>
      %dma_wait3A_35 = arith.constant 0 : i32
      %dma_wait3A_36 = tpu.memref_slice %arg11[%add3A_4, %dma_wait3A_35] : memref<10240x16xf32, #tpu.memory_space<vmem_shared>> -> memref<128x16xf32, #tpu.memory_space<vmem_shared>>
      tpu.wait_dma2 semaphore(%run_scoped3A : memref<!tpu.dma_semaphore, #tpu.memory_space<semaphore_mem>>) src(%arg9 : memref<128x16xf32, #tpu.memory_space<vmem>>) dst(%dma_wait3A_36 : memref<128x16xf32, #tpu.memory_space<vmem_shared>>)
      tpu.yield
    }) : () -> ()
    %mul3A_5 = arith.constant 640 : i32
    %mul3A_6 = arith.muli %arg1, %mul3A_5 : i32
    %add3A_7 = arith.constant 128 : i32
    %add3A_8 = arith.addi %mul3A_6, %add3A_7 : i32
    "tpu.region"() ({
      %run_scoped3A = tpu.sem_alloc : memref<!tpu.dma_semaphore, #tpu.memory_space<semaphore_mem>>
      %dma_start3A = arith.constant 0 : i32
      %dma_start3A_31 = tpu.memref_slice %arg11[%add3A_8, %dma_start3A] : memref<10240x16xf32, #tpu.memory_space<vmem_shared>> -> memref<128x16xf32, #tpu.memory_space<vmem_shared>>
      %dma_start3A_32 = arith.constant 0 : i32
      %dma_start3A_33 = tpu.memref_slice %arg11[%add3A_8, %dma_start3A_32] : memref<10240x16xf32, #tpu.memory_space<vmem_shared>> -> memref<128x16xf32, #tpu.memory_space<vmem_shared>>
      tpu.enqueue_dma source(%arg9 : memref<128x16xf32, #tpu.memory_space<vmem>>) target(%dma_start3A_33 : memref<128x16xf32, #tpu.memory_space<vmem_shared>>) target_semaphore(%run_scoped3A : memref<!tpu.dma_semaphore, #tpu.memory_space<semaphore_mem>>)
      %dma_wait3A = arith.constant 0 : i32
      %dma_wait3A_34 = tpu.memref_slice %arg11[%add3A_8, %dma_wait3A] : memref<10240x16xf32, #tpu.memory_space<vmem_shared>> -> memref<128x16xf32, #tpu.memory_space<vmem_shared>>
      %dma_wait3A_35 = arith.constant 0 : i32
      %dma_wait3A_36 = tpu.memref_slice %arg11[%add3A_8, %dma_wait3A_35] : memref<10240x16xf32, #tpu.memory_space<vmem_shared>> -> memref<128x16xf32, #tpu.memory_space<vmem_shared>>
      tpu.wait_dma2 semaphore(%run_scoped3A : memref<!tpu.dma_semaphore, #tpu.memory_space<semaphore_mem>>) src(%arg9 : memref<128x16xf32, #tpu.memory_space<vmem>>) dst(%dma_wait3A_36 : memref<128x16xf32, #tpu.memory_space<vmem_shared>>)
      tpu.yield
    }) : () -> ()
    %mul3A_9 = arith.constant 640 : i32
    %mul3A_10 = arith.muli %arg1, %mul3A_9 : i32
    %add3A_11 = arith.constant 256 : i32
    %add3A_12 = arith.addi %mul3A_10, %add3A_11 : i32
    "tpu.region"() ({
      %run_scoped3A = tpu.sem_alloc : memref<!tpu.dma_semaphore, #tpu.memory_space<semaphore_mem>>
      %dma_start3A = arith.constant 0 : i32
      %dma_start3A_31 = tpu.memref_slice %arg11[%add3A_12, %dma_start3A] : memref<10240x16xf32, #tpu.memory_space<vmem_shared>> -> memref<128x16xf32, #tpu.memory_space<vmem_shared>>
      %dma_start3A_32 = arith.constant 0 : i32
      %dma_start3A_33 = tpu.memref_slice %arg11[%add3A_12, %dma_start3A_32] : memref<10240x16xf32, #tpu.memory_space<vmem_shared>> -> memref<128x16xf32, #tpu.memory_space<vmem_shared>>
      tpu.enqueue_dma source(%arg9 : memref<128x16xf32, #tpu.memory_space<vmem>>) target(%dma_start3A_33 : memref<128x16xf32, #tpu.memory_space<vmem_shared>>) target_semaphore(%run_scoped3A : memref<!tpu.dma_semaphore, #tpu.memory_space<semaphore_mem>>)
      %dma_wait3A = arith.constant 0 : i32
      %dma_wait3A_34 = tpu.memref_slice %arg11[%add3A_12, %dma_wait3A] : memref<10240x16xf32, #tpu.memory_space<vmem_shared>> -> memref<128x16xf32, #tpu.memory_space<vmem_shared>>
      %dma_wait3A_35 = arith.constant 0 : i32
      %dma_wait3A_36 = tpu.memref_slice %arg11[%add3A_12, %dma_wait3A_35] : memref<10240x16xf32, #tpu.memory_space<vmem_shared>> -> memref<128x16xf32, #tpu.memory_space<vmem_shared>>
      tpu.wait_dma2 semaphore(%run_scoped3A : memref<!tpu.dma_semaphore, #tpu.memory_space<semaphore_mem>>) src(%arg9 : memref<128x16xf32, #tpu.memory_space<vmem>>) dst(%dma_wait3A_36 : memref<128x16xf32, #tpu.memory_space<vmem_shared>>)
      tpu.yield
    }) : () -> ()
    %mul3A_13 = arith.constant 640 : i32
    %mul3A_14 = arith.muli %arg1, %mul3A_13 : i32
    %add3A_15 = arith.constant 384 : i32
    %add3A_16 = arith.addi %mul3A_14, %add3A_15 : i32
    "tpu.region"() ({
      %run_scoped3A = tpu.sem_alloc : memref<!tpu.dma_semaphore, #tpu.memory_space<semaphore_mem>>
      %dma_start3A = arith.constant 0 : i32
      %dma_start3A_31 = tpu.memref_slice %arg11[%add3A_16, %dma_start3A] : memref<10240x16xf32, #tpu.memory_space<vmem_shared>> -> memref<128x16xf32, #tpu.memory_space<vmem_shared>>
      %dma_start3A_32 = arith.constant 0 : i32
      %dma_start3A_33 = tpu.memref_slice %arg11[%add3A_16, %dma_start3A_32] : memref<10240x16xf32, #tpu.memory_space<vmem_shared>> -> memref<128x16xf32, #tpu.memory_space<vmem_shared>>
      tpu.enqueue_dma source(%arg9 : memref<128x16xf32, #tpu.memory_space<vmem>>) target(%dma_start3A_33 : memref<128x16xf32, #tpu.memory_space<vmem_shared>>) target_semaphore(%run_scoped3A : memref<!tpu.dma_semaphore, #tpu.memory_space<semaphore_mem>>)
      %dma_wait3A = arith.constant 0 : i32
      %dma_wait3A_34 = tpu.memref_slice %arg11[%add3A_16, %dma_wait3A] : memref<10240x16xf32, #tpu.memory_space<vmem_shared>> -> memref<128x16xf32, #tpu.memory_space<vmem_shared>>
      %dma_wait3A_35 = arith.constant 0 : i32
      %dma_wait3A_36 = tpu.memref_slice %arg11[%add3A_16, %dma_wait3A_35] : memref<10240x16xf32, #tpu.memory_space<vmem_shared>> -> memref<128x16xf32, #tpu.memory_space<vmem_shared>>
      tpu.wait_dma2 semaphore(%run_scoped3A : memref<!tpu.dma_semaphore, #tpu.memory_space<semaphore_mem>>) src(%arg9 : memref<128x16xf32, #tpu.memory_space<vmem>>) dst(%dma_wait3A_36 : memref<128x16xf32, #tpu.memory_space<vmem_shared>>)
      tpu.yield
    }) : () -> ()
    %mul3A_17 = arith.constant 640 : i32
    %mul3A_18 = arith.muli %arg1, %mul3A_17 : i32
    %add3A_19 = arith.constant 512 : i32
    %add3A_20 = arith.addi %mul3A_18, %add3A_19 : i32
    "tpu.region"() ({
      %run_scoped3A = tpu.sem_alloc : memref<!tpu.dma_semaphore, #tpu.memory_space<semaphore_mem>>
      %dma_start3A = arith.constant 0 : i32
      %dma_start3A_31 = tpu.memref_slice %arg11[%add3A_20, %dma_start3A] : memref<10240x16xf32, #tpu.memory_space<vmem_shared>> -> memref<128x16xf32, #tpu.memory_space<vmem_shared>>
      %dma_start3A_32 = arith.constant 0 : i32
      %dma_start3A_33 = tpu.memref_slice %arg11[%add3A_20, %dma_start3A_32] : memref<10240x16xf32, #tpu.memory_space<vmem_shared>> -> memref<128x16xf32, #tpu.memory_space<vmem_shared>>
      tpu.enqueue_dma source(%arg9 : memref<128x16xf32, #tpu.memory_space<vmem>>) target(%dma_start3A_33 : memref<128x16xf32, #tpu.memory_space<vmem_shared>>) target_semaphore(%run_scoped3A : memref<!tpu.dma_semaphore, #tpu.memory_space<semaphore_mem>>)
      %dma_wait3A = arith.constant 0 : i32
      %dma_wait3A_34 = tpu.memref_slice %arg11[%add3A_20, %dma_wait3A] : memref<10240x16xf32, #tpu.memory_space<vmem_shared>> -> memref<128x16xf32, #tpu.memory_space<vmem_shared>>
      %dma_wait3A_35 = arith.constant 0 : i32
      %dma_wait3A_36 = tpu.memref_slice %arg11[%add3A_20, %dma_wait3A_35] : memref<10240x16xf32, #tpu.memory_space<vmem_shared>> -> memref<128x16xf32, #tpu.memory_space<vmem_shared>>
      tpu.wait_dma2 semaphore(%run_scoped3A : memref<!tpu.dma_semaphore, #tpu.memory_space<semaphore_mem>>) src(%arg9 : memref<128x16xf32, #tpu.memory_space<vmem>>) dst(%dma_wait3A_36 : memref<128x16xf32, #tpu.memory_space<vmem_shared>>)
      tpu.yield
    }) : () -> ()
    %barrier3A = arith.constant 0 : index
    tpu.barrier barrier_id(%barrier3A)
    %scan3A = arith.constant 0 : i32
    %scan3A_21 = arith.constant 0 : i32
    %scan3A_22 = arith.constant 20 : i32
    %scan3A_23 = arith.addi %scan3A_21, %scan3A_22 : i32
    %scan3A_24 = arith.constant 1 : i32
    scf.for %scan3A_31 = %scan3A_21 to %scan3A_23 step %scan3A_24  : i32 {
      %mul3A_32 = arith.constant 2 : i32
      %mul3A_33 = arith.muli %mul3A_32, %scan3A_31 : i32
      %mul3A_34 = arith.constant 2 : i32
      %mul3A_35 = arith.muli %mul3A_34, %scan3A_31 : i32
      %add3A_36 = arith.constant 1 : i32
      %add3A_37 = arith.addi %mul3A_35, %add3A_36 : i32
      %dma_start3A = arith.constant 0 : i32
      %dma_start3A_38 = tpu.memref_slice %arg7[%mul3A_33, %dma_start3A] : memref<40x128xi32, #tpu.memory_space<vmem>> -> memref<1x128xi32, #tpu.memory_space<vmem>>
      %dma_start3A_39 = tpu.memref_squeeze %dma_start3A_38 : memref<1x128xi32, #tpu.memory_space<vmem>> -> memref<128xi32, #tpu.memory_space<vmem>>
      %dma_start3A_40 = arith.constant 0 : i32
      %dma_start3A_41 = arith.constant 0 : i32
      %dma_start3A_42 = tpu.memref_slice %arg2[%dma_start3A_40, %dma_start3A_41] : memref<10240x16xf32, #tpu.memory_space<hbm>> -> memref<10240x16xf32, #tpu.memory_space<hbm>>
      tpu.enqueue_indirect_dma source(%dma_start3A_42 : memref<10240x16xf32, #tpu.memory_space<hbm>>) target(%arg9 : memref<128x16xf32, #tpu.memory_space<vmem>>) offsets(%dma_start3A_39 : memref<128xi32, #tpu.memory_space<vmem>>) semaphore(%arg12 : memref<!tpu.dma_semaphore, #tpu.memory_space<semaphore_mem>>)
      %dma_start3A_43 = arith.constant 0 : i32
      %dma_start3A_44 = tpu.memref_slice %arg7[%add3A_37, %dma_start3A_43] : memref<40x128xi32, #tpu.memory_space<vmem>> -> memref<1x128xi32, #tpu.memory_space<vmem>>
      %dma_start3A_45 = tpu.memref_squeeze %dma_start3A_44 : memref<1x128xi32, #tpu.memory_space<vmem>> -> memref<128xi32, #tpu.memory_space<vmem>>
      %dma_start3A_46 = arith.constant 0 : i32
      %dma_start3A_47 = arith.constant 0 : i32
      %dma_start3A_48 = tpu.memref_slice %arg2[%dma_start3A_46, %dma_start3A_47] : memref<10240x16xf32, #tpu.memory_space<hbm>> -> memref<10240x16xf32, #tpu.memory_space<hbm>>
      tpu.enqueue_indirect_dma source(%dma_start3A_48 : memref<10240x16xf32, #tpu.memory_space<hbm>>) target(%arg10 : memref<128x16xf32, #tpu.memory_space<vmem>>) offsets(%dma_start3A_45 : memref<128xi32, #tpu.memory_space<vmem>>) semaphore(%arg13 : memref<!tpu.dma_semaphore, #tpu.memory_space<semaphore_mem>>)
      %dma_wait3A = arith.constant 0 : i32
      %dma_wait3A_49 = tpu.memref_slice %arg7[%mul3A_33, %dma_wait3A] : memref<40x128xi32, #tpu.memory_space<vmem>> -> memref<1x128xi32, #tpu.memory_space<vmem>>
      %dma_wait3A_50 = tpu.memref_squeeze %dma_wait3A_49 : memref<1x128xi32, #tpu.memory_space<vmem>> -> memref<128xi32, #tpu.memory_space<vmem>>
      %dma_wait3A_51 = arith.constant 0 : i32
      %dma_wait3A_52 = arith.constant 0 : i32
      %dma_wait3A_53 = tpu.memref_slice %arg2[%dma_wait3A_51, %dma_wait3A_52] : memref<10240x16xf32, #tpu.memory_space<hbm>> -> memref<10240x16xf32, #tpu.memory_space<hbm>>
      tpu.wait_indirect_dma semaphore(%arg12 : memref<!tpu.dma_semaphore, #tpu.memory_space<semaphore_mem>>) src(%dma_wait3A_53 : memref<10240x16xf32, #tpu.memory_space<hbm>>) dst(%arg9 : memref<128x16xf32, #tpu.memory_space<vmem>>)
      "tpu.region"() ({
        %run_scoped3A = tpu.sem_alloc : memref<!tpu.dma_semaphore, #tpu.memory_space<semaphore_mem>>
        %dma_start3A_60 = arith.constant 0 : i32
        %dma_start3A_61 = tpu.memref_slice %arg8[%mul3A_33, %dma_start3A_60] : memref<40x128xi32, #tpu.memory_space<vmem>> -> memref<1x128xi32, #tpu.memory_space<vmem>>
        %dma_start3A_62 = tpu.memref_squeeze %dma_start3A_61 : memref<1x128xi32, #tpu.memory_space<vmem>> -> memref<128xi32, #tpu.memory_space<vmem>>
        %dma_start3A_63 = arith.constant 0 : i32
        %dma_start3A_64 = arith.constant 0 : i32
        %dma_start3A_65 = tpu.memref_slice %arg11[%dma_start3A_63, %dma_start3A_64] : memref<10240x16xf32, #tpu.memory_space<vmem_shared>> -> memref<10240x16xf32, #tpu.memory_space<vmem_shared>>
        tpu.enqueue_indirect_dma source(%arg9 : memref<128x16xf32, #tpu.memory_space<vmem>>) target(%dma_start3A_65 : memref<10240x16xf32, #tpu.memory_space<vmem_shared>>) offsets(%dma_start3A_62 : memref<128xi32, #tpu.memory_space<vmem>>) semaphore(%run_scoped3A : memref<!tpu.dma_semaphore, #tpu.memory_space<semaphore_mem>>) {add = true}
        %dma_wait3A_66 = arith.constant 0 : i32
        %dma_wait3A_67 = tpu.memref_slice %arg8[%mul3A_33, %dma_wait3A_66] : memref<40x128xi32, #tpu.memory_space<vmem>> -> memref<1x128xi32, #tpu.memory_space<vmem>>
        %dma_wait3A_68 = tpu.memref_squeeze %dma_wait3A_67 : memref<1x128xi32, #tpu.memory_space<vmem>> -> memref<128xi32, #tpu.memory_space<vmem>>
        %dma_wait3A_69 = arith.constant 0 : i32
        %dma_wait3A_70 = arith.constant 0 : i32
        %dma_wait3A_71 = tpu.memref_slice %arg11[%dma_wait3A_69, %dma_wait3A_70] : memref<10240x16xf32, #tpu.memory_space<vmem_shared>> -> memref<10240x16xf32, #tpu.memory_space<vmem_shared>>
        tpu.wait_indirect_dma semaphore(%run_scoped3A : memref<!tpu.dma_semaphore, #tpu.memory_space<semaphore_mem>>) src(%arg9 : memref<128x16xf32, #tpu.memory_space<vmem>>) dst(%dma_wait3A_71 : memref<10240x16xf32, #tpu.memory_space<vmem_shared>>)
        tpu.yield
      }) : () -> ()
      %dma_wait3A_54 = arith.constant 0 : i32
      %dma_wait3A_55 = tpu.memref_slice %arg7[%add3A_37, %dma_wait3A_54] : memref<40x128xi32, #tpu.memory_space<vmem>> -> memref<1x128xi32, #tpu.memory_space<vmem>>
      %dma_wait3A_56 = tpu.memref_squeeze %dma_wait3A_55 : memref<1x128xi32, #tpu.memory_space<vmem>> -> memref<128xi32, #tpu.memory_space<vmem>>
      %dma_wait3A_57 = arith.constant 0 : i32
      %dma_wait3A_58 = arith.constant 0 : i32
      %dma_wait3A_59 = tpu.memref_slice %arg2[%dma_wait3A_57, %dma_wait3A_58] : memref<10240x16xf32, #tpu.memory_space<hbm>> -> memref<10240x16xf32, #tpu.memory_space<hbm>>
      tpu.wait_indirect_dma semaphore(%arg13 : memref<!tpu.dma_semaphore, #tpu.memory_space<semaphore_mem>>) src(%dma_wait3A_59 : memref<10240x16xf32, #tpu.memory_space<hbm>>) dst(%arg10 : memref<128x16xf32, #tpu.memory_space<vmem>>)
      "tpu.region"() ({
        %run_scoped3A = tpu.sem_alloc : memref<!tpu.dma_semaphore, #tpu.memory_space<semaphore_mem>>
        %dma_start3A_60 = arith.constant 0 : i32
        %dma_start3A_61 = tpu.memref_slice %arg8[%add3A_37, %dma_start3A_60] : memref<40x128xi32, #tpu.memory_space<vmem>> -> memref<1x128xi32, #tpu.memory_space<vmem>>
        %dma_start3A_62 = tpu.memref_squeeze %dma_start3A_61 : memref<1x128xi32, #tpu.memory_space<vmem>> -> memref<128xi32, #tpu.memory_space<vmem>>
        %dma_start3A_63 = arith.constant 0 : i32
        %dma_start3A_64 = arith.constant 0 : i32
        %dma_start3A_65 = tpu.memref_slice %arg11[%dma_start3A_63, %dma_start3A_64] : memref<10240x16xf32, #tpu.memory_space<vmem_shared>> -> memref<10240x16xf32, #tpu.memory_space<vmem_shared>>
        tpu.enqueue_indirect_dma source(%arg10 : memref<128x16xf32, #tpu.memory_space<vmem>>) target(%dma_start3A_65 : memref<10240x16xf32, #tpu.memory_space<vmem_shared>>) offsets(%dma_start3A_62 : memref<128xi32, #tpu.memory_space<vmem>>) semaphore(%run_scoped3A : memref<!tpu.dma_semaphore, #tpu.memory_space<semaphore_mem>>) {add = true}
        %dma_wait3A_66 = arith.constant 0 : i32
        %dma_wait3A_67 = tpu.memref_slice %arg8[%add3A_37, %dma_wait3A_66] : memref<40x128xi32, #tpu.memory_space<vmem>> -> memref<1x128xi32, #tpu.memory_space<vmem>>
        %dma_wait3A_68 = tpu.memref_squeeze %dma_wait3A_67 : memref<1x128xi32, #tpu.memory_space<vmem>> -> memref<128xi32, #tpu.memory_space<vmem>>
        %dma_wait3A_69 = arith.constant 0 : i32
        %dma_wait3A_70 = arith.constant 0 : i32
        %dma_wait3A_71 = tpu.memref_slice %arg11[%dma_wait3A_69, %dma_wait3A_70] : memref<10240x16xf32, #tpu.memory_space<vmem_shared>> -> memref<10240x16xf32, #tpu.memory_space<vmem_shared>>
        tpu.wait_indirect_dma semaphore(%run_scoped3A : memref<!tpu.dma_semaphore, #tpu.memory_space<semaphore_mem>>) src(%arg10 : memref<128x16xf32, #tpu.memory_space<vmem>>) dst(%dma_wait3A_71 : memref<10240x16xf32, #tpu.memory_space<vmem_shared>>)
        tpu.yield
      }) : () -> ()
    }
    %scan3A_25 = arith.constant 20 : i32
    %barrier3A_26 = arith.constant 0 : index
    tpu.barrier barrier_id(%barrier3A_26)
    %mul3A_27 = arith.constant 640 : i32
    %mul3A_28 = arith.muli %arg1, %mul3A_27 : i32
    %mul3A_29 = arith.constant 640 : i32
    %mul3A_30 = arith.muli %arg1, %mul3A_29 : i32
    "tpu.region"() ({
      %run_scoped3A = tpu.sem_alloc : memref<!tpu.dma_semaphore, #tpu.memory_space<semaphore_mem>>
      %dma_start3A = arith.constant 0 : i32
      %dma_start3A_31 = tpu.memref_slice %arg6[%arg0, %mul3A_30, %dma_start3A] : memref<2x10240x16xf32, #tpu.memory_space<hbm>> -> memref<1x640x16xf32, #tpu.memory_space<hbm>>
      %dma_start3A_32 = tpu.memref_squeeze %dma_start3A_31 : memref<1x640x16xf32, #tpu.memory_space<hbm>> -> memref<640x16xf32, #tpu.memory_space<hbm>>
      %dma_start3A_33 = arith.constant 0 : i32
      %dma_start3A_34 = tpu.memref_slice %arg11[%mul3A_28, %dma_start3A_33] : memref<10240x16xf32, #tpu.memory_space<vmem_shared>> -> memref<640x16xf32, #tpu.memory_space<vmem_shared>>
      tpu.enqueue_dma source(%dma_start3A_34 : memref<640x16xf32, #tpu.memory_space<vmem_shared>>) target(%dma_start3A_32 : memref<640x16xf32, #tpu.memory_space<hbm>>) target_semaphore(%run_scoped3A : memref<!tpu.dma_semaphore, #tpu.memory_space<semaphore_mem>>)
      %dma_wait3A = arith.constant 0 : i32
      %dma_wait3A_35 = tpu.memref_slice %arg6[%arg0, %mul3A_30, %dma_wait3A] : memref<2x10240x16xf32, #tpu.memory_space<hbm>> -> memref<1x640x16xf32, #tpu.memory_space<hbm>>
      %dma_wait3A_36 = tpu.memref_squeeze %dma_wait3A_35 : memref<1x640x16xf32, #tpu.memory_space<hbm>> -> memref<640x16xf32, #tpu.memory_space<hbm>>
      %dma_wait3A_37 = arith.constant 0 : i32
      %dma_wait3A_38 = tpu.memref_slice %arg11[%mul3A_28, %dma_wait3A_37] : memref<10240x16xf32, #tpu.memory_space<vmem_shared>> -> memref<640x16xf32, #tpu.memory_space<vmem_shared>>
      tpu.wait_dma2 semaphore(%run_scoped3A : memref<!tpu.dma_semaphore, #tpu.memory_space<semaphore_mem>>) src(%dma_wait3A_38 : memref<640x16xf32, #tpu.memory_space<vmem_shared>>) dst(%dma_wait3A_36 : memref<640x16xf32, #tpu.memory_space<hbm>>)
      tpu.yield
    }) : () -> ()
    return
  }
}

module attributes {stable_mosaic.version = 14 : i64} {
  func.func @_tcA_body(%arg0: i32, %arg1: memref<1024x16xf32, #tpu.memory_space<vmem>>, %arg2: memref<1024x16xf32, #tpu.memory_space<vmem>>, %arg3: memref<1024x128xf32, #tpu.memory_space<vmem>>, %arg4: memref<400x128xf32, #tpu.memory_space<vmem>>, %arg5: memref<4x128xf32, #tpu.memory_space<vmem>>, %arg6: memref<1x4xf32, #tpu.memory_space<vmem>>, %arg7: memref<1024x1xf32, #tpu.memory_space<vmem>>, %arg8: memref<1024x4xf32, #tpu.memory_space<vmem>>, %arg9: memref<1024x128xf32, #tpu.memory_space<vmem>>, %arg10: memref<1024x128xf32, #tpu.memory_space<vmem>>, %arg11: memref<1024x128xf32, #tpu.memory_space<vmem>>, %arg12: memref<1024x16xf32, #tpu.memory_space<vmem>>) attributes {dimension_semantics = [#tpu.dimension_semantics<arbitrary>], iteration_bounds = array<i64: 10>, scalar_prefetch = 0 : i64, scratch_operands = 0 : i64, tpu.core_type = #tpu.core_type<tc>, window_params = [{transform_indices = @transform_0, window_bounds = array<i64: 1024, 16>}, {transform_indices = @transform_1, window_bounds = array<i64: 1024, 16>}, {transform_indices = @transform_2, window_bounds = array<i64: 1024, 128>}, {pipeline_mode = #tpu.pipeline_mode<synchronous>, transform_indices = @transform_3, window_bounds = array<i64: 400, 128>}, {pipeline_mode = #tpu.pipeline_mode<synchronous>, transform_indices = @transform_4, window_bounds = array<i64: 4, 128>}, {pipeline_mode = #tpu.pipeline_mode<synchronous>, transform_indices = @transform_5, window_bounds = array<i64: 1, 4>}, {transform_indices = @transform_6, window_bounds = array<i64: 1024, 1>}, {transform_indices = @transform_7, window_bounds = array<i64: 1024, 4>}, {transform_indices = @transform_8, window_bounds = array<i64: 1024, 128>}, {transform_indices = @transform_9, window_bounds = array<i64: 1024, 128>}, {transform_indices = @transform_10, window_bounds = array<i64: 1024, 128>}, {transform_indices = @transform_11, window_bounds = array<i64: 1024, 16>}]} {
    %get3A = arith.constant 0 : index
    %get3A_0 = arith.constant 0 : index
    %get3A_1 = vector.load %arg1[%get3A, %get3A_0] : memref<1024x16xf32, #tpu.memory_space<vmem>>, vector<1024x1xf32>
    %get3A_2 = arith.constant 0 : index
    %get3A_3 = arith.constant 0 : index
    %get3A_4 = vector.load %arg2[%get3A_2, %get3A_3] : memref<1024x16xf32, #tpu.memory_space<vmem>>, vector<1024x1xf32>
    %add3A = arith.addf %get3A_1, %get3A_4 : vector<1024x1xf32>
    %add3A_5 = arith.constant 1.000000e+00 : f32
    %add3A_6 = vector.broadcast %add3A_5 : f32 to vector<1024x1xf32>
    %add3A_7 = arith.addf %add3A, %add3A_6 : vector<1024x1xf32>
    %rsqrt3A = math.rsqrt %add3A_7 : vector<1024x1xf32>
    %swap3A = arith.constant 0 : index
    %swap3A_8 = arith.constant 0 : index
    %swap3A_9 = vector.load %arg7[%swap3A, %swap3A_8] : memref<1024x1xf32, #tpu.memory_space<vmem>>, vector<1024x1xf32>
    tpu.vector_store %arg7[%swap3A, %swap3A_8], %rsqrt3A {strides = array<i32>} : memref<1024x1xf32, #tpu.memory_space<vmem>>, vector<1024x1xf32>,
    %get3A_10 = arith.constant 0 : index
    %get3A_11 = arith.constant 0 : index
    %get3A_12 = vector.load %arg3[%get3A_10, %get3A_11] : memref<1024x128xf32, #tpu.memory_space<vmem>>, vector<1024x128xf32>
    %get3A_13 = arith.constant 0 : index
    %get3A_14 = arith.constant 0 : index
    %get3A_15 = vector.load %arg4[%get3A_13, %get3A_14] : memref<400x128xf32, #tpu.memory_space<vmem>>, vector<400x128xf32>
    %dot_general3A = arith.constant dense<0.000000e+00> : vector<1024x400xf32>
    %dot_general3A_16 = tpu.matmul %get3A_12, %get3A_15, %dot_general3A {dimension_numbers = #tpu.dot_dimension_numbers<[1], [1], [0], [0], [0, 0, 1, 0], [], []>, transpose_lhs_hint = false} : vector<1024x128xf32>, vector<400x128xf32>, vector<1024x400xf32> -> vector<1024x400xf32>
    %mul3A = vector.broadcast %rsqrt3A : vector<1024x1xf32> to vector<1024x400xf32>
    %mul3A_17 = arith.mulf %dot_general3A_16, %mul3A : vector<1024x400xf32>
    %get3A_18 = arith.constant 0 : index
    %get3A_19 = arith.constant 0 : index
    %get3A_20 = vector.load %arg3[%get3A_18, %get3A_19] : memref<1024x128xf32, #tpu.memory_space<vmem>>, vector<1024x128xf32>
    %get3A_21 = arith.constant 0 : index
    %get3A_22 = arith.constant 0 : index
    %get3A_23 = vector.load %arg5[%get3A_21, %get3A_22] : memref<4x128xf32, #tpu.memory_space<vmem>>, vector<4x128xf32>
    %dot_general3A_24 = arith.constant dense<0.000000e+00> : vector<1024x4xf32>
    %dot_general3A_25 = tpu.matmul %get3A_20, %get3A_23, %dot_general3A_24 {dimension_numbers = #tpu.dot_dimension_numbers<[1], [1], [0], [0], [0, 0, 1, 0], [], []>, transpose_lhs_hint = false} : vector<1024x128xf32>, vector<4x128xf32>, vector<1024x4xf32> -> vector<1024x4xf32>
    %get3A_26 = arith.constant 0 : index
    %get3A_27 = arith.constant 0 : index
    %get3A_28 = vector.load %arg6[%get3A_26, %get3A_27] : memref<1x4xf32, #tpu.memory_space<vmem>>, vector<1x4xf32>
    %add3A_29 = vector.broadcast %get3A_28 : vector<1x4xf32> to vector<1024x4xf32>
    %add3A_30 = arith.addf %dot_general3A_25, %add3A_29 : vector<1024x4xf32>
    %swap3A_31 = arith.constant 0 : index
    %swap3A_32 = arith.constant 0 : index
    %swap3A_33 = vector.load %arg8[%swap3A_31, %swap3A_32] : memref<1024x4xf32, #tpu.memory_space<vmem>>, vector<1024x4xf32>
    tpu.vector_store %arg8[%swap3A_31, %swap3A_32], %add3A_30 {strides = array<i32>} : memref<1024x4xf32, #tpu.memory_space<vmem>>, vector<1024x4xf32>,
    %slice3A = vector.extract_strided_slice %mul3A_17 {offsets = [0, 0], sizes = [1024, 128], strides = [1, 1]} : vector<1024x400xf32> to vector<1024x128xf32>
    %swap3A_34 = arith.constant 0 : index
    %swap3A_35 = arith.constant 0 : index
    %swap3A_36 = vector.load %arg9[%swap3A_34, %swap3A_35] : memref<1024x128xf32, #tpu.memory_space<vmem>>, vector<1024x128xf32>
    tpu.vector_store %arg9[%swap3A_34, %swap3A_35], %slice3A {strides = array<i32>} : memref<1024x128xf32, #tpu.memory_space<vmem>>, vector<1024x128xf32>,
    %slice3A_37 = vector.extract_strided_slice %mul3A_17 {offsets = [0, 128], sizes = [1024, 128], strides = [1, 1]} : vector<1024x400xf32> to vector<1024x128xf32>
    %swap3A_38 = arith.constant 0 : index
    %swap3A_39 = arith.constant 0 : index
    %swap3A_40 = vector.load %arg10[%swap3A_38, %swap3A_39] : memref<1024x128xf32, #tpu.memory_space<vmem>>, vector<1024x128xf32>
    tpu.vector_store %arg10[%swap3A_38, %swap3A_39], %slice3A_37 {strides = array<i32>} : memref<1024x128xf32, #tpu.memory_space<vmem>>, vector<1024x128xf32>,
    %slice3A_41 = vector.extract_strided_slice %mul3A_17 {offsets = [0, 256], sizes = [1024, 128], strides = [1, 1]} : vector<1024x400xf32> to vector<1024x128xf32>
    %swap3A_42 = arith.constant 0 : index
    %swap3A_43 = arith.constant 0 : index
    %swap3A_44 = vector.load %arg11[%swap3A_42, %swap3A_43] : memref<1024x128xf32, #tpu.memory_space<vmem>>, vector<1024x128xf32>
    tpu.vector_store %arg11[%swap3A_42, %swap3A_43], %slice3A_41 {strides = array<i32>} : memref<1024x128xf32, #tpu.memory_space<vmem>>, vector<1024x128xf32>,
    %slice3A_45 = vector.extract_strided_slice %mul3A_17 {offsets = [0, 384], sizes = [1024, 16], strides = [1, 1]} : vector<1024x400xf32> to vector<1024x16xf32>
    %swap3A_46 = arith.constant 0 : index
    %swap3A_47 = arith.constant 0 : index
    %swap3A_48 = vector.load %arg12[%swap3A_46, %swap3A_47] : memref<1024x16xf32, #tpu.memory_space<vmem>>, vector<1024x16xf32>
    tpu.vector_store %arg12[%swap3A_46, %swap3A_47], %slice3A_45 {strides = array<i32>} : memref<1024x16xf32, #tpu.memory_space<vmem>>, vector<1024x16xf32>,
    return
  }
  func.func @transform_0(%arg0: i32) -> (i32, i32) {
    %c0_i32 = arith.constant 0 : i32
    %c0_i32_0 = arith.constant 0 : i32
    return %arg0, %c0_i32 : i32, i32
  }
  func.func @transform_1(%arg0: i32) -> (i32, i32) {
    %c0_i32 = arith.constant 0 : i32
    %c0_i32_0 = arith.constant 0 : i32
    return %arg0, %c0_i32 : i32, i32
  }
  func.func @transform_2(%arg0: i32) -> (i32, i32) {
    %c0_i32 = arith.constant 0 : i32
    %c0_i32_0 = arith.constant 0 : i32
    return %arg0, %c0_i32 : i32, i32
  }
  func.func @transform_3(%arg0: i32) -> (i32, i32) {
    %c0_i32 = arith.constant 0 : i32
    %c0_i32_0 = arith.constant 0 : i32
    %c0_i32_1 = arith.constant 0 : i32
    return %c0_i32, %c0_i32_0 : i32, i32
  }
  func.func @transform_4(%arg0: i32) -> (i32, i32) {
    %c0_i32 = arith.constant 0 : i32
    %c0_i32_0 = arith.constant 0 : i32
    %c0_i32_1 = arith.constant 0 : i32
    return %c0_i32, %c0_i32_0 : i32, i32
  }
  func.func @transform_5(%arg0: i32) -> (i32, i32) {
    %c0_i32 = arith.constant 0 : i32
    %c0_i32_0 = arith.constant 0 : i32
    %c0_i32_1 = arith.constant 0 : i32
    return %c0_i32, %c0_i32_0 : i32, i32
  }
  func.func @transform_6(%arg0: i32) -> (i32, i32) {
    %c0_i32 = arith.constant 0 : i32
    %c0_i32_0 = arith.constant 0 : i32
    return %arg0, %c0_i32 : i32, i32
  }
  func.func @transform_7(%arg0: i32) -> (i32, i32) {
    %c0_i32 = arith.constant 0 : i32
    %c0_i32_0 = arith.constant 0 : i32
    return %arg0, %c0_i32 : i32, i32
  }
  func.func @transform_8(%arg0: i32) -> (i32, i32) {
    %c0_i32 = arith.constant 0 : i32
    %c0_i32_0 = arith.constant 0 : i32
    return %arg0, %c0_i32 : i32, i32
  }
  func.func @transform_9(%arg0: i32) -> (i32, i32) {
    %c0_i32 = arith.constant 0 : i32
    %c0_i32_0 = arith.constant 0 : i32
    return %arg0, %c0_i32 : i32, i32
  }
  func.func @transform_10(%arg0: i32) -> (i32, i32) {
    %c0_i32 = arith.constant 0 : i32
    %c0_i32_0 = arith.constant 0 : i32
    return %arg0, %c0_i32 : i32, i32
  }
  func.func @transform_11(%arg0: i32) -> (i32, i32) {
    %c0_i32 = arith.constant 0 : i32
    %c0_i32_0 = arith.constant 0 : i32
    return %arg0, %c0_i32 : i32, i32
  }
}

module attributes {stable_mosaic.version = 14 : i64} {
  func.func @_tcB_body(%arg0: i32, %arg1: memref<1024x1xf32, #tpu.memory_space<vmem>>, %arg2: memref<1024x4xf32, #tpu.memory_space<vmem>>, %arg3: memref<1x100xf32, #tpu.memory_space<vmem>>, %arg4: memref<200x100xf32, #tpu.memory_space<vmem>>, %arg5: memref<4x100xf32, #tpu.memory_space<vmem>>, %arg6: memref<1x4xf32, #tpu.memory_space<vmem>>, %arg7: memref<2x1024x128xf32, #tpu.memory_space<vmem>>, %arg8: memref<2x1024x128xf32, #tpu.memory_space<vmem>>, %arg9: memref<2x1024x128xf32, #tpu.memory_space<vmem>>, %arg10: memref<2x1024x16xf32, #tpu.memory_space<vmem>>, %arg11: memref<1024x128xf32, #tpu.memory_space<vmem>>, %arg12: memref<1024x128xf32, #tpu.memory_space<vmem>>, %arg13: memref<1024x128xf32, #tpu.memory_space<vmem>>, %arg14: memref<1024x16xf32, #tpu.memory_space<vmem>>, %arg15: memref<1024x4xf32, #tpu.memory_space<vmem>>, %arg16: memref<1024x128xf32, #tpu.memory_space<vmem>>, %arg17: memref<1024x128xf32, #tpu.memory_space<vmem>>) attributes {dimension_semantics = [#tpu.dimension_semantics<arbitrary>], iteration_bounds = array<i64: 10>, scalar_prefetch = 0 : i64, scratch_operands = 0 : i64, tpu.core_type = #tpu.core_type<tc>, window_params = [{transform_indices = @transform_0, window_bounds = array<i64: 1024, 1>}, {transform_indices = @transform_1, window_bounds = array<i64: 1024, 4>}, {pipeline_mode = #tpu.pipeline_mode<synchronous>, transform_indices = @transform_2, window_bounds = array<i64: 1, 100>}, {pipeline_mode = #tpu.pipeline_mode<synchronous>, transform_indices = @transform_3, window_bounds = array<i64: 200, 100>}, {pipeline_mode = #tpu.pipeline_mode<synchronous>, transform_indices = @transform_4, window_bounds = array<i64: 4, 100>}, {pipeline_mode = #tpu.pipeline_mode<synchronous>, transform_indices = @transform_5, window_bounds = array<i64: 1, 4>}, {transform_indices = @transform_6, window_bounds = array<i64: 2, 1024, 128>}, {transform_indices = @transform_7, window_bounds = array<i64: 2, 1024, 128>}, {transform_indices = @transform_8, window_bounds = array<i64: 2, 1024, 128>}, {transform_indices = @transform_9, window_bounds = array<i64: 2, 1024, 16>}, {transform_indices = @transform_10, window_bounds = array<i64: 1024, 128>}, {transform_indices = @transform_11, window_bounds = array<i64: 1024, 128>}, {transform_indices = @transform_12, window_bounds = array<i64: 1024, 128>}, {transform_indices = @transform_13, window_bounds = array<i64: 1024, 16>}, {transform_indices = @transform_14, window_bounds = array<i64: 1024, 4>}, {transform_indices = @transform_15, window_bounds = array<i64: 1024, 128>}, {transform_indices = @transform_16, window_bounds = array<i64: 1024, 128>}]} {
    %get3A = arith.constant 0 : index
    %get3A_0 = arith.constant 0 : index
    %get3A_1 = arith.constant 0 : index
    %get3A_2 = vector.load %arg7[%get3A, %get3A_0, %get3A_1] : memref<2x1024x128xf32, #tpu.memory_space<vmem>>, vector<2x1024x128xf32>
    %get3A_3 = arith.constant 0 : index
    %get3A_4 = arith.constant 0 : index
    %get3A_5 = arith.constant 0 : index
    %get3A_6 = vector.load %arg8[%get3A_3, %get3A_4, %get3A_5] : memref<2x1024x128xf32, #tpu.memory_space<vmem>>, vector<2x1024x128xf32>
    %get3A_7 = arith.constant 0 : index
    %get3A_8 = arith.constant 0 : index
    %get3A_9 = arith.constant 0 : index
    %get3A_10 = vector.load %arg9[%get3A_7, %get3A_8, %get3A_9] : memref<2x1024x128xf32, #tpu.memory_space<vmem>>, vector<2x1024x128xf32>
    %get3A_11 = arith.constant 0 : index
    %get3A_12 = arith.constant 0 : index
    %get3A_13 = arith.constant 0 : index
    %get3A_14 = vector.load %arg10[%get3A_11, %get3A_12, %get3A_13] : memref<2x1024x16xf32, #tpu.memory_space<vmem>>, vector<2x1024x16xf32>
    %get3A_15 = arith.constant 0 : index
    %get3A_16 = arith.constant 0 : index
    %get3A_17 = vector.load %arg11[%get3A_15, %get3A_16] : memref<1024x128xf32, #tpu.memory_space<vmem>>, vector<1024x128xf32>
    %get3A_18 = arith.constant 0 : index
    %get3A_19 = arith.constant 0 : index
    %get3A_20 = vector.load %arg12[%get3A_18, %get3A_19] : memref<1024x128xf32, #tpu.memory_space<vmem>>, vector<1024x128xf32>
    %get3A_21 = arith.constant 0 : index
    %get3A_22 = arith.constant 0 : index
    %get3A_23 = vector.load %arg13[%get3A_21, %get3A_22] : memref<1024x128xf32, #tpu.memory_space<vmem>>, vector<1024x128xf32>
    %get3A_24 = arith.constant 0 : index
    %get3A_25 = arith.constant 0 : index
    %get3A_26 = vector.load %arg14[%get3A_24, %get3A_25] : memref<1024x16xf32, #tpu.memory_space<vmem>>, vector<1024x16xf32>
    %get3A_27 = arith.constant 0 : index
    %get3A_28 = arith.constant 0 : index
    %get3A_29 = vector.load %arg1[%get3A_27, %get3A_28] : memref<1024x1xf32, #tpu.memory_space<vmem>>, vector<1024x1xf32>
    %get3A_30 = arith.constant 0 : index
    %get3A_31 = arith.constant 0 : index
    %get3A_32 = vector.load %arg2[%get3A_30, %get3A_31] : memref<1024x4xf32, #tpu.memory_space<vmem>>, vector<1024x4xf32>
    %get3A_33 = arith.constant 0 : index
    %get3A_34 = arith.constant 0 : index
    %get3A_35 = vector.load %arg3[%get3A_33, %get3A_34] : memref<1x100xf32, #tpu.memory_space<vmem>>, vector<1x100xf32>
    %slice3A = vector.extract_strided_slice %get3A_2 {offsets = [0, 0, 0], sizes = [1, 1024, 128], strides = [1, 1, 1]} : vector<2x1024x128xf32> to vector<1x1024x128xf32>
    %squeeze3A = vector.shape_cast %slice3A : vector<1x1024x128xf32> to vector<1024x128xf32>
    %slice3A_36 = vector.extract_strided_slice %get3A_2 {offsets = [1, 0, 0], sizes = [1, 1024, 128], strides = [1, 1, 1]} : vector<2x1024x128xf32> to vector<1x1024x128xf32>
    %squeeze3A_37 = vector.shape_cast %slice3A_36 : vector<1x1024x128xf32> to vector<1024x128xf32>
    %add3A = arith.addf %squeeze3A, %squeeze3A_37 : vector<1024x128xf32>
    %add3A_38 = arith.addf %add3A, %get3A_17 : vector<1024x128xf32>
    %mul3A = vector.broadcast %get3A_29 : vector<1024x1xf32> to vector<1024x128xf32>
    %mul3A_39 = arith.mulf %mul3A, %add3A_38 : vector<1024x128xf32>
    %slice3A_40 = vector.extract_strided_slice %get3A_6 {offsets = [0, 0, 0], sizes = [1, 1024, 128], strides = [1, 1, 1]} : vector<2x1024x128xf32> to vector<1x1024x128xf32>
    %squeeze3A_41 = vector.shape_cast %slice3A_40 : vector<1x1024x128xf32> to vector<1024x128xf32>
    %slice3A_42 = vector.extract_strided_slice %get3A_6 {offsets = [1, 0, 0], sizes = [1, 1024, 128], strides = [1, 1, 1]} : vector<2x1024x128xf32> to vector<1x1024x128xf32>
    %squeeze3A_43 = vector.shape_cast %slice3A_42 : vector<1x1024x128xf32> to vector<1024x128xf32>
    %add3A_44 = arith.addf %squeeze3A_41, %squeeze3A_43 : vector<1024x128xf32>
    %add3A_45 = arith.addf %add3A_44, %get3A_20 : vector<1024x128xf32>
    %mul3A_46 = vector.broadcast %get3A_29 : vector<1024x1xf32> to vector<1024x128xf32>
    %mul3A_47 = arith.mulf %mul3A_46, %add3A_45 : vector<1024x128xf32>
    %slice3A_48 = vector.extract_strided_slice %get3A_10 {offsets = [0, 0, 0], sizes = [1, 1024, 128], strides = [1, 1, 1]} : vector<2x1024x128xf32> to vector<1x1024x128xf32>
    %squeeze3A_49 = vector.shape_cast %slice3A_48 : vector<1x1024x128xf32> to vector<1024x128xf32>
    %slice3A_50 = vector.extract_strided_slice %get3A_10 {offsets = [1, 0, 0], sizes = [1, 1024, 128], strides = [1, 1, 1]} : vector<2x1024x128xf32> to vector<1x1024x128xf32>
    %squeeze3A_51 = vector.shape_cast %slice3A_50 : vector<1x1024x128xf32> to vector<1024x128xf32>
    %add3A_52 = arith.addf %squeeze3A_49, %squeeze3A_51 : vector<1024x128xf32>
    %add3A_53 = arith.addf %add3A_52, %get3A_23 : vector<1024x128xf32>
    %mul3A_54 = vector.broadcast %get3A_29 : vector<1024x1xf32> to vector<1024x128xf32>
    %mul3A_55 = arith.mulf %mul3A_54, %add3A_53 : vector<1024x128xf32>
    %slice3A_56 = vector.extract_strided_slice %get3A_14 {offsets = [0, 0, 0], sizes = [1, 1024, 16], strides = [1, 1, 1]} : vector<2x1024x16xf32> to vector<1x1024x16xf32>
    %squeeze3A_57 = vector.shape_cast %slice3A_56 : vector<1x1024x16xf32> to vector<1024x16xf32>
    %slice3A_58 = vector.extract_strided_slice %get3A_14 {offsets = [1, 0, 0], sizes = [1, 1024, 16], strides = [1, 1, 1]} : vector<2x1024x16xf32> to vector<1x1024x16xf32>
    %squeeze3A_59 = vector.shape_cast %slice3A_58 : vector<1x1024x16xf32> to vector<1024x16xf32>
    %add3A_60 = arith.addf %squeeze3A_57, %squeeze3A_59 : vector<1024x16xf32>
    %add3A_61 = arith.addf %add3A_60, %get3A_26 : vector<1024x16xf32>
    %mul3A_62 = vector.broadcast %get3A_29 : vector<1024x1xf32> to vector<1024x16xf32>
    %mul3A_63 = arith.mulf %mul3A_62, %add3A_61 : vector<1024x16xf32>
    %concatenate3A = tpu.concatenate %mul3A_39, %mul3A_47, %mul3A_55, %mul3A_63 in 1 : vector<1024x128xf32>, vector<1024x128xf32>, vector<1024x128xf32>, vector<1024x16xf32> -> vector<1024x400xf32>
    %slice3A_64 = vector.extract_strided_slice %get3A_32 {offsets = [0, 0], sizes = [1024, 1], strides = [1, 1]} : vector<1024x4xf32> to vector<1024x1xf32>
    %slice3A_65 = vector.extract_strided_slice %concatenate3A {offsets = [0, 0], sizes = [1024, 100], strides = [1, 1]} : vector<1024x400xf32> to vector<1024x100xf32>
    %mul3A_66 = vector.broadcast %slice3A_64 : vector<1024x1xf32> to vector<1024x100xf32>
    %mul3A_67 = arith.mulf %mul3A_66, %slice3A_65 : vector<1024x100xf32>
    %slice3A_68 = vector.extract_strided_slice %get3A_32 {offsets = [0, 1], sizes = [1024, 1], strides = [1, 1]} : vector<1024x4xf32> to vector<1024x1xf32>
    %slice3A_69 = vector.extract_strided_slice %concatenate3A {offsets = [0, 100], sizes = [1024, 100], strides = [1, 1]} : vector<1024x400xf32> to vector<1024x100xf32>
    %mul3A_70 = vector.broadcast %slice3A_68 : vector<1024x1xf32> to vector<1024x100xf32>
    %mul3A_71 = arith.mulf %mul3A_70, %slice3A_69 : vector<1024x100xf32>
    %add3A_72 = arith.addf %mul3A_67, %mul3A_71 : vector<1024x100xf32>
    %slice3A_73 = vector.extract_strided_slice %get3A_32 {offsets = [0, 2], sizes = [1024, 1], strides = [1, 1]} : vector<1024x4xf32> to vector<1024x1xf32>
    %slice3A_74 = vector.extract_strided_slice %concatenate3A {offsets = [0, 200], sizes = [1024, 100], strides = [1, 1]} : vector<1024x400xf32> to vector<1024x100xf32>
    %mul3A_75 = vector.broadcast %slice3A_73 : vector<1024x1xf32> to vector<1024x100xf32>
    %mul3A_76 = arith.mulf %mul3A_75, %slice3A_74 : vector<1024x100xf32>
    %add3A_77 = arith.addf %add3A_72, %mul3A_76 : vector<1024x100xf32>
    %slice3A_78 = vector.extract_strided_slice %get3A_32 {offsets = [0, 3], sizes = [1024, 1], strides = [1, 1]} : vector<1024x4xf32> to vector<1024x1xf32>
    %slice3A_79 = vector.extract_strided_slice %concatenate3A {offsets = [0, 300], sizes = [1024, 100], strides = [1, 1]} : vector<1024x400xf32> to vector<1024x100xf32>
    %mul3A_80 = vector.broadcast %slice3A_78 : vector<1024x1xf32> to vector<1024x100xf32>
    %mul3A_81 = arith.mulf %mul3A_80, %slice3A_79 : vector<1024x100xf32>
    %add3A_82 = arith.addf %add3A_77, %mul3A_81 : vector<1024x100xf32>
    %add3A_83 = vector.broadcast %get3A_35 : vector<1x100xf32> to vector<1024x100xf32>
    %add3A_84 = arith.addf %add3A_82, %add3A_83 : vector<1024x100xf32>
    %max3A = arith.constant 0.000000e+00 : f32
    %max3A_85 = vector.broadcast %max3A : f32 to vector<1024x100xf32>
    %max3A_86 = arith.maximumf %add3A_84, %max3A_85 : vector<1024x100xf32>
    %get3A_87 = arith.constant 0 : index
    %get3A_88 = arith.constant 0 : index
    %get3A_89 = vector.load %arg4[%get3A_87, %get3A_88] : memref<200x100xf32, #tpu.memory_space<vmem>>, vector<200x100xf32>
    %dot_general3A = arith.constant dense<0.000000e+00> : vector<1024x200xf32>
    %dot_general3A_90 = tpu.matmul %max3A_86, %get3A_89, %dot_general3A {dimension_numbers = #tpu.dot_dimension_numbers<[1], [1], [0], [0], [0, 0, 1, 0], [], []>, transpose_lhs_hint = false} : vector<1024x100xf32>, vector<200x100xf32>, vector<1024x200xf32> -> vector<1024x200xf32>
    %mul3A_91 = vector.broadcast %get3A_29 : vector<1024x1xf32> to vector<1024x200xf32>
    %mul3A_92 = arith.mulf %dot_general3A_90, %mul3A_91 : vector<1024x200xf32>
    %get3A_93 = arith.constant 0 : index
    %get3A_94 = arith.constant 0 : index
    %get3A_95 = vector.load %arg5[%get3A_93, %get3A_94] : memref<4x100xf32, #tpu.memory_space<vmem>>, vector<4x100xf32>
    %dot_general3A_96 = arith.constant dense<0.000000e+00> : vector<1024x4xf32>
    %dot_general3A_97 = tpu.matmul %max3A_86, %get3A_95, %dot_general3A_96 {dimension_numbers = #tpu.dot_dimension_numbers<[1], [1], [0], [0], [0, 0, 1, 0], [], []>, transpose_lhs_hint = false} : vector<1024x100xf32>, vector<4x100xf32>, vector<1024x4xf32> -> vector<1024x4xf32>
    %get3A_98 = arith.constant 0 : index
    %get3A_99 = arith.constant 0 : index
    %get3A_100 = vector.load %arg6[%get3A_98, %get3A_99] : memref<1x4xf32, #tpu.memory_space<vmem>>, vector<1x4xf32>
    %add3A_101 = vector.broadcast %get3A_100 : vector<1x4xf32> to vector<1024x4xf32>
    %add3A_102 = arith.addf %dot_general3A_97, %add3A_101 : vector<1024x4xf32>
    %swap3A = arith.constant 0 : index
    %swap3A_103 = arith.constant 0 : index
    %swap3A_104 = vector.load %arg15[%swap3A, %swap3A_103] : memref<1024x4xf32, #tpu.memory_space<vmem>>, vector<1024x4xf32>
    tpu.vector_store %arg15[%swap3A, %swap3A_103], %add3A_102 {strides = array<i32>} : memref<1024x4xf32, #tpu.memory_space<vmem>>, vector<1024x4xf32>,
    %slice3A_105 = vector.extract_strided_slice %mul3A_92 {offsets = [0, 0], sizes = [1024, 128], strides = [1, 1]} : vector<1024x200xf32> to vector<1024x128xf32>
    %swap3A_106 = arith.constant 0 : index
    %swap3A_107 = arith.constant 0 : index
    %swap3A_108 = vector.load %arg16[%swap3A_106, %swap3A_107] : memref<1024x128xf32, #tpu.memory_space<vmem>>, vector<1024x128xf32>
    tpu.vector_store %arg16[%swap3A_106, %swap3A_107], %slice3A_105 {strides = array<i32>} : memref<1024x128xf32, #tpu.memory_space<vmem>>, vector<1024x128xf32>,
    %slice3A_109 = vector.extract_strided_slice %mul3A_92 {offsets = [0, 128], sizes = [1024, 72], strides = [1, 1]} : vector<1024x200xf32> to vector<1024x72xf32>
    %broadcast_in_dim3A = arith.constant 0.000000e+00 : f32
    %broadcast_in_dim3A_110 = vector.broadcast %broadcast_in_dim3A : f32 to vector<1024x56xf32>
    %concatenate3A_111 = tpu.concatenate %slice3A_109, %broadcast_in_dim3A_110 in 1 : vector<1024x72xf32>, vector<1024x56xf32> -> vector<1024x128xf32>
    %swap3A_112 = arith.constant 0 : index
    %swap3A_113 = arith.constant 0 : index
    %swap3A_114 = vector.load %arg17[%swap3A_112, %swap3A_113] : memref<1024x128xf32, #tpu.memory_space<vmem>>, vector<1024x128xf32>
    tpu.vector_store %arg17[%swap3A_112, %swap3A_113], %concatenate3A_111 {strides = array<i32>} : memref<1024x128xf32, #tpu.memory_space<vmem>>, vector<1024x128xf32>,
    return
  }
  func.func @transform_0(%arg0: i32) -> (i32, i32) {
    %c0_i32 = arith.constant 0 : i32
    %c0_i32_0 = arith.constant 0 : i32
    return %arg0, %c0_i32 : i32, i32
  }
  func.func @transform_1(%arg0: i32) -> (i32, i32) {
    %c0_i32 = arith.constant 0 : i32
    %c0_i32_0 = arith.constant 0 : i32
    return %arg0, %c0_i32 : i32, i32
  }
  func.func @transform_2(%arg0: i32) -> (i32, i32) {
    %c0_i32 = arith.constant 0 : i32
    %c0_i32_0 = arith.constant 0 : i32
    %c0_i32_1 = arith.constant 0 : i32
    return %c0_i32, %c0_i32_0 : i32, i32
  }
  func.func @transform_3(%arg0: i32) -> (i32, i32) {
    %c0_i32 = arith.constant 0 : i32
    %c0_i32_0 = arith.constant 0 : i32
    %c0_i32_1 = arith.constant 0 : i32
    return %c0_i32, %c0_i32_0 : i32, i32
  }
  func.func @transform_4(%arg0: i32) -> (i32, i32) {
    %c0_i32 = arith.constant 0 : i32
    %c0_i32_0 = arith.constant 0 : i32
    %c0_i32_1 = arith.constant 0 : i32
    return %c0_i32, %c0_i32_0 : i32, i32
  }
  func.func @transform_5(%arg0: i32) -> (i32, i32) {
    %c0_i32 = arith.constant 0 : i32
    %c0_i32_0 = arith.constant 0 : i32
    %c0_i32_1 = arith.constant 0 : i32
    return %c0_i32, %c0_i32_0 : i32, i32
  }
  func.func @transform_6(%arg0: i32) -> (i32, i32, i32) {
    %c0_i32 = arith.constant 0 : i32
    %c0_i32_0 = arith.constant 0 : i32
    %c0_i32_1 = arith.constant 0 : i32
    return %c0_i32, %arg0, %c0_i32_0 : i32, i32, i32
  }
  func.func @transform_7(%arg0: i32) -> (i32, i32, i32) {
    %c0_i32 = arith.constant 0 : i32
    %c0_i32_0 = arith.constant 0 : i32
    %c0_i32_1 = arith.constant 0 : i32
    return %c0_i32, %arg0, %c0_i32_0 : i32, i32, i32
  }
  func.func @transform_8(%arg0: i32) -> (i32, i32, i32) {
    %c0_i32 = arith.constant 0 : i32
    %c0_i32_0 = arith.constant 0 : i32
    %c0_i32_1 = arith.constant 0 : i32
    return %c0_i32, %arg0, %c0_i32_0 : i32, i32, i32
  }
  func.func @transform_9(%arg0: i32) -> (i32, i32, i32) {
    %c0_i32 = arith.constant 0 : i32
    %c0_i32_0 = arith.constant 0 : i32
    %c0_i32_1 = arith.constant 0 : i32
    return %c0_i32, %arg0, %c0_i32_0 : i32, i32, i32
  }
  func.func @transform_10(%arg0: i32) -> (i32, i32) {
    %c0_i32 = arith.constant 0 : i32
    %c0_i32_0 = arith.constant 0 : i32
    return %arg0, %c0_i32 : i32, i32
  }
  func.func @transform_11(%arg0: i32) -> (i32, i32) {
    %c0_i32 = arith.constant 0 : i32
    %c0_i32_0 = arith.constant 0 : i32
    return %arg0, %c0_i32 : i32, i32
  }
  func.func @transform_12(%arg0: i32) -> (i32, i32) {
    %c0_i32 = arith.constant 0 : i32
    %c0_i32_0 = arith.constant 0 : i32
    return %arg0, %c0_i32 : i32, i32
  }
  func.func @transform_13(%arg0: i32) -> (i32, i32) {
    %c0_i32 = arith.constant 0 : i32
    %c0_i32_0 = arith.constant 0 : i32
    return %arg0, %c0_i32 : i32, i32
  }
  func.func @transform_14(%arg0: i32) -> (i32, i32) {
    %c0_i32 = arith.constant 0 : i32
    %c0_i32_0 = arith.constant 0 : i32
    return %arg0, %c0_i32 : i32, i32
  }
  func.func @transform_15(%arg0: i32) -> (i32, i32) {
    %c0_i32 = arith.constant 0 : i32
    %c0_i32_0 = arith.constant 0 : i32
    return %arg0, %c0_i32 : i32, i32
  }
  func.func @transform_16(%arg0: i32) -> (i32, i32) {
    %c0_i32 = arith.constant 0 : i32
    %c0_i32_0 = arith.constant 0 : i32
    return %arg0, %c0_i32 : i32, i32
  }
}

module attributes {stable_mosaic.version = 14 : i64} {
  func.func @_tcB_body(%arg0: i32, %arg1: memref<1024x1xf32, #tpu.memory_space<vmem>>, %arg2: memref<1024x4xf32, #tpu.memory_space<vmem>>, %arg3: memref<1x50xf32, #tpu.memory_space<vmem>>, %arg4: memref<4x50xf32, #tpu.memory_space<vmem>>, %arg5: memref<4x50xf32, #tpu.memory_space<vmem>>, %arg6: memref<1x4xf32, #tpu.memory_space<vmem>>, %arg7: memref<2x1024x128xf32, #tpu.memory_space<vmem>>, %arg8: memref<2x1024x128xf32, #tpu.memory_space<vmem>>, %arg9: memref<1024x128xf32, #tpu.memory_space<vmem>>, %arg10: memref<1024x128xf32, #tpu.memory_space<vmem>>, %arg11: memref<1024x4xf32, #tpu.memory_space<vmem>>, %arg12: memref<1024x16xf32, #tpu.memory_space<vmem>>) attributes {dimension_semantics = [#tpu.dimension_semantics<arbitrary>], iteration_bounds = array<i64: 10>, scalar_prefetch = 0 : i64, scratch_operands = 0 : i64, tpu.core_type = #tpu.core_type<tc>, window_params = [{transform_indices = @transform_0, window_bounds = array<i64: 1024, 1>}, {transform_indices = @transform_1, window_bounds = array<i64: 1024, 4>}, {pipeline_mode = #tpu.pipeline_mode<synchronous>, transform_indices = @transform_2, window_bounds = array<i64: 1, 50>}, {pipeline_mode = #tpu.pipeline_mode<synchronous>, transform_indices = @transform_3, window_bounds = array<i64: 4, 50>}, {pipeline_mode = #tpu.pipeline_mode<synchronous>, transform_indices = @transform_4, window_bounds = array<i64: 4, 50>}, {pipeline_mode = #tpu.pipeline_mode<synchronous>, transform_indices = @transform_5, window_bounds = array<i64: 1, 4>}, {transform_indices = @transform_6, window_bounds = array<i64: 2, 1024, 128>}, {transform_indices = @transform_7, window_bounds = array<i64: 2, 1024, 128>}, {transform_indices = @transform_8, window_bounds = array<i64: 1024, 128>}, {transform_indices = @transform_9, window_bounds = array<i64: 1024, 128>}, {transform_indices = @transform_10, window_bounds = array<i64: 1024, 4>}, {transform_indices = @transform_11, window_bounds = array<i64: 1024, 16>}]} {
    %get3A = arith.constant 0 : index
    %get3A_0 = arith.constant 0 : index
    %get3A_1 = arith.constant 0 : index
    %get3A_2 = vector.load %arg7[%get3A, %get3A_0, %get3A_1] : memref<2x1024x128xf32, #tpu.memory_space<vmem>>, vector<2x1024x128xf32>
    %get3A_3 = arith.constant 0 : index
    %get3A_4 = arith.constant 0 : index
    %get3A_5 = arith.constant 0 : index
    %get3A_6 = vector.load %arg8[%get3A_3, %get3A_4, %get3A_5] : memref<2x1024x128xf32, #tpu.memory_space<vmem>>, vector<2x1024x128xf32>
    %get3A_7 = arith.constant 0 : index
    %get3A_8 = arith.constant 0 : index
    %get3A_9 = vector.load %arg9[%get3A_7, %get3A_8] : memref<1024x128xf32, #tpu.memory_space<vmem>>, vector<1024x128xf32>
    %get3A_10 = arith.constant 0 : index
    %get3A_11 = arith.constant 0 : index
    %get3A_12 = vector.load %arg10[%get3A_10, %get3A_11] : memref<1024x128xf32, #tpu.memory_space<vmem>>, vector<1024x128xf32>
    %get3A_13 = arith.constant 0 : index
    %get3A_14 = arith.constant 0 : index
    %get3A_15 = vector.load %arg1[%get3A_13, %get3A_14] : memref<1024x1xf32, #tpu.memory_space<vmem>>, vector<1024x1xf32>
    %get3A_16 = arith.constant 0 : index
    %get3A_17 = arith.constant 0 : index
    %get3A_18 = vector.load %arg2[%get3A_16, %get3A_17] : memref<1024x4xf32, #tpu.memory_space<vmem>>, vector<1024x4xf32>
    %get3A_19 = arith.constant 0 : index
    %get3A_20 = arith.constant 0 : index
    %get3A_21 = vector.load %arg3[%get3A_19, %get3A_20] : memref<1x50xf32, #tpu.memory_space<vmem>>, vector<1x50xf32>
    %slice3A = vector.extract_strided_slice %get3A_2 {offsets = [0, 0, 0], sizes = [1, 1024, 128], strides = [1, 1, 1]} : vector<2x1024x128xf32> to vector<1x1024x128xf32>
    %squeeze3A = vector.shape_cast %slice3A : vector<1x1024x128xf32> to vector<1024x128xf32>
    %slice3A_22 = vector.extract_strided_slice %get3A_2 {offsets = [1, 0, 0], sizes = [1, 1024, 128], strides = [1, 1, 1]} : vector<2x1024x128xf32> to vector<1x1024x128xf32>
    %squeeze3A_23 = vector.shape_cast %slice3A_22 : vector<1x1024x128xf32> to vector<1024x128xf32>
    %add3A = arith.addf %squeeze3A, %squeeze3A_23 : vector<1024x128xf32>
    %add3A_24 = arith.addf %add3A, %get3A_9 : vector<1024x128xf32>
    %mul3A = vector.broadcast %get3A_15 : vector<1024x1xf32> to vector<1024x128xf32>
    %mul3A_25 = arith.mulf %mul3A, %add3A_24 : vector<1024x128xf32>
    %slice3A_26 = vector.extract_strided_slice %get3A_6 {offsets = [0, 0, 0], sizes = [1, 1024, 128], strides = [1, 1, 1]} : vector<2x1024x128xf32> to vector<1x1024x128xf32>
    %squeeze3A_27 = vector.shape_cast %slice3A_26 : vector<1x1024x128xf32> to vector<1024x128xf32>
    %slice3A_28 = vector.extract_strided_slice %get3A_6 {offsets = [1, 0, 0], sizes = [1, 1024, 128], strides = [1, 1, 1]} : vector<2x1024x128xf32> to vector<1x1024x128xf32>
    %squeeze3A_29 = vector.shape_cast %slice3A_28 : vector<1x1024x128xf32> to vector<1024x128xf32>
    %add3A_30 = arith.addf %squeeze3A_27, %squeeze3A_29 : vector<1024x128xf32>
    %add3A_31 = arith.addf %add3A_30, %get3A_12 : vector<1024x128xf32>
    %mul3A_32 = vector.broadcast %get3A_15 : vector<1024x1xf32> to vector<1024x128xf32>
    %mul3A_33 = arith.mulf %mul3A_32, %add3A_31 : vector<1024x128xf32>
    %concatenate3A = tpu.concatenate %mul3A_25, %mul3A_33 in 1 : vector<1024x128xf32>, vector<1024x128xf32> -> vector<1024x256xf32>
    %slice3A_34 = vector.extract_strided_slice %get3A_18 {offsets = [0, 0], sizes = [1024, 1], strides = [1, 1]} : vector<1024x4xf32> to vector<1024x1xf32>
    %slice3A_35 = vector.extract_strided_slice %concatenate3A {offsets = [0, 0], sizes = [1024, 50], strides = [1, 1]} : vector<1024x256xf32> to vector<1024x50xf32>
    %mul3A_36 = vector.broadcast %slice3A_34 : vector<1024x1xf32> to vector<1024x50xf32>
    %mul3A_37 = arith.mulf %mul3A_36, %slice3A_35 : vector<1024x50xf32>
    %slice3A_38 = vector.extract_strided_slice %get3A_18 {offsets = [0, 1], sizes = [1024, 1], strides = [1, 1]} : vector<1024x4xf32> to vector<1024x1xf32>
    %slice3A_39 = vector.extract_strided_slice %concatenate3A {offsets = [0, 50], sizes = [1024, 50], strides = [1, 1]} : vector<1024x256xf32> to vector<1024x50xf32>
    %mul3A_40 = vector.broadcast %slice3A_38 : vector<1024x1xf32> to vector<1024x50xf32>
    %mul3A_41 = arith.mulf %mul3A_40, %slice3A_39 : vector<1024x50xf32>
    %add3A_42 = arith.addf %mul3A_37, %mul3A_41 : vector<1024x50xf32>
    %slice3A_43 = vector.extract_strided_slice %get3A_18 {offsets = [0, 2], sizes = [1024, 1], strides = [1, 1]} : vector<1024x4xf32> to vector<1024x1xf32>
    %slice3A_44 = vector.extract_strided_slice %concatenate3A {offsets = [0, 100], sizes = [1024, 50], strides = [1, 1]} : vector<1024x256xf32> to vector<1024x50xf32>
    %mul3A_45 = vector.broadcast %slice3A_43 : vector<1024x1xf32> to vector<1024x50xf32>
    %mul3A_46 = arith.mulf %mul3A_45, %slice3A_44 : vector<1024x50xf32>
    %add3A_47 = arith.addf %add3A_42, %mul3A_46 : vector<1024x50xf32>
    %slice3A_48 = vector.extract_strided_slice %get3A_18 {offsets = [0, 3], sizes = [1024, 1], strides = [1, 1]} : vector<1024x4xf32> to vector<1024x1xf32>
    %slice3A_49 = vector.extract_strided_slice %concatenate3A {offsets = [0, 150], sizes = [1024, 50], strides = [1, 1]} : vector<1024x256xf32> to vector<1024x50xf32>
    %mul3A_50 = vector.broadcast %slice3A_48 : vector<1024x1xf32> to vector<1024x50xf32>
    %mul3A_51 = arith.mulf %mul3A_50, %slice3A_49 : vector<1024x50xf32>
    %add3A_52 = arith.addf %add3A_47, %mul3A_51 : vector<1024x50xf32>
    %add3A_53 = vector.broadcast %get3A_21 : vector<1x50xf32> to vector<1024x50xf32>
    %add3A_54 = arith.addf %add3A_52, %add3A_53 : vector<1024x50xf32>
    %max3A = arith.constant 0.000000e+00 : f32
    %max3A_55 = vector.broadcast %max3A : f32 to vector<1024x50xf32>
    %max3A_56 = arith.maximumf %add3A_54, %max3A_55 : vector<1024x50xf32>
    %get3A_57 = arith.constant 0 : index
    %get3A_58 = arith.constant 0 : index
    %get3A_59 = vector.load %arg4[%get3A_57, %get3A_58] : memref<4x50xf32, #tpu.memory_space<vmem>>, vector<4x50xf32>
    %dot_general3A = arith.constant dense<0.000000e+00> : vector<1024x4xf32>
    %dot_general3A_60 = tpu.matmul %max3A_56, %get3A_59, %dot_general3A {dimension_numbers = #tpu.dot_dimension_numbers<[1], [1], [0], [0], [0, 0, 1, 0], [], []>, transpose_lhs_hint = false} : vector<1024x50xf32>, vector<4x50xf32>, vector<1024x4xf32> -> vector<1024x4xf32>
    %mul3A_61 = vector.broadcast %get3A_15 : vector<1024x1xf32> to vector<1024x4xf32>
    %mul3A_62 = arith.mulf %dot_general3A_60, %mul3A_61 : vector<1024x4xf32>
    %get3A_63 = arith.constant 0 : index
    %get3A_64 = arith.constant 0 : index
    %get3A_65 = vector.load %arg5[%get3A_63, %get3A_64] : memref<4x50xf32, #tpu.memory_space<vmem>>, vector<4x50xf32>
    %dot_general3A_66 = arith.constant dense<0.000000e+00> : vector<1024x4xf32>
    %dot_general3A_67 = tpu.matmul %max3A_56, %get3A_65, %dot_general3A_66 {dimension_numbers = #tpu.dot_dimension_numbers<[1], [1], [0], [0], [0, 0, 1, 0], [], []>, transpose_lhs_hint = false} : vector<1024x50xf32>, vector<4x50xf32>, vector<1024x4xf32> -> vector<1024x4xf32>
    %get3A_68 = arith.constant 0 : index
    %get3A_69 = arith.constant 0 : index
    %get3A_70 = vector.load %arg6[%get3A_68, %get3A_69] : memref<1x4xf32, #tpu.memory_space<vmem>>, vector<1x4xf32>
    %add3A_71 = vector.broadcast %get3A_70 : vector<1x4xf32> to vector<1024x4xf32>
    %add3A_72 = arith.addf %dot_general3A_67, %add3A_71 : vector<1024x4xf32>
    %swap3A = arith.constant 0 : index
    %swap3A_73 = arith.constant 0 : index
    %swap3A_74 = vector.load %arg11[%swap3A, %swap3A_73] : memref<1024x4xf32, #tpu.memory_space<vmem>>, vector<1024x4xf32>
    tpu.vector_store %arg11[%swap3A, %swap3A_73], %add3A_72 {strides = array<i32>} : memref<1024x4xf32, #tpu.memory_space<vmem>>, vector<1024x4xf32>,
    %broadcast_in_dim3A = arith.constant 0.000000e+00 : f32
    %broadcast_in_dim3A_75 = vector.broadcast %broadcast_in_dim3A : f32 to vector<1024x12xf32>
    %concatenate3A_76 = tpu.concatenate %mul3A_62, %broadcast_in_dim3A_75 in 1 : vector<1024x4xf32>, vector<1024x12xf32> -> vector<1024x16xf32>
    %swap3A_77 = arith.constant 0 : index
    %swap3A_78 = arith.constant 0 : index
    %swap3A_79 = vector.load %arg12[%swap3A_77, %swap3A_78] : memref<1024x16xf32, #tpu.memory_space<vmem>>, vector<1024x16xf32>
    tpu.vector_store %arg12[%swap3A_77, %swap3A_78], %concatenate3A_76 {strides = array<i32>} : memref<1024x16xf32, #tpu.memory_space<vmem>>, vector<1024x16xf32>,
    return
  }
  func.func @transform_0(%arg0: i32) -> (i32, i32) {
    %c0_i32 = arith.constant 0 : i32
    %c0_i32_0 = arith.constant 0 : i32
    return %arg0, %c0_i32 : i32, i32
  }
  func.func @transform_1(%arg0: i32) -> (i32, i32) {
    %c0_i32 = arith.constant 0 : i32
    %c0_i32_0 = arith.constant 0 : i32
    return %arg0, %c0_i32 : i32, i32
  }
  func.func @transform_2(%arg0: i32) -> (i32, i32) {
    %c0_i32 = arith.constant 0 : i32
    %c0_i32_0 = arith.constant 0 : i32
    %c0_i32_1 = arith.constant 0 : i32
    return %c0_i32, %c0_i32_0 : i32, i32
  }
  func.func @transform_3(%arg0: i32) -> (i32, i32) {
    %c0_i32 = arith.constant 0 : i32
    %c0_i32_0 = arith.constant 0 : i32
    %c0_i32_1 = arith.constant 0 : i32
    return %c0_i32, %c0_i32_0 : i32, i32
  }
  func.func @transform_4(%arg0: i32) -> (i32, i32) {
    %c0_i32 = arith.constant 0 : i32
    %c0_i32_0 = arith.constant 0 : i32
    %c0_i32_1 = arith.constant 0 : i32
    return %c0_i32, %c0_i32_0 : i32, i32
  }
  func.func @transform_5(%arg0: i32) -> (i32, i32) {
    %c0_i32 = arith.constant 0 : i32
    %c0_i32_0 = arith.constant 0 : i32
    %c0_i32_1 = arith.constant 0 : i32
    return %c0_i32, %c0_i32_0 : i32, i32
  }
  func.func @transform_6(%arg0: i32) -> (i32, i32, i32) {
    %c0_i32 = arith.constant 0 : i32
    %c0_i32_0 = arith.constant 0 : i32
    %c0_i32_1 = arith.constant 0 : i32
    return %c0_i32, %arg0, %c0_i32_0 : i32, i32, i32
  }
  func.func @transform_7(%arg0: i32) -> (i32, i32, i32) {
    %c0_i32 = arith.constant 0 : i32
    %c0_i32_0 = arith.constant 0 : i32
    %c0_i32_1 = arith.constant 0 : i32
    return %c0_i32, %arg0, %c0_i32_0 : i32, i32, i32
  }
  func.func @transform_8(%arg0: i32) -> (i32, i32) {
    %c0_i32 = arith.constant 0 : i32
    %c0_i32_0 = arith.constant 0 : i32
    return %arg0, %c0_i32 : i32, i32
  }
  func.func @transform_9(%arg0: i32) -> (i32, i32) {
    %c0_i32 = arith.constant 0 : i32
    %c0_i32_0 = arith.constant 0 : i32
    return %arg0, %c0_i32 : i32, i32
  }
  func.func @transform_10(%arg0: i32) -> (i32, i32) {
    %c0_i32 = arith.constant 0 : i32
    %c0_i32_0 = arith.constant 0 : i32
    return %arg0, %c0_i32 : i32, i32
  }
  func.func @transform_11(%arg0: i32) -> (i32, i32) {
    %c0_i32 = arith.constant 0 : i32
    %c0_i32_0 = arith.constant 0 : i32
    return %arg0, %c0_i32 : i32, i32
  }
}

module attributes {stable_mosaic.version = 14 : i64} {
  func.func @_tcC_body(%arg0: i32, %arg1: memref<1024x1xf32, #tpu.memory_space<vmem>>, %arg2: memref<1024x4xf32, #tpu.memory_space<vmem>>, %arg3: memref<1x1xf32, #tpu.memory_space<vmem>>, %arg4: memref<2x1024x16xf32, #tpu.memory_space<vmem>>, %arg5: memref<1024x16xf32, #tpu.memory_space<vmem>>, %arg6: memref<1024x1xf32, #tpu.memory_space<vmem>>) attributes {dimension_semantics = [#tpu.dimension_semantics<arbitrary>], iteration_bounds = array<i64: 10>, scalar_prefetch = 0 : i64, scratch_operands = 0 : i64, tpu.core_type = #tpu.core_type<tc>, window_params = [{transform_indices = @transform_0, window_bounds = array<i64: 1024, 1>}, {transform_indices = @transform_1, window_bounds = array<i64: 1024, 4>}, {pipeline_mode = #tpu.pipeline_mode<synchronous>, transform_indices = @transform_2, window_bounds = array<i64: 1, 1>}, {transform_indices = @transform_3, window_bounds = array<i64: 2, 1024, 16>}, {transform_indices = @transform_4, window_bounds = array<i64: 1024, 16>}, {transform_indices = @transform_5, window_bounds = array<i64: 1024, 1>}]} {
    %get3A = arith.constant 0 : index
    %get3A_0 = arith.constant 0 : index
    %get3A_1 = arith.constant 0 : index
    %get3A_2 = vector.load %arg4[%get3A, %get3A_0, %get3A_1] : memref<2x1024x16xf32, #tpu.memory_space<vmem>>, vector<2x1024x16xf32>
    %get3A_3 = arith.constant 0 : index
    %get3A_4 = arith.constant 0 : index
    %get3A_5 = vector.load %arg5[%get3A_3, %get3A_4] : memref<1024x16xf32, #tpu.memory_space<vmem>>, vector<1024x16xf32>
    %get3A_6 = arith.constant 0 : index
    %get3A_7 = arith.constant 0 : index
    %get3A_8 = vector.load %arg2[%get3A_6, %get3A_7] : memref<1024x4xf32, #tpu.memory_space<vmem>>, vector<1024x4xf32>
    %get3A_9 = arith.constant 0 : index
    %get3A_10 = arith.constant 0 : index
    %get3A_11 = vector.load %arg1[%get3A_9, %get3A_10] : memref<1024x1xf32, #tpu.memory_space<vmem>>, vector<1024x1xf32>
    %get3A_12 = arith.constant 0 : index
    %get3A_13 = arith.constant 0 : index
    %get3A_14 = vector.load %arg3[%get3A_12, %get3A_13] : memref<1x1xf32, #tpu.memory_space<vmem>>, vector<1x1xf32>
    %slice3A = vector.extract_strided_slice %get3A_2 {offsets = [0, 0, 0], sizes = [1, 1024, 16], strides = [1, 1, 1]} : vector<2x1024x16xf32> to vector<1x1024x16xf32>
    %squeeze3A = vector.shape_cast %slice3A : vector<1x1024x16xf32> to vector<1024x16xf32>
    %slice3A_15 = vector.extract_strided_slice %get3A_2 {offsets = [1, 0, 0], sizes = [1, 1024, 16], strides = [1, 1, 1]} : vector<2x1024x16xf32> to vector<1x1024x16xf32>
    %squeeze3A_16 = vector.shape_cast %slice3A_15 : vector<1x1024x16xf32> to vector<1024x16xf32>
    %add3A = arith.addf %squeeze3A, %squeeze3A_16 : vector<1024x16xf32>
    %add3A_17 = arith.addf %add3A, %get3A_5 : vector<1024x16xf32>
    %mul3A = vector.broadcast %get3A_11 : vector<1024x1xf32> to vector<1024x16xf32>
    %mul3A_18 = arith.mulf %mul3A, %add3A_17 : vector<1024x16xf32>
    %slice3A_19 = vector.extract_strided_slice %get3A_8 {offsets = [0, 0], sizes = [1024, 1], strides = [1, 1]} : vector<1024x4xf32> to vector<1024x1xf32>
    %slice3A_20 = vector.extract_strided_slice %mul3A_18 {offsets = [0, 0], sizes = [1024, 1], strides = [1, 1]} : vector<1024x16xf32> to vector<1024x1xf32>
    %mul3A_21 = arith.mulf %slice3A_19, %slice3A_20 : vector<1024x1xf32>
    %slice3A_22 = vector.extract_strided_slice %get3A_8 {offsets = [0, 1], sizes = [1024, 1], strides = [1, 1]} : vector<1024x4xf32> to vector<1024x1xf32>
    %slice3A_23 = vector.extract_strided_slice %mul3A_18 {offsets = [0, 1], sizes = [1024, 1], strides = [1, 1]} : vector<1024x16xf32> to vector<1024x1xf32>
    %mul3A_24 = arith.mulf %slice3A_22, %slice3A_23 : vector<1024x1xf32>
    %add3A_25 = arith.addf %mul3A_21, %mul3A_24 : vector<1024x1xf32>
    %slice3A_26 = vector.extract_strided_slice %get3A_8 {offsets = [0, 2], sizes = [1024, 1], strides = [1, 1]} : vector<1024x4xf32> to vector<1024x1xf32>
    %slice3A_27 = vector.extract_strided_slice %mul3A_18 {offsets = [0, 2], sizes = [1024, 1], strides = [1, 1]} : vector<1024x16xf32> to vector<1024x1xf32>
    %mul3A_28 = arith.mulf %slice3A_26, %slice3A_27 : vector<1024x1xf32>
    %add3A_29 = arith.addf %add3A_25, %mul3A_28 : vector<1024x1xf32>
    %slice3A_30 = vector.extract_strided_slice %get3A_8 {offsets = [0, 3], sizes = [1024, 1], strides = [1, 1]} : vector<1024x4xf32> to vector<1024x1xf32>
    %slice3A_31 = vector.extract_strided_slice %mul3A_18 {offsets = [0, 3], sizes = [1024, 1], strides = [1, 1]} : vector<1024x16xf32> to vector<1024x1xf32>
    %mul3A_32 = arith.mulf %slice3A_30, %slice3A_31 : vector<1024x1xf32>
    %add3A_33 = arith.addf %add3A_29, %mul3A_32 : vector<1024x1xf32>
    %add3A_34 = vector.broadcast %get3A_14 : vector<1x1xf32> to vector<1024x1xf32>
    %add3A_35 = arith.addf %add3A_33, %add3A_34 : vector<1024x1xf32>
    %max3A = arith.constant 0.000000e+00 : f32
    %max3A_36 = vector.broadcast %max3A : f32 to vector<1024x1xf32>
    %max3A_37 = arith.maximumf %add3A_35, %max3A_36 : vector<1024x1xf32>
    %swap3A = arith.constant 0 : index
    %swap3A_38 = arith.constant 0 : index
    %swap3A_39 = vector.load %arg6[%swap3A, %swap3A_38] : memref<1024x1xf32, #tpu.memory_space<vmem>>, vector<1024x1xf32>
    tpu.vector_store %arg6[%swap3A, %swap3A_38], %max3A_37 {strides = array<i32>} : memref<1024x1xf32, #tpu.memory_space<vmem>>, vector<1024x1xf32>,
    return
  }
  func.func @transform_0(%arg0: i32) -> (i32, i32) {
    %c0_i32 = arith.constant 0 : i32
    %c0_i32_0 = arith.constant 0 : i32
    return %arg0, %c0_i32 : i32, i32
  }
  func.func @transform_1(%arg0: i32) -> (i32, i32) {
    %c0_i32 = arith.constant 0 : i32
    %c0_i32_0 = arith.constant 0 : i32
    return %arg0, %c0_i32 : i32, i32
  }
  func.func @transform_2(%arg0: i32) -> (i32, i32) {
    %c0_i32 = arith.constant 0 : i32
    %c0_i32_0 = arith.constant 0 : i32
    %c0_i32_1 = arith.constant 0 : i32
    return %c0_i32, %c0_i32_0 : i32, i32
  }
  func.func @transform_3(%arg0: i32) -> (i32, i32, i32) {
    %c0_i32 = arith.constant 0 : i32
    %c0_i32_0 = arith.constant 0 : i32
    %c0_i32_1 = arith.constant 0 : i32
    return %c0_i32, %arg0, %c0_i32_0 : i32, i32, i32
  }
  func.func @transform_4(%arg0: i32) -> (i32, i32) {
    %c0_i32 = arith.constant 0 : i32
    %c0_i32_0 = arith.constant 0 : i32
    return %arg0, %c0_i32 : i32, i32
  }
  func.func @transform_5(%arg0: i32) -> (i32, i32) {
    %c0_i32 = arith.constant 0 : i32
    %c0_i32_0 = arith.constant 0 : i32
    return %arg0, %c0_i32 : i32, i32
  }
}

</mosaic_0001>

<sc_bundles>
// kernel: kernel.11.cloned.1.call-start
scs
__scs_entry_jumppad:
0x0: {  	(pc) =	sbr.rel $0x88, $3  }
0x1: {  	(tag) =	ssettag $0x0;
	lr =	simm.s32 $0x1  }
0x2: {  	[smem:$0x3F93] =	sst lr;
	_ =	strace $0xD0000000  }
0x3: {  	_ = 	snop  }
0x4: {  	_ = 	snop  }
0x5: {  	_ = 	snop  }
0x6: {  	_ = 	snop  }
0x7: {  	_ = 	snop  }
__scs_overlays_trampoline_lowered:
0x8: {  	[smem:$0x3FA2] =	sst s0  }
0x9: {  	[smem:$0x3FA3] =	sst s1  }
0xa: {  	[smem:$0x3FA4] =	sst s2  }
0xb: {  	[smem:$0x3FA5] =	sst s3  }
0xc: {  	[smem:$0x3FA6] =	sst s4  }
0xd: {  	[smem:$0x3FA7] =	sst s5  }
0xe: {  	[smem:$0x3FA8] =	sst s6  }
0xf: {  	[smem:$0x3FA9] =	sst s7  }
0x10: {  	[smem:$0x3FAA] =	sst s8  }
0x11: {  	[smem:$0x3FAB] =	sst s9;
	s0 =	simm.s32 @!p0 $0x0  }
0x12: {  	s1 =	sld [smem:$0x3F91];
	s0 =	simm.s32 @p0 $0x1  }
0x13: {  	[smem:$0x3FAC] =	sst s0;
	s0 =	simm.s32 @!p1 $0x0  }
0x14: {  	s2 =	sld [smem:$0x3F90];
	s0 =	simm.s32 @p1 $0x1  }
0x15: {  	[smem:$0x3FAD] =	sst s0;
	s0 =	simm.s32 @!p2 $0x0  }
0x16: {  	s3 =	sld [smem:$0x3FDB];
	s0 =	simm.s32 @p2 $0x1  }
0x17: {  	s4 =	simm.s32 $0x1BF5;
	[smem:$0x3FAF] =	sst s0  }
0x18: {  	s0 =	sld [smem:$0x3F92];
	_ =	swait.ge [sflag:s4], $0x0  }
0x19: {  	s7 =	sld [smem:$0x3F93]  }
0x1a: {  	s8 =	sadd.s32 $0xFFFFE003, lr  }
0x1b: {  	s9 =	sadd.s32 $0xFFFFFEF7, lr;
	s5 =	simm.s32 $0xFFFFFFFF;
	p2 =	slt.u32 s8, $0xFFFFF086  }
0x1c: {  	p1 =	slt.u32 s9, $0xF7A;
	s5 =	simm.s32 @!p2 $0x0  }
0x1d: {  	s5 =	simm.s32 @p1 $0x1;
	p0 =	seq.s32 s7, s2  }
0x1e: {  	s7 =	smul.u32 @!p0 $0xF7A, s2;
	p2 =	seq.s32 @!p0 s5, $0x0  }
0x1f: {  	s9 =	smul.u32 $0xF7A, s1;
	s8 =	simm.s32 @!p0 $0x1BF5;
	p2 =	por !p2, p0  }
0x20: {  	[sflag:s8] =	ssyncset.s32 @!p0 $0xFFFFF086;
	s6 =	sadd.s32 @!p0 s3, s7;
	s7 =	simm.s32 @!p0 $0x108  }
0x21: {  	s3 =	sadd.s32 s3, s9;
	s6 =	sadd.s32 @!p0 $0x88, s6;
	s7 =	simm.s32 @p2 $0x1082  }
0x22: {  	[simem:s7], [sflag:s8] =	dma.local @!p0 [hbm:s6], $0xF7A  }
0x23: {  	s9 =	sor.u32 $0xD0000000, s2;
	s6 =	simm.s32 $0x108;
	_ =	swait.ge @!p0 [sflag:s8], $0x0  }
0x24: {  	s3 =	sadd.s32 $0x88, s3;
	s6 =	simm.s32 @!p1 $0x1082;
	[sflag:s4] =	ssyncset.s32 $0xFFFFF086  }
0x25: {  	[simem:s6], [sflag:s4] =	dma.local [hbm:s3], $0xF7A  }
0x26: {  	[smem:$0x3F93] =	sst s1;
	(tag) =	ssettag s2;
	_ =	strace s9  }
0x27: {  	s1 =	sld [smem:$0x3FA3]  }
0x28: {  	s2 =	sld [smem:$0x3FA4]  }
0x29: {  	s4 =	sld [smem:$0x3FA6]  }
0x2a: {  	p0 =	seq.s32 s5, $0x0;
	s5 =	sld [smem:$0x3FA7]  }
0x2b: {  	s6 =	sld [smem:$0x3FA8]  }
0x2c: {  	s7 =	sld [smem:$0x3FA9]  }
0x2d: {  	s3 =	simm.s32 $0x108;
	s8 =	sld [smem:$0x3FAA]  }
0x2e: {  	s3 =	simm.s32 @!p0 $0x1082;
	s9 =	sld [smem:$0x3FAB]  }
0x2f: {  	lr =	sadd.s32 s0, s3;
	s0 =	sld [smem:$0x3FA2]  }
0x30: {  	s3 =	sld [smem:$0x3FA5]  }
0x31: {  	[smem:$0x3FAE] =	sst s10  }
0x32: {  	s10 =	sld [smem:$0x3FAC];
	_ =	sdelay $0x3  }
0x33: {  	p0 =	seq.s32 s10, $0x1;
	s10 =	sld [smem:$0x3FAE];
	_ =	sdelay $0x3  }
0x34: {  	[smem:$0x3FAE] =	sst s10  }
0x35: {  	s10 =	sld [smem:$0x3FAD];
	_ =	sdelay $0x3  }
0x36: {  	p1 =	seq.s32 s10, $0x1;
	s10 =	sld [smem:$0x3FAE];
	_ =	sdelay $0x3  }
0x37: {  	[smem:$0x3FAE] =	sst s10  }
0x38: {  	s10 =	sld [smem:$0x3FAF]  }
0x39: {  	_ = 	snop;
	(pc) =	sbr.ind lr, $3  }
0x3a: {  	_ = 	snop  }
0x3b: {  	_ = 	snop  }
0x3c: {  	p2 =	seq.s32 s10, $0x1;
	s10 =	sld [smem:$0x3FAE]  }
0x3d: {  	_ =	shalt  }
0x3e: {  	_ =	shalt  }
0x3f: {  	_ =	shalt  }
0x40: {  	_ =	shalt  }
0x41: {  	_ =	shalt  }
0x42: {  	_ =	shalt  }
0x43: {  	_ =	shalt  }
0x44: {  	_ =	shalt  }
0x45: {  	_ =	shalt  }
0x46: {  	_ =	shalt  }
0x47: {  	_ =	shalt  }
0x48: {  	_ =	shalt  }
0x49: {  	_ =	shalt  }
0x4a: {  	_ =	shalt  }
0x4b: {  	_ =	shalt  }
0x4c: {  	_ =	shalt  }
0x4d: {  	_ =	shalt  }
0x4e: {  	_ =	shalt  }
0x4f: {  	_ =	shalt  }
0x50: {  	_ =	shalt  }
0x51: {  	_ =	shalt  }
0x52: {  	_ =	shalt  }
0x53: {  	_ =	shalt  }
0x54: {  	_ =	shalt  }
0x55: {  	_ =	shalt  }
0x56: {  	_ =	shalt  }
0x57: {  	_ =	shalt  }
0x58: {  	_ =	shalt  }
0x59: {  	_ =	shalt  }
0x5a: {  	_ =	shalt  }
0x5b: {  	_ =	shalt  }
0x5c: {  	_ =	shalt  }
0x5d: {  	_ =	shalt  }
0x5e: {  	_ =	shalt  }
0x5f: {  	_ =	shalt  }
0x60: {  	_ =	shalt  }
0x61: {  	_ =	shalt  }
0x62: {  	_ =	shalt  }
0x63: {  	_ =	shalt  }
0x64: {  	_ =	shalt  }
0x65: {  	_ =	shalt  }
0x66: {  	_ =	shalt  }
0x67: {  	_ =	shalt  }
0x68: {  	_ =	shalt  }
0x69: {  	_ =	shalt  }
0x6a: {  	_ =	shalt  }
0x6b: {  	_ =	shalt  }
0x6c: {  	_ =	shalt  }
0x6d: {  	_ =	shalt  }
0x6e: {  	_ =	shalt  }
0x6f: {  	_ =	shalt  }
0x70: {  	_ =	shalt  }
0x71: {  	_ =	shalt  }
0x72: {  	_ =	shalt  }
0x73: {  	_ =	shalt  }
0x74: {  	_ =	shalt  }
0x75: {  	_ =	shalt  }
0x76: {  	_ =	shalt  }
0x77: {  	_ =	shalt  }
0x78: {  	_ =	shalt  }
0x79: {  	_ =	shalt  }
0x7a: {  	_ =	shalt  }
0x7b: {  	_ =	shalt  }
0x7c: {  	_ =	shalt  }
0x7d: {  	_ =	shalt  }
0x7e: {  	_ =	shalt  }
0x7f: {  	_ =	shalt  }
0x80: {  	_ =	shalt  }
0x81: {  	_ =	shalt  }
0x82: {  	_ =	shalt  }
0x83: {  	_ =	shalt  }
0x84: {  	_ =	shalt  }
0x85: {  	_ =	shalt  }
0x86: {  	_ =	shalt  }
0x87: {  	_ =	shalt  }
.Lfunc_end0:
.L_simem_size_0:
called_computation_lowered:
.L_overlay_start_0:
0x88: {  	s2 =	sld [smem:$0x3FD9]  }
0x89: {  	s3 =	sld [smem:$0x3FFE];
	_ =	sdelay $0x1  }
0x8a: {  	s1 =	srdreg.scid  }
0x8b: {  	s0 =	sand.u32 $0x1, s1  }
0x8c: {  	s17 =	sshll.u32 s0, $0xA;
	s2 =	sadd.s32 s3, s2  }
0x8d: {  	s2 =	sadd.s32 s2, s17  }
0x8e: {  	[smem:$0x3FBA] =	sst s2  }
0x8f: {  	_ = 	snop  }
0x90: {  	s2 =	sld [smem:$0x3FD0];
	(tm) =	ssettm $0x1  }
0x91: {  	s18 =	sld [smem:$0x3FFB];
	_ =	sdelay $0x3  }
0x92: {  	_ =	strace s18  }
0x93: {  	s3 =	sld [smem:$0x3FFC];
	_ =	sdelay $0x3  }
0x94: {  	_ =	strace s3  }
0x95: {  	s3 =	sld [smem:$0x3FFD];
	_ =	sdelay $0x3  }
0x96: {  	_ =	strace s3  }
0x97: {  	_ =	strace $0x8FFFFFFF  }
0x98: {  	s19 =	sld [smem:$0x3FDB];
	_ =	sdelay $0x1  }
0x99: {  	s4 =	simm.s32 $_scs_section_size  }
0x9a: {  	s5 =	simm.s32 $_size__tile_overlayer_lowered;
	s6 =	simm.s32 $_tile_overlayer_lowered  }
0x9b: {  	s22 =	simm.s32 $0x1BFF;
	s21 =	sshll.u32 s6, $0x1;
	s3 =	sadd.s32 s4, s19  }
0x9c: {  	s7 =	simm.s32 $0x0;
	s20 =	sshll.u32 s5, $0x1;
	s5 =	sadd.s32 s21, s3  }
0x9d: {  	[timem:s7], [sflag:s22] =	dma.local [hbm:s5], s20  }
0x9e: {  	_ =	swait.ge [sflag:s22], s20  }
0x9f: {  	s4 =	ssub.s32 $0x0, s20;
	[sflag:s22] =	ssyncset.done $0x0  }
0xa0: {  	[sflag:s22] =	ssyncadd.s32 s4;
	_ =	sdelay $0x1  }
0xa1: {  	s23 =	simm.s32 $0x1B8B  }
0xa2: {  	_ =	swait.ge [sflag:s23], $0x1  }
0xa3: {  	[sflag:s23] =	ssyncset.done $0x0  }
0xa4: {  	s25 =	simm.s32 $0x1B8E;
	s24 =	sld [smem:$0x3FFE];
	[sflag:s23] =	ssyncadd.s32 $0xFFFFFFFF  }
0xa5: {  	s26 =	simm.s32 $execute0_lowered;
	[smem:$0x3FD2] =	sst s25  }
0xa6: {  	s5 =	sshll.u32 s26, $0x1;
	_ =	strace $0x80000046;
	[dreg:$0x1] =	wrdreg $0xFFFFFFFF  }
0xa7: {  	s28 =	simm.s32 $_size_execute0_lowered;
	s3 =	sadd.s32 s3, s5;
	[dreg:$0x0] =	wrdreg $0x0  }
0xa8: {  	s5 =	sshll.u32 s28, $0x1;
	[dreg:$0x2] =	wrdreg s3  }
0xa9: {  	[dreg:$0x3] =	wrdreg s5  }
0xaa: {  	[dreg:$0x4] =	wrdreg $0xC0  }
0xab: {  	_ =	task [dreg:s7], $0x5FFFF  }
0xac: {  	[dreg:$0x1] =	wrdreg $0xFFFFFFFF  }
0xad: {  	[dreg:$0x0] =	wrdreg $0x60  }
0xae: {  	[dreg:$0x2] =	wrdreg s24  }
0xaf: {  	[dreg:$0x3] =	wrdreg s2  }
0xb0: {  	[dreg:$0x4] =	wrdreg $0x24000  }
0xb1: {  	[dreg:$0x5] =	wrdreg $0x9  }
0xb2: {  	_ =	task.clear_ibuf [dreg:s7], $0x6FFFF;
	_ =	strace $0x90000046  }
0xb3: {  	s29 =	simm.s32 $0x9;
	_ =	strace $0x80000048  }
0xb4: {  	_ =	swait.ge [sflag:s29], $0x1  }
0xb5: {  	[sflag:s29] =	ssyncadd.s32 $0xFFFFFFFF  }
0xb6: {  	_ =	strace $0x90000048  }
0xb7: {  	_ =	sfence  }
0xb8: {  	s30 =	sld [smem:$0x0];
	_ =	sdelay $0x2  }
0xb9: {  	s31 =	sshll.u32 s1, $0xD;
	s1 =	sshrl.u32 s1, $0x2  }
0xba: {  	s3 =	sand.u32 $0x4000, s31;
	s1 =	sadd.s32 s1, s30  }
0xbb: {  	s0 =	sor.u32 s3, s0;
	s1 =	sshll.u32 s1, $0x11  }
0xbc: {  	s0 =	sor.u32 s1, s0  }
0xbd: {  	s0 =	sadd.s32 $0x8F2B, s0  }
0xbe: {  	[sflag:s0] =	ssyncadd.remote.s32 $0x1  }
0xbf: {  	_ =	sfence.sel $0xFFFF  }
0xc0: {  	[dreg:$0x0] =	wrdreg $0xFFFFFFFF;
	(pc) =	sbr.abs _section_cstart, $3  }
0xc1: {  	[dreg:$0x1] =	wrdreg $0xFFFFFFFF  }
0xc2: {  	_ =	task.clear_ibuf [dreg:s7], $0x2FFFF;
	_ =	strace $0x9FFFFFFF  }
0xc3: {  	(tm) =	ssettm $0x7FFFFFFF  }
tec
execute0_lowered:
.L_overlay_start_1:
0x0: {  	(tag) =	ssettag $0x1  }
0x1: {  	s7 =	rddreg [dreg:$0x0]  }
0x2: {  	s0 =	srdreg.scid;
	s2 =	rddreg [dreg:$0x1]  }
0x3: {  	s3 =	rddreg [dreg:$0x2];
	s4 =	simm.s32 $0x0;
	s14 =	simm.s32 $0x1  }
0x4: {  	s15 =	simm.s32 $0x1400;
	s6 =	sand.u32 $0x1, s0;
	s0 =	stileid.u32  }
0x5: {  	s16 =	simm.s32 $0x1C00;
	s17 =	simm.s32 $0x80;
	s8 =	smul.u32 $0x2800, s0  }
0x6: {  	s20 =	simm.s32 $0x0;
	[smem:$0x7FF] =	sst s4;
	s9 =	smul.u32 $0x28000, s6  }
0x7: {  	s1 =	sshll.u32 s6, $0x4;
	s11 =	smul.u32 $0xA000, s0;
	s6 =	ssub.s32 $0x2, s6  }
0x8: {  	s18 =	sshll.u32 s0, $0x6;
	s1 =	sor.u32 s0, s1;
	s30 =	sshrl.u32 s6, $0x1  }
0x9: {  	s18 =	sor.u32 $0x1C01, s18;
	s5 =	smul.u32 $0x280, s1;
	s1 =	rddreg [dreg:$0x3]  }
0xa: {  	_ =	strace $0x80000047;
	s9 =	sadd.s32 s8, s9;
	s31 =	sshrl.u32 s11, $0x2  }
0xb: {  	s13 =	ssub.s32 s6, s30;
	s9 =	sshrl.u32 s9, $0x3;
	s11 =	sadd.s32 s31, s3  }
0xc: {  	s13 =	smax.u32 s13, $0x1;
	s10 =	sadd.s32 s5, s7;
	s5 =	sadd.s32 $0xE000, s7  }
0xd: {  	s12 =	sadd.s32 s9, s7;
	s7 =	sadd.s32 s8, s3;
	s8 =	sadd.s32 $0x800, s11  }
0xe: {  	s9 =	sadd.s32 $0x1000, s11;
	s6 =	sadd.s32 $0x9000, s10;
	s10 =	sadd.s32 $0x1800, s11  }
0xf: {  	s11 =	sadd.s32 $0x2000, s11;
	s12 =	sadd.s32 $0xE200, s12;
	s19 =	sshrl.u32 s7, $0x3  }
.LBB2_1:
0x10: {  	[tilespmem:s4], [sflag:$0x1] =	stream.linear.gather [hbm4b:s6+s4], $0x1400, $0x38;
	[tilespmem:$0x4C00] =	vst v63  }
0x11: {  	_ =	swait.ge [sflag:s14], $0x1400  }
0x12: {  	[sflag:s14] =	ssyncset.done $0x0  }
0x13: {  	[sflag:s14] =	ssyncadd.s32 $0xFFFFEC00  }
0x14: {  	[tilespmem:s15], [sflag:$0x1] =	stream.linear.gather [hbm4b:s2+s4], $0x800, $0x38;
	[tilespmem:$0x4C00] =	vst v63  }
0x15: {  	_ =	swait.ge [sflag:s14], $0x800  }
0x16: {  	[sflag:s14] =	ssyncset.done $0x0  }
0x17: {  	[sflag:s14] =	ssyncadd.s32 $0xFFFFF800  }
0x18: {  	[tilespmem:s16], [sflag:$0x1] =	stream.linear.gather [hbm4b:s5+s4], $0x800, $0x38;
	[tilespmem:$0x4C00] =	vst v63  }
0x19: {  	_ =	swait.ge [sflag:s14], $0x800  }
0x1a: {  	[sflag:s14] =	ssyncset.done $0x0  }
0x1b: {  	[sflag:s14] =	ssyncadd.s32 $0xFFFFF800  }
0x1c: {  	[spmem:s7] =	stream.linear.scatter [tilespmem:s15], [sflag:$0x1], $0x800, $0x38;
	[tilespmem:$0x4C00] =	vst v63  }
0x1d: {  	_ =	swait.ge [sflag:s14], $0x800  }
0x1e: {  	[sflag:s14] =	ssyncset.done $0x0  }
0x1f: {  	[sflag:s14] =	ssyncadd.s32 $0xFFFFF800  }
0x20: {  	[spmem:s8] =	stream.linear.scatter [tilespmem:s15], [sflag:$0x1], $0x800, $0x38;
	[tilespmem:$0x4C00] =	vst v63  }
0x21: {  	_ =	swait.ge [sflag:s14], $0x800  }
0x22: {  	[sflag:s14] =	ssyncset.done $0x0  }
0x23: {  	[sflag:s14] =	ssyncadd.s32 $0xFFFFF800  }
0x24: {  	[spmem:s9] =	stream.linear.scatter [tilespmem:s15], [sflag:$0x1], $0x800, $0x38;
	[tilespmem:$0x4C00] =	vst v63  }
0x25: {  	_ =	swait.ge [sflag:s14], $0x800  }
0x26: {  	[sflag:s14] =	ssyncset.done $0x0  }
0x27: {  	[sflag:s14] =	ssyncadd.s32 $0xFFFFF800  }
0x28: {  	[spmem:s10] =	stream.linear.scatter [tilespmem:s15], [sflag:$0x1], $0x800, $0x38;
	[tilespmem:$0x4C00] =	vst v63  }
0x29: {  	_ =	swait.ge [sflag:s14], $0x800  }
0x2a: {  	[sflag:s14] =	ssyncset.done $0x0  }
0x2b: {  	[sflag:s14] =	ssyncadd.s32 $0xFFFFF800  }
0x2c: {  	[spmem:s11] =	stream.linear.scatter [tilespmem:s15], [sflag:$0x1], $0x800, $0x38;
	[tilespmem:$0x4C00] =	vst v63  }
0x2d: {  	_ =	swait.ge [sflag:s14], $0x800  }
0x2e: {  	[sflag:s14] =	ssyncset.done $0x0  }
0x2f: {  	[sflag:s14] =	ssyncadd.s32 $0xFFFFF800  }
0x30: {  	s21 =	simm.s32 $0x0;
	[bflag:$0x0] =	sbarrier.arrive $0xFFFF  }
0x31: {  	[spmem:s3] =	stream.indirect.scatter.add.f32 [tilespmem:s16], [sflag:$0x1], $0x10, s21, s17, $0xb8;
	[tilespmem:$0x4C00] =	vst v63  }
0x32: {  	_ =	swait.ge [sflag:s14], $0x800  }
0x33: {  	s21 =	simm.s32 $0x200;
	[sflag:s14] =	ssyncset.done $0x0  }
.LBB2_2:
0x34: {  	s22 =	sshra.s32 s21, $0x2;
	[sflag:s14] =	ssyncadd.s32 $0xFFFFF800;
	p0 =	sne.s32 s21, $0x4E00  }
0x35: {  	[spmem:s3] =	stream.indirect.scatter.add.f32 [tilespmem:s16], [sflag:$0x1], $0x10, s22, s17, $0xb8;
	[tilespmem:$0x4C00] =	vst v63  }
.Ltmp0:
0x36: {  	_ = 	snop;
	(pc) =	sbr.rel @p0 .LBB2_2-.Ltmp0, $4  }
0x37: {  	_ = 	snop  }
0x38: {  	s21 =	sadd.s32 $0x200, s21  }
0x39: {  	_ =	swait.ge [sflag:s14], $0x800  }
0x3a: {  	[sflag:s14] =	ssyncset.done $0x0  }
0x3b: {  	s20 =	sadd.s32 $0x1, s20  }
0x3c: {  	[sflag:s14] =	ssyncadd.s32 $0xFFFFF800;
	p0 =	sne.s32 s20, s13  }
.Ltmp1:
0x3d: {  	[bflag:$0x0] =	sbarrier.arrive $0xFFFF;
	(pc) =	sbr.rel @p0 .LBB2_1-.Ltmp1, $4  }
0x3e: {  	[hbm:s12], [sflag:s18] =	dma.local [spmem:s19], $0x500  }
0x3f: {  	_ =	swait.ge [sflag:s14], $0x500  }
0x40: {  	[sflag:s14] =	ssyncset.done $0x0  }
0x41: {  	[sflag:s14] =	ssyncadd.s32 $0xFFFFFB00  }
0x42: {  	_ =	sfence.sel $0x180000  }
0x43: {  	[bflag:$0x0] =	sbarrier.arrive $0xFFFF  }
0x44: {  	p0 =	sne.s32 s0, $0x0;
	_ =	strace $0x90000047  }
0x45: {  	s0 =	sadd.s32 @!p0 $0x100000, s1;
	[bflag:$0x2] =	sbarrier.arrive $0xFFFF  }
0x46: {  	[sflag:s0] =	ssyncadd.tile.s32 @!p0 $0x1;
	_ =	shalt  }
.Lfunc_end2:
_tile_overlayer_lowered:
.L_overlay_start_2:
0x47: {  	(tag) =	ssettag $0x2  }
0x48: {  	s0 =	rddreg [dreg:$0x0];
	s2 =	stileid.u32  }
0x49: {  	s1 =	rddreg [dreg:$0x1];
	p0 =	sne.s32 s2, $0x0  }
0x4a: {  	s3 =	rddreg [dreg:$0x2];
	[bflag:$0x3] =	sbarrier.arrive $0xFFFF;
	s2 =	simm.s32 @!p0 $0x1C01  }
0x4b: {  	[timem:s3], [sflag:s2] =	dma.local @!p0 [hbm:s0], s1  }
0x4c: {  	s0 =	simm.s32 @!p0 $0x1  }
0x4d: {  	_ =	swait.ge @!p0 [sflag:s0], s1  }
0x4e: {  	s1 =	ssub.s32 @!p0 $0x0, s1;
	[sflag:s0] =	ssyncset.done @!p0 $0x0  }
0x4f: {  	[sflag:s0] =	ssyncadd.s32 @!p0 s1  }
0x50: {  	[bflag:$0x3] =	sbarrier.arrive $0xFFFF  }
0x51: {  	_ =	shalt  }

// kernel: kernel.14.cloned.1.call-start
scs
__scs_entry_jumppad:
0x0: {  	(pc) =	sbr.rel $0x88, $3  }
0x1: {  	(tag) =	ssettag $0x0;
	lr =	simm.s32 $0x1  }
0x2: {  	[smem:$0x3F93] =	sst lr;
	_ =	strace $0xD0000000  }
0x3: {  	_ = 	snop  }
0x4: {  	_ = 	snop  }
0x5: {  	_ = 	snop  }
0x6: {  	_ = 	snop  }
0x7: {  	_ = 	snop  }
__scs_overlays_trampoline_lowered:
0x8: {  	[smem:$0x3FA2] =	sst s0  }
0x9: {  	[smem:$0x3FA3] =	sst s1  }
0xa: {  	[smem:$0x3FA4] =	sst s2  }
0xb: {  	[smem:$0x3FA5] =	sst s3  }
0xc: {  	[smem:$0x3FA6] =	sst s4  }
0xd: {  	[smem:$0x3FA7] =	sst s5  }
0xe: {  	[smem:$0x3FA8] =	sst s6  }
0xf: {  	[smem:$0x3FA9] =	sst s7  }
0x10: {  	[smem:$0x3FAA] =	sst s8  }
0x11: {  	[smem:$0x3FAB] =	sst s9;
	s0 =	simm.s32 @!p0 $0x0  }
0x12: {  	s1 =	sld [smem:$0x3F91];
	s0 =	simm.s32 @p0 $0x1  }
0x13: {  	[smem:$0x3FAC] =	sst s0;
	s0 =	simm.s32 @!p1 $0x0  }
0x14: {  	s2 =	sld [smem:$0x3F90];
	s0 =	simm.s32 @p1 $0x1  }
0x15: {  	[smem:$0x3FAD] =	sst s0;
	s0 =	simm.s32 @!p2 $0x0  }
0x16: {  	s3 =	sld [smem:$0x3FDB];
	s0 =	simm.s32 @p2 $0x1  }
0x17: {  	s4 =	simm.s32 $0x1BF5;
	[smem:$0x3FAF] =	sst s0  }
0x18: {  	s0 =	sld [smem:$0x3F92];
	_ =	swait.ge [sflag:s4], $0x0  }
0x19: {  	s7 =	sld [smem:$0x3F93]  }
0x1a: {  	s8 =	sadd.s32 $0xFFFFE003, lr  }
0x1b: {  	s9 =	sadd.s32 $0xFFFFFEF7, lr;
	s5 =	simm.s32 $0xFFFFFFFF;
	p2 =	slt.u32 s8, $0xFFFFF086  }
0x1c: {  	p1 =	slt.u32 s9, $0xF7A;
	s5 =	simm.s32 @!p2 $0x0  }
0x1d: {  	s5 =	simm.s32 @p1 $0x1;
	p0 =	seq.s32 s7, s2  }
0x1e: {  	s7 =	smul.u32 @!p0 $0xF7A, s2;
	p2 =	seq.s32 @!p0 s5, $0x0  }
0x1f: {  	s9 =	smul.u32 $0xF7A, s1;
	s8 =	simm.s32 @!p0 $0x1BF5;
	p2 =	por !p2, p0  }
0x20: {  	[sflag:s8] =	ssyncset.s32 @!p0 $0xFFFFF086;
	s6 =	sadd.s32 @!p0 s3, s7;
	s7 =	simm.s32 @!p0 $0x108  }
0x21: {  	s3 =	sadd.s32 s3, s9;
	s6 =	sadd.s32 @!p0 $0x88, s6;
	s7 =	simm.s32 @p2 $0x1082  }
0x22: {  	[simem:s7], [sflag:s8] =	dma.local @!p0 [hbm:s6], $0xF7A  }
0x23: {  	s9 =	sor.u32 $0xD0000000, s2;
	s6 =	simm.s32 $0x108;
	_ =	swait.ge @!p0 [sflag:s8], $0x0  }
0x24: {  	s3 =	sadd.s32 $0x88, s3;
	s6 =	simm.s32 @!p1 $0x1082;
	[sflag:s4] =	ssyncset.s32 $0xFFFFF086  }
0x25: {  	[simem:s6], [sflag:s4] =	dma.local [hbm:s3], $0xF7A  }
0x26: {  	[smem:$0x3F93] =	sst s1;
	(tag) =	ssettag s2;
	_ =	strace s9  }
0x27: {  	s1 =	sld [smem:$0x3FA3]  }
0x28: {  	s2 =	sld [smem:$0x3FA4]  }
0x29: {  	s4 =	sld [smem:$0x3FA6]  }
0x2a: {  	p0 =	seq.s32 s5, $0x0;
	s5 =	sld [smem:$0x3FA7]  }
0x2b: {  	s6 =	sld [smem:$0x3FA8]  }
0x2c: {  	s7 =	sld [smem:$0x3FA9]  }
0x2d: {  	s3 =	simm.s32 $0x108;
	s8 =	sld [smem:$0x3FAA]  }
0x2e: {  	s3 =	simm.s32 @!p0 $0x1082;
	s9 =	sld [smem:$0x3FAB]  }
0x2f: {  	lr =	sadd.s32 s0, s3;
	s0 =	sld [smem:$0x3FA2]  }
0x30: {  	s3 =	sld [smem:$0x3FA5]  }
0x31: {  	[smem:$0x3FAE] =	sst s10  }
0x32: {  	s10 =	sld [smem:$0x3FAC];
	_ =	sdelay $0x3  }
0x33: {  	p0 =	seq.s32 s10, $0x1;
	s10 =	sld [smem:$0x3FAE];
	_ =	sdelay $0x3  }
0x34: {  	[smem:$0x3FAE] =	sst s10  }
0x35: {  	s10 =	sld [smem:$0x3FAD];
	_ =	sdelay $0x3  }
0x36: {  	p1 =	seq.s32 s10, $0x1;
	s10 =	sld [smem:$0x3FAE];
	_ =	sdelay $0x3  }
0x37: {  	[smem:$0x3FAE] =	sst s10  }
0x38: {  	s10 =	sld [smem:$0x3FAF]  }
0x39: {  	_ = 	snop;
	(pc) =	sbr.ind lr, $3  }
0x3a: {  	_ = 	snop  }
0x3b: {  	_ = 	snop  }
0x3c: {  	p2 =	seq.s32 s10, $0x1;
	s10 =	sld [smem:$0x3FAE]  }
0x3d: {  	_ =	shalt  }
0x3e: {  	_ =	shalt  }
0x3f: {  	_ =	shalt  }
0x40: {  	_ =	shalt  }
0x41: {  	_ =	shalt  }
0x42: {  	_ =	shalt  }
0x43: {  	_ =	shalt  }
0x44: {  	_ =	shalt  }
0x45: {  	_ =	shalt  }
0x46: {  	_ =	shalt  }
0x47: {  	_ =	shalt  }
0x48: {  	_ =	shalt  }
0x49: {  	_ =	shalt  }
0x4a: {  	_ =	shalt  }
0x4b: {  	_ =	shalt  }
0x4c: {  	_ =	shalt  }
0x4d: {  	_ =	shalt  }
0x4e: {  	_ =	shalt  }
0x4f: {  	_ =	shalt  }
0x50: {  	_ =	shalt  }
0x51: {  	_ =	shalt  }
0x52: {  	_ =	shalt  }
0x53: {  	_ =	shalt  }
0x54: {  	_ =	shalt  }
0x55: {  	_ =	shalt  }
0x56: {  	_ =	shalt  }
0x57: {  	_ =	shalt  }
0x58: {  	_ =	shalt  }
0x59: {  	_ =	shalt  }
0x5a: {  	_ =	shalt  }
0x5b: {  	_ =	shalt  }
0x5c: {  	_ =	shalt  }
0x5d: {  	_ =	shalt  }
0x5e: {  	_ =	shalt  }
0x5f: {  	_ =	shalt  }
0x60: {  	_ =	shalt  }
0x61: {  	_ =	shalt  }
0x62: {  	_ =	shalt  }
0x63: {  	_ =	shalt  }
0x64: {  	_ =	shalt  }
0x65: {  	_ =	shalt  }
0x66: {  	_ =	shalt  }
0x67: {  	_ =	shalt  }
0x68: {  	_ =	shalt  }
0x69: {  	_ =	shalt  }
0x6a: {  	_ =	shalt  }
0x6b: {  	_ =	shalt  }
0x6c: {  	_ =	shalt  }
0x6d: {  	_ =	shalt  }
0x6e: {  	_ =	shalt  }
0x6f: {  	_ =	shalt  }
0x70: {  	_ =	shalt  }
0x71: {  	_ =	shalt  }
0x72: {  	_ =	shalt  }
0x73: {  	_ =	shalt  }
0x74: {  	_ =	shalt  }
0x75: {  	_ =	shalt  }
0x76: {  	_ =	shalt  }
0x77: {  	_ =	shalt  }
0x78: {  	_ =	shalt  }
0x79: {  	_ =	shalt  }
0x7a: {  	_ =	shalt  }
0x7b: {  	_ =	shalt  }
0x7c: {  	_ =	shalt  }
0x7d: {  	_ =	shalt  }
0x7e: {  	_ =	shalt  }
0x7f: {  	_ =	shalt  }
0x80: {  	_ =	shalt  }
0x81: {  	_ =	shalt  }
0x82: {  	_ =	shalt  }
0x83: {  	_ =	shalt  }
0x84: {  	_ =	shalt  }
0x85: {  	_ =	shalt  }
0x86: {  	_ =	shalt  }
0x87: {  	_ =	shalt  }
.Lfunc_end0:
.L_simem_size_0:
called_computation.1_lowered:
.L_overlay_start_0:
0x88: {  	s2 =	sld [smem:$0x3FD9]  }
0x89: {  	s3 =	sld [smem:$0x3FFE];
	_ =	sdelay $0x1  }
0x8a: {  	s1 =	srdreg.scid  }
0x8b: {  	s0 =	sand.u32 $0x1, s1  }
0x8c: {  	s17 =	sshll.u32 s0, $0xA;
	s2 =	sadd.s32 s3, s2  }
0x8d: {  	s2 =	sadd.s32 s2, s17  }
0x8e: {  	[smem:$0x3FBA] =	sst s2  }
0x8f: {  	_ = 	snop  }
0x90: {  	(tm) =	ssettm $0x1  }
0x91: {  	s18 =	sld [smem:$0x3FFB];
	_ =	sdelay $0x3  }
0x92: {  	_ =	strace s18  }
0x93: {  	s2 =	sld [smem:$0x3FFC];
	_ =	sdelay $0x3  }
0x94: {  	_ =	strace s2  }
0x95: {  	s2 =	sld [smem:$0x3FFD];
	_ =	sdelay $0x3  }
0x96: {  	_ =	strace s2  }
0x97: {  	_ =	strace $0x8FFFFFFF  }
0x98: {  	s19 =	sld [smem:$0x3FDB];
	_ =	sdelay $0x1  }
0x99: {  	s20 =	simm.s32 $_scs_section_size  }
0x9a: {  	s4 =	simm.s32 $_size__tile_overlayer_lowered;
	s5 =	simm.s32 $_tile_overlayer_lowered  }
0x9b: {  	s6 =	simm.s32 $0x1BFF;
	s21 =	sshll.u32 s5, $0x1;
	s3 =	sadd.s32 s20, s19  }
0x9c: {  	s22 =	simm.s32 $0x0;
	s4 =	sshll.u32 s4, $0x1;
	s5 =	sadd.s32 s21, s3  }
0x9d: {  	[timem:s22], [sflag:s6] =	dma.local [hbm:s5], s4  }
0x9e: {  	_ =	swait.ge [sflag:s6], s4  }
0x9f: {  	s4 =	ssub.s32 $0x0, s4;
	[sflag:s6] =	ssyncset.done $0x0  }
0xa0: {  	[sflag:s6] =	ssyncadd.s32 s4;
	_ =	sdelay $0x1  }
0xa1: {  	s23 =	simm.s32 $0x1B8B  }
0xa2: {  	_ =	swait.ge [sflag:s23], $0x1  }
0xa3: {  	[sflag:s23] =	ssyncset.done $0x0  }
0xa4: {  	[sflag:s23] =	ssyncadd.s32 $0xFFFFFFFF  }
0xa5: {  	s4 =	sld [smem:$0x0]  }
0xa6: {  	s5 =	sand.u32 $0xFFFFFFFE, s1  }
0xa7: {  	p0 =	sne.s32 s1, s5  }
0xa8: {  	s5 =	sshll.u32 @p0 s5, $0xE  }
0xa9: {  	s5 =	sadd.s32 @p0 $0x11B8D, s5;
	s6 =	sshll.u32 @p0 s4, $0x11  }
0xaa: {  	s5 =	sor.u32 @p0 s6, s5  }
0xab: {  	[sflag:s5] =	ssyncadd.remote.s32 @p0 $0x1;
	_ =	sdelay $0x1  }
0xac: {  	s5 =	simm.s32 @p0 $0x1B8D  }
0xad: {  	_ =	swait.eq @p0 [sflag:s5], $0x1  }
0xae: {  	[sflag:s5] =	ssyncadd.s32 @p0 $0xFFFFFFFF  }
0xaf: {  	s6 =	sshll.u32 @!p0 s1, $0xE  }
0xb0: {  	s6 =	sor.u32 @!p0 $0x4000, s6;
	s5 =	simm.s32 @!p0 $0x1B8D  }
0xb1: {  	s4 =	sshll.u32 @!p0 s4, $0x11;
	s6 =	sadd.s32 @!p0 $0x11B8D, s6;
	_ =	swait.eq @!p0 [sflag:s5], $0x1  }
0xb2: {  	s4 =	sor.u32 @!p0 s4, s6;
	[sflag:s5] =	ssyncadd.s32 @!p0 $0xFFFFFFFF  }
0xb3: {  	s25 =	simm.s32 $0x1B8E;
	s24 =	sld [smem:$0x3FFE];
	[sflag:s4] =	ssyncadd.remote.s32 @!p0 $0x1  }
0xb4: {  	s26 =	simm.s32 $execute0_lowered;
	[smem:$0x3FD2] =	sst s25  }
0xb5: {  	s5 =	sshll.u32 s26, $0x1;
	_ =	strace $0x8000004C;
	[dreg:$0x1] =	wrdreg $0xFFFFFFFF  }
0xb6: {  	s28 =	simm.s32 $_size_execute0_lowered;
	s3 =	sadd.s32 s3, s5;
	[dreg:$0x0] =	wrdreg $0x0  }
0xb7: {  	s5 =	sshll.u32 s28, $0x1;
	[dreg:$0x2] =	wrdreg s3  }
0xb8: {  	[dreg:$0x3] =	wrdreg s5  }
0xb9: {  	[dreg:$0x4] =	wrdreg $0xC0  }
0xba: {  	_ =	task [dreg:s22], $0x5FFFF  }
0xbb: {  	[dreg:$0x1] =	wrdreg $0xFFFFFFFF  }
0xbc: {  	[dreg:$0x0] =	wrdreg $0x60  }
0xbd: {  	[dreg:$0x2] =	wrdreg s24  }
0xbe: {  	[dreg:$0x3] =	wrdreg $0xA8000  }
0xbf: {  	[dreg:$0x4] =	wrdreg $0x9  }
0xc0: {  	_ =	task.clear_ibuf [dreg:s22], $0x5FFFF;
	_ =	strace $0x9000004C  }
0xc1: {  	s29 =	simm.s32 $0x9;
	_ =	strace $0x8000004E  }
0xc2: {  	_ =	swait.ge [sflag:s29], $0x1  }
0xc3: {  	[sflag:s29] =	ssyncadd.s32 $0xFFFFFFFF  }
0xc4: {  	_ =	strace $0x9000004E  }
0xc5: {  	_ =	sfence  }
0xc6: {  	s30 =	sld [smem:$0x0];
	_ =	sdelay $0x2  }
0xc7: {  	s31 =	sshll.u32 s1, $0xD;
	s1 =	sshrl.u32 s1, $0x2  }
0xc8: {  	s4 =	sand.u32 $0x4000, s31;
	s1 =	sadd.s32 s1, s30  }
0xc9: {  	s0 =	sor.u32 s4, s0;
	s1 =	sshll.u32 s1, $0x11  }
0xca: {  	s0 =	sor.u32 s1, s0  }
0xcb: {  	s0 =	sadd.s32 $0x8F2B, s0  }
0xcc: {  	[sflag:s0] =	ssyncadd.remote.s32 $0x1  }
0xcd: {  	_ =	sfence.sel $0xFFFF  }
0xce: {  	[dreg:$0x0] =	wrdreg $0xFFFFFFFF;
	(pc) =	sbr.abs _section_cstart, $3  }
0xcf: {  	[dreg:$0x1] =	wrdreg $0xFFFFFFFF  }
0xd0: {  	_ =	task.clear_ibuf [dreg:s22], $0x2FFFF;
	_ =	strace $0x9FFFFFFF  }
0xd1: {  	(tm) =	ssettm $0x7FFFFFFF  }
tec
execute0_lowered:
.L_overlay_start_1:
0x0: {  	(tag) =	ssettag $0x1  }
0x1: {  	s0 =	rddreg [dreg:$0x0]  }
0x2: {  	s1 =	rddreg [dreg:$0x1]  }
0x3: {  	s3 =	simm.s32 $0x0;
	s2 =	srdreg.scid;
	s10 =	stileid.u32  }
0x4: {  	s19 =	simm.s32 $0x3;
	s21 =	simm.s32 $0x2800;
	s22 =	simm.s32 $0x80  }
0x5: {  	s23 =	simm.s32 $0x6800;
	s28 =	simm.s32 $0x2700;
	s29 =	simm.s32 $0x2780  }
0x6: {  	s30 =	simm.s32 $0x0;
	[smem:$0x7FF] =	sst s3;
	s2 =	sand.u32 $0x1, s2  }
0x7: {  	s8 =	smul.u32 $0x14000, s10;
	s5 =	sadd.s32 $0x5E000, s0;
	s4 =	sshll.u32 s2, $0x4  }
0x8: {  	s7 =	smul.u32 $0x140000, s2;
	_ =	strace $0x8000004D;
	s2 =	ssub.s32 $0x2, s2  }
0x9: {  	s6 =	sor.u32 s10, s4;
	s4 =	sadd.s32 $0x36000, s0;
	s10 =	smul.u32 $0x50000, s10  }
0xa: {  	s16 =	sshrl.u32 s2, $0x1;
	s9 =	smul.u32 $0x280, s6;
	s6 =	sadd.s32 $0x90200, s0  }
0xb: {  	s8 =	sadd.s32 s8, s7;
	s7 =	sadd.s32 $0x8B000, s0;
	s2 =	ssub.s32 s2, s16  }
0xc: {  	s8 =	sshrl.u32 s8, $0x3;
	s24 =	sshrl.u32 s10, $0x2;
	s18 =	smax.u32 s2, $0x1  }
0xd: {  	s11 =	sadd.s32 s9, s0;
	s0 =	sadd.s32 s8, s0;
	s9 =	sadd.s32 s24, s1  }
0xe: {  	s24 =	simm.s32 $0x1;
	s25 =	sadd.s32 $0x4000, s11;
	s26 =	sadd.s32 $0x9000, s11  }
0xf: {  	s11 =	sadd.s32 $0x4000, s9;
	s12 =	sadd.s32 $0x8000, s9;
	s13 =	sadd.s32 $0xC000, s9  }
0x10: {  	s14 =	sadd.s32 $0x10000, s9;
	s31 =	sadd.s32 $0xEA200, s0;
	[dreg:$0x3] =	wrdreg s25  }
0x11: {  	s16 =	sadd.s32 $0x13A200, s0;
	s17 =	sadd.s32 $0x18A200, s0;
	[dreg:$0x4] =	wrdreg s26  }
0x12: {  	[dreg:$0x5] =	wrdreg s31;
	s25 =	simm.s32 $0x2;
	s26 =	simm.s32 $0x1380  }
.LBB2_1:
0x13: {  	s0 =	rddreg [dreg:$0x3]  }
0x14: {  	[tilespmem:s3], [sflag:$0x3] =	stream.linear.gather [hbm4b:s0+s3], $0x1400, $0x38;
	[tilespmem:$0x1E800] =	vst v63  }
0x15: {  	_ =	swait.ge [sflag:s19], $0x1400  }
0x16: {  	[sflag:s19] =	ssyncset.done $0x0  }
0x17: {  	s2 =	simm.s32 $0x1400;
	s8 =	rddreg [dreg:$0x4];
	[sflag:s19] =	ssyncadd.s32 $0xFFFFEC00  }
0x18: {  	[tilespmem:s2], [sflag:$0x3] =	stream.linear.gather [hbm4b:s8+s3], $0x1400, $0x38;
	[tilespmem:$0x1E800] =	vst v63  }
0x19: {  	_ =	swait.ge [sflag:s19], $0x1400  }
0x1a: {  	[sflag:s19] =	ssyncset.done $0x0  }
0x1b: {  	[sflag:s19] =	ssyncadd.s32 $0xFFFFEC00  }
0x1c: {  	[tilespmem:s21], [sflag:$0x3] =	stream.linear.gather [hbm4b:s7+s3], $0x4000, $0x38;
	[tilespmem:$0x1E800] =	vst v63  }
0x1d: {  	_ =	swait.ge [sflag:s19], $0x4000  }
0x1e: {  	[sflag:s19] =	ssyncset.done $0x0  }
0x1f: {  	[sflag:s19] =	ssyncadd.s32 $0xFFFFC000  }
0x20: {  	[spmem:s9] =	stream.linear.scatter [tilespmem:s21], [sflag:$0x3], $0x4000, $0x38;
	[tilespmem:$0x1E800] =	vst v63  }
0x21: {  	_ =	swait.ge [sflag:s19], $0x4000  }
0x22: {  	[sflag:s19] =	ssyncset.done $0x0  }
0x23: {  	[sflag:s19] =	ssyncadd.s32 $0xFFFFC000  }
0x24: {  	[spmem:s11] =	stream.linear.scatter [tilespmem:s21], [sflag:$0x3], $0x4000, $0x38;
	[tilespmem:$0x1E800] =	vst v63  }
0x25: {  	_ =	swait.ge [sflag:s19], $0x4000  }
0x26: {  	[sflag:s19] =	ssyncset.done $0x0  }
0x27: {  	[sflag:s19] =	ssyncadd.s32 $0xFFFFC000  }
0x28: {  	[spmem:s12] =	stream.linear.scatter [tilespmem:s21], [sflag:$0x3], $0x4000, $0x38;
	[tilespmem:$0x1E800] =	vst v63  }
0x29: {  	_ =	swait.ge [sflag:s19], $0x4000  }
0x2a: {  	[sflag:s19] =	ssyncset.done $0x0  }
0x2b: {  	[sflag:s19] =	ssyncadd.s32 $0xFFFFC000  }
0x2c: {  	[spmem:s13] =	stream.linear.scatter [tilespmem:s21], [sflag:$0x3], $0x4000, $0x38;
	[tilespmem:$0x1E800] =	vst v63  }
0x2d: {  	_ =	swait.ge [sflag:s19], $0x4000  }
0x2e: {  	[sflag:s19] =	ssyncset.done $0x0  }
0x2f: {  	[sflag:s19] =	ssyncadd.s32 $0xFFFFC000  }
0x30: {  	[spmem:s14] =	stream.linear.scatter [tilespmem:s21], [sflag:$0x3], $0x4000, $0x38;
	[tilespmem:$0x1E800] =	vst v63  }
0x31: {  	_ =	swait.ge [sflag:s19], $0x4000  }
0x32: {  	[sflag:s19] =	ssyncset.done $0x0  }
0x33: {  	[sflag:s19] =	ssyncadd.s32 $0xFFFFC000  }
0x34: {  	[bflag:$0x0] =	sbarrier.arrive $0xFFFF  }
0x35: {  	[tilespmem:s21], [sflag:$0x1] =	stream.indirect.gather [hbm4b:s4+s22], $0x80, s3, s22, $0xb8;
	[tilespmem:$0x1E800] =	vst v63  }
0x36: {  	s10 =	simm.s32 $0x80  }
0x37: {  	[tilespmem:s23], [sflag:$0x2] =	stream.indirect.gather [hbm4b:s4+s22], $0x80, s10, s22, $0xb8;
	[tilespmem:$0x1E800] =	vst v63  }
0x38: {  	_ =	swait.ge [sflag:s24], $0x4000  }
0x39: {  	[sflag:s24] =	ssyncset.done $0x0  }
0x3a: {  	s15 =	simm.s32 $0x1400;
	[sflag:s24] =	ssyncadd.s32 $0xFFFFC000  }
0x3b: {  	[spmem:s1] =	stream.indirect.scatter.add.f32 [tilespmem:s21], [sflag:$0x3], $0x80, s15, s22, $0xb8;
	[tilespmem:$0x1E800] =	vst v63  }
0x3c: {  	_ =	swait.ge [sflag:s19], $0x4000  }
0x3d: {  	[sflag:s19] =	ssyncset.done $0x0  }
0x3e: {  	s20 =	simm.s32 $0x100;
	[sflag:s19] =	ssyncadd.s32 $0xFFFFC000  }
0x3f: {  	[tilespmem:s21], [sflag:$0x1] =	stream.indirect.gather [hbm4b:s4+s22], $0x80, s20, s22, $0xb8;
	[tilespmem:$0x1E800] =	vst v63  }
0x40: {  	_ =	swait.ge [sflag:s25], $0x4000  }
0x41: {  	[sflag:s25] =	ssyncset.done $0x0  }
0x42: {  	s31 =	simm.s32 $0x1480;
	[sflag:s25] =	ssyncadd.s32 $0xFFFFC000  }
0x43: {  	[spmem:s1] =	stream.indirect.scatter.add.f32 [tilespmem:s23], [sflag:$0x3], $0x80, s31, s22, $0xb8;
	[tilespmem:$0x1E800] =	vst v63  }
0x44: {  	_ =	swait.ge [sflag:s19], $0x4000  }
0x45: {  	s0 =	simm.s32 $0x100;
	s20 =	simm.s32 $0x800;
	[sflag:s19] =	ssyncset.done $0x0  }
.LBB2_2:
0x46: {  	s2 =	sadd.s32 $0x80, s0  }
0x47: {  	[sflag:s19] =	ssyncadd.s32 $0xFFFFC000;
	s31 =	smov.u32 s20;
	s8 =	sadd.s32 $0x400, s20  }
0x48: {  	[tilespmem:s23], [sflag:$0x2] =	stream.indirect.gather [hbm4b:s4+s22], $0x80, s2, s22, $0xb8;
	[tilespmem:$0x1E800] =	vst v63  }
0x49: {  	p0 =	sne.s32 s20, $0x4800;
	_ =	swait.ge [sflag:s24], $0x4000  }
0x4a: {  	[sflag:s24] =	ssyncset.done $0x0  }
0x4b: {  	s2 =	sadd.s32 $0x1400, s0;
	[sflag:s24] =	ssyncadd.s32 $0xFFFFC000  }
0x4c: {  	[spmem:s1] =	stream.indirect.scatter.add.f32 [tilespmem:s21], [sflag:$0x3], $0x80, s2, s22, $0xb8;
	[tilespmem:$0x1E800] =	vst v63  }
0x4d: {  	_ =	swait.ge [sflag:s19], $0x4000  }
0x4e: {  	[sflag:s19] =	ssyncset.done $0x0  }
0x4f: {  	s2 =	sadd.s32 $0x100, s0;
	[sflag:s19] =	ssyncadd.s32 $0xFFFFC000  }
0x50: {  	[tilespmem:s21], [sflag:$0x1] =	stream.indirect.gather [hbm4b:s4+s22], $0x80, s2, s22, $0xb8;
	[tilespmem:$0x1E800] =	vst v63  }
0x51: {  	_ =	swait.ge [sflag:s25], $0x4000  }
.Ltmp0:
0x52: {  	[sflag:s25] =	ssyncset.done $0x0;
	(pc) =	sbr.rel @p0 .LBB2_2-.Ltmp0, $4  }
0x53: {  	s0 =	sadd.s32 $0x1480, s0;
	[sflag:s25] =	ssyncadd.s32 $0xFFFFC000  }
0x54: {  	[spmem:s1] =	stream.indirect.scatter.add.f32 [tilespmem:s23], [sflag:$0x3], $0x80, s0, s22, $0xb8;
	[tilespmem:$0x1E800] =	vst v63  }
0x55: {  	_ =	swait.ge [sflag:s19], $0x4000  }
0x56: {  	s20 =	smov.u32 s8;
	s0 =	sshra.s32 s31, $0x2;
	[sflag:s19] =	ssyncset.done $0x0  }
0x57: {  	s2 =	sadd.s32 $0x80, s0;
	[sflag:s19] =	ssyncadd.s32 $0xFFFFC000  }
0x58: {  	[tilespmem:s23], [sflag:$0x2] =	stream.indirect.gather [hbm4b:s4+s22], $0x80, s2, s22, $0xb8;
	[tilespmem:$0x1E800] =	vst v63  }
0x59: {  	_ =	swait.ge [sflag:s24], $0x4000  }
0x5a: {  	[sflag:s24] =	ssyncset.done $0x0  }
0x5b: {  	s15 =	sadd.s32 $0x1400, s0;
	[sflag:s24] =	ssyncadd.s32 $0xFFFFC000  }
0x5c: {  	[spmem:s1] =	stream.indirect.scatter.add.f32 [tilespmem:s21], [sflag:$0x3], $0x80, s15, s22, $0xb8;
	[tilespmem:$0x1E800] =	vst v63  }
0x5d: {  	_ =	swait.ge [sflag:s19], $0x4000  }
0x5e: {  	[sflag:s19] =	ssyncset.done $0x0  }
0x5f: {  	s20 =	sadd.s32 $0x100, s0;
	[sflag:s19] =	ssyncadd.s32 $0xFFFFC000  }
0x60: {  	[tilespmem:s21], [sflag:$0x1] =	stream.indirect.gather [hbm4b:s4+s22], $0x80, s20, s22, $0xb8;
	[tilespmem:$0x1E800] =	vst v63  }
0x61: {  	_ =	swait.ge [sflag:s25], $0x4000  }
0x62: {  	[sflag:s25] =	ssyncset.done $0x0  }
0x63: {  	s8 =	sadd.s32 $0x1480, s0;
	[sflag:s25] =	ssyncadd.s32 $0xFFFFC000  }
0x64: {  	[spmem:s1] =	stream.indirect.scatter.add.f32 [tilespmem:s23], [sflag:$0x3], $0x80, s8, s22, $0xb8;
	[tilespmem:$0x1E800] =	vst v63  }
0x65: {  	_ =	swait.ge [sflag:s19], $0x4000  }
0x66: {  	[sflag:s19] =	ssyncset.done $0x0  }
0x67: {  	[sflag:s19] =	ssyncadd.s32 $0xFFFFC000  }
0x68: {  	[tilespmem:s23], [sflag:$0x2] =	stream.indirect.gather [hbm4b:s4+s22], $0x80, s26, s22, $0xb8;
	[tilespmem:$0x1E800] =	vst v63  }
0x69: {  	_ =	swait.ge [sflag:s24], $0x4000  }
0x6a: {  	[sflag:s24] =	ssyncset.done $0x0  }
0x6b: {  	[sflag:s24] =	ssyncadd.s32 $0xFFFFC000  }
0x6c: {  	[spmem:s1] =	stream.indirect.scatter.add.f32 [tilespmem:s21], [sflag:$0x3], $0x80, s28, s22, $0xb8;
	[tilespmem:$0x1E800] =	vst v63  }
0x6d: {  	_ =	swait.ge [sflag:s19], $0x4000  }
0x6e: {  	[sflag:s19] =	ssyncset.done $0x0  }
0x6f: {  	[sflag:s19] =	ssyncadd.s32 $0xFFFFC000  }
0x70: {  	_ =	swait.ge [sflag:s25], $0x4000  }
0x71: {  	[sflag:s25] =	ssyncset.done $0x0  }
0x72: {  	[sflag:s25] =	ssyncadd.s32 $0xFFFFC000  }
0x73: {  	[spmem:s1] =	stream.indirect.scatter.add.f32 [tilespmem:s23], [sflag:$0x3], $0x80, s29, s22, $0xb8;
	[tilespmem:$0x1E800] =	vst v63  }
0x74: {  	_ =	swait.ge [sflag:s19], $0x4000  }
0x75: {  	[sflag:s19] =	ssyncset.done $0x0  }
0x76: {  	s10 =	stileid.u32;
	[sflag:s19] =	ssyncadd.s32 $0xFFFFC000  }
0x77: {  	s0 =	sshll.u32 s10, $0x6;
	[bflag:$0x0] =	sbarrier.arrive $0xFFFF  }
0x78: {  	s31 =	sor.u32 $0x1C03, s0;
	s0 =	sshrl.u32 s9, $0x3;
	s15 =	rddreg [dreg:$0x5]  }
0x79: {  	[hbm:s15], [sflag:s31] =	dma.local [spmem:s0], $0x2800  }
0x7a: {  	_ =	swait.ge [sflag:s19], $0x2800  }
0x7b: {  	[sflag:s19] =	ssyncset.done $0x0  }
0x7c: {  	s20 =	simm.s32 $0x0;
	[sflag:s19] =	ssyncadd.s32 $0xFFFFD800  }
0x7d: {  	[tilespmem:s21], [sflag:$0x3] =	stream.linear.gather [hbm4b:s7+s20], $0x4000, $0x38;
	[tilespmem:$0x1E800] =	vst v63  }
0x7e: {  	_ =	swait.ge [sflag:s19], $0x4000  }
0x7f: {  	[sflag:s19] =	ssyncset.done $0x0  }
0x80: {  	[sflag:s19] =	ssyncadd.s32 $0xFFFFC000  }
0x81: {  	[spmem:s9] =	stream.linear.scatter [tilespmem:s21], [sflag:$0x3], $0x4000, $0x38;
	[tilespmem:$0x1E800] =	vst v63  }
0x82: {  	_ =	swait.ge [sflag:s19], $0x4000  }
0x83: {  	[sflag:s19] =	ssyncset.done $0x0  }
0x84: {  	[sflag:s19] =	ssyncadd.s32 $0xFFFFC000  }
0x85: {  	[spmem:s11] =	stream.linear.scatter [tilespmem:s21], [sflag:$0x3], $0x4000, $0x38;
	[tilespmem:$0x1E800] =	vst v63  }
0x86: {  	_ =	swait.ge [sflag:s19], $0x4000  }
0x87: {  	[sflag:s19] =	ssyncset.done $0x0  }
0x88: {  	[sflag:s19] =	ssyncadd.s32 $0xFFFFC000  }
0x89: {  	[spmem:s12] =	stream.linear.scatter [tilespmem:s21], [sflag:$0x3], $0x4000, $0x38;
	[tilespmem:$0x1E800] =	vst v63  }
0x8a: {  	_ =	swait.ge [sflag:s19], $0x4000  }
0x8b: {  	[sflag:s19] =	ssyncset.done $0x0  }
0x8c: {  	[sflag:s19] =	ssyncadd.s32 $0xFFFFC000  }
0x8d: {  	[spmem:s13] =	stream.linear.scatter [tilespmem:s21], [sflag:$0x3], $0x4000, $0x38;
	[tilespmem:$0x1E800] =	vst v63  }
0x8e: {  	_ =	swait.ge [sflag:s19], $0x4000  }
0x8f: {  	[sflag:s19] =	ssyncset.done $0x0  }
0x90: {  	[sflag:s19] =	ssyncadd.s32 $0xFFFFC000  }
0x91: {  	[spmem:s14] =	stream.linear.scatter [tilespmem:s21], [sflag:$0x3], $0x4000, $0x38;
	[tilespmem:$0x1E800] =	vst v63  }
0x92: {  	_ =	swait.ge [sflag:s19], $0x4000  }
0x93: {  	[sflag:s19] =	ssyncset.done $0x0  }
0x94: {  	[sflag:s19] =	ssyncadd.s32 $0xFFFFC000  }
0x95: {  	[bflag:$0x0] =	sbarrier.arrive $0xFFFF  }
0x96: {  	[tilespmem:s21], [sflag:$0x1] =	stream.indirect.gather [hbm4b:s5+s22], $0x80, s20, s22, $0xb8;
	[tilespmem:$0x1E800] =	vst v63  }
0x97: {  	s8 =	simm.s32 $0x80  }
0x98: {  	[tilespmem:s23], [sflag:$0x2] =	stream.indirect.gather [hbm4b:s5+s22], $0x80, s8, s22, $0xb8;
	[tilespmem:$0x1E800] =	vst v63  }
0x99: {  	_ =	swait.ge [sflag:s24], $0x4000  }
0x9a: {  	[sflag:s24] =	ssyncset.done $0x0  }
0x9b: {  	s10 =	simm.s32 $0x1400;
	[sflag:s24] =	ssyncadd.s32 $0xFFFFC000  }
0x9c: {  	[spmem:s1] =	stream.indirect.scatter.add.f32 [tilespmem:s21], [sflag:$0x3], $0x80, s10, s22, $0xb8;
	[tilespmem:$0x1E800] =	vst v63  }
0x9d: {  	_ =	swait.ge [sflag:s19], $0x4000  }
0x9e: {  	[sflag:s19] =	ssyncset.done $0x0  }
0x9f: {  	s15 =	simm.s32 $0x100;
	[sflag:s19] =	ssyncadd.s32 $0xFFFFC000  }
0xa0: {  	[tilespmem:s21], [sflag:$0x1] =	stream.indirect.gather [hbm4b:s5+s22], $0x80, s15, s22, $0xb8;
	[tilespmem:$0x1E800] =	vst v63  }
0xa1: {  	_ =	swait.ge [sflag:s25], $0x4000  }
0xa2: {  	[sflag:s25] =	ssyncset.done $0x0  }
0xa3: {  	s20 =	simm.s32 $0x1480;
	[sflag:s25] =	ssyncadd.s32 $0xFFFFC000  }
0xa4: {  	[spmem:s1] =	stream.indirect.scatter.add.f32 [tilespmem:s23], [sflag:$0x3], $0x80, s20, s22, $0xb8;
	[tilespmem:$0x1E800] =	vst v63  }
0xa5: {  	_ =	swait.ge [sflag:s19], $0x4000  }
0xa6: {  	s2 =	simm.s32 $0x800;
	s20 =	simm.s32 $0x100;
	[sflag:s19] =	ssyncset.done $0x0  }
.LBB2_4:
0xa7: {  	s8 =	sadd.s32 $0x80, s20  }
0xa8: {  	[sflag:s19] =	ssyncadd.s32 $0xFFFFC000;
	s10 =	smov.u32 s2;
	s15 =	sadd.s32 $0x400, s2  }
0xa9: {  	[tilespmem:s23], [sflag:$0x2] =	stream.indirect.gather [hbm4b:s5+s22], $0x80, s8, s22, $0xb8;
	[tilespmem:$0x1E800] =	vst v63  }
0xaa: {  	p0 =	sne.s32 s2, $0x4800;
	_ =	swait.ge [sflag:s24], $0x4000  }
0xab: {  	[sflag:s24] =	ssyncset.done $0x0  }
0xac: {  	s2 =	sadd.s32 $0x1400, s20;
	[sflag:s24] =	ssyncadd.s32 $0xFFFFC000  }
0xad: {  	[spmem:s1] =	stream.indirect.scatter.add.f32 [tilespmem:s21], [sflag:$0x3], $0x80, s2, s22, $0xb8;
	[tilespmem:$0x1E800] =	vst v63  }
0xae: {  	_ =	swait.ge [sflag:s19], $0x4000  }
0xaf: {  	[sflag:s19] =	ssyncset.done $0x0  }
0xb0: {  	s2 =	sadd.s32 $0x100, s20;
	[sflag:s19] =	ssyncadd.s32 $0xFFFFC000  }
0xb1: {  	[tilespmem:s21], [sflag:$0x1] =	stream.indirect.gather [hbm4b:s5+s22], $0x80, s2, s22, $0xb8;
	[tilespmem:$0x1E800] =	vst v63  }
0xb2: {  	_ =	swait.ge [sflag:s25], $0x4000  }
.Ltmp1:
0xb3: {  	[sflag:s25] =	ssyncset.done $0x0;
	(pc) =	sbr.rel @p0 .LBB2_4-.Ltmp1, $4  }
0xb4: {  	s2 =	sadd.s32 $0x1480, s20;
	[sflag:s25] =	ssyncadd.s32 $0xFFFFC000  }
0xb5: {  	[spmem:s1] =	stream.indirect.scatter.add.f32 [tilespmem:s23], [sflag:$0x3], $0x80, s2, s22, $0xb8;
	[tilespmem:$0x1E800] =	vst v63  }
0xb6: {  	_ =	swait.ge [sflag:s19], $0x4000  }
0xb7: {  	s20 =	sshra.s32 s10, $0x2;
	s2 =	smov.u32 s15;
	[sflag:s19] =	ssyncset.done $0x0  }
0xb8: {  	s2 =	sadd.s32 $0x80, s20;
	[sflag:s19] =	ssyncadd.s32 $0xFFFFC000  }
0xb9: {  	[tilespmem:s23], [sflag:$0x2] =	stream.indirect.gather [hbm4b:s5+s22], $0x80, s2, s22, $0xb8;
	[tilespmem:$0x1E800] =	vst v63  }
0xba: {  	_ =	swait.ge [sflag:s24], $0x4000  }
0xbb: {  	[sflag:s24] =	ssyncset.done $0x0  }
0xbc: {  	s8 =	sadd.s32 $0x1400, s20;
	[sflag:s24] =	ssyncadd.s32 $0xFFFFC000  }
0xbd: {  	[spmem:s1] =	stream.indirect.scatter.add.f32 [tilespmem:s21], [sflag:$0x3], $0x80, s8, s22, $0xb8;
	[tilespmem:$0x1E800] =	vst v63  }
0xbe: {  	_ =	swait.ge [sflag:s19], $0x4000  }
0xbf: {  	[sflag:s19] =	ssyncset.done $0x0  }
0xc0: {  	s10 =	sadd.s32 $0x100, s20;
	[sflag:s19] =	ssyncadd.s32 $0xFFFFC000  }
0xc1: {  	[tilespmem:s21], [sflag:$0x1] =	stream.indirect.gather [hbm4b:s5+s22], $0x80, s10, s22, $0xb8;
	[tilespmem:$0x1E800] =	vst v63  }
0xc2: {  	_ =	swait.ge [sflag:s25], $0x4000  }
0xc3: {  	[sflag:s25] =	ssyncset.done $0x0  }
0xc4: {  	s15 =	sadd.s32 $0x1480, s20;
	[sflag:s25] =	ssyncadd.s32 $0xFFFFC000  }
0xc5: {  	[spmem:s1] =	stream.indirect.scatter.add.f32 [tilespmem:s23], [sflag:$0x3], $0x80, s15, s22, $0xb8;
	[tilespmem:$0x1E800] =	vst v63  }
0xc6: {  	_ =	swait.ge [sflag:s19], $0x4000  }
0xc7: {  	[sflag:s19] =	ssyncset.done $0x0  }
0xc8: {  	[sflag:s19] =	ssyncadd.s32 $0xFFFFC000  }
0xc9: {  	[tilespmem:s23], [sflag:$0x2] =	stream.indirect.gather [hbm4b:s5+s22], $0x80, s26, s22, $0xb8;
	[tilespmem:$0x1E800] =	vst v63  }
0xca: {  	_ =	swait.ge [sflag:s24], $0x4000  }
0xcb: {  	[sflag:s24] =	ssyncset.done $0x0  }
0xcc: {  	[sflag:s24] =	ssyncadd.s32 $0xFFFFC000  }
0xcd: {  	[spmem:s1] =	stream.indirect.scatter.add.f32 [tilespmem:s21], [sflag:$0x3], $0x80, s28, s22, $0xb8;
	[tilespmem:$0x1E800] =	vst v63  }
0xce: {  	_ =	swait.ge [sflag:s19], $0x4000  }
0xcf: {  	[sflag:s19] =	ssyncset.done $0x0  }
0xd0: {  	[sflag:s19] =	ssyncadd.s32 $0xFFFFC000  }
0xd1: {  	_ =	swait.ge [sflag:s25], $0x4000  }
0xd2: {  	[sflag:s25] =	ssyncset.done $0x0  }
0xd3: {  	[sflag:s25] =	ssyncadd.s32 $0xFFFFC000  }
0xd4: {  	[spmem:s1] =	stream.indirect.scatter.add.f32 [tilespmem:s23], [sflag:$0x3], $0x80, s29, s22, $0xb8;
	[tilespmem:$0x1E800] =	vst v63  }
0xd5: {  	_ =	swait.ge [sflag:s19], $0x4000  }
0xd6: {  	[sflag:s19] =	ssyncset.done $0x0  }
0xd7: {  	[sflag:s19] =	ssyncadd.s32 $0xFFFFC000  }
0xd8: {  	[bflag:$0x0] =	sbarrier.arrive $0xFFFF  }
0xd9: {  	[hbm:s16], [sflag:s31] =	dma.local [spmem:s0], $0x2800  }
0xda: {  	_ =	swait.ge [sflag:s19], $0x2800  }
0xdb: {  	[sflag:s19] =	ssyncset.done $0x0  }
0xdc: {  	s20 =	simm.s32 $0x0;
	[sflag:s19] =	ssyncadd.s32 $0xFFFFD800  }
0xdd: {  	[tilespmem:s21], [sflag:$0x3] =	stream.linear.gather [hbm4b:s7+s20], $0x4000, $0x38;
	[tilespmem:$0x1E800] =	vst v63  }
0xde: {  	_ =	swait.ge [sflag:s19], $0x4000  }
0xdf: {  	[sflag:s19] =	ssyncset.done $0x0  }
0xe0: {  	[sflag:s19] =	ssyncadd.s32 $0xFFFFC000  }
0xe1: {  	[spmem:s9] =	stream.linear.scatter [tilespmem:s21], [sflag:$0x3], $0x4000, $0x38;
	[tilespmem:$0x1E800] =	vst v63  }
0xe2: {  	_ =	swait.ge [sflag:s19], $0x4000  }
0xe3: {  	[sflag:s19] =	ssyncset.done $0x0  }
0xe4: {  	[sflag:s19] =	ssyncadd.s32 $0xFFFFC000  }
0xe5: {  	[spmem:s11] =	stream.linear.scatter [tilespmem:s21], [sflag:$0x3], $0x4000, $0x38;
	[tilespmem:$0x1E800] =	vst v63  }
0xe6: {  	_ =	swait.ge [sflag:s19], $0x4000  }
0xe7: {  	[sflag:s19] =	ssyncset.done $0x0  }
0xe8: {  	[sflag:s19] =	ssyncadd.s32 $0xFFFFC000  }
0xe9: {  	[spmem:s12] =	stream.linear.scatter [tilespmem:s21], [sflag:$0x3], $0x4000, $0x38;
	[tilespmem:$0x1E800] =	vst v63  }
0xea: {  	_ =	swait.ge [sflag:s19], $0x4000  }
0xeb: {  	[sflag:s19] =	ssyncset.done $0x0  }
0xec: {  	[sflag:s19] =	ssyncadd.s32 $0xFFFFC000  }
0xed: {  	[spmem:s13] =	stream.linear.scatter [tilespmem:s21], [sflag:$0x3], $0x4000, $0x38;
	[tilespmem:$0x1E800] =	vst v63  }
0xee: {  	_ =	swait.ge [sflag:s19], $0x4000  }
0xef: {  	[sflag:s19] =	ssyncset.done $0x0  }
0xf0: {  	[sflag:s19] =	ssyncadd.s32 $0xFFFFC000  }
0xf1: {  	[spmem:s14] =	stream.linear.scatter [tilespmem:s21], [sflag:$0x3], $0x4000, $0x38;
	[tilespmem:$0x1E800] =	vst v63  }
0xf2: {  	_ =	swait.ge [sflag:s19], $0x4000  }
0xf3: {  	[sflag:s19] =	ssyncset.done $0x0  }
0xf4: {  	[sflag:s19] =	ssyncadd.s32 $0xFFFFC000  }
0xf5: {  	[bflag:$0x0] =	sbarrier.arrive $0xFFFF  }
0xf6: {  	[tilespmem:s21], [sflag:$0x1] =	stream.indirect.gather [hbm4b:s6+s22], $0x80, s20, s22, $0xb8;
	[tilespmem:$0x1E800] =	vst v63  }
0xf7: {  	s8 =	simm.s32 $0x80  }
0xf8: {  	[tilespmem:s23], [sflag:$0x2] =	stream.indirect.gather [hbm4b:s6+s22], $0x80, s8, s22, $0xb8;
	[tilespmem:$0x1E800] =	vst v63  }
0xf9: {  	_ =	swait.ge [sflag:s24], $0x4000  }
0xfa: {  	[sflag:s24] =	ssyncset.done $0x0  }
0xfb: {  	s10 =	simm.s32 $0x1400;
	[sflag:s24] =	ssyncadd.s32 $0xFFFFC000  }
0xfc: {  	[spmem:s1] =	stream.indirect.scatter.add.f32 [tilespmem:s21], [sflag:$0x3], $0x80, s10, s22, $0xb8;
	[tilespmem:$0x1E800] =	vst v63  }
0xfd: {  	_ =	swait.ge [sflag:s19], $0x4000  }
0xfe: {  	[sflag:s19] =	ssyncset.done $0x0  }
0xff: {  	s15 =	simm.s32 $0x100;
	[sflag:s19] =	ssyncadd.s32 $0xFFFFC000  }
0x100: {  	[tilespmem:s21], [sflag:$0x1] =	stream.indirect.gather [hbm4b:s6+s22], $0x80, s15, s22, $0xb8;
	[tilespmem:$0x1E800] =	vst v63  }
0x101: {  	_ =	swait.ge [sflag:s25], $0x4000  }
0x102: {  	[sflag:s25] =	ssyncset.done $0x0  }
0x103: {  	s20 =	simm.s32 $0x1480;
	[sflag:s25] =	ssyncadd.s32 $0xFFFFC000  }
0x104: {  	[spmem:s1] =	stream.indirect.scatter.add.f32 [tilespmem:s23], [sflag:$0x3], $0x80, s20, s22, $0xb8;
	[tilespmem:$0x1E800] =	vst v63  }
0x105: {  	_ =	swait.ge [sflag:s19], $0x4000  }
0x106: {  	s2 =	simm.s32 $0x800;
	s20 =	simm.s32 $0x100;
	[sflag:s19] =	ssyncset.done $0x0  }
.LBB2_6:
0x107: {  	s8 =	sadd.s32 $0x80, s20  }
0x108: {  	[sflag:s19] =	ssyncadd.s32 $0xFFFFC000;
	s10 =	smov.u32 s2;
	s15 =	sadd.s32 $0x400, s2  }
0x109: {  	[tilespmem:s23], [sflag:$0x2] =	stream.indirect.gather [hbm4b:s6+s22], $0x80, s8, s22, $0xb8;
	[tilespmem:$0x1E800] =	vst v63  }
0x10a: {  	p0 =	sne.s32 s2, $0x4800;
	_ =	swait.ge [sflag:s24], $0x4000  }
0x10b: {  	[sflag:s24] =	ssyncset.done $0x0  }
0x10c: {  	s2 =	sadd.s32 $0x1400, s20;
	[sflag:s24] =	ssyncadd.s32 $0xFFFFC000  }
0x10d: {  	[spmem:s1] =	stream.indirect.scatter.add.f32 [tilespmem:s21], [sflag:$0x3], $0x80, s2, s22, $0xb8;
	[tilespmem:$0x1E800] =	vst v63  }
0x10e: {  	_ =	swait.ge [sflag:s19], $0x4000  }
0x10f: {  	[sflag:s19] =	ssyncset.done $0x0  }
0x110: {  	s2 =	sadd.s32 $0x100, s20;
	[sflag:s19] =	ssyncadd.s32 $0xFFFFC000  }
0x111: {  	[tilespmem:s21], [sflag:$0x1] =	stream.indirect.gather [hbm4b:s6+s22], $0x80, s2, s22, $0xb8;
	[tilespmem:$0x1E800] =	vst v63  }
0x112: {  	_ =	swait.ge [sflag:s25], $0x4000  }
.Ltmp2:
0x113: {  	[sflag:s25] =	ssyncset.done $0x0;
	(pc) =	sbr.rel @p0 .LBB2_6-.Ltmp2, $4  }
0x114: {  	s2 =	sadd.s32 $0x1480, s20;
	[sflag:s25] =	ssyncadd.s32 $0xFFFFC000  }
0x115: {  	[spmem:s1] =	stream.indirect.scatter.add.f32 [tilespmem:s23], [sflag:$0x3], $0x80, s2, s22, $0xb8;
	[tilespmem:$0x1E800] =	vst v63  }
0x116: {  	_ =	swait.ge [sflag:s19], $0x4000  }
0x117: {  	s20 =	sshra.s32 s10, $0x2;
	s2 =	smov.u32 s15;
	[sflag:s19] =	ssyncset.done $0x0  }
0x118: {  	s2 =	sadd.s32 $0x80, s20;
	[sflag:s19] =	ssyncadd.s32 $0xFFFFC000  }
0x119: {  	[tilespmem:s23], [sflag:$0x2] =	stream.indirect.gather [hbm4b:s6+s22], $0x80, s2, s22, $0xb8;
	[tilespmem:$0x1E800] =	vst v63  }
0x11a: {  	_ =	swait.ge [sflag:s24], $0x4000  }
0x11b: {  	[sflag:s24] =	ssyncset.done $0x0  }
0x11c: {  	s10 =	sadd.s32 $0x1400, s20;
	[sflag:s24] =	ssyncadd.s32 $0xFFFFC000  }
0x11d: {  	[spmem:s1] =	stream.indirect.scatter.add.f32 [tilespmem:s21], [sflag:$0x3], $0x80, s10, s22, $0xb8;
	[tilespmem:$0x1E800] =	vst v63  }
0x11e: {  	_ =	swait.ge [sflag:s19], $0x4000  }
0x11f: {  	[sflag:s19] =	ssyncset.done $0x0  }
0x120: {  	s15 =	sadd.s32 $0x100, s20;
	[sflag:s19] =	ssyncadd.s32 $0xFFFFC000  }
0x121: {  	[tilespmem:s21], [sflag:$0x1] =	stream.indirect.gather [hbm4b:s6+s22], $0x80, s15, s22, $0xb8;
	[tilespmem:$0x1E800] =	vst v63  }
0x122: {  	_ =	swait.ge [sflag:s25], $0x4000  }
0x123: {  	[sflag:s25] =	ssyncset.done $0x0  }
0x124: {  	s20 =	sadd.s32 $0x1480, s20;
	[sflag:s25] =	ssyncadd.s32 $0xFFFFC000  }
0x125: {  	[spmem:s1] =	stream.indirect.scatter.add.f32 [tilespmem:s23], [sflag:$0x3], $0x80, s20, s22, $0xb8;
	[tilespmem:$0x1E800] =	vst v63  }
0x126: {  	_ =	swait.ge [sflag:s19], $0x4000  }
0x127: {  	[sflag:s19] =	ssyncset.done $0x0  }
0x128: {  	[sflag:s19] =	ssyncadd.s32 $0xFFFFC000  }
0x129: {  	[tilespmem:s23], [sflag:$0x2] =	stream.indirect.gather [hbm4b:s6+s22], $0x80, s26, s22, $0xb8;
	[tilespmem:$0x1E800] =	vst v63  }
0x12a: {  	_ =	swait.ge [sflag:s24], $0x4000  }
0x12b: {  	[sflag:s24] =	ssyncset.done $0x0  }
0x12c: {  	[sflag:s24] =	ssyncadd.s32 $0xFFFFC000  }
0x12d: {  	[spmem:s1] =	stream.indirect.scatter.add.f32 [tilespmem:s21], [sflag:$0x3], $0x80, s28, s22, $0xb8;
	[tilespmem:$0x1E800] =	vst v63  }
0x12e: {  	_ =	swait.ge [sflag:s19], $0x4000  }
0x12f: {  	[sflag:s19] =	ssyncset.done $0x0  }
0x130: {  	[sflag:s19] =	ssyncadd.s32 $0xFFFFC000  }
0x131: {  	_ =	swait.ge [sflag:s25], $0x4000  }
0x132: {  	[sflag:s25] =	ssyncset.done $0x0  }
0x133: {  	[sflag:s25] =	ssyncadd.s32 $0xFFFFC000  }
0x134: {  	[spmem:s1] =	stream.indirect.scatter.add.f32 [tilespmem:s23], [sflag:$0x3], $0x80, s29, s22, $0xb8;
	[tilespmem:$0x1E800] =	vst v63  }
0x135: {  	_ =	swait.ge [sflag:s19], $0x4000  }
0x136: {  	s30 =	sadd.s32 $0x1, s30;
	[sflag:s19] =	ssyncset.done $0x0  }
0x137: {  	p0 =	sne.s32 s30, s18;
	[sflag:s19] =	ssyncadd.s32 $0xFFFFC000  }
.Ltmp3:
0x138: {  	[bflag:$0x0] =	sbarrier.arrive $0xFFFF;
	(pc) =	sbr.rel @p0 .LBB2_1-.Ltmp3, $4  }
0x139: {  	[hbm:s17], [sflag:s31] =	dma.local [spmem:s0], $0x2800  }
0x13a: {  	_ =	swait.ge [sflag:s19], $0x2800  }
0x13b: {  	[sflag:s19] =	ssyncset.done $0x0  }
0x13c: {  	[sflag:s19] =	ssyncadd.s32 $0xFFFFD800  }
0x13d: {  	_ =	sfence.sel $0x180000  }
0x13e: {  	[bflag:$0x0] =	sbarrier.arrive $0xFFFF  }
0x13f: {  	_ =	strace $0x9000004D  }
0x140: {  	s0 =	stileid.u32;
	[bflag:$0x2] =	sbarrier.arrive $0xFFFF  }
0x141: {  	p0 =	sne.s32 s0, $0x0;
	s0 =	rddreg [dreg:$0x2]  }
0x142: {  	s0 =	sadd.s32 @!p0 $0x100000, s0  }
0x143: {  	[sflag:s0] =	ssyncadd.tile.s32 @!p0 $0x1;
	_ =	shalt  }
.Lfunc_end2:
_tile_overlayer_lowered:
.L_overlay_start_2:
0x144: {  	(tag) =	ssettag $0x2  }
0x145: {  	s0 =	rddreg [dreg:$0x0];
	s2 =	stileid.u32  }
0x146: {  	s1 =	rddreg [dreg:$0x1];
	p0 =	sne.s32 s2, $0x0  }
0x147: {  	s3 =	rddreg [dreg:$0x2];
	[bflag:$0x3] =	sbarrier.arrive $0xFFFF;
	s2 =	simm.s32 @!p0 $0x1C03  }
0x148: {  	[timem:s3], [sflag:s2] =	dma.local @!p0 [hbm:s0], s1  }
0x149: {  	s0 =	simm.s32 @!p0 $0x3  }
0x14a: {  	_ =	swait.ge @!p0 [sflag:s0], s1  }
0x14b: {  	s1 =	ssub.s32 @!p0 $0x0, s1;
	[sflag:s0] =	ssyncset.done @!p0 $0x0  }
0x14c: {  	[sflag:s0] =	ssyncadd.s32 @!p0 s1  }
0x14d: {  	[bflag:$0x3] =	sbarrier.arrive $0xFFFF  }
0x14e: {  	_ =	shalt  }

// kernel: kernel.17.cloned.1.call-start
scs
__scs_entry_jumppad:
0x0: {  	(pc) =	sbr.rel $0x88, $3  }
0x1: {  	(tag) =	ssettag $0x0;
	lr =	simm.s32 $0x1  }
0x2: {  	[smem:$0x3F93] =	sst lr;
	_ =	strace $0xD0000000  }
0x3: {  	_ = 	snop  }
0x4: {  	_ = 	snop  }
0x5: {  	_ = 	snop  }
0x6: {  	_ = 	snop  }
0x7: {  	_ = 	snop  }
__scs_overlays_trampoline_lowered:
0x8: {  	[smem:$0x3FA2] =	sst s0  }
0x9: {  	[smem:$0x3FA3] =	sst s1  }
0xa: {  	[smem:$0x3FA4] =	sst s2  }
0xb: {  	[smem:$0x3FA5] =	sst s3  }
0xc: {  	[smem:$0x3FA6] =	sst s4  }
0xd: {  	[smem:$0x3FA7] =	sst s5  }
0xe: {  	[smem:$0x3FA8] =	sst s6  }
0xf: {  	[smem:$0x3FA9] =	sst s7  }
0x10: {  	[smem:$0x3FAA] =	sst s8  }
0x11: {  	[smem:$0x3FAB] =	sst s9;
	s0 =	simm.s32 @!p0 $0x0  }
0x12: {  	s1 =	sld [smem:$0x3F91];
	s0 =	simm.s32 @p0 $0x1  }
0x13: {  	[smem:$0x3FAC] =	sst s0;
	s0 =	simm.s32 @!p1 $0x0  }
0x14: {  	s2 =	sld [smem:$0x3F90];
	s0 =	simm.s32 @p1 $0x1  }
0x15: {  	[smem:$0x3FAD] =	sst s0;
	s0 =	simm.s32 @!p2 $0x0  }
0x16: {  	s3 =	sld [smem:$0x3FDB];
	s0 =	simm.s32 @p2 $0x1  }
0x17: {  	s4 =	simm.s32 $0x1BF5;
	[smem:$0x3FAF] =	sst s0  }
0x18: {  	s0 =	sld [smem:$0x3F92];
	_ =	swait.ge [sflag:s4], $0x0  }
0x19: {  	s7 =	sld [smem:$0x3F93]  }
0x1a: {  	s8 =	sadd.s32 $0xFFFFE003, lr  }
0x1b: {  	s9 =	sadd.s32 $0xFFFFFEF7, lr;
	s5 =	simm.s32 $0xFFFFFFFF;
	p2 =	slt.u32 s8, $0xFFFFF086  }
0x1c: {  	p1 =	slt.u32 s9, $0xF7A;
	s5 =	simm.s32 @!p2 $0x0  }
0x1d: {  	s5 =	simm.s32 @p1 $0x1;
	p0 =	seq.s32 s7, s2  }
0x1e: {  	s7 =	smul.u32 @!p0 $0xF7A, s2;
	p2 =	seq.s32 @!p0 s5, $0x0  }
0x1f: {  	s9 =	smul.u32 $0xF7A, s1;
	s8 =	simm.s32 @!p0 $0x1BF5;
	p2 =	por !p2, p0  }
0x20: {  	[sflag:s8] =	ssyncset.s32 @!p0 $0xFFFFF086;
	s6 =	sadd.s32 @!p0 s3, s7;
	s7 =	simm.s32 @!p0 $0x108  }
0x21: {  	s3 =	sadd.s32 s3, s9;
	s6 =	sadd.s32 @!p0 $0x88, s6;
	s7 =	simm.s32 @p2 $0x1082  }
0x22: {  	[simem:s7], [sflag:s8] =	dma.local @!p0 [hbm:s6], $0xF7A  }
0x23: {  	s9 =	sor.u32 $0xD0000000, s2;
	s6 =	simm.s32 $0x108;
	_ =	swait.ge @!p0 [sflag:s8], $0x0  }
0x24: {  	s3 =	sadd.s32 $0x88, s3;
	s6 =	simm.s32 @!p1 $0x1082;
	[sflag:s4] =	ssyncset.s32 $0xFFFFF086  }
0x25: {  	[simem:s6], [sflag:s4] =	dma.local [hbm:s3], $0xF7A  }
0x26: {  	[smem:$0x3F93] =	sst s1;
	(tag) =	ssettag s2;
	_ =	strace s9  }
0x27: {  	s1 =	sld [smem:$0x3FA3]  }
0x28: {  	s2 =	sld [smem:$0x3FA4]  }
0x29: {  	s4 =	sld [smem:$0x3FA6]  }
0x2a: {  	p0 =	seq.s32 s5, $0x0;
	s5 =	sld [smem:$0x3FA7]  }
0x2b: {  	s6 =	sld [smem:$0x3FA8]  }
0x2c: {  	s7 =	sld [smem:$0x3FA9]  }
0x2d: {  	s3 =	simm.s32 $0x108;
	s8 =	sld [smem:$0x3FAA]  }
0x2e: {  	s3 =	simm.s32 @!p0 $0x1082;
	s9 =	sld [smem:$0x3FAB]  }
0x2f: {  	lr =	sadd.s32 s0, s3;
	s0 =	sld [smem:$0x3FA2]  }
0x30: {  	s3 =	sld [smem:$0x3FA5]  }
0x31: {  	[smem:$0x3FAE] =	sst s10  }
0x32: {  	s10 =	sld [smem:$0x3FAC];
	_ =	sdelay $0x3  }
0x33: {  	p0 =	seq.s32 s10, $0x1;
	s10 =	sld [smem:$0x3FAE];
	_ =	sdelay $0x3  }
0x34: {  	[smem:$0x3FAE] =	sst s10  }
0x35: {  	s10 =	sld [smem:$0x3FAD];
	_ =	sdelay $0x3  }
0x36: {  	p1 =	seq.s32 s10, $0x1;
	s10 =	sld [smem:$0x3FAE];
	_ =	sdelay $0x3  }
0x37: {  	[smem:$0x3FAE] =	sst s10  }
0x38: {  	s10 =	sld [smem:$0x3FAF]  }
0x39: {  	_ = 	snop;
	(pc) =	sbr.ind lr, $3  }
0x3a: {  	_ = 	snop  }
0x3b: {  	_ = 	snop  }
0x3c: {  	p2 =	seq.s32 s10, $0x1;
	s10 =	sld [smem:$0x3FAE]  }
0x3d: {  	_ =	shalt  }
0x3e: {  	_ =	shalt  }
0x3f: {  	_ =	shalt  }
0x40: {  	_ =	shalt  }
0x41: {  	_ =	shalt  }
0x42: {  	_ =	shalt  }
0x43: {  	_ =	shalt  }
0x44: {  	_ =	shalt  }
0x45: {  	_ =	shalt  }
0x46: {  	_ =	shalt  }
0x47: {  	_ =	shalt  }
0x48: {  	_ =	shalt  }
0x49: {  	_ =	shalt  }
0x4a: {  	_ =	shalt  }
0x4b: {  	_ =	shalt  }
0x4c: {  	_ =	shalt  }
0x4d: {  	_ =	shalt  }
0x4e: {  	_ =	shalt  }
0x4f: {  	_ =	shalt  }
0x50: {  	_ =	shalt  }
0x51: {  	_ =	shalt  }
0x52: {  	_ =	shalt  }
0x53: {  	_ =	shalt  }
0x54: {  	_ =	shalt  }
0x55: {  	_ =	shalt  }
0x56: {  	_ =	shalt  }
0x57: {  	_ =	shalt  }
0x58: {  	_ =	shalt  }
0x59: {  	_ =	shalt  }
0x5a: {  	_ =	shalt  }
0x5b: {  	_ =	shalt  }
0x5c: {  	_ =	shalt  }
0x5d: {  	_ =	shalt  }
0x5e: {  	_ =	shalt  }
0x5f: {  	_ =	shalt  }
0x60: {  	_ =	shalt  }
0x61: {  	_ =	shalt  }
0x62: {  	_ =	shalt  }
0x63: {  	_ =	shalt  }
0x64: {  	_ =	shalt  }
0x65: {  	_ =	shalt  }
0x66: {  	_ =	shalt  }
0x67: {  	_ =	shalt  }
0x68: {  	_ =	shalt  }
0x69: {  	_ =	shalt  }
0x6a: {  	_ =	shalt  }
0x6b: {  	_ =	shalt  }
0x6c: {  	_ =	shalt  }
0x6d: {  	_ =	shalt  }
0x6e: {  	_ =	shalt  }
0x6f: {  	_ =	shalt  }
0x70: {  	_ =	shalt  }
0x71: {  	_ =	shalt  }
0x72: {  	_ =	shalt  }
0x73: {  	_ =	shalt  }
0x74: {  	_ =	shalt  }
0x75: {  	_ =	shalt  }
0x76: {  	_ =	shalt  }
0x77: {  	_ =	shalt  }
0x78: {  	_ =	shalt  }
0x79: {  	_ =	shalt  }
0x7a: {  	_ =	shalt  }
0x7b: {  	_ =	shalt  }
0x7c: {  	_ =	shalt  }
0x7d: {  	_ =	shalt  }
0x7e: {  	_ =	shalt  }
0x7f: {  	_ =	shalt  }
0x80: {  	_ =	shalt  }
0x81: {  	_ =	shalt  }
0x82: {  	_ =	shalt  }
0x83: {  	_ =	shalt  }
0x84: {  	_ =	shalt  }
0x85: {  	_ =	shalt  }
0x86: {  	_ =	shalt  }
0x87: {  	_ =	shalt  }
.Lfunc_end0:
.L_simem_size_0:
called_computation.2_lowered:
.L_overlay_start_0:
0x88: {  	s2 =	sld [smem:$0x3FD9]  }
0x89: {  	s3 =	sld [smem:$0x3FFE];
	_ =	sdelay $0x1  }
0x8a: {  	s1 =	srdreg.scid  }
0x8b: {  	s0 =	sand.u32 $0x1, s1  }
0x8c: {  	s17 =	sshll.u32 s0, $0xA;
	s2 =	sadd.s32 s3, s2  }
0x8d: {  	s2 =	sadd.s32 s2, s17  }
0x8e: {  	[smem:$0x3FBA] =	sst s2  }
0x8f: {  	_ = 	snop  }
0x90: {  	s2 =	sld [smem:$0x3FD0];
	(tm) =	ssettm $0x1  }
0x91: {  	s18 =	sld [smem:$0x3FFB];
	_ =	sdelay $0x3  }
0x92: {  	_ =	strace s18  }
0x93: {  	s3 =	sld [smem:$0x3FFC];
	_ =	sdelay $0x3  }
0x94: {  	_ =	strace s3  }
0x95: {  	s3 =	sld [smem:$0x3FFD];
	_ =	sdelay $0x3  }
0x96: {  	_ =	strace s3  }
0x97: {  	_ =	strace $0x8FFFFFFF  }
0x98: {  	s19 =	sld [smem:$0x3FDB];
	_ =	sdelay $0x1  }
0x99: {  	s4 =	simm.s32 $_scs_section_size  }
0x9a: {  	s5 =	simm.s32 $_size__tile_overlayer_lowered;
	s6 =	simm.s32 $_tile_overlayer_lowered  }
0x9b: {  	s22 =	simm.s32 $0x1BFF;
	s21 =	sshll.u32 s6, $0x1;
	s3 =	sadd.s32 s4, s19  }
0x9c: {  	s7 =	simm.s32 $0x0;
	s20 =	sshll.u32 s5, $0x1;
	s5 =	sadd.s32 s21, s3  }
0x9d: {  	[timem:s7], [sflag:s22] =	dma.local [hbm:s5], s20  }
0x9e: {  	_ =	swait.ge [sflag:s22], s20  }
0x9f: {  	s4 =	ssub.s32 $0x0, s20;
	[sflag:s22] =	ssyncset.done $0x0  }
0xa0: {  	[sflag:s22] =	ssyncadd.s32 s4;
	_ =	sdelay $0x1  }
0xa1: {  	s23 =	simm.s32 $0x1B8B  }
0xa2: {  	_ =	swait.ge [sflag:s23], $0x1  }
0xa3: {  	[sflag:s23] =	ssyncset.done $0x0  }
0xa4: {  	s25 =	simm.s32 $0x1B8E;
	s24 =	sld [smem:$0x3FFE];
	[sflag:s23] =	ssyncadd.s32 $0xFFFFFFFF  }
0xa5: {  	s26 =	simm.s32 $execute0_lowered;
	[smem:$0x3FD2] =	sst s25  }
0xa6: {  	s5 =	sshll.u32 s26, $0x1;
	_ =	strace $0x80000049;
	[dreg:$0x1] =	wrdreg $0xFFFFFFFF  }
0xa7: {  	s28 =	simm.s32 $_size_execute0_lowered;
	s3 =	sadd.s32 s3, s5;
	[dreg:$0x0] =	wrdreg $0x0  }
0xa8: {  	s5 =	sshll.u32 s28, $0x1;
	[dreg:$0x2] =	wrdreg s3  }
0xa9: {  	[dreg:$0x3] =	wrdreg s5  }
0xaa: {  	[dreg:$0x4] =	wrdreg $0xC0  }
0xab: {  	_ =	task [dreg:s7], $0x5FFFF  }
0xac: {  	[dreg:$0x1] =	wrdreg $0xFFFFFFFF  }
0xad: {  	[dreg:$0x0] =	wrdreg $0x60  }
0xae: {  	[dreg:$0x2] =	wrdreg s24  }
0xaf: {  	[dreg:$0x3] =	wrdreg s2  }
0xb0: {  	[dreg:$0x4] =	wrdreg $0x38000  }
0xb1: {  	[dreg:$0x5] =	wrdreg $0xA  }
0xb2: {  	_ =	task.clear_ibuf [dreg:s7], $0x6FFFF;
	_ =	strace $0x90000049  }
0xb3: {  	s29 =	simm.s32 $0xA;
	_ =	strace $0x8000004B  }
0xb4: {  	_ =	swait.ge [sflag:s29], $0x1  }
0xb5: {  	[sflag:s29] =	ssyncadd.s32 $0xFFFFFFFF  }
0xb6: {  	_ =	strace $0x9000004B  }
0xb7: {  	_ =	sfence  }
0xb8: {  	s30 =	sld [smem:$0x0];
	_ =	sdelay $0x2  }
0xb9: {  	s31 =	sshll.u32 s1, $0xD;
	s1 =	sshrl.u32 s1, $0x2  }
0xba: {  	s3 =	sand.u32 $0x4000, s31;
	s1 =	sadd.s32 s1, s30  }
0xbb: {  	s0 =	sor.u32 s3, s0;
	s1 =	sshll.u32 s1, $0x11  }
0xbc: {  	s0 =	sor.u32 s1, s0  }
0xbd: {  	s0 =	sadd.s32 $0x8F2B, s0  }
0xbe: {  	[sflag:s0] =	ssyncadd.remote.s32 $0x1  }
0xbf: {  	_ =	sfence.sel $0xFFFF  }
0xc0: {  	[dreg:$0x0] =	wrdreg $0xFFFFFFFF;
	(pc) =	sbr.abs _section_cstart, $3  }
0xc1: {  	[dreg:$0x1] =	wrdreg $0xFFFFFFFF  }
0xc2: {  	_ =	task.clear_ibuf [dreg:s7], $0x2FFFF;
	_ =	strace $0x9FFFFFFF  }
0xc3: {  	(tm) =	ssettm $0x7FFFFFFF  }
tec
execute0_lowered:
.L_overlay_start_1:
0x0: {  	(tag) =	ssettag $0x1  }
0x1: {  	s6 =	rddreg [dreg:$0x0]  }
0x2: {  	s2 =	rddreg [dreg:$0x1]  }
0x3: {  	s3 =	rddreg [dreg:$0x2];
	s4 =	srdreg.scid  }
0x4: {  	s0 =	rddreg [dreg:$0x3];
	s1 =	stileid.u32;
	s15 =	simm.s32 $0x3  }
0x5: {  	s16 =	simm.s32 $0x1400;
	s17 =	simm.s32 $0x2800;
	s18 =	simm.s32 $0x80  }
0x6: {  	s19 =	simm.s32 $0x3000;
	s20 =	simm.s32 $0x1;
	s21 =	simm.s32 $0x2  }
0x7: {  	s24 =	simm.s32 $0x0;
	s7 =	sand.u32 $0x1, s4;
	s8 =	smul.u32 $0x2800, s1  }
0x8: {  	s4 =	simm.s32 $0x0;
	s11 =	smul.u32 $0xA000, s1;
	s22 =	sshll.u32 s1, $0x6  }
0x9: {  	s5 =	sshll.u32 s7, $0x4;
	[smem:$0x7FF] =	sst s4;
	s10 =	smul.u32 $0x28000, s7  }
0xa: {  	s7 =	ssub.s32 $0x2, s7;
	s22 =	sor.u32 $0x1C03, s22;
	s9 =	sor.u32 s1, s5  }
0xb: {  	_ =	strace $0x8000004A;
	s5 =	sadd.s32 $0x86000, s6;
	s12 =	sshrl.u32 s7, $0x1  }
0xc: {  	s30 =	sshrl.u32 s11, $0x2;
	s9 =	smul.u32 $0x280, s9;
	s10 =	sadd.s32 s8, s10  }
0xd: {  	s14 =	ssub.s32 s7, s12;
	s31 =	sadd.s32 s30, s3;
	s8 =	sadd.s32 s8, s3  }
0xe: {  	s10 =	sshrl.u32 s10, $0x3;
	s11 =	sadd.s32 $0x1800, s31;
	s12 =	sadd.s32 $0x2000, s31  }
0xf: {  	s14 =	smax.u32 s14, $0x1;
	s23 =	sshrl.u32 s8, $0x3;
	s9 =	sadd.s32 s9, s6  }
0x10: {  	s13 =	sadd.s32 s10, s6;
	s10 =	sadd.s32 $0x1000, s31;
	s6 =	sadd.s32 $0x4000, s9  }
0x11: {  	s7 =	sadd.s32 $0x9000, s9;
	s9 =	sadd.s32 $0x800, s31;
	s13 =	sadd.s32 $0xE0200, s13  }
.LBB2_1:
0x12: {  	[tilespmem:s4], [sflag:$0x3] =	stream.linear.gather [hbm4b:s6+s4], $0x1400, $0x38;
	[tilespmem:$0x6000] =	vst v63  }
0x13: {  	_ =	swait.ge [sflag:s15], $0x1400  }
0x14: {  	[sflag:s15] =	ssyncset.done $0x0  }
0x15: {  	[sflag:s15] =	ssyncadd.s32 $0xFFFFEC00  }
0x16: {  	[tilespmem:s16], [sflag:$0x3] =	stream.linear.gather [hbm4b:s7+s4], $0x1400, $0x38;
	[tilespmem:$0x6000] =	vst v63  }
0x17: {  	_ =	swait.ge [sflag:s15], $0x1400  }
0x18: {  	[sflag:s15] =	ssyncset.done $0x0  }
0x19: {  	[sflag:s15] =	ssyncadd.s32 $0xFFFFEC00  }
0x1a: {  	[tilespmem:s17], [sflag:$0x3] =	stream.linear.gather [hbm4b:s2+s4], $0x800, $0x38;
	[tilespmem:$0x6000] =	vst v63  }
0x1b: {  	_ =	swait.ge [sflag:s15], $0x800  }
0x1c: {  	[sflag:s15] =	ssyncset.done $0x0  }
0x1d: {  	[sflag:s15] =	ssyncadd.s32 $0xFFFFF800  }
0x1e: {  	[spmem:s8] =	stream.linear.scatter [tilespmem:s17], [sflag:$0x3], $0x800, $0x38;
	[tilespmem:$0x6000] =	vst v63  }
0x1f: {  	_ =	swait.ge [sflag:s15], $0x800  }
0x20: {  	[sflag:s15] =	ssyncset.done $0x0  }
0x21: {  	[sflag:s15] =	ssyncadd.s32 $0xFFFFF800  }
0x22: {  	[spmem:s9] =	stream.linear.scatter [tilespmem:s17], [sflag:$0x3], $0x800, $0x38;
	[tilespmem:$0x6000] =	vst v63  }
0x23: {  	_ =	swait.ge [sflag:s15], $0x800  }
0x24: {  	[sflag:s15] =	ssyncset.done $0x0  }
0x25: {  	[sflag:s15] =	ssyncadd.s32 $0xFFFFF800  }
0x26: {  	[spmem:s10] =	stream.linear.scatter [tilespmem:s17], [sflag:$0x3], $0x800, $0x38;
	[tilespmem:$0x6000] =	vst v63  }
0x27: {  	_ =	swait.ge [sflag:s15], $0x800  }
0x28: {  	[sflag:s15] =	ssyncset.done $0x0  }
0x29: {  	[sflag:s15] =	ssyncadd.s32 $0xFFFFF800  }
0x2a: {  	[spmem:s11] =	stream.linear.scatter [tilespmem:s17], [sflag:$0x3], $0x800, $0x38;
	[tilespmem:$0x6000] =	vst v63  }
0x2b: {  	_ =	swait.ge [sflag:s15], $0x800  }
0x2c: {  	[sflag:s15] =	ssyncset.done $0x0  }
0x2d: {  	[sflag:s15] =	ssyncadd.s32 $0xFFFFF800  }
0x2e: {  	[spmem:s12] =	stream.linear.scatter [tilespmem:s17], [sflag:$0x3], $0x800, $0x38;
	[tilespmem:$0x6000] =	vst v63  }
0x2f: {  	_ =	swait.ge [sflag:s15], $0x800  }
0x30: {  	[sflag:s15] =	ssyncset.done $0x0  }
0x31: {  	[sflag:s15] =	ssyncadd.s32 $0xFFFFF800  }
0x32: {  	s25 =	simm.s32 $0x0;
	[bflag:$0x0] =	sbarrier.arrive $0xFFFF  }
0x33: {  	[tilespmem:s17], [sflag:$0x1] =	stream.indirect.gather [hbm4b:s5+s18], $0x10, s25, s18, $0xb8;
	[tilespmem:$0x6000] =	vst v63  }
0x34: {  	s29 =	simm.s32 $0x80  }
0x35: {  	[tilespmem:s19], [sflag:$0x2] =	stream.indirect.gather [hbm4b:s5+s18], $0x10, s29, s18, $0xb8;
	[tilespmem:$0x6000] =	vst v63  }
0x36: {  	_ =	swait.ge [sflag:s20], $0x800  }
0x37: {  	[sflag:s20] =	ssyncset.done $0x0  }
0x38: {  	s30 =	simm.s32 $0x1400;
	[sflag:s20] =	ssyncadd.s32 $0xFFFFF800  }
0x39: {  	[spmem:s3] =	stream.indirect.scatter.add.f32 [tilespmem:s17], [sflag:$0x3], $0x10, s30, s18, $0xb8;
	[tilespmem:$0x6000] =	vst v63  }
0x3a: {  	_ =	swait.ge [sflag:s15], $0x800  }
0x3b: {  	[sflag:s15] =	ssyncset.done $0x0  }
0x3c: {  	[sflag:s15] =	ssyncadd.s32 $0xFFFFF800  }
0x3d: {  	_ =	swait.ge [sflag:s21], $0x800  }
0x3e: {  	[sflag:s21] =	ssyncset.done $0x0  }
0x3f: {  	s31 =	simm.s32 $0x1480;
	[sflag:s21] =	ssyncadd.s32 $0xFFFFF800  }
0x40: {  	[spmem:s3] =	stream.indirect.scatter.add.f32 [tilespmem:s19], [sflag:$0x3], $0x10, s31, s18, $0xb8;
	[tilespmem:$0x6000] =	vst v63  }
0x41: {  	_ =	swait.ge [sflag:s15], $0x800  }
0x42: {  	s26 =	simm.s32 $0x800;
	s25 =	simm.s32 $0x400;
	[sflag:s15] =	ssyncset.done $0x0  }
.LBB2_2:
0x43: {  	s28 =	sshra.s32 s25, $0x2  }
0x44: {  	[sflag:s15] =	ssyncadd.s32 $0xFFFFF800;
	s25 =	smov.u32 s26;
	s29 =	sadd.s32 $0x400, s26  }
0x45: {  	[tilespmem:s17], [sflag:$0x1] =	stream.indirect.gather [hbm4b:s5+s18], $0x10, s28, s18, $0xb8;
	[tilespmem:$0x6000] =	vst v63  }
0x46: {  	p0 =	sne.s32 s26, $0x4C00;
	s26 =	sadd.s32 $0x80, s28  }
0x47: {  	[tilespmem:s19], [sflag:$0x2] =	stream.indirect.gather [hbm4b:s5+s18], $0x10, s26, s18, $0xb8;
	[tilespmem:$0x6000] =	vst v63  }
0x48: {  	_ =	swait.ge [sflag:s20], $0x800  }
0x49: {  	[sflag:s20] =	ssyncset.done $0x0  }
0x4a: {  	s26 =	sadd.s32 $0x1400, s28;
	[sflag:s20] =	ssyncadd.s32 $0xFFFFF800  }
0x4b: {  	[spmem:s3] =	stream.indirect.scatter.add.f32 [tilespmem:s17], [sflag:$0x3], $0x10, s26, s18, $0xb8;
	[tilespmem:$0x6000] =	vst v63  }
0x4c: {  	_ =	swait.ge [sflag:s15], $0x800  }
0x4d: {  	[sflag:s15] =	ssyncset.done $0x0  }
0x4e: {  	[sflag:s15] =	ssyncadd.s32 $0xFFFFF800  }
0x4f: {  	_ =	swait.ge [sflag:s21], $0x800  }
.Ltmp0:
0x50: {  	[sflag:s21] =	ssyncset.done $0x0;
	(pc) =	sbr.rel @p0 .LBB2_2-.Ltmp0, $4  }
0x51: {  	s26 =	sadd.s32 $0x1480, s28;
	[sflag:s21] =	ssyncadd.s32 $0xFFFFF800  }
0x52: {  	[spmem:s3] =	stream.indirect.scatter.add.f32 [tilespmem:s19], [sflag:$0x3], $0x10, s26, s18, $0xb8;
	[tilespmem:$0x6000] =	vst v63  }
0x53: {  	_ =	swait.ge [sflag:s15], $0x800  }
0x54: {  	s26 =	smov.u32 s29;
	[sflag:s15] =	ssyncset.done $0x0  }
0x55: {  	s25 =	sshra.s32 s25, $0x2;
	[sflag:s15] =	ssyncadd.s32 $0xFFFFF800  }
0x56: {  	[tilespmem:s17], [sflag:$0x1] =	stream.indirect.gather [hbm4b:s5+s18], $0x10, s25, s18, $0xb8;
	[tilespmem:$0x6000] =	vst v63  }
0x57: {  	s26 =	sadd.s32 $0x80, s25  }
0x58: {  	[tilespmem:s19], [sflag:$0x2] =	stream.indirect.gather [hbm4b:s5+s18], $0x10, s26, s18, $0xb8;
	[tilespmem:$0x6000] =	vst v63  }
0x59: {  	_ =	swait.ge [sflag:s20], $0x800  }
0x5a: {  	[sflag:s20] =	ssyncset.done $0x0  }
0x5b: {  	s31 =	sadd.s32 $0x1400, s25;
	[sflag:s20] =	ssyncadd.s32 $0xFFFFF800  }
0x5c: {  	[spmem:s3] =	stream.indirect.scatter.add.f32 [tilespmem:s17], [sflag:$0x3], $0x10, s31, s18, $0xb8;
	[tilespmem:$0x6000] =	vst v63  }
0x5d: {  	_ =	swait.ge [sflag:s15], $0x800  }
0x5e: {  	[sflag:s15] =	ssyncset.done $0x0  }
0x5f: {  	[sflag:s15] =	ssyncadd.s32 $0xFFFFF800  }
0x60: {  	_ =	swait.ge [sflag:s21], $0x800  }
0x61: {  	[sflag:s21] =	ssyncset.done $0x0  }
0x62: {  	s25 =	sadd.s32 $0x1480, s25;
	[sflag:s21] =	ssyncadd.s32 $0xFFFFF800  }
0x63: {  	[spmem:s3] =	stream.indirect.scatter.add.f32 [tilespmem:s19], [sflag:$0x3], $0x10, s25, s18, $0xb8;
	[tilespmem:$0x6000] =	vst v63  }
0x64: {  	_ =	swait.ge [sflag:s15], $0x800  }
0x65: {  	s24 =	sadd.s32 $0x1, s24;
	[sflag:s15] =	ssyncset.done $0x0  }
0x66: {  	p0 =	sne.s32 s24, s14;
	[sflag:s15] =	ssyncadd.s32 $0xFFFFF800  }
.Ltmp1:
0x67: {  	[bflag:$0x0] =	sbarrier.arrive $0xFFFF;
	(pc) =	sbr.rel @p0 .LBB2_1-.Ltmp1, $4  }
0x68: {  	[hbm:s13], [sflag:s22] =	dma.local [spmem:s23], $0x500  }
0x69: {  	_ =	swait.ge [sflag:s15], $0x500  }
0x6a: {  	[sflag:s15] =	ssyncset.done $0x0  }
0x6b: {  	[sflag:s15] =	ssyncadd.s32 $0xFFFFFB00  }
0x6c: {  	_ =	sfence.sel $0x180000  }
0x6d: {  	[bflag:$0x0] =	sbarrier.arrive $0xFFFF  }
0x6e: {  	p0 =	sne.s32 s1, $0x0;
	_ =	strace $0x9000004A  }
0x6f: {  	s0 =	sadd.s32 @!p0 $0x100000, s0;
	[bflag:$0x2] =	sbarrier.arrive $0xFFFF  }
0x70: {  	[sflag:s0] =	ssyncadd.tile.s32 @!p0 $0x1;
	_ =	shalt  }
.Lfunc_end2:
_tile_overlayer_lowered:
.L_overlay_start_2:
0x71: {  	(tag) =	ssettag $0x2  }
0x72: {  	s0 =	rddreg [dreg:$0x0];
	s2 =	stileid.u32  }
0x73: {  	s1 =	rddreg [dreg:$0x1];
	p0 =	sne.s32 s2, $0x0  }
0x74: {  	s3 =	rddreg [dreg:$0x2];
	[bflag:$0x3] =	sbarrier.arrive $0xFFFF;
	s2 =	simm.s32 @!p0 $0x1C03  }
0x75: {  	[timem:s3], [sflag:s2] =	dma.local @!p0 [hbm:s0], s1  }
0x76: {  	s0 =	simm.s32 @!p0 $0x3  }
0x77: {  	_ =	swait.ge @!p0 [sflag:s0], s1  }
0x78: {  	s1 =	ssub.s32 @!p0 $0x0, s1;
	[sflag:s0] =	ssyncset.done @!p0 $0x0  }
0x79: {  	[sflag:s0] =	ssyncadd.s32 @!p0 s1  }
0x7a: {  	[bflag:$0x3] =	sbarrier.arrive $0xFFFF  }
0x7b: {  	_ =	shalt  }

// kernel: kernel.20.cloned.1.call-start
scs
__scs_entry_jumppad:
0x0: {  	(pc) =	sbr.rel $0x88, $3  }
0x1: {  	(tag) =	ssettag $0x0;
	lr =	simm.s32 $0x1  }
0x2: {  	[smem:$0x3F93] =	sst lr;
	_ =	strace $0xD0000000  }
0x3: {  	_ = 	snop  }
0x4: {  	_ = 	snop  }
0x5: {  	_ = 	snop  }
0x6: {  	_ = 	snop  }
0x7: {  	_ = 	snop  }
__scs_overlays_trampoline_lowered:
0x8: {  	[smem:$0x3FA2] =	sst s0  }
0x9: {  	[smem:$0x3FA3] =	sst s1  }
0xa: {  	[smem:$0x3FA4] =	sst s2  }
0xb: {  	[smem:$0x3FA5] =	sst s3  }
0xc: {  	[smem:$0x3FA6] =	sst s4  }
0xd: {  	[smem:$0x3FA7] =	sst s5  }
0xe: {  	[smem:$0x3FA8] =	sst s6  }
0xf: {  	[smem:$0x3FA9] =	sst s7  }
0x10: {  	[smem:$0x3FAA] =	sst s8  }
0x11: {  	[smem:$0x3FAB] =	sst s9;
	s0 =	simm.s32 @!p0 $0x0  }
0x12: {  	s1 =	sld [smem:$0x3F91];
	s0 =	simm.s32 @p0 $0x1  }
0x13: {  	[smem:$0x3FAC] =	sst s0;
	s0 =	simm.s32 @!p1 $0x0  }
0x14: {  	s2 =	sld [smem:$0x3F90];
	s0 =	simm.s32 @p1 $0x1  }
0x15: {  	[smem:$0x3FAD] =	sst s0;
	s0 =	simm.s32 @!p2 $0x0  }
0x16: {  	s3 =	sld [smem:$0x3FDB];
	s0 =	simm.s32 @p2 $0x1  }
0x17: {  	s4 =	simm.s32 $0x1BF5;
	[smem:$0x3FAF] =	sst s0  }
0x18: {  	s0 =	sld [smem:$0x3F92];
	_ =	swait.ge [sflag:s4], $0x0  }
0x19: {  	s7 =	sld [smem:$0x3F93]  }
0x1a: {  	s8 =	sadd.s32 $0xFFFFE003, lr  }
0x1b: {  	s9 =	sadd.s32 $0xFFFFFEF7, lr;
	s5 =	simm.s32 $0xFFFFFFFF;
	p2 =	slt.u32 s8, $0xFFFFF086  }
0x1c: {  	p1 =	slt.u32 s9, $0xF7A;
	s5 =	simm.s32 @!p2 $0x0  }
0x1d: {  	s5 =	simm.s32 @p1 $0x1;
	p0 =	seq.s32 s7, s2  }
0x1e: {  	s7 =	smul.u32 @!p0 $0xF7A, s2;
	p2 =	seq.s32 @!p0 s5, $0x0  }
0x1f: {  	s9 =	smul.u32 $0xF7A, s1;
	s8 =	simm.s32 @!p0 $0x1BF5;
	p2 =	por !p2, p0  }
0x20: {  	[sflag:s8] =	ssyncset.s32 @!p0 $0xFFFFF086;
	s6 =	sadd.s32 @!p0 s3, s7;
	s7 =	simm.s32 @!p0 $0x108  }
0x21: {  	s3 =	sadd.s32 s3, s9;
	s6 =	sadd.s32 @!p0 $0x88, s6;
	s7 =	simm.s32 @p2 $0x1082  }
0x22: {  	[simem:s7], [sflag:s8] =	dma.local @!p0 [hbm:s6], $0xF7A  }
0x23: {  	s9 =	sor.u32 $0xD0000000, s2;
	s6 =	simm.s32 $0x108;
	_ =	swait.ge @!p0 [sflag:s8], $0x0  }
0x24: {  	s3 =	sadd.s32 $0x88, s3;
	s6 =	simm.s32 @!p1 $0x1082;
	[sflag:s4] =	ssyncset.s32 $0xFFFFF086  }
0x25: {  	[simem:s6], [sflag:s4] =	dma.local [hbm:s3], $0xF7A  }
0x26: {  	[smem:$0x3F93] =	sst s1;
	(tag) =	ssettag s2;
	_ =	strace s9  }
0x27: {  	s1 =	sld [smem:$0x3FA3]  }
0x28: {  	s2 =	sld [smem:$0x3FA4]  }
0x29: {  	s4 =	sld [smem:$0x3FA6]  }
0x2a: {  	p0 =	seq.s32 s5, $0x0;
	s5 =	sld [smem:$0x3FA7]  }
0x2b: {  	s6 =	sld [smem:$0x3FA8]  }
0x2c: {  	s7 =	sld [smem:$0x3FA9]  }
0x2d: {  	s3 =	simm.s32 $0x108;
	s8 =	sld [smem:$0x3FAA]  }
0x2e: {  	s3 =	simm.s32 @!p0 $0x1082;
	s9 =	sld [smem:$0x3FAB]  }
0x2f: {  	lr =	sadd.s32 s0, s3;
	s0 =	sld [smem:$0x3FA2]  }
0x30: {  	s3 =	sld [smem:$0x3FA5]  }
0x31: {  	[smem:$0x3FAE] =	sst s10  }
0x32: {  	s10 =	sld [smem:$0x3FAC];
	_ =	sdelay $0x3  }
0x33: {  	p0 =	seq.s32 s10, $0x1;
	s10 =	sld [smem:$0x3FAE];
	_ =	sdelay $0x3  }
0x34: {  	[smem:$0x3FAE] =	sst s10  }
0x35: {  	s10 =	sld [smem:$0x3FAD];
	_ =	sdelay $0x3  }
0x36: {  	p1 =	seq.s32 s10, $0x1;
	s10 =	sld [smem:$0x3FAE];
	_ =	sdelay $0x3  }
0x37: {  	[smem:$0x3FAE] =	sst s10  }
0x38: {  	s10 =	sld [smem:$0x3FAF]  }
0x39: {  	_ = 	snop;
	(pc) =	sbr.ind lr, $3  }
0x3a: {  	_ = 	snop  }
0x3b: {  	_ = 	snop  }
0x3c: {  	p2 =	seq.s32 s10, $0x1;
	s10 =	sld [smem:$0x3FAE]  }
0x3d: {  	_ =	shalt  }
0x3e: {  	_ =	shalt  }
0x3f: {  	_ =	shalt  }
0x40: {  	_ =	shalt  }
0x41: {  	_ =	shalt  }
0x42: {  	_ =	shalt  }
0x43: {  	_ =	shalt  }
0x44: {  	_ =	shalt  }
0x45: {  	_ =	shalt  }
0x46: {  	_ =	shalt  }
0x47: {  	_ =	shalt  }
0x48: {  	_ =	shalt  }
0x49: {  	_ =	shalt  }
0x4a: {  	_ =	shalt  }
0x4b: {  	_ =	shalt  }
0x4c: {  	_ =	shalt  }
0x4d: {  	_ =	shalt  }
0x4e: {  	_ =	shalt  }
0x4f: {  	_ =	shalt  }
0x50: {  	_ =	shalt  }
0x51: {  	_ =	shalt  }
0x52: {  	_ =	shalt  }
0x53: {  	_ =	shalt  }
0x54: {  	_ =	shalt  }
0x55: {  	_ =	shalt  }
0x56: {  	_ =	shalt  }
0x57: {  	_ =	shalt  }
0x58: {  	_ =	shalt  }
0x59: {  	_ =	shalt  }
0x5a: {  	_ =	shalt  }
0x5b: {  	_ =	shalt  }
0x5c: {  	_ =	shalt  }
0x5d: {  	_ =	shalt  }
0x5e: {  	_ =	shalt  }
0x5f: {  	_ =	shalt  }
0x60: {  	_ =	shalt  }
0x61: {  	_ =	shalt  }
0x62: {  	_ =	shalt  }
0x63: {  	_ =	shalt  }
0x64: {  	_ =	shalt  }
0x65: {  	_ =	shalt  }
0x66: {  	_ =	shalt  }
0x67: {  	_ =	shalt  }
0x68: {  	_ =	shalt  }
0x69: {  	_ =	shalt  }
0x6a: {  	_ =	shalt  }
0x6b: {  	_ =	shalt  }
0x6c: {  	_ =	shalt  }
0x6d: {  	_ =	shalt  }
0x6e: {  	_ =	shalt  }
0x6f: {  	_ =	shalt  }
0x70: {  	_ =	shalt  }
0x71: {  	_ =	shalt  }
0x72: {  	_ =	shalt  }
0x73: {  	_ =	shalt  }
0x74: {  	_ =	shalt  }
0x75: {  	_ =	shalt  }
0x76: {  	_ =	shalt  }
0x77: {  	_ =	shalt  }
0x78: {  	_ =	shalt  }
0x79: {  	_ =	shalt  }
0x7a: {  	_ =	shalt  }
0x7b: {  	_ =	shalt  }
0x7c: {  	_ =	shalt  }
0x7d: {  	_ =	shalt  }
0x7e: {  	_ =	shalt  }
0x7f: {  	_ =	shalt  }
0x80: {  	_ =	shalt  }
0x81: {  	_ =	shalt  }
0x82: {  	_ =	shalt  }
0x83: {  	_ =	shalt  }
0x84: {  	_ =	shalt  }
0x85: {  	_ =	shalt  }
0x86: {  	_ =	shalt  }
0x87: {  	_ =	shalt  }
.Lfunc_end0:
.L_simem_size_0:
called_computation.3_lowered:
.L_overlay_start_0:
0x88: {  	s2 =	sld [smem:$0x3FD9]  }
0x89: {  	s3 =	sld [smem:$0x3FFE];
	_ =	sdelay $0x1  }
0x8a: {  	s1 =	srdreg.scid  }
0x8b: {  	s0 =	sand.u32 $0x1, s1  }
0x8c: {  	s16 =	sshll.u32 s0, $0xA;
	s2 =	sadd.s32 s3, s2  }
0x8d: {  	s2 =	sadd.s32 s2, s16  }
0x8e: {  	[smem:$0x3FBA] =	sst s2  }
0x8f: {  	_ = 	snop  }
0x90: {  	(tm) =	ssettm $0x1  }
0x91: {  	s17 =	sld [smem:$0x3FFB];
	_ =	sdelay $0x3  }
0x92: {  	_ =	strace s17  }
0x93: {  	s2 =	sld [smem:$0x3FFC];
	_ =	sdelay $0x3  }
0x94: {  	_ =	strace s2  }
0x95: {  	s2 =	sld [smem:$0x3FFD];
	_ =	sdelay $0x3  }
0x96: {  	_ =	strace s2  }
0x97: {  	_ =	strace $0x8FFFFFFF  }
0x98: {  	s18 =	sld [smem:$0x3FDB];
	_ =	sdelay $0x1  }
0x99: {  	s19 =	simm.s32 $_scs_section_size  }
0x9a: {  	s4 =	simm.s32 $_size__tile_overlayer_lowered;
	s5 =	simm.s32 $_tile_overlayer_lowered  }
0x9b: {  	s22 =	simm.s32 $0x1BFF;
	s21 =	sshll.u32 s5, $0x1;
	s2 =	sadd.s32 s19, s18  }
0x9c: {  	s6 =	simm.s32 $0x0;
	s20 =	sshll.u32 s4, $0x1;
	s4 =	sadd.s32 s21, s2  }
0x9d: {  	[timem:s6], [sflag:s22] =	dma.local [hbm:s4], s20  }
0x9e: {  	_ =	swait.ge [sflag:s22], s20  }
0x9f: {  	s3 =	ssub.s32 $0x0, s20;
	[sflag:s22] =	ssyncset.done $0x0  }
0xa0: {  	[sflag:s22] =	ssyncadd.s32 s3;
	_ =	sdelay $0x1  }
0xa1: {  	s23 =	simm.s32 $0x1B8B  }
0xa2: {  	_ =	swait.ge [sflag:s23], $0x1  }
0xa3: {  	[sflag:s23] =	ssyncset.done $0x0  }
0xa4: {  	s25 =	simm.s32 $0x1B8E;
	s24 =	sld [smem:$0x3FFE];
	[sflag:s23] =	ssyncadd.s32 $0xFFFFFFFF  }
0xa5: {  	s26 =	simm.s32 $execute0_lowered;
	[smem:$0x3FD2] =	sst s25  }
0xa6: {  	s4 =	sshll.u32 s26, $0x1;
	_ =	strace $0x8000004F;
	[dreg:$0x1] =	wrdreg $0xFFFFFFFF  }
0xa7: {  	s28 =	simm.s32 $_size_execute0_lowered;
	s2 =	sadd.s32 s2, s4;
	[dreg:$0x0] =	wrdreg $0x0  }
0xa8: {  	s4 =	sshll.u32 s28, $0x1;
	[dreg:$0x2] =	wrdreg s2  }
0xa9: {  	[dreg:$0x3] =	wrdreg s4  }
0xaa: {  	[dreg:$0x4] =	wrdreg $0xC0  }
0xab: {  	_ =	task [dreg:s6], $0x5FFFF  }
0xac: {  	[dreg:$0x1] =	wrdreg $0xFFFFFFFF  }
0xad: {  	[dreg:$0x0] =	wrdreg $0x60  }
0xae: {  	[dreg:$0x2] =	wrdreg s24  }
0xaf: {  	[dreg:$0x3] =	wrdreg $0xA8000  }
0xb0: {  	[dreg:$0x4] =	wrdreg $0x9  }
0xb1: {  	_ =	task.clear_ibuf [dreg:s6], $0x5FFFF;
	_ =	strace $0x9000004F  }
0xb2: {  	s29 =	simm.s32 $0x9;
	_ =	strace $0x80000051  }
0xb3: {  	_ =	swait.ge [sflag:s29], $0x1  }
0xb4: {  	[sflag:s29] =	ssyncadd.s32 $0xFFFFFFFF  }
0xb5: {  	_ =	strace $0x90000051  }
0xb6: {  	_ =	sfence  }
0xb7: {  	s30 =	sld [smem:$0x0];
	_ =	sdelay $0x2  }
0xb8: {  	s31 =	sshll.u32 s1, $0xD;
	s1 =	sshrl.u32 s1, $0x2  }
0xb9: {  	s3 =	sand.u32 $0x4000, s31;
	s1 =	sadd.s32 s1, s30  }
0xba: {  	s0 =	sor.u32 s3, s0;
	s1 =	sshll.u32 s1, $0x11  }
0xbb: {  	s0 =	sor.u32 s1, s0  }
0xbc: {  	s0 =	sadd.s32 $0x8F2B, s0  }
0xbd: {  	[sflag:s0] =	ssyncadd.remote.s32 $0x1  }
0xbe: {  	_ =	sfence.sel $0xFFFF  }
0xbf: {  	[dreg:$0x0] =	wrdreg $0xFFFFFFFF;
	(pc) =	sbr.abs _section_cstart, $3  }
0xc0: {  	[dreg:$0x1] =	wrdreg $0xFFFFFFFF  }
0xc1: {  	_ =	task.clear_ibuf [dreg:s6], $0x2FFFF;
	_ =	strace $0x9FFFFFFF  }
0xc2: {  	(tm) =	ssettm $0x7FFFFFFF  }
0xc3: {  	_ =	shalt  }
tec
execute0_lowered:
.L_overlay_start_1:
0x0: {  	(tag) =	ssettag $0x1  }
0x1: {  	s0 =	srdreg.scid;
	s7 =	rddreg [dreg:$0x0]  }
0x2: {  	s29 =	stileid.u32;
	s2 =	rddreg [dreg:$0x1]  }
0x3: {  	s17 =	simm.s32 $0x3;
	s19 =	simm.s32 $0x2800;
	s20 =	simm.s32 $0x80  }
0x4: {  	s21 =	simm.s32 $0x6800;
	s22 =	simm.s32 $0x1;
	s23 =	simm.s32 $0x2  }
0x5: {  	s24 =	simm.s32 $0x1380;
	s25 =	simm.s32 $0x2700;
	s26 =	simm.s32 $0x2780  }
0x6: {  	s28 =	simm.s32 $0x0;
	s1 =	sand.u32 $0x1, s0;
	s9 =	smul.u32 $0x14000, s29  }
0x7: {  	s5 =	sadd.s32 $0x36000, s7;
	s30 =	smul.u32 $0x50000, s29;
	s3 =	sshll.u32 s1, $0x4  }
0x8: {  	s8 =	smul.u32 $0x140000, s1;
	s1 =	ssub.s32 $0x2, s1;
	s4 =	sor.u32 s29, s3  }
0x9: {  	s3 =	simm.s32 $0x0;
	s11 =	sshrl.u32 s1, $0x1;
	s6 =	smul.u32 $0x280, s4  }
0xa: {  	[smem:$0x7FF] =	sst s3;
	s4 =	sadd.s32 $0xE000, s7;
	s8 =	sadd.s32 s9, s8  }
0xb: {  	s1 =	ssub.s32 s1, s11;
	s9 =	sshrl.u32 s30, $0x2;
	_ =	strace $0x80000050  }
0xc: {  	s8 =	sshrl.u32 s8, $0x3;
	s9 =	sadd.s32 s9, s2;
	s16 =	smax.u32 s1, $0x1  }
0xd: {  	s10 =	sadd.s32 s6, s7;
	s6 =	sadd.s32 $0x8B000, s7;
	s15 =	sadd.s32 s8, s7  }
0xe: {  	s11 =	sadd.s32 $0x8000, s9;
	s12 =	sadd.s32 $0xC000, s9;
	s13 =	sadd.s32 $0x10000, s9  }
0xf: {  	s31 =	sadd.s32 $0x4000, s10;
	s8 =	sadd.s32 $0x9000, s10;
	s10 =	sadd.s32 $0x4000, s9  }
0x10: {  	s14 =	sadd.s32 $0x8B800, s15;
	s15 =	sadd.s32 $0xDB800, s15;
	[dreg:$0x3] =	wrdreg s31  }
.LBB2_1:
0x11: {  	s0 =	rddreg [dreg:$0x3]  }
0x12: {  	[tilespmem:s3], [sflag:$0x3] =	stream.linear.gather [hbm4b:s0+s3], $0x1400, $0x38;
	[tilespmem:$0x1E800] =	vst v63  }
0x13: {  	_ =	swait.ge [sflag:s17], $0x1400  }
0x14: {  	[sflag:s17] =	ssyncset.done $0x0  }
0x15: {  	s1 =	simm.s32 $0x1400;
	[sflag:s17] =	ssyncadd.s32 $0xFFFFEC00  }
0x16: {  	[tilespmem:s1], [sflag:$0x3] =	stream.linear.gather [hbm4b:s8+s3], $0x1400, $0x38;
	[tilespmem:$0x1E800] =	vst v63  }
0x17: {  	_ =	swait.ge [sflag:s17], $0x1400  }
0x18: {  	[sflag:s17] =	ssyncset.done $0x0  }
0x19: {  	[sflag:s17] =	ssyncadd.s32 $0xFFFFEC00  }
0x1a: {  	[tilespmem:s19], [sflag:$0x3] =	stream.linear.gather [hbm4b:s6+s3], $0x4000, $0x38;
	[tilespmem:$0x1E800] =	vst v63  }
0x1b: {  	_ =	swait.ge [sflag:s17], $0x4000  }
0x1c: {  	[sflag:s17] =	ssyncset.done $0x0  }
0x1d: {  	[sflag:s17] =	ssyncadd.s32 $0xFFFFC000  }
0x1e: {  	[spmem:s9] =	stream.linear.scatter [tilespmem:s19], [sflag:$0x3], $0x4000, $0x38;
	[tilespmem:$0x1E800] =	vst v63  }
0x1f: {  	_ =	swait.ge [sflag:s17], $0x4000  }
0x20: {  	[sflag:s17] =	ssyncset.done $0x0  }
0x21: {  	[sflag:s17] =	ssyncadd.s32 $0xFFFFC000  }
0x22: {  	[spmem:s10] =	stream.linear.scatter [tilespmem:s19], [sflag:$0x3], $0x4000, $0x38;
	[tilespmem:$0x1E800] =	vst v63  }
0x23: {  	_ =	swait.ge [sflag:s17], $0x4000  }
0x24: {  	[sflag:s17] =	ssyncset.done $0x0  }
0x25: {  	[sflag:s17] =	ssyncadd.s32 $0xFFFFC000  }
0x26: {  	[spmem:s11] =	stream.linear.scatter [tilespmem:s19], [sflag:$0x3], $0x4000, $0x38;
	[tilespmem:$0x1E800] =	vst v63  }
0x27: {  	_ =	swait.ge [sflag:s17], $0x4000  }
0x28: {  	[sflag:s17] =	ssyncset.done $0x0  }
0x29: {  	[sflag:s17] =	ssyncadd.s32 $0xFFFFC000  }
0x2a: {  	[spmem:s12] =	stream.linear.scatter [tilespmem:s19], [sflag:$0x3], $0x4000, $0x38;
	[tilespmem:$0x1E800] =	vst v63  }
0x2b: {  	_ =	swait.ge [sflag:s17], $0x4000  }
0x2c: {  	[sflag:s17] =	ssyncset.done $0x0  }
0x2d: {  	[sflag:s17] =	ssyncadd.s32 $0xFFFFC000  }
0x2e: {  	[spmem:s13] =	stream.linear.scatter [tilespmem:s19], [sflag:$0x3], $0x4000, $0x38;
	[tilespmem:$0x1E800] =	vst v63  }
0x2f: {  	_ =	swait.ge [sflag:s17], $0x4000  }
0x30: {  	[sflag:s17] =	ssyncset.done $0x0  }
0x31: {  	[sflag:s17] =	ssyncadd.s32 $0xFFFFC000  }
0x32: {  	[bflag:$0x0] =	sbarrier.arrive $0xFFFF  }
0x33: {  	[tilespmem:s19], [sflag:$0x1] =	stream.indirect.gather [hbm4b:s4+s20], $0x80, s3, s20, $0xb8;
	[tilespmem:$0x1E800] =	vst v63  }
0x34: {  	s1 =	simm.s32 $0x80  }
0x35: {  	[tilespmem:s21], [sflag:$0x2] =	stream.indirect.gather [hbm4b:s4+s20], $0x80, s1, s20, $0xb8;
	[tilespmem:$0x1E800] =	vst v63  }
0x36: {  	_ =	swait.ge [sflag:s22], $0x4000  }
0x37: {  	[sflag:s22] =	ssyncset.done $0x0  }
0x38: {  	s7 =	simm.s32 $0x1400;
	[sflag:s22] =	ssyncadd.s32 $0xFFFFC000  }
0x39: {  	[spmem:s2] =	stream.indirect.scatter.add.f32 [tilespmem:s19], [sflag:$0x3], $0x80, s7, s20, $0xb8;
	[tilespmem:$0x1E800] =	vst v63  }
0x3a: {  	_ =	swait.ge [sflag:s17], $0x4000  }
0x3b: {  	[sflag:s17] =	ssyncset.done $0x0  }
0x3c: {  	s18 =	simm.s32 $0x100;
	[sflag:s17] =	ssyncadd.s32 $0xFFFFC000  }
0x3d: {  	[tilespmem:s19], [sflag:$0x1] =	stream.indirect.gather [hbm4b:s4+s20], $0x80, s18, s20, $0xb8;
	[tilespmem:$0x1E800] =	vst v63  }
0x3e: {  	_ =	swait.ge [sflag:s23], $0x4000  }
0x3f: {  	[sflag:s23] =	ssyncset.done $0x0  }
0x40: {  	s31 =	simm.s32 $0x1480;
	[sflag:s23] =	ssyncadd.s32 $0xFFFFC000  }
0x41: {  	[spmem:s2] =	stream.indirect.scatter.add.f32 [tilespmem:s21], [sflag:$0x3], $0x80, s31, s20, $0xb8;
	[tilespmem:$0x1E800] =	vst v63  }
0x42: {  	_ =	swait.ge [sflag:s17], $0x4000  }
0x43: {  	s30 =	simm.s32 $0x800;
	s29 =	simm.s32 $0x100;
	[sflag:s17] =	ssyncset.done $0x0  }
.LBB2_2:
0x44: {  	s1 =	sadd.s32 $0x80, s29  }
0x45: {  	[sflag:s17] =	ssyncadd.s32 $0xFFFFC000;
	s31 =	smov.u32 s30;
	s18 =	sadd.s32 $0x400, s30  }
0x46: {  	[tilespmem:s21], [sflag:$0x2] =	stream.indirect.gather [hbm4b:s4+s20], $0x80, s1, s20, $0xb8;
	[tilespmem:$0x1E800] =	vst v63  }
0x47: {  	p0 =	sne.s32 s30, $0x4800;
	_ =	swait.ge [sflag:s22], $0x4000  }
0x48: {  	[sflag:s22] =	ssyncset.done $0x0  }
0x49: {  	s1 =	sadd.s32 $0x1400, s29;
	[sflag:s22] =	ssyncadd.s32 $0xFFFFC000  }
0x4a: {  	[spmem:s2] =	stream.indirect.scatter.add.f32 [tilespmem:s19], [sflag:$0x3], $0x80, s1, s20, $0xb8;
	[tilespmem:$0x1E800] =	vst v63  }
0x4b: {  	_ =	swait.ge [sflag:s17], $0x4000  }
0x4c: {  	[sflag:s17] =	ssyncset.done $0x0  }
0x4d: {  	s1 =	sadd.s32 $0x100, s29;
	[sflag:s17] =	ssyncadd.s32 $0xFFFFC000  }
0x4e: {  	[tilespmem:s19], [sflag:$0x1] =	stream.indirect.gather [hbm4b:s4+s20], $0x80, s1, s20, $0xb8;
	[tilespmem:$0x1E800] =	vst v63  }
0x4f: {  	_ =	swait.ge [sflag:s23], $0x4000  }
.Ltmp0:
0x50: {  	[sflag:s23] =	ssyncset.done $0x0;
	(pc) =	sbr.rel @p0 .LBB2_2-.Ltmp0, $4  }
0x51: {  	s1 =	sadd.s32 $0x1480, s29;
	[sflag:s23] =	ssyncadd.s32 $0xFFFFC000  }
0x52: {  	[spmem:s2] =	stream.indirect.scatter.add.f32 [tilespmem:s21], [sflag:$0x3], $0x80, s1, s20, $0xb8;
	[tilespmem:$0x1E800] =	vst v63  }
0x53: {  	_ =	swait.ge [sflag:s17], $0x4000  }
0x54: {  	s30 =	smov.u32 s18;
	s29 =	sshra.s32 s31, $0x2;
	[sflag:s17] =	ssyncset.done $0x0  }
0x55: {  	s1 =	sadd.s32 $0x80, s29;
	[sflag:s17] =	ssyncadd.s32 $0xFFFFC000  }
0x56: {  	[tilespmem:s21], [sflag:$0x2] =	stream.indirect.gather [hbm4b:s4+s20], $0x80, s1, s20, $0xb8;
	[tilespmem:$0x1E800] =	vst v63  }
0x57: {  	_ =	swait.ge [sflag:s22], $0x4000  }
0x58: {  	[sflag:s22] =	ssyncset.done $0x0  }
0x59: {  	s0 =	sadd.s32 $0x1400, s29;
	[sflag:s22] =	ssyncadd.s32 $0xFFFFC000  }
0x5a: {  	[spmem:s2] =	stream.indirect.scatter.add.f32 [tilespmem:s19], [sflag:$0x3], $0x80, s0, s20, $0xb8;
	[tilespmem:$0x1E800] =	vst v63  }
0x5b: {  	_ =	swait.ge [sflag:s17], $0x4000  }
0x5c: {  	[sflag:s17] =	ssyncset.done $0x0  }
0x5d: {  	s7 =	sadd.s32 $0x100, s29;
	[sflag:s17] =	ssyncadd.s32 $0xFFFFC000  }
0x5e: {  	[tilespmem:s19], [sflag:$0x1] =	stream.indirect.gather [hbm4b:s4+s20], $0x80, s7, s20, $0xb8;
	[tilespmem:$0x1E800] =	vst v63  }
0x5f: {  	_ =	swait.ge [sflag:s23], $0x4000  }
0x60: {  	[sflag:s23] =	ssyncset.done $0x0  }
0x61: {  	s18 =	sadd.s32 $0x1480, s29;
	[sflag:s23] =	ssyncadd.s32 $0xFFFFC000  }
0x62: {  	[spmem:s2] =	stream.indirect.scatter.add.f32 [tilespmem:s21], [sflag:$0x3], $0x80, s18, s20, $0xb8;
	[tilespmem:$0x1E800] =	vst v63  }
0x63: {  	_ =	swait.ge [sflag:s17], $0x4000  }
0x64: {  	[sflag:s17] =	ssyncset.done $0x0  }
0x65: {  	[sflag:s17] =	ssyncadd.s32 $0xFFFFC000  }
0x66: {  	[tilespmem:s21], [sflag:$0x2] =	stream.indirect.gather [hbm4b:s4+s20], $0x80, s24, s20, $0xb8;
	[tilespmem:$0x1E800] =	vst v63  }
0x67: {  	_ =	swait.ge [sflag:s22], $0x4000  }
0x68: {  	[sflag:s22] =	ssyncset.done $0x0  }
0x69: {  	[sflag:s22] =	ssyncadd.s32 $0xFFFFC000  }
0x6a: {  	[spmem:s2] =	stream.indirect.scatter.add.f32 [tilespmem:s19], [sflag:$0x3], $0x80, s25, s20, $0xb8;
	[tilespmem:$0x1E800] =	vst v63  }
0x6b: {  	_ =	swait.ge [sflag:s17], $0x4000  }
0x6c: {  	[sflag:s17] =	ssyncset.done $0x0  }
0x6d: {  	[sflag:s17] =	ssyncadd.s32 $0xFFFFC000  }
0x6e: {  	_ =	swait.ge [sflag:s23], $0x4000  }
0x6f: {  	[sflag:s23] =	ssyncset.done $0x0  }
0x70: {  	[sflag:s23] =	ssyncadd.s32 $0xFFFFC000  }
0x71: {  	[spmem:s2] =	stream.indirect.scatter.add.f32 [tilespmem:s21], [sflag:$0x3], $0x80, s26, s20, $0xb8;
	[tilespmem:$0x1E800] =	vst v63  }
0x72: {  	_ =	swait.ge [sflag:s17], $0x4000  }
0x73: {  	s0 =	stileid.u32;
	[sflag:s17] =	ssyncset.done $0x0  }
0x74: {  	s0 =	sshll.u32 s0, $0x6;
	[sflag:s17] =	ssyncadd.s32 $0xFFFFC000  }
0x75: {  	s30 =	sshrl.u32 s9, $0x3;
	s29 =	sor.u32 $0x1C03, s0;
	[bflag:$0x0] =	sbarrier.arrive $0xFFFF  }
0x76: {  	[hbm:s14], [sflag:s29] =	dma.local [spmem:s30], $0x2800  }
0x77: {  	_ =	swait.ge [sflag:s17], $0x2800  }
0x78: {  	[sflag:s17] =	ssyncset.done $0x0  }
0x79: {  	s7 =	simm.s32 $0x0;
	[sflag:s17] =	ssyncadd.s32 $0xFFFFD800  }
0x7a: {  	[tilespmem:s19], [sflag:$0x3] =	stream.linear.gather [hbm4b:s6+s7], $0x4000, $0x38;
	[tilespmem:$0x1E800] =	vst v63  }
0x7b: {  	_ =	swait.ge [sflag:s17], $0x4000  }
0x7c: {  	[sflag:s17] =	ssyncset.done $0x0  }
0x7d: {  	[sflag:s17] =	ssyncadd.s32 $0xFFFFC000  }
0x7e: {  	[spmem:s9] =	stream.linear.scatter [tilespmem:s19], [sflag:$0x3], $0x4000, $0x38;
	[tilespmem:$0x1E800] =	vst v63  }
0x7f: {  	_ =	swait.ge [sflag:s17], $0x4000  }
0x80: {  	[sflag:s17] =	ssyncset.done $0x0  }
0x81: {  	[sflag:s17] =	ssyncadd.s32 $0xFFFFC000  }
0x82: {  	[spmem:s10] =	stream.linear.scatter [tilespmem:s19], [sflag:$0x3], $0x4000, $0x38;
	[tilespmem:$0x1E800] =	vst v63  }
0x83: {  	_ =	swait.ge [sflag:s17], $0x4000  }
0x84: {  	[sflag:s17] =	ssyncset.done $0x0  }
0x85: {  	[sflag:s17] =	ssyncadd.s32 $0xFFFFC000  }
0x86: {  	[spmem:s11] =	stream.linear.scatter [tilespmem:s19], [sflag:$0x3], $0x4000, $0x38;
	[tilespmem:$0x1E800] =	vst v63  }
0x87: {  	_ =	swait.ge [sflag:s17], $0x4000  }
0x88: {  	[sflag:s17] =	ssyncset.done $0x0  }
0x89: {  	[sflag:s17] =	ssyncadd.s32 $0xFFFFC000  }
0x8a: {  	[spmem:s12] =	stream.linear.scatter [tilespmem:s19], [sflag:$0x3], $0x4000, $0x38;
	[tilespmem:$0x1E800] =	vst v63  }
0x8b: {  	_ =	swait.ge [sflag:s17], $0x4000  }
0x8c: {  	[sflag:s17] =	ssyncset.done $0x0  }
0x8d: {  	[sflag:s17] =	ssyncadd.s32 $0xFFFFC000  }
0x8e: {  	[spmem:s13] =	stream.linear.scatter [tilespmem:s19], [sflag:$0x3], $0x4000, $0x38;
	[tilespmem:$0x1E800] =	vst v63  }
0x8f: {  	_ =	swait.ge [sflag:s17], $0x4000  }
0x90: {  	[sflag:s17] =	ssyncset.done $0x0  }
0x91: {  	[sflag:s17] =	ssyncadd.s32 $0xFFFFC000  }
0x92: {  	[bflag:$0x0] =	sbarrier.arrive $0xFFFF  }
0x93: {  	[tilespmem:s19], [sflag:$0x1] =	stream.indirect.gather [hbm4b:s5+s20], $0x80, s7, s20, $0xb8;
	[tilespmem:$0x1E800] =	vst v63  }
0x94: {  	s18 =	simm.s32 $0x80  }
0x95: {  	[tilespmem:s21], [sflag:$0x2] =	stream.indirect.gather [hbm4b:s5+s20], $0x80, s18, s20, $0xb8;
	[tilespmem:$0x1E800] =	vst v63  }
0x96: {  	_ =	swait.ge [sflag:s22], $0x4000  }
0x97: {  	[sflag:s22] =	ssyncset.done $0x0  }
0x98: {  	s0 =	simm.s32 $0x1400;
	[sflag:s22] =	ssyncadd.s32 $0xFFFFC000  }
0x99: {  	[spmem:s2] =	stream.indirect.scatter.add.f32 [tilespmem:s19], [sflag:$0x3], $0x80, s0, s20, $0xb8;
	[tilespmem:$0x1E800] =	vst v63  }
0x9a: {  	_ =	swait.ge [sflag:s17], $0x4000  }
0x9b: {  	[sflag:s17] =	ssyncset.done $0x0  }
0x9c: {  	s7 =	simm.s32 $0x100;
	[sflag:s17] =	ssyncadd.s32 $0xFFFFC000  }
0x9d: {  	[tilespmem:s19], [sflag:$0x1] =	stream.indirect.gather [hbm4b:s5+s20], $0x80, s7, s20, $0xb8;
	[tilespmem:$0x1E800] =	vst v63  }
0x9e: {  	_ =	swait.ge [sflag:s23], $0x4000  }
0x9f: {  	[sflag:s23] =	ssyncset.done $0x0  }
0xa0: {  	s18 =	simm.s32 $0x1480;
	[sflag:s23] =	ssyncadd.s32 $0xFFFFC000  }
0xa1: {  	[spmem:s2] =	stream.indirect.scatter.add.f32 [tilespmem:s21], [sflag:$0x3], $0x80, s18, s20, $0xb8;
	[tilespmem:$0x1E800] =	vst v63  }
0xa2: {  	_ =	swait.ge [sflag:s17], $0x4000  }
0xa3: {  	s31 =	simm.s32 $0x100;
	s1 =	simm.s32 $0x800;
	[sflag:s17] =	ssyncset.done $0x0  }
.LBB2_4:
0xa4: {  	s18 =	sadd.s32 $0x80, s31  }
0xa5: {  	[sflag:s17] =	ssyncadd.s32 $0xFFFFC000;
	s0 =	smov.u32 s1;
	s7 =	sadd.s32 $0x400, s1  }
0xa6: {  	[tilespmem:s21], [sflag:$0x2] =	stream.indirect.gather [hbm4b:s5+s20], $0x80, s18, s20, $0xb8;
	[tilespmem:$0x1E800] =	vst v63  }
0xa7: {  	p0 =	sne.s32 s1, $0x4800;
	_ =	swait.ge [sflag:s22], $0x4000  }
0xa8: {  	[sflag:s22] =	ssyncset.done $0x0  }
0xa9: {  	s1 =	sadd.s32 $0x1400, s31;
	[sflag:s22] =	ssyncadd.s32 $0xFFFFC000  }
0xaa: {  	[spmem:s2] =	stream.indirect.scatter.add.f32 [tilespmem:s19], [sflag:$0x3], $0x80, s1, s20, $0xb8;
	[tilespmem:$0x1E800] =	vst v63  }
0xab: {  	_ =	swait.ge [sflag:s17], $0x4000  }
0xac: {  	[sflag:s17] =	ssyncset.done $0x0  }
0xad: {  	s1 =	sadd.s32 $0x100, s31;
	[sflag:s17] =	ssyncadd.s32 $0xFFFFC000  }
0xae: {  	[tilespmem:s19], [sflag:$0x1] =	stream.indirect.gather [hbm4b:s5+s20], $0x80, s1, s20, $0xb8;
	[tilespmem:$0x1E800] =	vst v63  }
0xaf: {  	_ =	swait.ge [sflag:s23], $0x4000  }
.Ltmp1:
0xb0: {  	[sflag:s23] =	ssyncset.done $0x0;
	(pc) =	sbr.rel @p0 .LBB2_4-.Ltmp1, $4  }
0xb1: {  	s1 =	sadd.s32 $0x1480, s31;
	[sflag:s23] =	ssyncadd.s32 $0xFFFFC000  }
0xb2: {  	[spmem:s2] =	stream.indirect.scatter.add.f32 [tilespmem:s21], [sflag:$0x3], $0x80, s1, s20, $0xb8;
	[tilespmem:$0x1E800] =	vst v63  }
0xb3: {  	_ =	swait.ge [sflag:s17], $0x4000  }
0xb4: {  	s31 =	sshra.s32 s0, $0x2;
	s1 =	smov.u32 s7;
	[sflag:s17] =	ssyncset.done $0x0  }
0xb5: {  	s0 =	sadd.s32 $0x80, s31;
	[sflag:s17] =	ssyncadd.s32 $0xFFFFC000  }
0xb6: {  	[tilespmem:s21], [sflag:$0x2] =	stream.indirect.gather [hbm4b:s5+s20], $0x80, s0, s20, $0xb8;
	[tilespmem:$0x1E800] =	vst v63  }
0xb7: {  	_ =	swait.ge [sflag:s22], $0x4000  }
0xb8: {  	[sflag:s22] =	ssyncset.done $0x0  }
0xb9: {  	s7 =	sadd.s32 $0x1400, s31;
	[sflag:s22] =	ssyncadd.s32 $0xFFFFC000  }
0xba: {  	[spmem:s2] =	stream.indirect.scatter.add.f32 [tilespmem:s19], [sflag:$0x3], $0x80, s7, s20, $0xb8;
	[tilespmem:$0x1E800] =	vst v63  }
0xbb: {  	_ =	swait.ge [sflag:s17], $0x4000  }
0xbc: {  	[sflag:s17] =	ssyncset.done $0x0  }
0xbd: {  	s18 =	sadd.s32 $0x100, s31;
	[sflag:s17] =	ssyncadd.s32 $0xFFFFC000  }
0xbe: {  	[tilespmem:s19], [sflag:$0x1] =	stream.indirect.gather [hbm4b:s5+s20], $0x80, s18, s20, $0xb8;
	[tilespmem:$0x1E800] =	vst v63  }
0xbf: {  	_ =	swait.ge [sflag:s23], $0x4000  }
0xc0: {  	[sflag:s23] =	ssyncset.done $0x0  }
0xc1: {  	s31 =	sadd.s32 $0x1480, s31;
	[sflag:s23] =	ssyncadd.s32 $0xFFFFC000  }
0xc2: {  	[spmem:s2] =	stream.indirect.scatter.add.f32 [tilespmem:s21], [sflag:$0x3], $0x80, s31, s20, $0xb8;
	[tilespmem:$0x1E800] =	vst v63  }
0xc3: {  	_ =	swait.ge [sflag:s17], $0x4000  }
0xc4: {  	[sflag:s17] =	ssyncset.done $0x0  }
0xc5: {  	[sflag:s17] =	ssyncadd.s32 $0xFFFFC000  }
0xc6: {  	[tilespmem:s21], [sflag:$0x2] =	stream.indirect.gather [hbm4b:s5+s20], $0x80, s24, s20, $0xb8;
	[tilespmem:$0x1E800] =	vst v63  }
0xc7: {  	_ =	swait.ge [sflag:s22], $0x4000  }
0xc8: {  	[sflag:s22] =	ssyncset.done $0x0  }
0xc9: {  	[sflag:s22] =	ssyncadd.s32 $0xFFFFC000  }
0xca: {  	[spmem:s2] =	stream.indirect.scatter.add.f32 [tilespmem:s19], [sflag:$0x3], $0x80, s25, s20, $0xb8;
	[tilespmem:$0x1E800] =	vst v63  }
0xcb: {  	_ =	swait.ge [sflag:s17], $0x4000  }
0xcc: {  	[sflag:s17] =	ssyncset.done $0x0  }
0xcd: {  	[sflag:s17] =	ssyncadd.s32 $0xFFFFC000  }
0xce: {  	_ =	swait.ge [sflag:s23], $0x4000  }
0xcf: {  	[sflag:s23] =	ssyncset.done $0x0  }
0xd0: {  	[sflag:s23] =	ssyncadd.s32 $0xFFFFC000  }
0xd1: {  	[spmem:s2] =	stream.indirect.scatter.add.f32 [tilespmem:s21], [sflag:$0x3], $0x80, s26, s20, $0xb8;
	[tilespmem:$0x1E800] =	vst v63  }
0xd2: {  	_ =	swait.ge [sflag:s17], $0x4000  }
0xd3: {  	s28 =	sadd.s32 $0x1, s28;
	[sflag:s17] =	ssyncset.done $0x0  }
0xd4: {  	p0 =	sne.s32 s28, s16;
	[sflag:s17] =	ssyncadd.s32 $0xFFFFC000  }
.Ltmp2:
0xd5: {  	[bflag:$0x0] =	sbarrier.arrive $0xFFFF;
	(pc) =	sbr.rel @p0 .LBB2_1-.Ltmp2, $4  }
0xd6: {  	[hbm:s15], [sflag:s29] =	dma.local [spmem:s30], $0x2800  }
0xd7: {  	_ =	swait.ge [sflag:s17], $0x2800  }
0xd8: {  	[sflag:s17] =	ssyncset.done $0x0  }
0xd9: {  	[sflag:s17] =	ssyncadd.s32 $0xFFFFD800  }
0xda: {  	_ =	sfence.sel $0x180000  }
0xdb: {  	[bflag:$0x0] =	sbarrier.arrive $0xFFFF  }
0xdc: {  	_ =	strace $0x90000050  }
0xdd: {  	s0 =	stileid.u32;
	[bflag:$0x2] =	sbarrier.arrive $0xFFFF  }
0xde: {  	p0 =	sne.s32 s0, $0x0;
	s0 =	rddreg [dreg:$0x2]  }
0xdf: {  	s0 =	sadd.s32 @!p0 $0x100000, s0  }
0xe0: {  	[sflag:s0] =	ssyncadd.tile.s32 @!p0 $0x1;
	_ =	shalt  }
.Lfunc_end2:
_tile_overlayer_lowered:
.L_overlay_start_2:
0xe1: {  	(tag) =	ssettag $0x2  }
0xe2: {  	s0 =	rddreg [dreg:$0x0];
	s2 =	stileid.u32  }
0xe3: {  	s1 =	rddreg [dreg:$0x1];
	p0 =	sne.s32 s2, $0x0  }
0xe4: {  	s3 =	rddreg [dreg:$0x2];
	[bflag:$0x3] =	sbarrier.arrive $0xFFFF;
	s2 =	simm.s32 @!p0 $0x1C03  }
0xe5: {  	[timem:s3], [sflag:s2] =	dma.local @!p0 [hbm:s0], s1  }
0xe6: {  	s0 =	simm.s32 @!p0 $0x3  }
0xe7: {  	_ =	swait.ge @!p0 [sflag:s0], s1  }
0xe8: {  	s1 =	ssub.s32 @!p0 $0x0, s1;
	[sflag:s0] =	ssyncset.done @!p0 $0x0  }
0xe9: {  	[sflag:s0] =	ssyncadd.s32 @!p0 s1  }
0xea: {  	[bflag:$0x3] =	sbarrier.arrive $0xFFFF  }
0xeb: {  	_ =	shalt  }

// kernel: kernel.23.cloned.1.call-start
scs
__scs_entry_jumppad:
0x0: {  	(pc) =	sbr.rel $0x88, $3  }
0x1: {  	(tag) =	ssettag $0x0;
	lr =	simm.s32 $0x1  }
0x2: {  	[smem:$0x3F93] =	sst lr;
	_ =	strace $0xD0000000  }
0x3: {  	_ = 	snop  }
0x4: {  	_ = 	snop  }
0x5: {  	_ = 	snop  }
0x6: {  	_ = 	snop  }
0x7: {  	_ = 	snop  }
__scs_overlays_trampoline_lowered:
0x8: {  	[smem:$0x3FA2] =	sst s0  }
0x9: {  	[smem:$0x3FA3] =	sst s1  }
0xa: {  	[smem:$0x3FA4] =	sst s2  }
0xb: {  	[smem:$0x3FA5] =	sst s3  }
0xc: {  	[smem:$0x3FA6] =	sst s4  }
0xd: {  	[smem:$0x3FA7] =	sst s5  }
0xe: {  	[smem:$0x3FA8] =	sst s6  }
0xf: {  	[smem:$0x3FA9] =	sst s7  }
0x10: {  	[smem:$0x3FAA] =	sst s8  }
0x11: {  	[smem:$0x3FAB] =	sst s9;
	s0 =	simm.s32 @!p0 $0x0  }
0x12: {  	s1 =	sld [smem:$0x3F91];
	s0 =	simm.s32 @p0 $0x1  }
0x13: {  	[smem:$0x3FAC] =	sst s0;
	s0 =	simm.s32 @!p1 $0x0  }
0x14: {  	s2 =	sld [smem:$0x3F90];
	s0 =	simm.s32 @p1 $0x1  }
0x15: {  	[smem:$0x3FAD] =	sst s0;
	s0 =	simm.s32 @!p2 $0x0  }
0x16: {  	s3 =	sld [smem:$0x3FDB];
	s0 =	simm.s32 @p2 $0x1  }
0x17: {  	s4 =	simm.s32 $0x1BF5;
	[smem:$0x3FAF] =	sst s0  }
0x18: {  	s0 =	sld [smem:$0x3F92];
	_ =	swait.ge [sflag:s4], $0x0  }
0x19: {  	s7 =	sld [smem:$0x3F93]  }
0x1a: {  	s8 =	sadd.s32 $0xFFFFE003, lr  }
0x1b: {  	s9 =	sadd.s32 $0xFFFFFEF7, lr;
	s5 =	simm.s32 $0xFFFFFFFF;
	p2 =	slt.u32 s8, $0xFFFFF086  }
0x1c: {  	p1 =	slt.u32 s9, $0xF7A;
	s5 =	simm.s32 @!p2 $0x0  }
0x1d: {  	s5 =	simm.s32 @p1 $0x1;
	p0 =	seq.s32 s7, s2  }
0x1e: {  	s7 =	smul.u32 @!p0 $0xF7A, s2;
	p2 =	seq.s32 @!p0 s5, $0x0  }
0x1f: {  	s9 =	smul.u32 $0xF7A, s1;
	s8 =	simm.s32 @!p0 $0x1BF5;
	p2 =	por !p2, p0  }
0x20: {  	[sflag:s8] =	ssyncset.s32 @!p0 $0xFFFFF086;
	s6 =	sadd.s32 @!p0 s3, s7;
	s7 =	simm.s32 @!p0 $0x108  }
0x21: {  	s3 =	sadd.s32 s3, s9;
	s6 =	sadd.s32 @!p0 $0x88, s6;
	s7 =	simm.s32 @p2 $0x1082  }
0x22: {  	[simem:s7], [sflag:s8] =	dma.local @!p0 [hbm:s6], $0xF7A  }
0x23: {  	s9 =	sor.u32 $0xD0000000, s2;
	s6 =	simm.s32 $0x108;
	_ =	swait.ge @!p0 [sflag:s8], $0x0  }
0x24: {  	s3 =	sadd.s32 $0x88, s3;
	s6 =	simm.s32 @!p1 $0x1082;
	[sflag:s4] =	ssyncset.s32 $0xFFFFF086  }
0x25: {  	[simem:s6], [sflag:s4] =	dma.local [hbm:s3], $0xF7A  }
0x26: {  	[smem:$0x3F93] =	sst s1;
	(tag) =	ssettag s2;
	_ =	strace s9  }
0x27: {  	s1 =	sld [smem:$0x3FA3]  }
0x28: {  	s2 =	sld [smem:$0x3FA4]  }
0x29: {  	s4 =	sld [smem:$0x3FA6]  }
0x2a: {  	p0 =	seq.s32 s5, $0x0;
	s5 =	sld [smem:$0x3FA7]  }
0x2b: {  	s6 =	sld [smem:$0x3FA8]  }
0x2c: {  	s7 =	sld [smem:$0x3FA9]  }
0x2d: {  	s3 =	simm.s32 $0x108;
	s8 =	sld [smem:$0x3FAA]  }
0x2e: {  	s3 =	simm.s32 @!p0 $0x1082;
	s9 =	sld [smem:$0x3FAB]  }
0x2f: {  	lr =	sadd.s32 s0, s3;
	s0 =	sld [smem:$0x3FA2]  }
0x30: {  	s3 =	sld [smem:$0x3FA5]  }
0x31: {  	[smem:$0x3FAE] =	sst s10  }
0x32: {  	s10 =	sld [smem:$0x3FAC];
	_ =	sdelay $0x3  }
0x33: {  	p0 =	seq.s32 s10, $0x1;
	s10 =	sld [smem:$0x3FAE];
	_ =	sdelay $0x3  }
0x34: {  	[smem:$0x3FAE] =	sst s10  }
0x35: {  	s10 =	sld [smem:$0x3FAD];
	_ =	sdelay $0x3  }
0x36: {  	p1 =	seq.s32 s10, $0x1;
	s10 =	sld [smem:$0x3FAE];
	_ =	sdelay $0x3  }
0x37: {  	[smem:$0x3FAE] =	sst s10  }
0x38: {  	s10 =	sld [smem:$0x3FAF]  }
0x39: {  	_ = 	snop;
	(pc) =	sbr.ind lr, $3  }
0x3a: {  	_ = 	snop  }
0x3b: {  	_ = 	snop  }
0x3c: {  	p2 =	seq.s32 s10, $0x1;
	s10 =	sld [smem:$0x3FAE]  }
0x3d: {  	_ =	shalt  }
0x3e: {  	_ =	shalt  }
0x3f: {  	_ =	shalt  }
0x40: {  	_ =	shalt  }
0x41: {  	_ =	shalt  }
0x42: {  	_ =	shalt  }
0x43: {  	_ =	shalt  }
0x44: {  	_ =	shalt  }
0x45: {  	_ =	shalt  }
0x46: {  	_ =	shalt  }
0x47: {  	_ =	shalt  }
0x48: {  	_ =	shalt  }
0x49: {  	_ =	shalt  }
0x4a: {  	_ =	shalt  }
0x4b: {  	_ =	shalt  }
0x4c: {  	_ =	shalt  }
0x4d: {  	_ =	shalt  }
0x4e: {  	_ =	shalt  }
0x4f: {  	_ =	shalt  }
0x50: {  	_ =	shalt  }
0x51: {  	_ =	shalt  }
0x52: {  	_ =	shalt  }
0x53: {  	_ =	shalt  }
0x54: {  	_ =	shalt  }
0x55: {  	_ =	shalt  }
0x56: {  	_ =	shalt  }
0x57: {  	_ =	shalt  }
0x58: {  	_ =	shalt  }
0x59: {  	_ =	shalt  }
0x5a: {  	_ =	shalt  }
0x5b: {  	_ =	shalt  }
0x5c: {  	_ =	shalt  }
0x5d: {  	_ =	shalt  }
0x5e: {  	_ =	shalt  }
0x5f: {  	_ =	shalt  }
0x60: {  	_ =	shalt  }
0x61: {  	_ =	shalt  }
0x62: {  	_ =	shalt  }
0x63: {  	_ =	shalt  }
0x64: {  	_ =	shalt  }
0x65: {  	_ =	shalt  }
0x66: {  	_ =	shalt  }
0x67: {  	_ =	shalt  }
0x68: {  	_ =	shalt  }
0x69: {  	_ =	shalt  }
0x6a: {  	_ =	shalt  }
0x6b: {  	_ =	shalt  }
0x6c: {  	_ =	shalt  }
0x6d: {  	_ =	shalt  }
0x6e: {  	_ =	shalt  }
0x6f: {  	_ =	shalt  }
0x70: {  	_ =	shalt  }
0x71: {  	_ =	shalt  }
0x72: {  	_ =	shalt  }
0x73: {  	_ =	shalt  }
0x74: {  	_ =	shalt  }
0x75: {  	_ =	shalt  }
0x76: {  	_ =	shalt  }
0x77: {  	_ =	shalt  }
0x78: {  	_ =	shalt  }
0x79: {  	_ =	shalt  }
0x7a: {  	_ =	shalt  }
0x7b: {  	_ =	shalt  }
0x7c: {  	_ =	shalt  }
0x7d: {  	_ =	shalt  }
0x7e: {  	_ =	shalt  }
0x7f: {  	_ =	shalt  }
0x80: {  	_ =	shalt  }
0x81: {  	_ =	shalt  }
0x82: {  	_ =	shalt  }
0x83: {  	_ =	shalt  }
0x84: {  	_ =	shalt  }
0x85: {  	_ =	shalt  }
0x86: {  	_ =	shalt  }
0x87: {  	_ =	shalt  }
.Lfunc_end0:
.L_simem_size_0:
called_computation.4_lowered:
.L_overlay_start_0:
0x88: {  	s2 =	sld [smem:$0x3FD9]  }
0x89: {  	s3 =	sld [smem:$0x3FFE];
	_ =	sdelay $0x1  }
0x8a: {  	s1 =	srdreg.scid  }
0x8b: {  	s0 =	sand.u32 $0x1, s1  }
0x8c: {  	s17 =	sshll.u32 s0, $0xA;
	s2 =	sadd.s32 s3, s2  }
0x8d: {  	s2 =	sadd.s32 s2, s17  }
0x8e: {  	[smem:$0x3FBA] =	sst s2  }
0x8f: {  	_ = 	snop  }
0x90: {  	s2 =	sld [smem:$0x3FD0];
	(tm) =	ssettm $0x1  }
0x91: {  	s18 =	sld [smem:$0x3FFB];
	_ =	sdelay $0x3  }
0x92: {  	_ =	strace s18  }
0x93: {  	s3 =	sld [smem:$0x3FFC];
	_ =	sdelay $0x3  }
0x94: {  	_ =	strace s3  }
0x95: {  	s3 =	sld [smem:$0x3FFD];
	_ =	sdelay $0x3  }
0x96: {  	_ =	strace s3  }
0x97: {  	_ =	strace $0x8FFFFFFF  }
0x98: {  	s19 =	sld [smem:$0x3FDB];
	_ =	sdelay $0x1  }
0x99: {  	s4 =	simm.s32 $_scs_section_size  }
0x9a: {  	s5 =	simm.s32 $_size__tile_overlayer_lowered;
	s6 =	simm.s32 $_tile_overlayer_lowered  }
0x9b: {  	s22 =	simm.s32 $0x1BFF;
	s21 =	sshll.u32 s6, $0x1;
	s3 =	sadd.s32 s4, s19  }
0x9c: {  	s7 =	simm.s32 $0x0;
	s20 =	sshll.u32 s5, $0x1;
	s5 =	sadd.s32 s21, s3  }
0x9d: {  	[timem:s7], [sflag:s22] =	dma.local [hbm:s5], s20  }
0x9e: {  	_ =	swait.ge [sflag:s22], s20  }
0x9f: {  	s4 =	ssub.s32 $0x0, s20;
	[sflag:s22] =	ssyncset.done $0x0  }
0xa0: {  	[sflag:s22] =	ssyncadd.s32 s4;
	_ =	sdelay $0x1  }
0xa1: {  	s23 =	simm.s32 $0x1B8B  }
0xa2: {  	_ =	swait.ge [sflag:s23], $0x1  }
0xa3: {  	[sflag:s23] =	ssyncset.done $0x0  }
0xa4: {  	s25 =	simm.s32 $0x1B8E;
	s24 =	sld [smem:$0x3FFE];
	[sflag:s23] =	ssyncadd.s32 $0xFFFFFFFF  }
0xa5: {  	s26 =	simm.s32 $execute0_lowered;
	[smem:$0x3FD2] =	sst s25  }
0xa6: {  	s5 =	sshll.u32 s26, $0x1;
	_ =	strace $0x80000052;
	[dreg:$0x1] =	wrdreg $0xFFFFFFFF  }
0xa7: {  	s28 =	simm.s32 $_size_execute0_lowered;
	s3 =	sadd.s32 s3, s5;
	[dreg:$0x0] =	wrdreg $0x0  }
0xa8: {  	s5 =	sshll.u32 s28, $0x1;
	[dreg:$0x2] =	wrdreg s3  }
0xa9: {  	[dreg:$0x3] =	wrdreg s5  }
0xaa: {  	[dreg:$0x4] =	wrdreg $0xC0  }
0xab: {  	_ =	task [dreg:s7], $0x5FFFF  }
0xac: {  	[dreg:$0x1] =	wrdreg $0xFFFFFFFF  }
0xad: {  	[dreg:$0x0] =	wrdreg $0x60  }
0xae: {  	[dreg:$0x2] =	wrdreg s24  }
0xaf: {  	[dreg:$0x3] =	wrdreg s2  }
0xb0: {  	[dreg:$0x4] =	wrdreg $0x38000  }
0xb1: {  	[dreg:$0x5] =	wrdreg $0x9  }
0xb2: {  	_ =	task.clear_ibuf [dreg:s7], $0x6FFFF;
	_ =	strace $0x90000052  }
0xb3: {  	s29 =	simm.s32 $0x9;
	_ =	strace $0x80000054  }
0xb4: {  	_ =	swait.ge [sflag:s29], $0x1  }
0xb5: {  	[sflag:s29] =	ssyncadd.s32 $0xFFFFFFFF  }
0xb6: {  	_ =	strace $0x90000054  }
0xb7: {  	_ =	sfence  }
0xb8: {  	s30 =	sld [smem:$0x0];
	_ =	sdelay $0x2  }
0xb9: {  	s31 =	sshll.u32 s1, $0xD;
	s1 =	sshrl.u32 s1, $0x2  }
0xba: {  	s3 =	sand.u32 $0x4000, s31;
	s1 =	sadd.s32 s1, s30  }
0xbb: {  	s0 =	sor.u32 s3, s0;
	s1 =	sshll.u32 s1, $0x11  }
0xbc: {  	s0 =	sor.u32 s1, s0  }
0xbd: {  	s0 =	sadd.s32 $0x8F2B, s0  }
0xbe: {  	[sflag:s0] =	ssyncadd.remote.s32 $0x1  }
0xbf: {  	_ =	sfence.sel $0xFFFF  }
0xc0: {  	[dreg:$0x0] =	wrdreg $0xFFFFFFFF;
	(pc) =	sbr.abs _section_cstart, $3  }
0xc1: {  	[dreg:$0x1] =	wrdreg $0xFFFFFFFF  }
0xc2: {  	_ =	task.clear_ibuf [dreg:s7], $0x2FFFF;
	_ =	strace $0x9FFFFFFF  }
0xc3: {  	(tm) =	ssettm $0x7FFFFFFF  }
tec
execute0_lowered:
.L_overlay_start_1:
0x0: {  	(tag) =	ssettag $0x1  }
0x1: {  	s6 =	rddreg [dreg:$0x0]  }
0x2: {  	s2 =	rddreg [dreg:$0x1]  }
0x3: {  	s3 =	rddreg [dreg:$0x2];
	s4 =	srdreg.scid  }
0x4: {  	s0 =	rddreg [dreg:$0x3];
	s1 =	stileid.u32;
	s15 =	simm.s32 $0x3  }
0x5: {  	s16 =	simm.s32 $0x1400;
	s17 =	simm.s32 $0x2800;
	s18 =	simm.s32 $0x80  }
0x6: {  	s19 =	simm.s32 $0x3000;
	s20 =	simm.s32 $0x1;
	s21 =	simm.s32 $0x2  }
0x7: {  	s24 =	simm.s32 $0x0;
	s7 =	sand.u32 $0x1, s4;
	s8 =	smul.u32 $0x2800, s1  }
0x8: {  	s4 =	simm.s32 $0x0;
	s11 =	smul.u32 $0xA000, s1;
	s22 =	sshll.u32 s1, $0x6  }
0x9: {  	s5 =	sshll.u32 s7, $0x4;
	[smem:$0x7FF] =	sst s4;
	s10 =	smul.u32 $0x28000, s7  }
0xa: {  	s7 =	ssub.s32 $0x2, s7;
	s22 =	sor.u32 $0x1C03, s22;
	s9 =	sor.u32 s1, s5  }
0xb: {  	_ =	strace $0x80000053;
	s5 =	sadd.s32 $0xE000, s6;
	s12 =	sshrl.u32 s7, $0x1  }
0xc: {  	s30 =	sshrl.u32 s11, $0x2;
	s9 =	smul.u32 $0x280, s9;
	s10 =	sadd.s32 s8, s10  }
0xd: {  	s14 =	ssub.s32 s7, s12;
	s31 =	sadd.s32 s30, s3;
	s8 =	sadd.s32 s8, s3  }
0xe: {  	s10 =	sshrl.u32 s10, $0x3;
	s11 =	sadd.s32 $0x1800, s31;
	s12 =	sadd.s32 $0x2000, s31  }
0xf: {  	s14 =	smax.u32 s14, $0x1;
	s23 =	sshrl.u32 s8, $0x3;
	s9 =	sadd.s32 s9, s6  }
0x10: {  	s13 =	sadd.s32 s10, s6;
	s10 =	sadd.s32 $0x1000, s31;
	s6 =	sadd.s32 $0x4000, s9  }
0x11: {  	s7 =	sadd.s32 $0x9000, s9;
	s9 =	sadd.s32 $0x800, s31;
	s13 =	sadd.s32 $0x13000, s13  }
.LBB2_1:
0x12: {  	[tilespmem:s4], [sflag:$0x3] =	stream.linear.gather [hbm4b:s6+s4], $0x1400, $0x38;
	[tilespmem:$0x6000] =	vst v63  }
0x13: {  	_ =	swait.ge [sflag:s15], $0x1400  }
0x14: {  	[sflag:s15] =	ssyncset.done $0x0  }
0x15: {  	[sflag:s15] =	ssyncadd.s32 $0xFFFFEC00  }
0x16: {  	[tilespmem:s16], [sflag:$0x3] =	stream.linear.gather [hbm4b:s7+s4], $0x1400, $0x38;
	[tilespmem:$0x6000] =	vst v63  }
0x17: {  	_ =	swait.ge [sflag:s15], $0x1400  }
0x18: {  	[sflag:s15] =	ssyncset.done $0x0  }
0x19: {  	[sflag:s15] =	ssyncadd.s32 $0xFFFFEC00  }
0x1a: {  	[tilespmem:s17], [sflag:$0x3] =	stream.linear.gather [hbm4b:s2+s4], $0x800, $0x38;
	[tilespmem:$0x6000] =	vst v63  }
0x1b: {  	_ =	swait.ge [sflag:s15], $0x800  }
0x1c: {  	[sflag:s15] =	ssyncset.done $0x0  }
0x1d: {  	[sflag:s15] =	ssyncadd.s32 $0xFFFFF800  }
0x1e: {  	[spmem:s8] =	stream.linear.scatter [tilespmem:s17], [sflag:$0x3], $0x800, $0x38;
	[tilespmem:$0x6000] =	vst v63  }
0x1f: {  	_ =	swait.ge [sflag:s15], $0x800  }
0x20: {  	[sflag:s15] =	ssyncset.done $0x0  }
0x21: {  	[sflag:s15] =	ssyncadd.s32 $0xFFFFF800  }
0x22: {  	[spmem:s9] =	stream.linear.scatter [tilespmem:s17], [sflag:$0x3], $0x800, $0x38;
	[tilespmem:$0x6000] =	vst v63  }
0x23: {  	_ =	swait.ge [sflag:s15], $0x800  }
0x24: {  	[sflag:s15] =	ssyncset.done $0x0  }
0x25: {  	[sflag:s15] =	ssyncadd.s32 $0xFFFFF800  }
0x26: {  	[spmem:s10] =	stream.linear.scatter [tilespmem:s17], [sflag:$0x3], $0x800, $0x38;
	[tilespmem:$0x6000] =	vst v63  }
0x27: {  	_ =	swait.ge [sflag:s15], $0x800  }
0x28: {  	[sflag:s15] =	ssyncset.done $0x0  }
0x29: {  	[sflag:s15] =	ssyncadd.s32 $0xFFFFF800  }
0x2a: {  	[spmem:s11] =	stream.linear.scatter [tilespmem:s17], [sflag:$0x3], $0x800, $0x38;
	[tilespmem:$0x6000] =	vst v63  }
0x2b: {  	_ =	swait.ge [sflag:s15], $0x800  }
0x2c: {  	[sflag:s15] =	ssyncset.done $0x0  }
0x2d: {  	[sflag:s15] =	ssyncadd.s32 $0xFFFFF800  }
0x2e: {  	[spmem:s12] =	stream.linear.scatter [tilespmem:s17], [sflag:$0x3], $0x800, $0x38;
	[tilespmem:$0x6000] =	vst v63  }
0x2f: {  	_ =	swait.ge [sflag:s15], $0x800  }
0x30: {  	[sflag:s15] =	ssyncset.done $0x0  }
0x31: {  	[sflag:s15] =	ssyncadd.s32 $0xFFFFF800  }
0x32: {  	s25 =	simm.s32 $0x0;
	[bflag:$0x0] =	sbarrier.arrive $0xFFFF  }
0x33: {  	[tilespmem:s17], [sflag:$0x1] =	stream.indirect.gather [hbm4b:s5+s18], $0x10, s25, s18, $0xb8;
	[tilespmem:$0x6000] =	vst v63  }
0x34: {  	s29 =	simm.s32 $0x80  }
0x35: {  	[tilespmem:s19], [sflag:$0x2] =	stream.indirect.gather [hbm4b:s5+s18], $0x10, s29, s18, $0xb8;
	[tilespmem:$0x6000] =	vst v63  }
0x36: {  	_ =	swait.ge [sflag:s20], $0x800  }
0x37: {  	[sflag:s20] =	ssyncset.done $0x0  }
0x38: {  	s30 =	simm.s32 $0x1400;
	[sflag:s20] =	ssyncadd.s32 $0xFFFFF800  }
0x39: {  	[spmem:s3] =	stream.indirect.scatter.add.f32 [tilespmem:s17], [sflag:$0x3], $0x10, s30, s18, $0xb8;
	[tilespmem:$0x6000] =	vst v63  }
0x3a: {  	_ =	swait.ge [sflag:s15], $0x800  }
0x3b: {  	[sflag:s15] =	ssyncset.done $0x0  }
0x3c: {  	[sflag:s15] =	ssyncadd.s32 $0xFFFFF800  }
0x3d: {  	_ =	swait.ge [sflag:s21], $0x800  }
0x3e: {  	[sflag:s21] =	ssyncset.done $0x0  }
0x3f: {  	s31 =	simm.s32 $0x1480;
	[sflag:s21] =	ssyncadd.s32 $0xFFFFF800  }
0x40: {  	[spmem:s3] =	stream.indirect.scatter.add.f32 [tilespmem:s19], [sflag:$0x3], $0x10, s31, s18, $0xb8;
	[tilespmem:$0x6000] =	vst v63  }
0x41: {  	_ =	swait.ge [sflag:s15], $0x800  }
0x42: {  	s26 =	simm.s32 $0x800;
	s25 =	simm.s32 $0x400;
	[sflag:s15] =	ssyncset.done $0x0  }
.LBB2_2:
0x43: {  	s28 =	sshra.s32 s25, $0x2  }
0x44: {  	[sflag:s15] =	ssyncadd.s32 $0xFFFFF800;
	s25 =	smov.u32 s26;
	s29 =	sadd.s32 $0x400, s26  }
0x45: {  	[tilespmem:s17], [sflag:$0x1] =	stream.indirect.gather [hbm4b:s5+s18], $0x10, s28, s18, $0xb8;
	[tilespmem:$0x6000] =	vst v63  }
0x46: {  	p0 =	sne.s32 s26, $0x4C00;
	s26 =	sadd.s32 $0x80, s28  }
0x47: {  	[tilespmem:s19], [sflag:$0x2] =	stream.indirect.gather [hbm4b:s5+s18], $0x10, s26, s18, $0xb8;
	[tilespmem:$0x6000] =	vst v63  }
0x48: {  	_ =	swait.ge [sflag:s20], $0x800  }
0x49: {  	[sflag:s20] =	ssyncset.done $0x0  }
0x4a: {  	s26 =	sadd.s32 $0x1400, s28;
	[sflag:s20] =	ssyncadd.s32 $0xFFFFF800  }
0x4b: {  	[spmem:s3] =	stream.indirect.scatter.add.f32 [tilespmem:s17], [sflag:$0x3], $0x10, s26, s18, $0xb8;
	[tilespmem:$0x6000] =	vst v63  }
0x4c: {  	_ =	swait.ge [sflag:s15], $0x800  }
0x4d: {  	[sflag:s15] =	ssyncset.done $0x0  }
0x4e: {  	[sflag:s15] =	ssyncadd.s32 $0xFFFFF800  }
0x4f: {  	_ =	swait.ge [sflag:s21], $0x800  }
.Ltmp0:
0x50: {  	[sflag:s21] =	ssyncset.done $0x0;
	(pc) =	sbr.rel @p0 .LBB2_2-.Ltmp0, $4  }
0x51: {  	s26 =	sadd.s32 $0x1480, s28;
	[sflag:s21] =	ssyncadd.s32 $0xFFFFF800  }
0x52: {  	[spmem:s3] =	stream.indirect.scatter.add.f32 [tilespmem:s19], [sflag:$0x3], $0x10, s26, s18, $0xb8;
	[tilespmem:$0x6000] =	vst v63  }
0x53: {  	_ =	swait.ge [sflag:s15], $0x800  }
0x54: {  	s26 =	smov.u32 s29;
	[sflag:s15] =	ssyncset.done $0x0  }
0x55: {  	s25 =	sshra.s32 s25, $0x2;
	[sflag:s15] =	ssyncadd.s32 $0xFFFFF800  }
0x56: {  	[tilespmem:s17], [sflag:$0x1] =	stream.indirect.gather [hbm4b:s5+s18], $0x10, s25, s18, $0xb8;
	[tilespmem:$0x6000] =	vst v63  }
0x57: {  	s26 =	sadd.s32 $0x80, s25  }
0x58: {  	[tilespmem:s19], [sflag:$0x2] =	stream.indirect.gather [hbm4b:s5+s18], $0x10, s26, s18, $0xb8;
	[tilespmem:$0x6000] =	vst v63  }
0x59: {  	_ =	swait.ge [sflag:s20], $0x800  }
0x5a: {  	[sflag:s20] =	ssyncset.done $0x0  }
0x5b: {  	s31 =	sadd.s32 $0x1400, s25;
	[sflag:s20] =	ssyncadd.s32 $0xFFFFF800  }
0x5c: {  	[spmem:s3] =	stream.indirect.scatter.add.f32 [tilespmem:s17], [sflag:$0x3], $0x10, s31, s18, $0xb8;
	[tilespmem:$0x6000] =	vst v63  }
0x5d: {  	_ =	swait.ge [sflag:s15], $0x800  }
0x5e: {  	[sflag:s15] =	ssyncset.done $0x0  }
0x5f: {  	[sflag:s15] =	ssyncadd.s32 $0xFFFFF800  }
0x60: {  	_ =	swait.ge [sflag:s21], $0x800  }
0x61: {  	[sflag:s21] =	ssyncset.done $0x0  }
0x62: {  	s25 =	sadd.s32 $0x1480, s25;
	[sflag:s21] =	ssyncadd.s32 $0xFFFFF800  }
0x63: {  	[spmem:s3] =	stream.indirect.scatter.add.f32 [tilespmem:s19], [sflag:$0x3], $0x10, s25, s18, $0xb8;
	[tilespmem:$0x6000] =	vst v63  }
0x64: {  	_ =	swait.ge [sflag:s15], $0x800  }
0x65: {  	s24 =	sadd.s32 $0x1, s24;
	[sflag:s15] =	ssyncset.done $0x0  }
0x66: {  	p0 =	sne.s32 s24, s14;
	[sflag:s15] =	ssyncadd.s32 $0xFFFFF800  }
.Ltmp1:
0x67: {  	[bflag:$0x0] =	sbarrier.arrive $0xFFFF;
	(pc) =	sbr.rel @p0 .LBB2_1-.Ltmp1, $4  }
0x68: {  	[hbm:s13], [sflag:s22] =	dma.local [spmem:s23], $0x500  }
0x69: {  	_ =	swait.ge [sflag:s15], $0x500  }
0x6a: {  	[sflag:s15] =	ssyncset.done $0x0  }
0x6b: {  	[sflag:s15] =	ssyncadd.s32 $0xFFFFFB00  }
0x6c: {  	_ =	sfence.sel $0x180000  }
0x6d: {  	[bflag:$0x0] =	sbarrier.arrive $0xFFFF  }
0x6e: {  	p0 =	sne.s32 s1, $0x0;
	_ =	strace $0x90000053  }
0x6f: {  	s0 =	sadd.s32 @!p0 $0x100000, s0;
	[bflag:$0x2] =	sbarrier.arrive $0xFFFF  }
0x70: {  	[sflag:s0] =	ssyncadd.tile.s32 @!p0 $0x1;
	_ =	shalt  }
.Lfunc_end2:
_tile_overlayer_lowered:
.L_overlay_start_2:
0x71: {  	(tag) =	ssettag $0x2  }
0x72: {  	s0 =	rddreg [dreg:$0x0];
	s2 =	stileid.u32  }
0x73: {  	s1 =	rddreg [dreg:$0x1];
	p0 =	sne.s32 s2, $0x0  }
0x74: {  	s3 =	rddreg [dreg:$0x2];
	[bflag:$0x3] =	sbarrier.arrive $0xFFFF;
	s2 =	simm.s32 @!p0 $0x1C03  }
0x75: {  	[timem:s3], [sflag:s2] =	dma.local @!p0 [hbm:s0], s1  }
0x76: {  	s0 =	simm.s32 @!p0 $0x3  }
0x77: {  	_ =	swait.ge @!p0 [sflag:s0], s1  }
0x78: {  	s1 =	ssub.s32 @!p0 $0x0, s1;
	[sflag:s0] =	ssyncset.done @!p0 $0x0  }
0x79: {  	[sflag:s0] =	ssyncadd.s32 @!p0 s1  }
0x7a: {  	[bflag:$0x3] =	sbarrier.arrive $0xFFFF  }
0x7b: {  	_ =	shalt  }

</sc_bundles>
